<compile_context>
chip_gen: v7x
topology: tpu7x:2x2x1
jax: 0.10.2.dev20260603
libtpu: 0.0.44.dev20260713+nightly
codegen_flags: <defaults>
</compile_context>

<pallas_src>
import functools

import jax
import jax.numpy as jnp
from jax import lax
from jax.experimental import pallas as pl
from jax.experimental.pallas import tpu as pltpu
from jax.experimental.pallas import tpu_sc as plsc

N_TOK = 2048
D_IN = 4096
D_OUT = 4096
FAN_IN = 128

NC = 2
NS = 16
NW = NC * NS
LANES = 16

CHUNK_SIZES = (1536, 2560)
CHUNK_OFFS = (0, 1536)
NCOL = 8
KVECS = FAN_IN // LANES


def _densify_body(chunk_off, jc, w_hbm, m_hbm, dense_hbm, blk0, blk1, wv, mv,
                  sem0, sem1):
    subblks = jc // NCOL
    wid = lax.axis_index("s") * NC + lax.axis_index("c")
    j0 = chunk_off + wid * jc

    pltpu.sync_copy(w_hbm.at[pl.ds(j0, jc), :], wv)
    pltpu.sync_copy(m_hbm.at[pl.ds(j0, jc), :], mv)

    zeros = jnp.zeros((LANES,), jnp.float32)
    blks = (blk0, blk1)
    sems = (sem0, sem1)

    for blk in blks:
        def zero_row(c, carry, blk=blk):
            def zero_step(i, cc):
                off = i * (LANES * 8)
                for u in range(8):
                    blk[c, pl.ds(off + u * LANES, LANES)] = zeros
                return cc

            lax.fori_loop(0, D_IN // (LANES * 8), zero_step, 0)
            return carry

        lax.fori_loop(0, NCOL, zero_row, 0)

    def scat_step_fn(blk, r0, clear):
        def step(i, c):
            r = r0 + i // KVECS
            k0 = (i % KVECS) * LANES
            row = jnp.full((LANES,), i // KVECS, jnp.int32)
            idx = mv[r, pl.ds(k0, LANES)]
            if clear:
                plsc.store_scatter(blk, (row, idx), zeros)
            else:
                plsc.addupdate_scatter(blk, (row, idx), wv[r, pl.ds(k0, LANES)])
            return c

        lax.fori_loop(0, NCOL * KVECS, step, 0)

    def flush_copy(sb):
        b = sb % 2
        row0 = wid * jc + sb * NCOL
        return pltpu.make_async_copy(
            blks[b], dense_hbm.at[pl.ds(row0, NCOL), :], sems[b])

    for sb in range(subblks):
        b = sb % 2
        if sb >= 2:
            flush_copy(sb - 2).wait()
            scat_step_fn(blks[b], (sb - 2) * NCOL, clear=True)
        scat_step_fn(blks[b], sb * NCOL, clear=False)
        flush_copy(sb).start()

    flush_copy(subblks - 2).wait()
    flush_copy(subblks - 1).wait()


def _densify_chunk(w, m, chunk):
    chunk_j = CHUNK_SIZES[chunk]
    jc = chunk_j // NW
    mesh = plsc.VectorSubcoreMesh(core_axis_name="c", subcore_axis_name="s")
    return pl.kernel(
        functools.partial(_densify_body, CHUNK_OFFS[chunk], jc),
        out_type=jax.ShapeDtypeStruct((chunk_j, D_IN), jnp.float32),
        mesh=mesh,
        compiler_params=pltpu.CompilerParams(needs_layout_passes=False),
        scratch_types=[
            pltpu.VMEM((NCOL, D_IN), jnp.float32),
            pltpu.VMEM((NCOL, D_IN), jnp.float32),
            pltpu.VMEM((jc, FAN_IN), jnp.float32),
            pltpu.VMEM((jc, FAN_IN), jnp.int32),
            pltpu.SemaphoreType.DMA,
            pltpu.SemaphoreType.DMA,
        ],
        name=f"densify_chunk{chunk}",
    )(w, m)


M_BLK = 2048
N_BLK = 256


def _matmul_first_body(x_ref, w_ref, b_ref, o_ref):
    acc = lax.dot_general(
        x_ref[...],
        w_ref[...].astype(jnp.bfloat16),
        dimension_numbers=(((1,), (1,)), ((), ())),
        preferred_element_type=jnp.float32,
        precision=lax.Precision.DEFAULT,
    )
    o_ref[...] = acc + b_ref[...][None, :]


def _matmul_rest_body(x_ref, w_ref, b_ref, prev_ref, o_ref):
    del prev_ref
    _matmul_first_body(x_ref, w_ref, b_ref, o_ref)


def _matmul_chunk(x, wt_chunk, bias_chunk, chunk, prev_out=None):
    n_grid = CHUNK_SIZES[chunk] // N_BLK
    x_spec = pl.BlockSpec((M_BLK, D_IN), lambda n: (0, 0))
    w_spec = pl.BlockSpec((N_BLK, D_IN), lambda n: (n, 0))
    b_spec = pl.BlockSpec((N_BLK,), lambda n: (n,))
    col0 = CHUNK_OFFS[chunk] // N_BLK
    out_spec = pl.BlockSpec((M_BLK, N_BLK), lambda n: (0, n + col0))
    out_shape = jax.ShapeDtypeStruct((N_TOK, D_OUT), jnp.float32)
    if prev_out is None:
        return pl.pallas_call(
            _matmul_first_body,
            grid=(n_grid,),
            in_specs=[x_spec, w_spec, b_spec],
            out_specs=out_spec,
            out_shape=out_shape,
        )(x, wt_chunk, bias_chunk)
    return pl.pallas_call(
        _matmul_rest_body,
        grid=(n_grid,),
        in_specs=[x_spec, w_spec, b_spec,
                  pl.BlockSpec(memory_space=pl.ANY)],
        out_specs=out_spec,
        out_shape=out_shape,
        input_output_aliases={3: 0},
    )(x, wt_chunk, bias_chunk, prev_out)


@jax.jit
def kernel(input, condensed_weight, input_mask, bias):
    x16 = input.astype(jnp.bfloat16)

    out = None
    for chunk in range(len(CHUNK_SIZES)):
        dense = _densify_chunk(condensed_weight, input_mask, chunk)
        off = CHUNK_OFFS[chunk]
        bias_c = lax.slice(bias, (off,), (off + CHUNK_SIZES[chunk],))
        out = _matmul_chunk(x16, dense, bias_c, chunk, out)
    return out

# --- scband reference (transcript-rebuilt; emitter-appended) ---
"""Pipeline reference for scband-ffilinear-73023033966933 (READ-ONLY COPY).

The authoritative reference and input builder live on the scoring server;
editing this copy changes nothing except your own understanding.
"""

import jax, jax.numpy as jnp
import numpy as np

# FFILinear: fixed-fan-in sparse linear layer. The dense nn.Linear(4096, 4096)
# weight has been condensed so that each output neuron keeps exactly K=128
# non-zero input connections. condensed_weight[j, k] is the k-th surviving
# weight of output neuron j, and input_mask[j, k] is the input index it
# connects to. FFI.ffi_mul computes, per token b and output neuron j:
#   out[b, j] = sum_k input[b, input_mask[j, k]] * condensed_weight[j, k] + bias[j]
# i.e. a gather of the input followed by an elementwise multiply-reduce.

N_TOK = 2048
D_IN = 4096
D_OUT = 4096
FAN_IN = 128


def _ffi_forward(inp, condensed_weight, input_mask, bias):
    O, K = condensed_weight.shape
    CH = 128  # chunk over output neurons to bound the gathered intermediate
    w = condensed_weight.reshape(O // CH, CH, K)
    m = input_mask.reshape(O // CH, CH, K)

    def body(args):
        wc, mc = args
        g = jnp.take(inp, mc, axis=1)            # gather: [B, CH, K]
        return jnp.einsum('bck,ck->bc', g, wc)   # multiply-reduce: [B, CH]

    outs = jax.lax.map(body, (w, m))             # [O//CH, B, CH]
    out = jnp.transpose(outs, (1, 0, 2)).reshape(inp.shape[0], O)
    if bias is not None:
        out = out + bias[None, :]
    return out


def setup_inputs(seed: int = 0) -> dict:
    key = jax.random.key(seed)
    k1, k2, k3, k4 = jax.random.split(key, 4)
    inp = jax.random.normal(k1, (N_TOK, D_IN), dtype=jnp.float32)
    # condensed (fixed fan-in) weights of the pruned nn.Linear
    condensed_weight = jax.random.normal(k2, (D_OUT, FAN_IN), dtype=jnp.float32) * 0.02
    # per-output-neuron input indices (the non-zero column positions)
    input_mask = jax.random.randint(k3, (D_OUT, FAN_IN), 0, D_IN, dtype=jnp.int32)
    bias = jax.random.normal(k4, (D_OUT,), dtype=jnp.float32) * 0.02
    return {
        'input': inp,
        'condensed_weight': condensed_weight,
        'input_mask': input_mask,
        'bias': bias,
    }


def reference(input, condensed_weight, input_mask, bias):
    return _ffi_forward(input, condensed_weight, input_mask, bias)

if __name__ == "__main__":
    import jax
    _d = setup_inputs()
    print(jax.jit(kernel)(*tuple(_d.values())))

</pallas_src>

<mosaic_0001>
#map = affine_map<(d0, d1) -> (0, 0)>
module attributes {stable_mosaic.version = 14 : i64} {
  func.func @densify_chunk1(%arg0: i32, %arg1: i32, %arg2: memref<4096x128xf32, #tpu.memory_space<hbm>>, %arg3: memref<4096x128xi32, #tpu.memory_space<hbm>>, %arg4: memref<2560x4096xf32, #tpu.memory_space<hbm>>, %arg5: memref<8x4096xf32, #tpu.memory_space<vmem>>, %arg6: memref<8x4096xf32, #tpu.memory_space<vmem>>, %arg7: memref<80x128xf32, #tpu.memory_space<vmem>>, %arg8: memref<80x128xi32, #tpu.memory_space<vmem>>, %arg9: memref<!tpu.dma_semaphore, #tpu.memory_space<semaphore_mem>>, %arg10: memref<!tpu.dma_semaphore, #tpu.memory_space<semaphore_mem>>) attributes {dimension_semantics = [#tpu.dimension_semantics<core_parallel>, #tpu.dimension_semantics<subcore_parallel>], iteration_bounds = array<i64: 2, 16>, scalar_prefetch = 0 : i64, scratch_operands = 6 : i64, tpu.core_type = #tpu.core_type<sc_vector_subcore>, window_params = [{transform_indices = #map}, {transform_indices = #map}, {transform_indices = #map}]} {
    %mul3A = arith.constant 2 : i32
    %mul3A_0 = arith.muli %arg1, %mul3A : i32
    %add3A = arith.addi %mul3A_0, %arg0 : i32
    %mul3A_1 = arith.constant 80 : i32
    %mul3A_2 = arith.muli %add3A, %mul3A_1 : i32
    %add3A_3 = arith.constant 1536 : i32
    %add3A_4 = arith.addi %add3A_3, %mul3A_2 : i32
    "tpu.region"() ({
      %run_scoped3A = tpu.sem_alloc : memref<!tpu.dma_semaphore, #tpu.memory_space<semaphore_mem>>
      %dma_start3A_283 = arith.constant 0 : i32
      %dma_start3A_284 = tpu.memref_slice %arg2[%add3A_4, %dma_start3A_283] : memref<4096x128xf32, #tpu.memory_space<hbm>> -> memref<80x128xf32, #tpu.memory_space<hbm>>
      %dma_start3A_285 = arith.constant 0 : i32
      %dma_start3A_286 = tpu.memref_slice %arg2[%add3A_4, %dma_start3A_285] : memref<4096x128xf32, #tpu.memory_space<hbm>> -> memref<80x128xf32, #tpu.memory_space<hbm>>
      tpu.enqueue_dma source(%dma_start3A_286 : memref<80x128xf32, #tpu.memory_space<hbm>>) target(%arg7 : memref<80x128xf32, #tpu.memory_space<vmem>>) target_semaphore(%run_scoped3A : memref<!tpu.dma_semaphore, #tpu.memory_space<semaphore_mem>>)
      %dma_wait3A_287 = arith.constant 0 : i32
      %dma_wait3A_288 = tpu.memref_slice %arg2[%add3A_4, %dma_wait3A_287] : memref<4096x128xf32, #tpu.memory_space<hbm>> -> memref<80x128xf32, #tpu.memory_space<hbm>>
      %dma_wait3A_289 = arith.constant 0 : i32
      %dma_wait3A_290 = tpu.memref_slice %arg2[%add3A_4, %dma_wait3A_289] : memref<4096x128xf32, #tpu.memory_space<hbm>> -> memref<80x128xf32, #tpu.memory_space<hbm>>
      tpu.wait_dma2 semaphore(%run_scoped3A : memref<!tpu.dma_semaphore, #tpu.memory_space<semaphore_mem>>) src(%dma_wait3A_290 : memref<80x128xf32, #tpu.memory_space<hbm>>) dst(%arg7 : memref<80x128xf32, #tpu.memory_space<vmem>>)
      tpu.yield
    }) : () -> ()
    "tpu.region"() ({
      %run_scoped3A = tpu.sem_alloc : memref<!tpu.dma_semaphore, #tpu.memory_space<semaphore_mem>>
      %dma_start3A_283 = arith.constant 0 : i32
      %dma_start3A_284 = tpu.memref_slice %arg3[%add3A_4, %dma_start3A_283] : memref<4096x128xi32, #tpu.memory_space<hbm>> -> memref<80x128xi32, #tpu.memory_space<hbm>>
      %dma_start3A_285 = arith.constant 0 : i32
      %dma_start3A_286 = tpu.memref_slice %arg3[%add3A_4, %dma_start3A_285] : memref<4096x128xi32, #tpu.memory_space<hbm>> -> memref<80x128xi32, #tpu.memory_space<hbm>>
      tpu.enqueue_dma source(%dma_start3A_286 : memref<80x128xi32, #tpu.memory_space<hbm>>) target(%arg8 : memref<80x128xi32, #tpu.memory_space<vmem>>) target_semaphore(%run_scoped3A : memref<!tpu.dma_semaphore, #tpu.memory_space<semaphore_mem>>)
      %dma_wait3A_287 = arith.constant 0 : i32
      %dma_wait3A_288 = tpu.memref_slice %arg3[%add3A_4, %dma_wait3A_287] : memref<4096x128xi32, #tpu.memory_space<hbm>> -> memref<80x128xi32, #tpu.memory_space<hbm>>
      %dma_wait3A_289 = arith.constant 0 : i32
      %dma_wait3A_290 = tpu.memref_slice %arg3[%add3A_4, %dma_wait3A_289] : memref<4096x128xi32, #tpu.memory_space<hbm>> -> memref<80x128xi32, #tpu.memory_space<hbm>>
      tpu.wait_dma2 semaphore(%run_scoped3A : memref<!tpu.dma_semaphore, #tpu.memory_space<semaphore_mem>>) src(%dma_wait3A_290 : memref<80x128xi32, #tpu.memory_space<hbm>>) dst(%arg8 : memref<80x128xi32, #tpu.memory_space<vmem>>)
      tpu.yield
    }) : () -> ()
    %broadcast_in_dim3A = arith.constant 0.000000e+00 : f32
    %broadcast_in_dim3A_5 = vector.broadcast %broadcast_in_dim3A : f32 to vector<16xf32>
    %scan3A = arith.constant 0 : i32
    %scan3A_6 = arith.constant 0 : i32
    %scan3A_7 = arith.constant 8 : i32
    %scan3A_8 = arith.addi %scan3A_6, %scan3A_7 : i32
    %scan3A_9 = arith.constant 1 : i32
    scf.for %scan3A_283 = %scan3A_6 to %scan3A_8 step %scan3A_9  : i32 {
      %scan3A_284 = arith.constant 0 : i32
      %scan3A_285 = arith.constant 0 : i32
      %scan3A_286 = arith.constant 32 : i32
      %scan3A_287 = arith.addi %scan3A_285, %scan3A_286 : i32
      %scan3A_288 = arith.constant 1 : i32
      scf.for %scan3A_290 = %scan3A_285 to %scan3A_287 step %scan3A_288  : i32 {
        %mul3A_291 = arith.constant 128 : i32
        %mul3A_292 = arith.muli %scan3A_290, %mul3A_291 : i32
        %add3A_293 = arith.constant 0 : i32
        %add3A_294 = arith.addi %mul3A_292, %add3A_293 : i32
        %swap3A = arith.index_cast %scan3A_283 : i32 to index
        %swap3A_295 = arith.index_cast %add3A_294 : i32 to index
        %swap3A_296 = tpu.vector_load %arg5[%swap3A, %swap3A_295] {strides = array<i32>} : memref<8x4096xf32, #tpu.memory_space<vmem>>, vector<16xf32>,
        tpu.vector_store %arg5[%swap3A, %swap3A_295], %broadcast_in_dim3A_5 {strides = array<i32>} : memref<8x4096xf32, #tpu.memory_space<vmem>>, vector<16xf32>,
        %add3A_297 = arith.constant 16 : i32
        %add3A_298 = arith.addi %mul3A_292, %add3A_297 : i32
        %swap3A_299 = arith.index_cast %scan3A_283 : i32 to index
        %swap3A_300 = arith.index_cast %add3A_298 : i32 to index
        %swap3A_301 = tpu.vector_load %arg5[%swap3A_299, %swap3A_300] {strides = array<i32>} : memref<8x4096xf32, #tpu.memory_space<vmem>>, vector<16xf32>,
        tpu.vector_store %arg5[%swap3A_299, %swap3A_300], %broadcast_in_dim3A_5 {strides = array<i32>} : memref<8x4096xf32, #tpu.memory_space<vmem>>, vector<16xf32>,
        %add3A_302 = arith.constant 32 : i32
        %add3A_303 = arith.addi %mul3A_292, %add3A_302 : i32
        %swap3A_304 = arith.index_cast %scan3A_283 : i32 to index
        %swap3A_305 = arith.index_cast %add3A_303 : i32 to index
        %swap3A_306 = tpu.vector_load %arg5[%swap3A_304, %swap3A_305] {strides = array<i32>} : memref<8x4096xf32, #tpu.memory_space<vmem>>, vector<16xf32>,
        tpu.vector_store %arg5[%swap3A_304, %swap3A_305], %broadcast_in_dim3A_5 {strides = array<i32>} : memref<8x4096xf32, #tpu.memory_space<vmem>>, vector<16xf32>,
        %add3A_307 = arith.constant 48 : i32
        %add3A_308 = arith.addi %mul3A_292, %add3A_307 : i32
        %swap3A_309 = arith.index_cast %scan3A_283 : i32 to index
        %swap3A_310 = arith.index_cast %add3A_308 : i32 to index
        %swap3A_311 = tpu.vector_load %arg5[%swap3A_309, %swap3A_310] {strides = array<i32>} : memref<8x4096xf32, #tpu.memory_space<vmem>>, vector<16xf32>,
        tpu.vector_store %arg5[%swap3A_309, %swap3A_310], %broadcast_in_dim3A_5 {strides = array<i32>} : memref<8x4096xf32, #tpu.memory_space<vmem>>, vector<16xf32>,
        %add3A_312 = arith.constant 64 : i32
        %add3A_313 = arith.addi %mul3A_292, %add3A_312 : i32
        %swap3A_314 = arith.index_cast %scan3A_283 : i32 to index
        %swap3A_315 = arith.index_cast %add3A_313 : i32 to index
        %swap3A_316 = tpu.vector_load %arg5[%swap3A_314, %swap3A_315] {strides = array<i32>} : memref<8x4096xf32, #tpu.memory_space<vmem>>, vector<16xf32>,
        tpu.vector_store %arg5[%swap3A_314, %swap3A_315], %broadcast_in_dim3A_5 {strides = array<i32>} : memref<8x4096xf32, #tpu.memory_space<vmem>>, vector<16xf32>,
        %add3A_317 = arith.constant 80 : i32
        %add3A_318 = arith.addi %mul3A_292, %add3A_317 : i32
        %swap3A_319 = arith.index_cast %scan3A_283 : i32 to index
        %swap3A_320 = arith.index_cast %add3A_318 : i32 to index
        %swap3A_321 = tpu.vector_load %arg5[%swap3A_319, %swap3A_320] {strides = array<i32>} : memref<8x4096xf32, #tpu.memory_space<vmem>>, vector<16xf32>,
        tpu.vector_store %arg5[%swap3A_319, %swap3A_320], %broadcast_in_dim3A_5 {strides = array<i32>} : memref<8x4096xf32, #tpu.memory_space<vmem>>, vector<16xf32>,
        %add3A_322 = arith.constant 96 : i32
        %add3A_323 = arith.addi %mul3A_292, %add3A_322 : i32
        %swap3A_324 = arith.index_cast %scan3A_283 : i32 to index
        %swap3A_325 = arith.index_cast %add3A_323 : i32 to index
        %swap3A_326 = tpu.vector_load %arg5[%swap3A_324, %swap3A_325] {strides = array<i32>} : memref<8x4096xf32, #tpu.memory_space<vmem>>, vector<16xf32>,
        tpu.vector_store %arg5[%swap3A_324, %swap3A_325], %broadcast_in_dim3A_5 {strides = array<i32>} : memref<8x4096xf32, #tpu.memory_space<vmem>>, vector<16xf32>,
        %add3A_327 = arith.constant 112 : i32
        %add3A_328 = arith.addi %mul3A_292, %add3A_327 : i32
        %swap3A_329 = arith.index_cast %scan3A_283 : i32 to index
        %swap3A_330 = arith.index_cast %add3A_328 : i32 to index
        %swap3A_331 = tpu.vector_load %arg5[%swap3A_329, %swap3A_330] {strides = array<i32>} : memref<8x4096xf32, #tpu.memory_space<vmem>>, vector<16xf32>,
        tpu.vector_store %arg5[%swap3A_329, %swap3A_330], %broadcast_in_dim3A_5 {strides = array<i32>} : memref<8x4096xf32, #tpu.memory_space<vmem>>, vector<16xf32>,
      }
      %scan3A_289 = arith.constant 32 : i32
    }
    %scan3A_10 = arith.constant 8 : i32
    %scan3A_11 = arith.constant 0 : i32
    %scan3A_12 = arith.constant 0 : i32
    %scan3A_13 = arith.constant 8 : i32
    %scan3A_14 = arith.addi %scan3A_12, %scan3A_13 : i32
    %scan3A_15 = arith.constant 1 : i32
    scf.for %scan3A_283 = %scan3A_12 to %scan3A_14 step %scan3A_15  : i32 {
      %scan3A_284 = arith.constant 0 : i32
      %scan3A_285 = arith.constant 0 : i32
      %scan3A_286 = arith.constant 32 : i32
      %scan3A_287 = arith.addi %scan3A_285, %scan3A_286 : i32
      %scan3A_288 = arith.constant 1 : i32
      scf.for %scan3A_290 = %scan3A_285 to %scan3A_287 step %scan3A_288  : i32 {
        %mul3A_291 = arith.constant 128 : i32
        %mul3A_292 = arith.muli %scan3A_290, %mul3A_291 : i32
        %add3A_293 = arith.constant 0 : i32
        %add3A_294 = arith.addi %mul3A_292, %add3A_293 : i32
        %swap3A = arith.index_cast %scan3A_283 : i32 to index
        %swap3A_295 = arith.index_cast %add3A_294 : i32 to index
        %swap3A_296 = tpu.vector_load %arg6[%swap3A, %swap3A_295] {strides = array<i32>} : memref<8x4096xf32, #tpu.memory_space<vmem>>, vector<16xf32>,
        tpu.vector_store %arg6[%swap3A, %swap3A_295], %broadcast_in_dim3A_5 {strides = array<i32>} : memref<8x4096xf32, #tpu.memory_space<vmem>>, vector<16xf32>,
        %add3A_297 = arith.constant 16 : i32
        %add3A_298 = arith.addi %mul3A_292, %add3A_297 : i32
        %swap3A_299 = arith.index_cast %scan3A_283 : i32 to index
        %swap3A_300 = arith.index_cast %add3A_298 : i32 to index
        %swap3A_301 = tpu.vector_load %arg6[%swap3A_299, %swap3A_300] {strides = array<i32>} : memref<8x4096xf32, #tpu.memory_space<vmem>>, vector<16xf32>,
        tpu.vector_store %arg6[%swap3A_299, %swap3A_300], %broadcast_in_dim3A_5 {strides = array<i32>} : memref<8x4096xf32, #tpu.memory_space<vmem>>, vector<16xf32>,
        %add3A_302 = arith.constant 32 : i32
        %add3A_303 = arith.addi %mul3A_292, %add3A_302 : i32
        %swap3A_304 = arith.index_cast %scan3A_283 : i32 to index
        %swap3A_305 = arith.index_cast %add3A_303 : i32 to index
        %swap3A_306 = tpu.vector_load %arg6[%swap3A_304, %swap3A_305] {strides = array<i32>} : memref<8x4096xf32, #tpu.memory_space<vmem>>, vector<16xf32>,
        tpu.vector_store %arg6[%swap3A_304, %swap3A_305], %broadcast_in_dim3A_5 {strides = array<i32>} : memref<8x4096xf32, #tpu.memory_space<vmem>>, vector<16xf32>,
        %add3A_307 = arith.constant 48 : i32
        %add3A_308 = arith.addi %mul3A_292, %add3A_307 : i32
        %swap3A_309 = arith.index_cast %scan3A_283 : i32 to index
        %swap3A_310 = arith.index_cast %add3A_308 : i32 to index
        %swap3A_311 = tpu.vector_load %arg6[%swap3A_309, %swap3A_310] {strides = array<i32>} : memref<8x4096xf32, #tpu.memory_space<vmem>>, vector<16xf32>,
        tpu.vector_store %arg6[%swap3A_309, %swap3A_310], %broadcast_in_dim3A_5 {strides = array<i32>} : memref<8x4096xf32, #tpu.memory_space<vmem>>, vector<16xf32>,
        %add3A_312 = arith.constant 64 : i32
        %add3A_313 = arith.addi %mul3A_292, %add3A_312 : i32
        %swap3A_314 = arith.index_cast %scan3A_283 : i32 to index
        %swap3A_315 = arith.index_cast %add3A_313 : i32 to index
        %swap3A_316 = tpu.vector_load %arg6[%swap3A_314, %swap3A_315] {strides = array<i32>} : memref<8x4096xf32, #tpu.memory_space<vmem>>, vector<16xf32>,
        tpu.vector_store %arg6[%swap3A_314, %swap3A_315], %broadcast_in_dim3A_5 {strides = array<i32>} : memref<8x4096xf32, #tpu.memory_space<vmem>>, vector<16xf32>,
        %add3A_317 = arith.constant 80 : i32
        %add3A_318 = arith.addi %mul3A_292, %add3A_317 : i32
        %swap3A_319 = arith.index_cast %scan3A_283 : i32 to index
        %swap3A_320 = arith.index_cast %add3A_318 : i32 to index
        %swap3A_321 = tpu.vector_load %arg6[%swap3A_319, %swap3A_320] {strides = array<i32>} : memref<8x4096xf32, #tpu.memory_space<vmem>>, vector<16xf32>,
        tpu.vector_store %arg6[%swap3A_319, %swap3A_320], %broadcast_in_dim3A_5 {strides = array<i32>} : memref<8x4096xf32, #tpu.memory_space<vmem>>, vector<16xf32>,
        %add3A_322 = arith.constant 96 : i32
        %add3A_323 = arith.addi %mul3A_292, %add3A_322 : i32
        %swap3A_324 = arith.index_cast %scan3A_283 : i32 to index
        %swap3A_325 = arith.index_cast %add3A_323 : i32 to index
        %swap3A_326 = tpu.vector_load %arg6[%swap3A_324, %swap3A_325] {strides = array<i32>} : memref<8x4096xf32, #tpu.memory_space<vmem>>, vector<16xf32>,
        tpu.vector_store %arg6[%swap3A_324, %swap3A_325], %broadcast_in_dim3A_5 {strides = array<i32>} : memref<8x4096xf32, #tpu.memory_space<vmem>>, vector<16xf32>,
        %add3A_327 = arith.constant 112 : i32
        %add3A_328 = arith.addi %mul3A_292, %add3A_327 : i32
        %swap3A_329 = arith.index_cast %scan3A_283 : i32 to index
        %swap3A_330 = arith.index_cast %add3A_328 : i32 to index
        %swap3A_331 = tpu.vector_load %arg6[%swap3A_329, %swap3A_330] {strides = array<i32>} : memref<8x4096xf32, #tpu.memory_space<vmem>>, vector<16xf32>,
        tpu.vector_store %arg6[%swap3A_329, %swap3A_330], %broadcast_in_dim3A_5 {strides = array<i32>} : memref<8x4096xf32, #tpu.memory_space<vmem>>, vector<16xf32>,
      }
      %scan3A_289 = arith.constant 32 : i32
    }
    %scan3A_16 = arith.constant 8 : i32
    %scan3A_17 = arith.constant 0 : i32
    %scan3A_18 = arith.constant 0 : i32
    %scan3A_19 = arith.constant 64 : i32
    %scan3A_20 = arith.addi %scan3A_18, %scan3A_19 : i32
    %scan3A_21 = arith.constant 1 : i32
    scf.for %scan3A_283 = %scan3A_18 to %scan3A_20 step %scan3A_21  : i32 {
      %jit3A = arith.constant 8 : i32
      %div3A = arith.divsi %scan3A_283, %jit3A : i32
      %sign3A = arith.constant 0 : i32
      %sign3A_284 = arith.cmpi sgt, %scan3A_283, %sign3A : i32
      %sign3A_285 = arith.extui %sign3A_284 : i1 to i32
      %sign3A_286 = arith.constant 0 : i32
      %sign3A_287 = arith.cmpi slt, %scan3A_283, %sign3A_286 : i32
      %sign3A_288 = arith.extui %sign3A_287 : i1 to i32
      %sign3A_289 = arith.subi %sign3A_285, %sign3A_288 : i32
      %sign3A_290 = arith.constant 0 : i32
      %sign3A_291 = arith.cmpi sgt, %jit3A, %sign3A_290 : i32
      %sign3A_292 = arith.extui %sign3A_291 : i1 to i32
      %sign3A_293 = arith.constant 0 : i32
      %sign3A_294 = arith.cmpi slt, %jit3A, %sign3A_293 : i32
      %sign3A_295 = arith.extui %sign3A_294 : i1 to i32
      %sign3A_296 = arith.subi %sign3A_292, %sign3A_295 : i32
      %ne3A = arith.cmpi ne, %sign3A_289, %sign3A_296 : i32
      %rem3A = arith.remsi %scan3A_283, %jit3A : i32
      %ne3A_297 = arith.constant 0 : i32
      %ne3A_298 = arith.cmpi ne, %rem3A, %ne3A_297 : i32
      %and3A = arith.andi %ne3A, %ne3A_298 : i1
      %sub3A = arith.constant 1 : i32
      %sub3A_299 = arith.subi %div3A, %sub3A : i32
      %select_n3A = arith.select %and3A, %sub3A_299, %div3A : i32
      %add3A_300 = arith.constant 0 : i32
      %add3A_301 = arith.addi %add3A_300, %select_n3A : i32
      %jit3A_302 = arith.constant 8 : i32
      %eq3A = arith.constant 0 : i32
      %eq3A_303 = arith.cmpi eq, %jit3A_302, %eq3A : i32
      %jit3A_304 = arith.constant 1 : i32
      %select_n3A_305 = arith.select %eq3A_303, %jit3A_304, %jit3A_302 : i32
      %rem3A_306 = arith.remsi %scan3A_283, %select_n3A_305 : i32
      %ne3A_307 = arith.constant 0 : i32
      %ne3A_308 = arith.cmpi ne, %rem3A_306, %ne3A_307 : i32
      %lt3A = arith.constant 0 : i32
      %lt3A_309 = arith.cmpi slt, %rem3A_306, %lt3A : i32
      %lt3A_310 = arith.constant 0 : i32
      %lt3A_311 = arith.cmpi slt, %select_n3A_305, %lt3A_310 : i32
      %ne3A_312 = arith.xori %lt3A_309, %lt3A_311 : i1
      %and3A_313 = arith.andi %ne3A_312, %ne3A_308 : i1
      %add3A_314 = arith.addi %rem3A_306, %select_n3A_305 : i32
      %select_n3A_315 = arith.select %and3A_313, %add3A_314, %rem3A_306 : i32
      %mul3A_316 = arith.constant 16 : i32
      %mul3A_317 = arith.muli %select_n3A_315, %mul3A_316 : i32
      %jit3A_318 = arith.constant 8 : i32
      %div3A_319 = arith.divsi %scan3A_283, %jit3A_318 : i32
      %sign3A_320 = arith.constant 0 : i32
      %sign3A_321 = arith.cmpi sgt, %scan3A_283, %sign3A_320 : i32
      %sign3A_322 = arith.extui %sign3A_321 : i1 to i32
      %sign3A_323 = arith.constant 0 : i32
      %sign3A_324 = arith.cmpi slt, %scan3A_283, %sign3A_323 : i32
      %sign3A_325 = arith.extui %sign3A_324 : i1 to i32
      %sign3A_326 = arith.subi %sign3A_322, %sign3A_325 : i32
      %sign3A_327 = arith.constant 0 : i32
      %sign3A_328 = arith.cmpi sgt, %jit3A_318, %sign3A_327 : i32
      %sign3A_329 = arith.extui %sign3A_328 : i1 to i32
      %sign3A_330 = arith.constant 0 : i32
      %sign3A_331 = arith.cmpi slt, %jit3A_318, %sign3A_330 : i32
      %sign3A_332 = arith.extui %sign3A_331 : i1 to i32
      %sign3A_333 = arith.subi %sign3A_329, %sign3A_332 : i32
      %ne3A_334 = arith.cmpi ne, %sign3A_326, %sign3A_333 : i32
      %rem3A_335 = arith.remsi %scan3A_283, %jit3A_318 : i32
      %ne3A_336 = arith.constant 0 : i32
      %ne3A_337 = arith.cmpi ne, %rem3A_335, %ne3A_336 : i32
      %and3A_338 = arith.andi %ne3A_334, %ne3A_337 : i1
      %sub3A_339 = arith.constant 1 : i32
      %sub3A_340 = arith.subi %div3A_319, %sub3A_339 : i32
      %select_n3A_341 = arith.select %and3A_338, %sub3A_340, %div3A_319 : i32
      %broadcast_in_dim3A_342 = vector.broadcast %select_n3A_341 : i32 to vector<16xi32>
      %get3A = arith.index_cast %add3A_301 : i32 to index
      %get3A_343 = arith.index_cast %mul3A_317 : i32 to index
      %get3A_344 = tpu.vector_load %arg8[%get3A, %get3A_343] {strides = array<i32>} : memref<80x128xi32, #tpu.memory_space<vmem>>, vector<16xi32>,
      %get3A_345 = arith.index_cast %add3A_301 : i32 to index
      %get3A_346 = arith.index_cast %mul3A_317 : i32 to index
      %get3A_347 = tpu.vector_load %arg7[%get3A_345, %get3A_346] {strides = array<i32>} : memref<80x128xf32, #tpu.memory_space<vmem>>, vector<16xf32>,
      tpu.vector_store_idx %arg5[%broadcast_in_dim3A_342, %get3A_344], %get3A_347 {add = true} : memref<8x4096xf32, #tpu.memory_space<vmem>>[vector<16xi32>, vector<16xi32>], vector<16xf32>,
    }
    %scan3A_22 = arith.constant 64 : i32
    %mul3A_23 = arith.constant 80 : i32
    %mul3A_24 = arith.muli %add3A, %mul3A_23 : i32
    %add3A_25 = arith.constant 0 : i32
    %add3A_26 = arith.addi %mul3A_24, %add3A_25 : i32
    %dma_start3A = arith.constant 0 : i32
    %dma_start3A_27 = tpu.memref_slice %arg4[%add3A_26, %dma_start3A] : memref<2560x4096xf32, #tpu.memory_space<hbm>> -> memref<8x4096xf32, #tpu.memory_space<hbm>>
    %dma_start3A_28 = arith.constant 0 : i32
    %dma_start3A_29 = tpu.memref_slice %arg4[%add3A_26, %dma_start3A_28] : memref<2560x4096xf32, #tpu.memory_space<hbm>> -> memref<8x4096xf32, #tpu.memory_space<hbm>>
    tpu.enqueue_dma source(%arg5 : memref<8x4096xf32, #tpu.memory_space<vmem>>) target(%dma_start3A_29 : memref<8x4096xf32, #tpu.memory_space<hbm>>) target_semaphore(%arg9 : memref<!tpu.dma_semaphore, #tpu.memory_space<semaphore_mem>>)
    %scan3A_30 = arith.constant 0 : i32
    %scan3A_31 = arith.constant 0 : i32
    %scan3A_32 = arith.constant 64 : i32
    %scan3A_33 = arith.addi %scan3A_31, %scan3A_32 : i32
    %scan3A_34 = arith.constant 1 : i32
    scf.for %scan3A_283 = %scan3A_31 to %scan3A_33 step %scan3A_34  : i32 {
      %jit3A = arith.constant 8 : i32
      %div3A = arith.divsi %scan3A_283, %jit3A : i32
      %sign3A = arith.constant 0 : i32
      %sign3A_284 = arith.cmpi sgt, %scan3A_283, %sign3A : i32
      %sign3A_285 = arith.extui %sign3A_284 : i1 to i32
      %sign3A_286 = arith.constant 0 : i32
      %sign3A_287 = arith.cmpi slt, %scan3A_283, %sign3A_286 : i32
      %sign3A_288 = arith.extui %sign3A_287 : i1 to i32
      %sign3A_289 = arith.subi %sign3A_285, %sign3A_288 : i32
      %sign3A_290 = arith.constant 0 : i32
      %sign3A_291 = arith.cmpi sgt, %jit3A, %sign3A_290 : i32
      %sign3A_292 = arith.extui %sign3A_291 : i1 to i32
      %sign3A_293 = arith.constant 0 : i32
      %sign3A_294 = arith.cmpi slt, %jit3A, %sign3A_293 : i32
      %sign3A_295 = arith.extui %sign3A_294 : i1 to i32
      %sign3A_296 = arith.subi %sign3A_292, %sign3A_295 : i32
      %ne3A = arith.cmpi ne, %sign3A_289, %sign3A_296 : i32
      %rem3A = arith.remsi %scan3A_283, %jit3A : i32
      %ne3A_297 = arith.constant 0 : i32
      %ne3A_298 = arith.cmpi ne, %rem3A, %ne3A_297 : i32
      %and3A = arith.andi %ne3A, %ne3A_298 : i1
      %sub3A = arith.constant 1 : i32
      %sub3A_299 = arith.subi %div3A, %sub3A : i32
      %select_n3A = arith.select %and3A, %sub3A_299, %div3A : i32
      %add3A_300 = arith.constant 8 : i32
      %add3A_301 = arith.addi %add3A_300, %select_n3A : i32
      %jit3A_302 = arith.constant 8 : i32
      %eq3A = arith.constant 0 : i32
      %eq3A_303 = arith.cmpi eq, %jit3A_302, %eq3A : i32
      %jit3A_304 = arith.constant 1 : i32
      %select_n3A_305 = arith.select %eq3A_303, %jit3A_304, %jit3A_302 : i32
      %rem3A_306 = arith.remsi %scan3A_283, %select_n3A_305 : i32
      %ne3A_307 = arith.constant 0 : i32
      %ne3A_308 = arith.cmpi ne, %rem3A_306, %ne3A_307 : i32
      %lt3A = arith.constant 0 : i32
      %lt3A_309 = arith.cmpi slt, %rem3A_306, %lt3A : i32
      %lt3A_310 = arith.constant 0 : i32
      %lt3A_311 = arith.cmpi slt, %select_n3A_305, %lt3A_310 : i32
      %ne3A_312 = arith.xori %lt3A_309, %lt3A_311 : i1
      %and3A_313 = arith.andi %ne3A_312, %ne3A_308 : i1
      %add3A_314 = arith.addi %rem3A_306, %select_n3A_305 : i32
      %select_n3A_315 = arith.select %and3A_313, %add3A_314, %rem3A_306 : i32
      %mul3A_316 = arith.constant 16 : i32
      %mul3A_317 = arith.muli %select_n3A_315, %mul3A_316 : i32
      %jit3A_318 = arith.constant 8 : i32
      %div3A_319 = arith.divsi %scan3A_283, %jit3A_318 : i32
      %sign3A_320 = arith.constant 0 : i32
      %sign3A_321 = arith.cmpi sgt, %scan3A_283, %sign3A_320 : i32
      %sign3A_322 = arith.extui %sign3A_321 : i1 to i32
      %sign3A_323 = arith.constant 0 : i32
      %sign3A_324 = arith.cmpi slt, %scan3A_283, %sign3A_323 : i32
      %sign3A_325 = arith.extui %sign3A_324 : i1 to i32
      %sign3A_326 = arith.subi %sign3A_322, %sign3A_325 : i32
      %sign3A_327 = arith.constant 0 : i32
      %sign3A_328 = arith.cmpi sgt, %jit3A_318, %sign3A_327 : i32
      %sign3A_329 = arith.extui %sign3A_328 : i1 to i32
      %sign3A_330 = arith.constant 0 : i32
      %sign3A_331 = arith.cmpi slt, %jit3A_318, %sign3A_330 : i32
      %sign3A_332 = arith.extui %sign3A_331 : i1 to i32
      %sign3A_333 = arith.subi %sign3A_329, %sign3A_332 : i32
      %ne3A_334 = arith.cmpi ne, %sign3A_326, %sign3A_333 : i32
      %rem3A_335 = arith.remsi %scan3A_283, %jit3A_318 : i32
      %ne3A_336 = arith.constant 0 : i32
      %ne3A_337 = arith.cmpi ne, %rem3A_335, %ne3A_336 : i32
      %and3A_338 = arith.andi %ne3A_334, %ne3A_337 : i1
      %sub3A_339 = arith.constant 1 : i32
      %sub3A_340 = arith.subi %div3A_319, %sub3A_339 : i32
      %select_n3A_341 = arith.select %and3A_338, %sub3A_340, %div3A_319 : i32
      %broadcast_in_dim3A_342 = vector.broadcast %select_n3A_341 : i32 to vector<16xi32>
      %get3A = arith.index_cast %add3A_301 : i32 to index
      %get3A_343 = arith.index_cast %mul3A_317 : i32 to index
      %get3A_344 = tpu.vector_load %arg8[%get3A, %get3A_343] {strides = array<i32>} : memref<80x128xi32, #tpu.memory_space<vmem>>, vector<16xi32>,
      %get3A_345 = arith.index_cast %add3A_301 : i32 to index
      %get3A_346 = arith.index_cast %mul3A_317 : i32 to index
      %get3A_347 = tpu.vector_load %arg7[%get3A_345, %get3A_346] {strides = array<i32>} : memref<80x128xf32, #tpu.memory_space<vmem>>, vector<16xf32>,
      tpu.vector_store_idx %arg6[%broadcast_in_dim3A_342, %get3A_344], %get3A_347 {add = true} : memref<8x4096xf32, #tpu.memory_space<vmem>>[vector<16xi32>, vector<16xi32>], vector<16xf32>,
    }
    %scan3A_35 = arith.constant 64 : i32
    %mul3A_36 = arith.constant 80 : i32
    %mul3A_37 = arith.muli %add3A, %mul3A_36 : i32
    %add3A_38 = arith.constant 8 : i32
    %add3A_39 = arith.addi %mul3A_37, %add3A_38 : i32
    %dma_start3A_40 = arith.constant 0 : i32
    %dma_start3A_41 = tpu.memref_slice %arg4[%add3A_39, %dma_start3A_40] : memref<2560x4096xf32, #tpu.memory_space<hbm>> -> memref<8x4096xf32, #tpu.memory_space<hbm>>
    %dma_start3A_42 = arith.constant 0 : i32
    %dma_start3A_43 = tpu.memref_slice %arg4[%add3A_39, %dma_start3A_42] : memref<2560x4096xf32, #tpu.memory_space<hbm>> -> memref<8x4096xf32, #tpu.memory_space<hbm>>
    tpu.enqueue_dma source(%arg6 : memref<8x4096xf32, #tpu.memory_space<vmem>>) target(%dma_start3A_43 : memref<8x4096xf32, #tpu.memory_space<hbm>>) target_semaphore(%arg10 : memref<!tpu.dma_semaphore, #tpu.memory_space<semaphore_mem>>)
    %mul3A_44 = arith.constant 80 : i32
    %mul3A_45 = arith.muli %add3A, %mul3A_44 : i32
    %add3A_46 = arith.constant 0 : i32
    %add3A_47 = arith.addi %mul3A_45, %add3A_46 : i32
    %dma_wait3A = arith.constant 0 : i32
    %dma_wait3A_48 = tpu.memref_slice %arg4[%add3A_47, %dma_wait3A] : memref<2560x4096xf32, #tpu.memory_space<hbm>> -> memref<8x4096xf32, #tpu.memory_space<hbm>>
    %dma_wait3A_49 = arith.constant 0 : i32
    %dma_wait3A_50 = tpu.memref_slice %arg4[%add3A_47, %dma_wait3A_49] : memref<2560x4096xf32, #tpu.memory_space<hbm>> -> memref<8x4096xf32, #tpu.memory_space<hbm>>
    tpu.wait_dma2 semaphore(%arg9 : memref<!tpu.dma_semaphore, #tpu.memory_space<semaphore_mem>>) src(%arg5 : memref<8x4096xf32, #tpu.memory_space<vmem>>) dst(%dma_wait3A_50 : memref<8x4096xf32, #tpu.memory_space<hbm>>)
    %scan3A_51 = arith.constant 0 : i32
    %scan3A_52 = arith.constant 0 : i32
    %scan3A_53 = arith.constant 64 : i32
    %scan3A_54 = arith.addi %scan3A_52, %scan3A_53 : i32
    %scan3A_55 = arith.constant 1 : i32
    scf.for %scan3A_283 = %scan3A_52 to %scan3A_54 step %scan3A_55  : i32 {
      %jit3A = arith.constant 8 : i32
      %div3A = arith.divsi %scan3A_283, %jit3A : i32
      %sign3A = arith.constant 0 : i32
      %sign3A_284 = arith.cmpi sgt, %scan3A_283, %sign3A : i32
      %sign3A_285 = arith.extui %sign3A_284 : i1 to i32
      %sign3A_286 = arith.constant 0 : i32
      %sign3A_287 = arith.cmpi slt, %scan3A_283, %sign3A_286 : i32
      %sign3A_288 = arith.extui %sign3A_287 : i1 to i32
      %sign3A_289 = arith.subi %sign3A_285, %sign3A_288 : i32
      %sign3A_290 = arith.constant 0 : i32
      %sign3A_291 = arith.cmpi sgt, %jit3A, %sign3A_290 : i32
      %sign3A_292 = arith.extui %sign3A_291 : i1 to i32
      %sign3A_293 = arith.constant 0 : i32
      %sign3A_294 = arith.cmpi slt, %jit3A, %sign3A_293 : i32
      %sign3A_295 = arith.extui %sign3A_294 : i1 to i32
      %sign3A_296 = arith.subi %sign3A_292, %sign3A_295 : i32
      %ne3A = arith.cmpi ne, %sign3A_289, %sign3A_296 : i32
      %rem3A = arith.remsi %scan3A_283, %jit3A : i32
      %ne3A_297 = arith.constant 0 : i32
      %ne3A_298 = arith.cmpi ne, %rem3A, %ne3A_297 : i32
      %and3A = arith.andi %ne3A, %ne3A_298 : i1
      %sub3A = arith.constant 1 : i32
      %sub3A_299 = arith.subi %div3A, %sub3A : i32
      %select_n3A = arith.select %and3A, %sub3A_299, %div3A : i32
      %add3A_300 = arith.constant 0 : i32
      %add3A_301 = arith.addi %add3A_300, %select_n3A : i32
      %jit3A_302 = arith.constant 8 : i32
      %eq3A = arith.constant 0 : i32
      %eq3A_303 = arith.cmpi eq, %jit3A_302, %eq3A : i32
      %jit3A_304 = arith.constant 1 : i32
      %select_n3A_305 = arith.select %eq3A_303, %jit3A_304, %jit3A_302 : i32
      %rem3A_306 = arith.remsi %scan3A_283, %select_n3A_305 : i32
      %ne3A_307 = arith.constant 0 : i32
      %ne3A_308 = arith.cmpi ne, %rem3A_306, %ne3A_307 : i32
      %lt3A = arith.constant 0 : i32
      %lt3A_309 = arith.cmpi slt, %rem3A_306, %lt3A : i32
      %lt3A_310 = arith.constant 0 : i32
      %lt3A_311 = arith.cmpi slt, %select_n3A_305, %lt3A_310 : i32
      %ne3A_312 = arith.xori %lt3A_309, %lt3A_311 : i1
      %and3A_313 = arith.andi %ne3A_312, %ne3A_308 : i1
      %add3A_314 = arith.addi %rem3A_306, %select_n3A_305 : i32
      %select_n3A_315 = arith.select %and3A_313, %add3A_314, %rem3A_306 : i32
      %mul3A_316 = arith.constant 16 : i32
      %mul3A_317 = arith.muli %select_n3A_315, %mul3A_316 : i32
      %jit3A_318 = arith.constant 8 : i32
      %div3A_319 = arith.divsi %scan3A_283, %jit3A_318 : i32
      %sign3A_320 = arith.constant 0 : i32
      %sign3A_321 = arith.cmpi sgt, %scan3A_283, %sign3A_320 : i32
      %sign3A_322 = arith.extui %sign3A_321 : i1 to i32
      %sign3A_323 = arith.constant 0 : i32
      %sign3A_324 = arith.cmpi slt, %scan3A_283, %sign3A_323 : i32
      %sign3A_325 = arith.extui %sign3A_324 : i1 to i32
      %sign3A_326 = arith.subi %sign3A_322, %sign3A_325 : i32
      %sign3A_327 = arith.constant 0 : i32
      %sign3A_328 = arith.cmpi sgt, %jit3A_318, %sign3A_327 : i32
      %sign3A_329 = arith.extui %sign3A_328 : i1 to i32
      %sign3A_330 = arith.constant 0 : i32
      %sign3A_331 = arith.cmpi slt, %jit3A_318, %sign3A_330 : i32
      %sign3A_332 = arith.extui %sign3A_331 : i1 to i32
      %sign3A_333 = arith.subi %sign3A_329, %sign3A_332 : i32
      %ne3A_334 = arith.cmpi ne, %sign3A_326, %sign3A_333 : i32
      %rem3A_335 = arith.remsi %scan3A_283, %jit3A_318 : i32
      %ne3A_336 = arith.constant 0 : i32
      %ne3A_337 = arith.cmpi ne, %rem3A_335, %ne3A_336 : i32
      %and3A_338 = arith.andi %ne3A_334, %ne3A_337 : i1
      %sub3A_339 = arith.constant 1 : i32
      %sub3A_340 = arith.subi %div3A_319, %sub3A_339 : i32
      %select_n3A_341 = arith.select %and3A_338, %sub3A_340, %div3A_319 : i32
      %broadcast_in_dim3A_342 = vector.broadcast %select_n3A_341 : i32 to vector<16xi32>
      %get3A = arith.index_cast %add3A_301 : i32 to index
      %get3A_343 = arith.index_cast %mul3A_317 : i32 to index
      %get3A_344 = tpu.vector_load %arg8[%get3A, %get3A_343] {strides = array<i32>} : memref<80x128xi32, #tpu.memory_space<vmem>>, vector<16xi32>,
      tpu.vector_store_idx %arg5[%broadcast_in_dim3A_342, %get3A_344], %broadcast_in_dim3A_5 : memref<8x4096xf32, #tpu.memory_space<vmem>>[vector<16xi32>, vector<16xi32>], vector<16xf32>,
    }
    %scan3A_56 = arith.constant 64 : i32
    %scan3A_57 = arith.constant 0 : i32
    %scan3A_58 = arith.constant 0 : i32
    %scan3A_59 = arith.constant 64 : i32
    %scan3A_60 = arith.addi %scan3A_58, %scan3A_59 : i32
    %scan3A_61 = arith.constant 1 : i32
    scf.for %scan3A_283 = %scan3A_58 to %scan3A_60 step %scan3A_61  : i32 {
      %jit3A = arith.constant 8 : i32
      %div3A = arith.divsi %scan3A_283, %jit3A : i32
      %sign3A = arith.constant 0 : i32
      %sign3A_284 = arith.cmpi sgt, %scan3A_283, %sign3A : i32
      %sign3A_285 = arith.extui %sign3A_284 : i1 to i32
      %sign3A_286 = arith.constant 0 : i32
      %sign3A_287 = arith.cmpi slt, %scan3A_283, %sign3A_286 : i32
      %sign3A_288 = arith.extui %sign3A_287 : i1 to i32
      %sign3A_289 = arith.subi %sign3A_285, %sign3A_288 : i32
      %sign3A_290 = arith.constant 0 : i32
      %sign3A_291 = arith.cmpi sgt, %jit3A, %sign3A_290 : i32
      %sign3A_292 = arith.extui %sign3A_291 : i1 to i32
      %sign3A_293 = arith.constant 0 : i32
      %sign3A_294 = arith.cmpi slt, %jit3A, %sign3A_293 : i32
      %sign3A_295 = arith.extui %sign3A_294 : i1 to i32
      %sign3A_296 = arith.subi %sign3A_292, %sign3A_295 : i32
      %ne3A = arith.cmpi ne, %sign3A_289, %sign3A_296 : i32
      %rem3A = arith.remsi %scan3A_283, %jit3A : i32
      %ne3A_297 = arith.constant 0 : i32
      %ne3A_298 = arith.cmpi ne, %rem3A, %ne3A_297 : i32
      %and3A = arith.andi %ne3A, %ne3A_298 : i1
      %sub3A = arith.constant 1 : i32
      %sub3A_299 = arith.subi %div3A, %sub3A : i32
      %select_n3A = arith.select %and3A, %sub3A_299, %div3A : i32
      %add3A_300 = arith.constant 16 : i32
      %add3A_301 = arith.addi %add3A_300, %select_n3A : i32
      %jit3A_302 = arith.constant 8 : i32
      %eq3A = arith.constant 0 : i32
      %eq3A_303 = arith.cmpi eq, %jit3A_302, %eq3A : i32
      %jit3A_304 = arith.constant 1 : i32
      %select_n3A_305 = arith.select %eq3A_303, %jit3A_304, %jit3A_302 : i32
      %rem3A_306 = arith.remsi %scan3A_283, %select_n3A_305 : i32
      %ne3A_307 = arith.constant 0 : i32
      %ne3A_308 = arith.cmpi ne, %rem3A_306, %ne3A_307 : i32
      %lt3A = arith.constant 0 : i32
      %lt3A_309 = arith.cmpi slt, %rem3A_306, %lt3A : i32
      %lt3A_310 = arith.constant 0 : i32
      %lt3A_311 = arith.cmpi slt, %select_n3A_305, %lt3A_310 : i32
      %ne3A_312 = arith.xori %lt3A_309, %lt3A_311 : i1
      %and3A_313 = arith.andi %ne3A_312, %ne3A_308 : i1
      %add3A_314 = arith.addi %rem3A_306, %select_n3A_305 : i32
      %select_n3A_315 = arith.select %and3A_313, %add3A_314, %rem3A_306 : i32
      %mul3A_316 = arith.constant 16 : i32
      %mul3A_317 = arith.muli %select_n3A_315, %mul3A_316 : i32
      %jit3A_318 = arith.constant 8 : i32
      %div3A_319 = arith.divsi %scan3A_283, %jit3A_318 : i32
      %sign3A_320 = arith.constant 0 : i32
      %sign3A_321 = arith.cmpi sgt, %scan3A_283, %sign3A_320 : i32
      %sign3A_322 = arith.extui %sign3A_321 : i1 to i32
      %sign3A_323 = arith.constant 0 : i32
      %sign3A_324 = arith.cmpi slt, %scan3A_283, %sign3A_323 : i32
      %sign3A_325 = arith.extui %sign3A_324 : i1 to i32
      %sign3A_326 = arith.subi %sign3A_322, %sign3A_325 : i32
      %sign3A_327 = arith.constant 0 : i32
      %sign3A_328 = arith.cmpi sgt, %jit3A_318, %sign3A_327 : i32
      %sign3A_329 = arith.extui %sign3A_328 : i1 to i32
      %sign3A_330 = arith.constant 0 : i32
      %sign3A_331 = arith.cmpi slt, %jit3A_318, %sign3A_330 : i32
      %sign3A_332 = arith.extui %sign3A_331 : i1 to i32
      %sign3A_333 = arith.subi %sign3A_329, %sign3A_332 : i32
      %ne3A_334 = arith.cmpi ne, %sign3A_326, %sign3A_333 : i32
      %rem3A_335 = arith.remsi %scan3A_283, %jit3A_318 : i32
      %ne3A_336 = arith.constant 0 : i32
      %ne3A_337 = arith.cmpi ne, %rem3A_335, %ne3A_336 : i32
      %and3A_338 = arith.andi %ne3A_334, %ne3A_337 : i1
      %sub3A_339 = arith.constant 1 : i32
      %sub3A_340 = arith.subi %div3A_319, %sub3A_339 : i32
      %select_n3A_341 = arith.select %and3A_338, %sub3A_340, %div3A_319 : i32
      %broadcast_in_dim3A_342 = vector.broadcast %select_n3A_341 : i32 to vector<16xi32>
      %get3A = arith.index_cast %add3A_301 : i32 to index
      %get3A_343 = arith.index_cast %mul3A_317 : i32 to index
      %get3A_344 = tpu.vector_load %arg8[%get3A, %get3A_343] {strides = array<i32>} : memref<80x128xi32, #tpu.memory_space<vmem>>, vector<16xi32>,
      %get3A_345 = arith.index_cast %add3A_301 : i32 to index
      %get3A_346 = arith.index_cast %mul3A_317 : i32 to index
      %get3A_347 = tpu.vector_load %arg7[%get3A_345, %get3A_346] {strides = array<i32>} : memref<80x128xf32, #tpu.memory_space<vmem>>, vector<16xf32>,
      tpu.vector_store_idx %arg5[%broadcast_in_dim3A_342, %get3A_344], %get3A_347 {add = true} : memref<8x4096xf32, #tpu.memory_space<vmem>>[vector<16xi32>, vector<16xi32>], vector<16xf32>,
    }
    %scan3A_62 = arith.constant 64 : i32
    %mul3A_63 = arith.constant 80 : i32
    %mul3A_64 = arith.muli %add3A, %mul3A_63 : i32
    %add3A_65 = arith.constant 16 : i32
    %add3A_66 = arith.addi %mul3A_64, %add3A_65 : i32
    %dma_start3A_67 = arith.constant 0 : i32
    %dma_start3A_68 = tpu.memref_slice %arg4[%add3A_66, %dma_start3A_67] : memref<2560x4096xf32, #tpu.memory_space<hbm>> -> memref<8x4096xf32, #tpu.memory_space<hbm>>
    %dma_start3A_69 = arith.constant 0 : i32
    %dma_start3A_70 = tpu.memref_slice %arg4[%add3A_66, %dma_start3A_69] : memref<2560x4096xf32, #tpu.memory_space<hbm>> -> memref<8x4096xf32, #tpu.memory_space<hbm>>
    tpu.enqueue_dma source(%arg5 : memref<8x4096xf32, #tpu.memory_space<vmem>>) target(%dma_start3A_70 : memref<8x4096xf32, #tpu.memory_space<hbm>>) target_semaphore(%arg9 : memref<!tpu.dma_semaphore, #tpu.memory_space<semaphore_mem>>)
    %mul3A_71 = arith.constant 80 : i32
    %mul3A_72 = arith.muli %add3A, %mul3A_71 : i32
    %add3A_73 = arith.constant 8 : i32
    %add3A_74 = arith.addi %mul3A_72, %add3A_73 : i32
    %dma_wait3A_75 = arith.constant 0 : i32
    %dma_wait3A_76 = tpu.memref_slice %arg4[%add3A_74, %dma_wait3A_75] : memref<2560x4096xf32, #tpu.memory_space<hbm>> -> memref<8x4096xf32, #tpu.memory_space<hbm>>
    %dma_wait3A_77 = arith.constant 0 : i32
    %dma_wait3A_78 = tpu.memref_slice %arg4[%add3A_74, %dma_wait3A_77] : memref<2560x4096xf32, #tpu.memory_space<hbm>> -> memref<8x4096xf32, #tpu.memory_space<hbm>>
    tpu.wait_dma2 semaphore(%arg10 : memref<!tpu.dma_semaphore, #tpu.memory_space<semaphore_mem>>) src(%arg6 : memref<8x4096xf32, #tpu.memory_space<vmem>>) dst(%dma_wait3A_78 : memref<8x4096xf32, #tpu.memory_space<hbm>>)
    %scan3A_79 = arith.constant 0 : i32
    %scan3A_80 = arith.constant 0 : i32
    %scan3A_81 = arith.constant 64 : i32
    %scan3A_82 = arith.addi %scan3A_80, %scan3A_81 : i32
    %scan3A_83 = arith.constant 1 : i32
    scf.for %scan3A_283 = %scan3A_80 to %scan3A_82 step %scan3A_83  : i32 {
      %jit3A = arith.constant 8 : i32
      %div3A = arith.divsi %scan3A_283, %jit3A : i32
      %sign3A = arith.constant 0 : i32
      %sign3A_284 = arith.cmpi sgt, %scan3A_283, %sign3A : i32
      %sign3A_285 = arith.extui %sign3A_284 : i1 to i32
      %sign3A_286 = arith.constant 0 : i32
      %sign3A_287 = arith.cmpi slt, %scan3A_283, %sign3A_286 : i32
      %sign3A_288 = arith.extui %sign3A_287 : i1 to i32
      %sign3A_289 = arith.subi %sign3A_285, %sign3A_288 : i32
      %sign3A_290 = arith.constant 0 : i32
      %sign3A_291 = arith.cmpi sgt, %jit3A, %sign3A_290 : i32
      %sign3A_292 = arith.extui %sign3A_291 : i1 to i32
      %sign3A_293 = arith.constant 0 : i32
      %sign3A_294 = arith.cmpi slt, %jit3A, %sign3A_293 : i32
      %sign3A_295 = arith.extui %sign3A_294 : i1 to i32
      %sign3A_296 = arith.subi %sign3A_292, %sign3A_295 : i32
      %ne3A = arith.cmpi ne, %sign3A_289, %sign3A_296 : i32
      %rem3A = arith.remsi %scan3A_283, %jit3A : i32
      %ne3A_297 = arith.constant 0 : i32
      %ne3A_298 = arith.cmpi ne, %rem3A, %ne3A_297 : i32
      %and3A = arith.andi %ne3A, %ne3A_298 : i1
      %sub3A = arith.constant 1 : i32
      %sub3A_299 = arith.subi %div3A, %sub3A : i32
      %select_n3A = arith.select %and3A, %sub3A_299, %div3A : i32
      %add3A_300 = arith.constant 8 : i32
      %add3A_301 = arith.addi %add3A_300, %select_n3A : i32
      %jit3A_302 = arith.constant 8 : i32
      %eq3A = arith.constant 0 : i32
      %eq3A_303 = arith.cmpi eq, %jit3A_302, %eq3A : i32
      %jit3A_304 = arith.constant 1 : i32
      %select_n3A_305 = arith.select %eq3A_303, %jit3A_304, %jit3A_302 : i32
      %rem3A_306 = arith.remsi %scan3A_283, %select_n3A_305 : i32
      %ne3A_307 = arith.constant 0 : i32
      %ne3A_308 = arith.cmpi ne, %rem3A_306, %ne3A_307 : i32
      %lt3A = arith.constant 0 : i32
      %lt3A_309 = arith.cmpi slt, %rem3A_306, %lt3A : i32
      %lt3A_310 = arith.constant 0 : i32
      %lt3A_311 = arith.cmpi slt, %select_n3A_305, %lt3A_310 : i32
      %ne3A_312 = arith.xori %lt3A_309, %lt3A_311 : i1
      %and3A_313 = arith.andi %ne3A_312, %ne3A_308 : i1
      %add3A_314 = arith.addi %rem3A_306, %select_n3A_305 : i32
      %select_n3A_315 = arith.select %and3A_313, %add3A_314, %rem3A_306 : i32
      %mul3A_316 = arith.constant 16 : i32
      %mul3A_317 = arith.muli %select_n3A_315, %mul3A_316 : i32
      %jit3A_318 = arith.constant 8 : i32
      %div3A_319 = arith.divsi %scan3A_283, %jit3A_318 : i32
      %sign3A_320 = arith.constant 0 : i32
      %sign3A_321 = arith.cmpi sgt, %scan3A_283, %sign3A_320 : i32
      %sign3A_322 = arith.extui %sign3A_321 : i1 to i32
      %sign3A_323 = arith.constant 0 : i32
      %sign3A_324 = arith.cmpi slt, %scan3A_283, %sign3A_323 : i32
      %sign3A_325 = arith.extui %sign3A_324 : i1 to i32
      %sign3A_326 = arith.subi %sign3A_322, %sign3A_325 : i32
      %sign3A_327 = arith.constant 0 : i32
      %sign3A_328 = arith.cmpi sgt, %jit3A_318, %sign3A_327 : i32
      %sign3A_329 = arith.extui %sign3A_328 : i1 to i32
      %sign3A_330 = arith.constant 0 : i32
      %sign3A_331 = arith.cmpi slt, %jit3A_318, %sign3A_330 : i32
      %sign3A_332 = arith.extui %sign3A_331 : i1 to i32
      %sign3A_333 = arith.subi %sign3A_329, %sign3A_332 : i32
      %ne3A_334 = arith.cmpi ne, %sign3A_326, %sign3A_333 : i32
      %rem3A_335 = arith.remsi %scan3A_283, %jit3A_318 : i32
      %ne3A_336 = arith.constant 0 : i32
      %ne3A_337 = arith.cmpi ne, %rem3A_335, %ne3A_336 : i32
      %and3A_338 = arith.andi %ne3A_334, %ne3A_337 : i1
      %sub3A_339 = arith.constant 1 : i32
      %sub3A_340 = arith.subi %div3A_319, %sub3A_339 : i32
      %select_n3A_341 = arith.select %and3A_338, %sub3A_340, %div3A_319 : i32
      %broadcast_in_dim3A_342 = vector.broadcast %select_n3A_341 : i32 to vector<16xi32>
      %get3A = arith.index_cast %add3A_301 : i32 to index
      %get3A_343 = arith.index_cast %mul3A_317 : i32 to index
      %get3A_344 = tpu.vector_load %arg8[%get3A, %get3A_343] {strides = array<i32>} : memref<80x128xi32, #tpu.memory_space<vmem>>, vector<16xi32>,
      tpu.vector_store_idx %arg6[%broadcast_in_dim3A_342, %get3A_344], %broadcast_in_dim3A_5 : memref<8x4096xf32, #tpu.memory_space<vmem>>[vector<16xi32>, vector<16xi32>], vector<16xf32>,
    }
    %scan3A_84 = arith.constant 64 : i32
    %scan3A_85 = arith.constant 0 : i32
    %scan3A_86 = arith.constant 0 : i32
    %scan3A_87 = arith.constant 64 : i32
    %scan3A_88 = arith.addi %scan3A_86, %scan3A_87 : i32
    %scan3A_89 = arith.constant 1 : i32
    scf.for %scan3A_283 = %scan3A_86 to %scan3A_88 step %scan3A_89  : i32 {
      %jit3A = arith.constant 8 : i32
      %div3A = arith.divsi %scan3A_283, %jit3A : i32
      %sign3A = arith.constant 0 : i32
      %sign3A_284 = arith.cmpi sgt, %scan3A_283, %sign3A : i32
      %sign3A_285 = arith.extui %sign3A_284 : i1 to i32
      %sign3A_286 = arith.constant 0 : i32
      %sign3A_287 = arith.cmpi slt, %scan3A_283, %sign3A_286 : i32
      %sign3A_288 = arith.extui %sign3A_287 : i1 to i32
      %sign3A_289 = arith.subi %sign3A_285, %sign3A_288 : i32
      %sign3A_290 = arith.constant 0 : i32
      %sign3A_291 = arith.cmpi sgt, %jit3A, %sign3A_290 : i32
      %sign3A_292 = arith.extui %sign3A_291 : i1 to i32
      %sign3A_293 = arith.constant 0 : i32
      %sign3A_294 = arith.cmpi slt, %jit3A, %sign3A_293 : i32
      %sign3A_295 = arith.extui %sign3A_294 : i1 to i32
      %sign3A_296 = arith.subi %sign3A_292, %sign3A_295 : i32
      %ne3A = arith.cmpi ne, %sign3A_289, %sign3A_296 : i32
      %rem3A = arith.remsi %scan3A_283, %jit3A : i32
      %ne3A_297 = arith.constant 0 : i32
      %ne3A_298 = arith.cmpi ne, %rem3A, %ne3A_297 : i32
      %and3A = arith.andi %ne3A, %ne3A_298 : i1
      %sub3A = arith.constant 1 : i32
      %sub3A_299 = arith.subi %div3A, %sub3A : i32
      %select_n3A = arith.select %and3A, %sub3A_299, %div3A : i32
      %add3A_300 = arith.constant 24 : i32
      %add3A_301 = arith.addi %add3A_300, %select_n3A : i32
      %jit3A_302 = arith.constant 8 : i32
      %eq3A = arith.constant 0 : i32
      %eq3A_303 = arith.cmpi eq, %jit3A_302, %eq3A : i32
      %jit3A_304 = arith.constant 1 : i32
      %select_n3A_305 = arith.select %eq3A_303, %jit3A_304, %jit3A_302 : i32
      %rem3A_306 = arith.remsi %scan3A_283, %select_n3A_305 : i32
      %ne3A_307 = arith.constant 0 : i32
      %ne3A_308 = arith.cmpi ne, %rem3A_306, %ne3A_307 : i32
      %lt3A = arith.constant 0 : i32
      %lt3A_309 = arith.cmpi slt, %rem3A_306, %lt3A : i32
      %lt3A_310 = arith.constant 0 : i32
      %lt3A_311 = arith.cmpi slt, %select_n3A_305, %lt3A_310 : i32
      %ne3A_312 = arith.xori %lt3A_309, %lt3A_311 : i1
      %and3A_313 = arith.andi %ne3A_312, %ne3A_308 : i1
      %add3A_314 = arith.addi %rem3A_306, %select_n3A_305 : i32
      %select_n3A_315 = arith.select %and3A_313, %add3A_314, %rem3A_306 : i32
      %mul3A_316 = arith.constant 16 : i32
      %mul3A_317 = arith.muli %select_n3A_315, %mul3A_316 : i32
      %jit3A_318 = arith.constant 8 : i32
      %div3A_319 = arith.divsi %scan3A_283, %jit3A_318 : i32
      %sign3A_320 = arith.constant 0 : i32
      %sign3A_321 = arith.cmpi sgt, %scan3A_283, %sign3A_320 : i32
      %sign3A_322 = arith.extui %sign3A_321 : i1 to i32
      %sign3A_323 = arith.constant 0 : i32
      %sign3A_324 = arith.cmpi slt, %scan3A_283, %sign3A_323 : i32
      %sign3A_325 = arith.extui %sign3A_324 : i1 to i32
      %sign3A_326 = arith.subi %sign3A_322, %sign3A_325 : i32
      %sign3A_327 = arith.constant 0 : i32
      %sign3A_328 = arith.cmpi sgt, %jit3A_318, %sign3A_327 : i32
      %sign3A_329 = arith.extui %sign3A_328 : i1 to i32
      %sign3A_330 = arith.constant 0 : i32
      %sign3A_331 = arith.cmpi slt, %jit3A_318, %sign3A_330 : i32
      %sign3A_332 = arith.extui %sign3A_331 : i1 to i32
      %sign3A_333 = arith.subi %sign3A_329, %sign3A_332 : i32
      %ne3A_334 = arith.cmpi ne, %sign3A_326, %sign3A_333 : i32
      %rem3A_335 = arith.remsi %scan3A_283, %jit3A_318 : i32
      %ne3A_336 = arith.constant 0 : i32
      %ne3A_337 = arith.cmpi ne, %rem3A_335, %ne3A_336 : i32
      %and3A_338 = arith.andi %ne3A_334, %ne3A_337 : i1
      %sub3A_339 = arith.constant 1 : i32
      %sub3A_340 = arith.subi %div3A_319, %sub3A_339 : i32
      %select_n3A_341 = arith.select %and3A_338, %sub3A_340, %div3A_319 : i32
      %broadcast_in_dim3A_342 = vector.broadcast %select_n3A_341 : i32 to vector<16xi32>
      %get3A = arith.index_cast %add3A_301 : i32 to index
      %get3A_343 = arith.index_cast %mul3A_317 : i32 to index
      %get3A_344 = tpu.vector_load %arg8[%get3A, %get3A_343] {strides = array<i32>} : memref<80x128xi32, #tpu.memory_space<vmem>>, vector<16xi32>,
      %get3A_345 = arith.index_cast %add3A_301 : i32 to index
      %get3A_346 = arith.index_cast %mul3A_317 : i32 to index
      %get3A_347 = tpu.vector_load %arg7[%get3A_345, %get3A_346] {strides = array<i32>} : memref<80x128xf32, #tpu.memory_space<vmem>>, vector<16xf32>,
      tpu.vector_store_idx %arg6[%broadcast_in_dim3A_342, %get3A_344], %get3A_347 {add = true} : memref<8x4096xf32, #tpu.memory_space<vmem>>[vector<16xi32>, vector<16xi32>], vector<16xf32>,
    }
    %scan3A_90 = arith.constant 64 : i32
    %mul3A_91 = arith.constant 80 : i32
    %mul3A_92 = arith.muli %add3A, %mul3A_91 : i32
    %add3A_93 = arith.constant 24 : i32
    %add3A_94 = arith.addi %mul3A_92, %add3A_93 : i32
    %dma_start3A_95 = arith.constant 0 : i32
    %dma_start3A_96 = tpu.memref_slice %arg4[%add3A_94, %dma_start3A_95] : memref<2560x4096xf32, #tpu.memory_space<hbm>> -> memref<8x4096xf32, #tpu.memory_space<hbm>>
    %dma_start3A_97 = arith.constant 0 : i32
    %dma_start3A_98 = tpu.memref_slice %arg4[%add3A_94, %dma_start3A_97] : memref<2560x4096xf32, #tpu.memory_space<hbm>> -> memref<8x4096xf32, #tpu.memory_space<hbm>>
    tpu.enqueue_dma source(%arg6 : memref<8x4096xf32, #tpu.memory_space<vmem>>) target(%dma_start3A_98 : memref<8x4096xf32, #tpu.memory_space<hbm>>) target_semaphore(%arg10 : memref<!tpu.dma_semaphore, #tpu.memory_space<semaphore_mem>>)
    %mul3A_99 = arith.constant 80 : i32
    %mul3A_100 = arith.muli %add3A, %mul3A_99 : i32
    %add3A_101 = arith.constant 16 : i32
    %add3A_102 = arith.addi %mul3A_100, %add3A_101 : i32
    %dma_wait3A_103 = arith.constant 0 : i32
    %dma_wait3A_104 = tpu.memref_slice %arg4[%add3A_102, %dma_wait3A_103] : memref<2560x4096xf32, #tpu.memory_space<hbm>> -> memref<8x4096xf32, #tpu.memory_space<hbm>>
    %dma_wait3A_105 = arith.constant 0 : i32
    %dma_wait3A_106 = tpu.memref_slice %arg4[%add3A_102, %dma_wait3A_105] : memref<2560x4096xf32, #tpu.memory_space<hbm>> -> memref<8x4096xf32, #tpu.memory_space<hbm>>
    tpu.wait_dma2 semaphore(%arg9 : memref<!tpu.dma_semaphore, #tpu.memory_space<semaphore_mem>>) src(%arg5 : memref<8x4096xf32, #tpu.memory_space<vmem>>) dst(%dma_wait3A_106 : memref<8x4096xf32, #tpu.memory_space<hbm>>)
    %scan3A_107 = arith.constant 0 : i32
    %scan3A_108 = arith.constant 0 : i32
    %scan3A_109 = arith.constant 64 : i32
    %scan3A_110 = arith.addi %scan3A_108, %scan3A_109 : i32
    %scan3A_111 = arith.constant 1 : i32
    scf.for %scan3A_283 = %scan3A_108 to %scan3A_110 step %scan3A_111  : i32 {
      %jit3A = arith.constant 8 : i32
      %div3A = arith.divsi %scan3A_283, %jit3A : i32
      %sign3A = arith.constant 0 : i32
      %sign3A_284 = arith.cmpi sgt, %scan3A_283, %sign3A : i32
      %sign3A_285 = arith.extui %sign3A_284 : i1 to i32
      %sign3A_286 = arith.constant 0 : i32
      %sign3A_287 = arith.cmpi slt, %scan3A_283, %sign3A_286 : i32
      %sign3A_288 = arith.extui %sign3A_287 : i1 to i32
      %sign3A_289 = arith.subi %sign3A_285, %sign3A_288 : i32
      %sign3A_290 = arith.constant 0 : i32
      %sign3A_291 = arith.cmpi sgt, %jit3A, %sign3A_290 : i32
      %sign3A_292 = arith.extui %sign3A_291 : i1 to i32
      %sign3A_293 = arith.constant 0 : i32
      %sign3A_294 = arith.cmpi slt, %jit3A, %sign3A_293 : i32
      %sign3A_295 = arith.extui %sign3A_294 : i1 to i32
      %sign3A_296 = arith.subi %sign3A_292, %sign3A_295 : i32
      %ne3A = arith.cmpi ne, %sign3A_289, %sign3A_296 : i32
      %rem3A = arith.remsi %scan3A_283, %jit3A : i32
      %ne3A_297 = arith.constant 0 : i32
      %ne3A_298 = arith.cmpi ne, %rem3A, %ne3A_297 : i32
      %and3A = arith.andi %ne3A, %ne3A_298 : i1
      %sub3A = arith.constant 1 : i32
      %sub3A_299 = arith.subi %div3A, %sub3A : i32
      %select_n3A = arith.select %and3A, %sub3A_299, %div3A : i32
      %add3A_300 = arith.constant 16 : i32
      %add3A_301 = arith.addi %add3A_300, %select_n3A : i32
      %jit3A_302 = arith.constant 8 : i32
      %eq3A = arith.constant 0 : i32
      %eq3A_303 = arith.cmpi eq, %jit3A_302, %eq3A : i32
      %jit3A_304 = arith.constant 1 : i32
      %select_n3A_305 = arith.select %eq3A_303, %jit3A_304, %jit3A_302 : i32
      %rem3A_306 = arith.remsi %scan3A_283, %select_n3A_305 : i32
      %ne3A_307 = arith.constant 0 : i32
      %ne3A_308 = arith.cmpi ne, %rem3A_306, %ne3A_307 : i32
      %lt3A = arith.constant 0 : i32
      %lt3A_309 = arith.cmpi slt, %rem3A_306, %lt3A : i32
      %lt3A_310 = arith.constant 0 : i32
      %lt3A_311 = arith.cmpi slt, %select_n3A_305, %lt3A_310 : i32
      %ne3A_312 = arith.xori %lt3A_309, %lt3A_311 : i1
      %and3A_313 = arith.andi %ne3A_312, %ne3A_308 : i1
      %add3A_314 = arith.addi %rem3A_306, %select_n3A_305 : i32
      %select_n3A_315 = arith.select %and3A_313, %add3A_314, %rem3A_306 : i32
      %mul3A_316 = arith.constant 16 : i32
      %mul3A_317 = arith.muli %select_n3A_315, %mul3A_316 : i32
      %jit3A_318 = arith.constant 8 : i32
      %div3A_319 = arith.divsi %scan3A_283, %jit3A_318 : i32
      %sign3A_320 = arith.constant 0 : i32
      %sign3A_321 = arith.cmpi sgt, %scan3A_283, %sign3A_320 : i32
      %sign3A_322 = arith.extui %sign3A_321 : i1 to i32
      %sign3A_323 = arith.constant 0 : i32
      %sign3A_324 = arith.cmpi slt, %scan3A_283, %sign3A_323 : i32
      %sign3A_325 = arith.extui %sign3A_324 : i1 to i32
      %sign3A_326 = arith.subi %sign3A_322, %sign3A_325 : i32
      %sign3A_327 = arith.constant 0 : i32
      %sign3A_328 = arith.cmpi sgt, %jit3A_318, %sign3A_327 : i32
      %sign3A_329 = arith.extui %sign3A_328 : i1 to i32
      %sign3A_330 = arith.constant 0 : i32
      %sign3A_331 = arith.cmpi slt, %jit3A_318, %sign3A_330 : i32
      %sign3A_332 = arith.extui %sign3A_331 : i1 to i32
      %sign3A_333 = arith.subi %sign3A_329, %sign3A_332 : i32
      %ne3A_334 = arith.cmpi ne, %sign3A_326, %sign3A_333 : i32
      %rem3A_335 = arith.remsi %scan3A_283, %jit3A_318 : i32
      %ne3A_336 = arith.constant 0 : i32
      %ne3A_337 = arith.cmpi ne, %rem3A_335, %ne3A_336 : i32
      %and3A_338 = arith.andi %ne3A_334, %ne3A_337 : i1
      %sub3A_339 = arith.constant 1 : i32
      %sub3A_340 = arith.subi %div3A_319, %sub3A_339 : i32
      %select_n3A_341 = arith.select %and3A_338, %sub3A_340, %div3A_319 : i32
      %broadcast_in_dim3A_342 = vector.broadcast %select_n3A_341 : i32 to vector<16xi32>
      %get3A = arith.index_cast %add3A_301 : i32 to index
      %get3A_343 = arith.index_cast %mul3A_317 : i32 to index
      %get3A_344 = tpu.vector_load %arg8[%get3A, %get3A_343] {strides = array<i32>} : memref<80x128xi32, #tpu.memory_space<vmem>>, vector<16xi32>,
      tpu.vector_store_idx %arg5[%broadcast_in_dim3A_342, %get3A_344], %broadcast_in_dim3A_5 : memref<8x4096xf32, #tpu.memory_space<vmem>>[vector<16xi32>, vector<16xi32>], vector<16xf32>,
    }
    %scan3A_112 = arith.constant 64 : i32
    %scan3A_113 = arith.constant 0 : i32
    %scan3A_114 = arith.constant 0 : i32
    %scan3A_115 = arith.constant 64 : i32
    %scan3A_116 = arith.addi %scan3A_114, %scan3A_115 : i32
    %scan3A_117 = arith.constant 1 : i32
    scf.for %scan3A_283 = %scan3A_114 to %scan3A_116 step %scan3A_117  : i32 {
      %jit3A = arith.constant 8 : i32
      %div3A = arith.divsi %scan3A_283, %jit3A : i32
      %sign3A = arith.constant 0 : i32
      %sign3A_284 = arith.cmpi sgt, %scan3A_283, %sign3A : i32
      %sign3A_285 = arith.extui %sign3A_284 : i1 to i32
      %sign3A_286 = arith.constant 0 : i32
      %sign3A_287 = arith.cmpi slt, %scan3A_283, %sign3A_286 : i32
      %sign3A_288 = arith.extui %sign3A_287 : i1 to i32
      %sign3A_289 = arith.subi %sign3A_285, %sign3A_288 : i32
      %sign3A_290 = arith.constant 0 : i32
      %sign3A_291 = arith.cmpi sgt, %jit3A, %sign3A_290 : i32
      %sign3A_292 = arith.extui %sign3A_291 : i1 to i32
      %sign3A_293 = arith.constant 0 : i32
      %sign3A_294 = arith.cmpi slt, %jit3A, %sign3A_293 : i32
      %sign3A_295 = arith.extui %sign3A_294 : i1 to i32
      %sign3A_296 = arith.subi %sign3A_292, %sign3A_295 : i32
      %ne3A = arith.cmpi ne, %sign3A_289, %sign3A_296 : i32
      %rem3A = arith.remsi %scan3A_283, %jit3A : i32
      %ne3A_297 = arith.constant 0 : i32
      %ne3A_298 = arith.cmpi ne, %rem3A, %ne3A_297 : i32
      %and3A = arith.andi %ne3A, %ne3A_298 : i1
      %sub3A = arith.constant 1 : i32
      %sub3A_299 = arith.subi %div3A, %sub3A : i32
      %select_n3A = arith.select %and3A, %sub3A_299, %div3A : i32
      %add3A_300 = arith.constant 32 : i32
      %add3A_301 = arith.addi %add3A_300, %select_n3A : i32
      %jit3A_302 = arith.constant 8 : i32
      %eq3A = arith.constant 0 : i32
      %eq3A_303 = arith.cmpi eq, %jit3A_302, %eq3A : i32
      %jit3A_304 = arith.constant 1 : i32
      %select_n3A_305 = arith.select %eq3A_303, %jit3A_304, %jit3A_302 : i32
      %rem3A_306 = arith.remsi %scan3A_283, %select_n3A_305 : i32
      %ne3A_307 = arith.constant 0 : i32
      %ne3A_308 = arith.cmpi ne, %rem3A_306, %ne3A_307 : i32
      %lt3A = arith.constant 0 : i32
      %lt3A_309 = arith.cmpi slt, %rem3A_306, %lt3A : i32
      %lt3A_310 = arith.constant 0 : i32
      %lt3A_311 = arith.cmpi slt, %select_n3A_305, %lt3A_310 : i32
      %ne3A_312 = arith.xori %lt3A_309, %lt3A_311 : i1
      %and3A_313 = arith.andi %ne3A_312, %ne3A_308 : i1
      %add3A_314 = arith.addi %rem3A_306, %select_n3A_305 : i32
      %select_n3A_315 = arith.select %and3A_313, %add3A_314, %rem3A_306 : i32
      %mul3A_316 = arith.constant 16 : i32
      %mul3A_317 = arith.muli %select_n3A_315, %mul3A_316 : i32
      %jit3A_318 = arith.constant 8 : i32
      %div3A_319 = arith.divsi %scan3A_283, %jit3A_318 : i32
      %sign3A_320 = arith.constant 0 : i32
      %sign3A_321 = arith.cmpi sgt, %scan3A_283, %sign3A_320 : i32
      %sign3A_322 = arith.extui %sign3A_321 : i1 to i32
      %sign3A_323 = arith.constant 0 : i32
      %sign3A_324 = arith.cmpi slt, %scan3A_283, %sign3A_323 : i32
      %sign3A_325 = arith.extui %sign3A_324 : i1 to i32
      %sign3A_326 = arith.subi %sign3A_322, %sign3A_325 : i32
      %sign3A_327 = arith.constant 0 : i32
      %sign3A_328 = arith.cmpi sgt, %jit3A_318, %sign3A_327 : i32
      %sign3A_329 = arith.extui %sign3A_328 : i1 to i32
      %sign3A_330 = arith.constant 0 : i32
      %sign3A_331 = arith.cmpi slt, %jit3A_318, %sign3A_330 : i32
      %sign3A_332 = arith.extui %sign3A_331 : i1 to i32
      %sign3A_333 = arith.subi %sign3A_329, %sign3A_332 : i32
      %ne3A_334 = arith.cmpi ne, %sign3A_326, %sign3A_333 : i32
      %rem3A_335 = arith.remsi %scan3A_283, %jit3A_318 : i32
      %ne3A_336 = arith.constant 0 : i32
      %ne3A_337 = arith.cmpi ne, %rem3A_335, %ne3A_336 : i32
      %and3A_338 = arith.andi %ne3A_334, %ne3A_337 : i1
      %sub3A_339 = arith.constant 1 : i32
      %sub3A_340 = arith.subi %div3A_319, %sub3A_339 : i32
      %select_n3A_341 = arith.select %and3A_338, %sub3A_340, %div3A_319 : i32
      %broadcast_in_dim3A_342 = vector.broadcast %select_n3A_341 : i32 to vector<16xi32>
      %get3A = arith.index_cast %add3A_301 : i32 to index
      %get3A_343 = arith.index_cast %mul3A_317 : i32 to index
      %get3A_344 = tpu.vector_load %arg8[%get3A, %get3A_343] {strides = array<i32>} : memref<80x128xi32, #tpu.memory_space<vmem>>, vector<16xi32>,
      %get3A_345 = arith.index_cast %add3A_301 : i32 to index
      %get3A_346 = arith.index_cast %mul3A_317 : i32 to index
      %get3A_347 = tpu.vector_load %arg7[%get3A_345, %get3A_346] {strides = array<i32>} : memref<80x128xf32, #tpu.memory_space<vmem>>, vector<16xf32>,
      tpu.vector_store_idx %arg5[%broadcast_in_dim3A_342, %get3A_344], %get3A_347 {add = true} : memref<8x4096xf32, #tpu.memory_space<vmem>>[vector<16xi32>, vector<16xi32>], vector<16xf32>,
    }
    %scan3A_118 = arith.constant 64 : i32
    %mul3A_119 = arith.constant 80 : i32
    %mul3A_120 = arith.muli %add3A, %mul3A_119 : i32
    %add3A_121 = arith.constant 32 : i32
    %add3A_122 = arith.addi %mul3A_120, %add3A_121 : i32
    %dma_start3A_123 = arith.constant 0 : i32
    %dma_start3A_124 = tpu.memref_slice %arg4[%add3A_122, %dma_start3A_123] : memref<2560x4096xf32, #tpu.memory_space<hbm>> -> memref<8x4096xf32, #tpu.memory_space<hbm>>
    %dma_start3A_125 = arith.constant 0 : i32
    %dma_start3A_126 = tpu.memref_slice %arg4[%add3A_122, %dma_start3A_125] : memref<2560x4096xf32, #tpu.memory_space<hbm>> -> memref<8x4096xf32, #tpu.memory_space<hbm>>
    tpu.enqueue_dma source(%arg5 : memref<8x4096xf32, #tpu.memory_space<vmem>>) target(%dma_start3A_126 : memref<8x4096xf32, #tpu.memory_space<hbm>>) target_semaphore(%arg9 : memref<!tpu.dma_semaphore, #tpu.memory_space<semaphore_mem>>)
    %mul3A_127 = arith.constant 80 : i32
    %mul3A_128 = arith.muli %add3A, %mul3A_127 : i32
    %add3A_129 = arith.constant 24 : i32
    %add3A_130 = arith.addi %mul3A_128, %add3A_129 : i32
    %dma_wait3A_131 = arith.constant 0 : i32
    %dma_wait3A_132 = tpu.memref_slice %arg4[%add3A_130, %dma_wait3A_131] : memref<2560x4096xf32, #tpu.memory_space<hbm>> -> memref<8x4096xf32, #tpu.memory_space<hbm>>
    %dma_wait3A_133 = arith.constant 0 : i32
    %dma_wait3A_134 = tpu.memref_slice %arg4[%add3A_130, %dma_wait3A_133] : memref<2560x4096xf32, #tpu.memory_space<hbm>> -> memref<8x4096xf32, #tpu.memory_space<hbm>>
    tpu.wait_dma2 semaphore(%arg10 : memref<!tpu.dma_semaphore, #tpu.memory_space<semaphore_mem>>) src(%arg6 : memref<8x4096xf32, #tpu.memory_space<vmem>>) dst(%dma_wait3A_134 : memref<8x4096xf32, #tpu.memory_space<hbm>>)
    %scan3A_135 = arith.constant 0 : i32
    %scan3A_136 = arith.constant 0 : i32
    %scan3A_137 = arith.constant 64 : i32
    %scan3A_138 = arith.addi %scan3A_136, %scan3A_137 : i32
    %scan3A_139 = arith.constant 1 : i32
    scf.for %scan3A_283 = %scan3A_136 to %scan3A_138 step %scan3A_139  : i32 {
      %jit3A = arith.constant 8 : i32
      %div3A = arith.divsi %scan3A_283, %jit3A : i32
      %sign3A = arith.constant 0 : i32
      %sign3A_284 = arith.cmpi sgt, %scan3A_283, %sign3A : i32
      %sign3A_285 = arith.extui %sign3A_284 : i1 to i32
      %sign3A_286 = arith.constant 0 : i32
      %sign3A_287 = arith.cmpi slt, %scan3A_283, %sign3A_286 : i32
      %sign3A_288 = arith.extui %sign3A_287 : i1 to i32
      %sign3A_289 = arith.subi %sign3A_285, %sign3A_288 : i32
      %sign3A_290 = arith.constant 0 : i32
      %sign3A_291 = arith.cmpi sgt, %jit3A, %sign3A_290 : i32
      %sign3A_292 = arith.extui %sign3A_291 : i1 to i32
      %sign3A_293 = arith.constant 0 : i32
      %sign3A_294 = arith.cmpi slt, %jit3A, %sign3A_293 : i32
      %sign3A_295 = arith.extui %sign3A_294 : i1 to i32
      %sign3A_296 = arith.subi %sign3A_292, %sign3A_295 : i32
      %ne3A = arith.cmpi ne, %sign3A_289, %sign3A_296 : i32
      %rem3A = arith.remsi %scan3A_283, %jit3A : i32
      %ne3A_297 = arith.constant 0 : i32
      %ne3A_298 = arith.cmpi ne, %rem3A, %ne3A_297 : i32
      %and3A = arith.andi %ne3A, %ne3A_298 : i1
      %sub3A = arith.constant 1 : i32
      %sub3A_299 = arith.subi %div3A, %sub3A : i32
      %select_n3A = arith.select %and3A, %sub3A_299, %div3A : i32
      %add3A_300 = arith.constant 24 : i32
      %add3A_301 = arith.addi %add3A_300, %select_n3A : i32
      %jit3A_302 = arith.constant 8 : i32
      %eq3A = arith.constant 0 : i32
      %eq3A_303 = arith.cmpi eq, %jit3A_302, %eq3A : i32
      %jit3A_304 = arith.constant 1 : i32
      %select_n3A_305 = arith.select %eq3A_303, %jit3A_304, %jit3A_302 : i32
      %rem3A_306 = arith.remsi %scan3A_283, %select_n3A_305 : i32
      %ne3A_307 = arith.constant 0 : i32
      %ne3A_308 = arith.cmpi ne, %rem3A_306, %ne3A_307 : i32
      %lt3A = arith.constant 0 : i32
      %lt3A_309 = arith.cmpi slt, %rem3A_306, %lt3A : i32
      %lt3A_310 = arith.constant 0 : i32
      %lt3A_311 = arith.cmpi slt, %select_n3A_305, %lt3A_310 : i32
      %ne3A_312 = arith.xori %lt3A_309, %lt3A_311 : i1
      %and3A_313 = arith.andi %ne3A_312, %ne3A_308 : i1
      %add3A_314 = arith.addi %rem3A_306, %select_n3A_305 : i32
      %select_n3A_315 = arith.select %and3A_313, %add3A_314, %rem3A_306 : i32
      %mul3A_316 = arith.constant 16 : i32
      %mul3A_317 = arith.muli %select_n3A_315, %mul3A_316 : i32
      %jit3A_318 = arith.constant 8 : i32
      %div3A_319 = arith.divsi %scan3A_283, %jit3A_318 : i32
      %sign3A_320 = arith.constant 0 : i32
      %sign3A_321 = arith.cmpi sgt, %scan3A_283, %sign3A_320 : i32
      %sign3A_322 = arith.extui %sign3A_321 : i1 to i32
      %sign3A_323 = arith.constant 0 : i32
      %sign3A_324 = arith.cmpi slt, %scan3A_283, %sign3A_323 : i32
      %sign3A_325 = arith.extui %sign3A_324 : i1 to i32
      %sign3A_326 = arith.subi %sign3A_322, %sign3A_325 : i32
      %sign3A_327 = arith.constant 0 : i32
      %sign3A_328 = arith.cmpi sgt, %jit3A_318, %sign3A_327 : i32
      %sign3A_329 = arith.extui %sign3A_328 : i1 to i32
      %sign3A_330 = arith.constant 0 : i32
      %sign3A_331 = arith.cmpi slt, %jit3A_318, %sign3A_330 : i32
      %sign3A_332 = arith.extui %sign3A_331 : i1 to i32
      %sign3A_333 = arith.subi %sign3A_329, %sign3A_332 : i32
      %ne3A_334 = arith.cmpi ne, %sign3A_326, %sign3A_333 : i32
      %rem3A_335 = arith.remsi %scan3A_283, %jit3A_318 : i32
      %ne3A_336 = arith.constant 0 : i32
      %ne3A_337 = arith.cmpi ne, %rem3A_335, %ne3A_336 : i32
      %and3A_338 = arith.andi %ne3A_334, %ne3A_337 : i1
      %sub3A_339 = arith.constant 1 : i32
      %sub3A_340 = arith.subi %div3A_319, %sub3A_339 : i32
      %select_n3A_341 = arith.select %and3A_338, %sub3A_340, %div3A_319 : i32
      %broadcast_in_dim3A_342 = vector.broadcast %select_n3A_341 : i32 to vector<16xi32>
      %get3A = arith.index_cast %add3A_301 : i32 to index
      %get3A_343 = arith.index_cast %mul3A_317 : i32 to index
      %get3A_344 = tpu.vector_load %arg8[%get3A, %get3A_343] {strides = array<i32>} : memref<80x128xi32, #tpu.memory_space<vmem>>, vector<16xi32>,
      tpu.vector_store_idx %arg6[%broadcast_in_dim3A_342, %get3A_344], %broadcast_in_dim3A_5 : memref<8x4096xf32, #tpu.memory_space<vmem>>[vector<16xi32>, vector<16xi32>], vector<16xf32>,
    }
    %scan3A_140 = arith.constant 64 : i32
    %scan3A_141 = arith.constant 0 : i32
    %scan3A_142 = arith.constant 0 : i32
    %scan3A_143 = arith.constant 64 : i32
    %scan3A_144 = arith.addi %scan3A_142, %scan3A_143 : i32
    %scan3A_145 = arith.constant 1 : i32
    scf.for %scan3A_283 = %scan3A_142 to %scan3A_144 step %scan3A_145  : i32 {
      %jit3A = arith.constant 8 : i32
      %div3A = arith.divsi %scan3A_283, %jit3A : i32
      %sign3A = arith.constant 0 : i32
      %sign3A_284 = arith.cmpi sgt, %scan3A_283, %sign3A : i32
      %sign3A_285 = arith.extui %sign3A_284 : i1 to i32
      %sign3A_286 = arith.constant 0 : i32
      %sign3A_287 = arith.cmpi slt, %scan3A_283, %sign3A_286 : i32
      %sign3A_288 = arith.extui %sign3A_287 : i1 to i32
      %sign3A_289 = arith.subi %sign3A_285, %sign3A_288 : i32
      %sign3A_290 = arith.constant 0 : i32
      %sign3A_291 = arith.cmpi sgt, %jit3A, %sign3A_290 : i32
      %sign3A_292 = arith.extui %sign3A_291 : i1 to i32
      %sign3A_293 = arith.constant 0 : i32
      %sign3A_294 = arith.cmpi slt, %jit3A, %sign3A_293 : i32
      %sign3A_295 = arith.extui %sign3A_294 : i1 to i32
      %sign3A_296 = arith.subi %sign3A_292, %sign3A_295 : i32
      %ne3A = arith.cmpi ne, %sign3A_289, %sign3A_296 : i32
      %rem3A = arith.remsi %scan3A_283, %jit3A : i32
      %ne3A_297 = arith.constant 0 : i32
      %ne3A_298 = arith.cmpi ne, %rem3A, %ne3A_297 : i32
      %and3A = arith.andi %ne3A, %ne3A_298 : i1
      %sub3A = arith.constant 1 : i32
      %sub3A_299 = arith.subi %div3A, %sub3A : i32
      %select_n3A = arith.select %and3A, %sub3A_299, %div3A : i32
      %add3A_300 = arith.constant 40 : i32
      %add3A_301 = arith.addi %add3A_300, %select_n3A : i32
      %jit3A_302 = arith.constant 8 : i32
      %eq3A = arith.constant 0 : i32
      %eq3A_303 = arith.cmpi eq, %jit3A_302, %eq3A : i32
      %jit3A_304 = arith.constant 1 : i32
      %select_n3A_305 = arith.select %eq3A_303, %jit3A_304, %jit3A_302 : i32
      %rem3A_306 = arith.remsi %scan3A_283, %select_n3A_305 : i32
      %ne3A_307 = arith.constant 0 : i32
      %ne3A_308 = arith.cmpi ne, %rem3A_306, %ne3A_307 : i32
      %lt3A = arith.constant 0 : i32
      %lt3A_309 = arith.cmpi slt, %rem3A_306, %lt3A : i32
      %lt3A_310 = arith.constant 0 : i32
      %lt3A_311 = arith.cmpi slt, %select_n3A_305, %lt3A_310 : i32
      %ne3A_312 = arith.xori %lt3A_309, %lt3A_311 : i1
      %and3A_313 = arith.andi %ne3A_312, %ne3A_308 : i1
      %add3A_314 = arith.addi %rem3A_306, %select_n3A_305 : i32
      %select_n3A_315 = arith.select %and3A_313, %add3A_314, %rem3A_306 : i32
      %mul3A_316 = arith.constant 16 : i32
      %mul3A_317 = arith.muli %select_n3A_315, %mul3A_316 : i32
      %jit3A_318 = arith.constant 8 : i32
      %div3A_319 = arith.divsi %scan3A_283, %jit3A_318 : i32
      %sign3A_320 = arith.constant 0 : i32
      %sign3A_321 = arith.cmpi sgt, %scan3A_283, %sign3A_320 : i32
      %sign3A_322 = arith.extui %sign3A_321 : i1 to i32
      %sign3A_323 = arith.constant 0 : i32
      %sign3A_324 = arith.cmpi slt, %scan3A_283, %sign3A_323 : i32
      %sign3A_325 = arith.extui %sign3A_324 : i1 to i32
      %sign3A_326 = arith.subi %sign3A_322, %sign3A_325 : i32
      %sign3A_327 = arith.constant 0 : i32
      %sign3A_328 = arith.cmpi sgt, %jit3A_318, %sign3A_327 : i32
      %sign3A_329 = arith.extui %sign3A_328 : i1 to i32
      %sign3A_330 = arith.constant 0 : i32
      %sign3A_331 = arith.cmpi slt, %jit3A_318, %sign3A_330 : i32
      %sign3A_332 = arith.extui %sign3A_331 : i1 to i32
      %sign3A_333 = arith.subi %sign3A_329, %sign3A_332 : i32
      %ne3A_334 = arith.cmpi ne, %sign3A_326, %sign3A_333 : i32
      %rem3A_335 = arith.remsi %scan3A_283, %jit3A_318 : i32
      %ne3A_336 = arith.constant 0 : i32
      %ne3A_337 = arith.cmpi ne, %rem3A_335, %ne3A_336 : i32
      %and3A_338 = arith.andi %ne3A_334, %ne3A_337 : i1
      %sub3A_339 = arith.constant 1 : i32
      %sub3A_340 = arith.subi %div3A_319, %sub3A_339 : i32
      %select_n3A_341 = arith.select %and3A_338, %sub3A_340, %div3A_319 : i32
      %broadcast_in_dim3A_342 = vector.broadcast %select_n3A_341 : i32 to vector<16xi32>
      %get3A = arith.index_cast %add3A_301 : i32 to index
      %get3A_343 = arith.index_cast %mul3A_317 : i32 to index
      %get3A_344 = tpu.vector_load %arg8[%get3A, %get3A_343] {strides = array<i32>} : memref<80x128xi32, #tpu.memory_space<vmem>>, vector<16xi32>,
      %get3A_345 = arith.index_cast %add3A_301 : i32 to index
      %get3A_346 = arith.index_cast %mul3A_317 : i32 to index
      %get3A_347 = tpu.vector_load %arg7[%get3A_345, %get3A_346] {strides = array<i32>} : memref<80x128xf32, #tpu.memory_space<vmem>>, vector<16xf32>,
      tpu.vector_store_idx %arg6[%broadcast_in_dim3A_342, %get3A_344], %get3A_347 {add = true} : memref<8x4096xf32, #tpu.memory_space<vmem>>[vector<16xi32>, vector<16xi32>], vector<16xf32>,
    }
    %scan3A_146 = arith.constant 64 : i32
    %mul3A_147 = arith.constant 80 : i32
    %mul3A_148 = arith.muli %add3A, %mul3A_147 : i32
    %add3A_149 = arith.constant 40 : i32
    %add3A_150 = arith.addi %mul3A_148, %add3A_149 : i32
    %dma_start3A_151 = arith.constant 0 : i32
    %dma_start3A_152 = tpu.memref_slice %arg4[%add3A_150, %dma_start3A_151] : memref<2560x4096xf32, #tpu.memory_space<hbm>> -> memref<8x4096xf32, #tpu.memory_space<hbm>>
    %dma_start3A_153 = arith.constant 0 : i32
    %dma_start3A_154 = tpu.memref_slice %arg4[%add3A_150, %dma_start3A_153] : memref<2560x4096xf32, #tpu.memory_space<hbm>> -> memref<8x4096xf32, #tpu.memory_space<hbm>>
    tpu.enqueue_dma source(%arg6 : memref<8x4096xf32, #tpu.memory_space<vmem>>) target(%dma_start3A_154 : memref<8x4096xf32, #tpu.memory_space<hbm>>) target_semaphore(%arg10 : memref<!tpu.dma_semaphore, #tpu.memory_space<semaphore_mem>>)
    %mul3A_155 = arith.constant 80 : i32
    %mul3A_156 = arith.muli %add3A, %mul3A_155 : i32
    %add3A_157 = arith.constant 32 : i32
    %add3A_158 = arith.addi %mul3A_156, %add3A_157 : i32
    %dma_wait3A_159 = arith.constant 0 : i32
    %dma_wait3A_160 = tpu.memref_slice %arg4[%add3A_158, %dma_wait3A_159] : memref<2560x4096xf32, #tpu.memory_space<hbm>> -> memref<8x4096xf32, #tpu.memory_space<hbm>>
    %dma_wait3A_161 = arith.constant 0 : i32
    %dma_wait3A_162 = tpu.memref_slice %arg4[%add3A_158, %dma_wait3A_161] : memref<2560x4096xf32, #tpu.memory_space<hbm>> -> memref<8x4096xf32, #tpu.memory_space<hbm>>
    tpu.wait_dma2 semaphore(%arg9 : memref<!tpu.dma_semaphore, #tpu.memory_space<semaphore_mem>>) src(%arg5 : memref<8x4096xf32, #tpu.memory_space<vmem>>) dst(%dma_wait3A_162 : memref<8x4096xf32, #tpu.memory_space<hbm>>)
    %scan3A_163 = arith.constant 0 : i32
    %scan3A_164 = arith.constant 0 : i32
    %scan3A_165 = arith.constant 64 : i32
    %scan3A_166 = arith.addi %scan3A_164, %scan3A_165 : i32
    %scan3A_167 = arith.constant 1 : i32
    scf.for %scan3A_283 = %scan3A_164 to %scan3A_166 step %scan3A_167  : i32 {
      %jit3A = arith.constant 8 : i32
      %div3A = arith.divsi %scan3A_283, %jit3A : i32
      %sign3A = arith.constant 0 : i32
      %sign3A_284 = arith.cmpi sgt, %scan3A_283, %sign3A : i32
      %sign3A_285 = arith.extui %sign3A_284 : i1 to i32
      %sign3A_286 = arith.constant 0 : i32
      %sign3A_287 = arith.cmpi slt, %scan3A_283, %sign3A_286 : i32
      %sign3A_288 = arith.extui %sign3A_287 : i1 to i32
      %sign3A_289 = arith.subi %sign3A_285, %sign3A_288 : i32
      %sign3A_290 = arith.constant 0 : i32
      %sign3A_291 = arith.cmpi sgt, %jit3A, %sign3A_290 : i32
      %sign3A_292 = arith.extui %sign3A_291 : i1 to i32
      %sign3A_293 = arith.constant 0 : i32
      %sign3A_294 = arith.cmpi slt, %jit3A, %sign3A_293 : i32
      %sign3A_295 = arith.extui %sign3A_294 : i1 to i32
      %sign3A_296 = arith.subi %sign3A_292, %sign3A_295 : i32
      %ne3A = arith.cmpi ne, %sign3A_289, %sign3A_296 : i32
      %rem3A = arith.remsi %scan3A_283, %jit3A : i32
      %ne3A_297 = arith.constant 0 : i32
      %ne3A_298 = arith.cmpi ne, %rem3A, %ne3A_297 : i32
      %and3A = arith.andi %ne3A, %ne3A_298 : i1
      %sub3A = arith.constant 1 : i32
      %sub3A_299 = arith.subi %div3A, %sub3A : i32
      %select_n3A = arith.select %and3A, %sub3A_299, %div3A : i32
      %add3A_300 = arith.constant 32 : i32
      %add3A_301 = arith.addi %add3A_300, %select_n3A : i32
      %jit3A_302 = arith.constant 8 : i32
      %eq3A = arith.constant 0 : i32
      %eq3A_303 = arith.cmpi eq, %jit3A_302, %eq3A : i32
      %jit3A_304 = arith.constant 1 : i32
      %select_n3A_305 = arith.select %eq3A_303, %jit3A_304, %jit3A_302 : i32
      %rem3A_306 = arith.remsi %scan3A_283, %select_n3A_305 : i32
      %ne3A_307 = arith.constant 0 : i32
      %ne3A_308 = arith.cmpi ne, %rem3A_306, %ne3A_307 : i32
      %lt3A = arith.constant 0 : i32
      %lt3A_309 = arith.cmpi slt, %rem3A_306, %lt3A : i32
      %lt3A_310 = arith.constant 0 : i32
      %lt3A_311 = arith.cmpi slt, %select_n3A_305, %lt3A_310 : i32
      %ne3A_312 = arith.xori %lt3A_309, %lt3A_311 : i1
      %and3A_313 = arith.andi %ne3A_312, %ne3A_308 : i1
      %add3A_314 = arith.addi %rem3A_306, %select_n3A_305 : i32
      %select_n3A_315 = arith.select %and3A_313, %add3A_314, %rem3A_306 : i32
      %mul3A_316 = arith.constant 16 : i32
      %mul3A_317 = arith.muli %select_n3A_315, %mul3A_316 : i32
      %jit3A_318 = arith.constant 8 : i32
      %div3A_319 = arith.divsi %scan3A_283, %jit3A_318 : i32
      %sign3A_320 = arith.constant 0 : i32
      %sign3A_321 = arith.cmpi sgt, %scan3A_283, %sign3A_320 : i32
      %sign3A_322 = arith.extui %sign3A_321 : i1 to i32
      %sign3A_323 = arith.constant 0 : i32
      %sign3A_324 = arith.cmpi slt, %scan3A_283, %sign3A_323 : i32
      %sign3A_325 = arith.extui %sign3A_324 : i1 to i32
      %sign3A_326 = arith.subi %sign3A_322, %sign3A_325 : i32
      %sign3A_327 = arith.constant 0 : i32
      %sign3A_328 = arith.cmpi sgt, %jit3A_318, %sign3A_327 : i32
      %sign3A_329 = arith.extui %sign3A_328 : i1 to i32
      %sign3A_330 = arith.constant 0 : i32
      %sign3A_331 = arith.cmpi slt, %jit3A_318, %sign3A_330 : i32
      %sign3A_332 = arith.extui %sign3A_331 : i1 to i32
      %sign3A_333 = arith.subi %sign3A_329, %sign3A_332 : i32
      %ne3A_334 = arith.cmpi ne, %sign3A_326, %sign3A_333 : i32
      %rem3A_335 = arith.remsi %scan3A_283, %jit3A_318 : i32
      %ne3A_336 = arith.constant 0 : i32
      %ne3A_337 = arith.cmpi ne, %rem3A_335, %ne3A_336 : i32
      %and3A_338 = arith.andi %ne3A_334, %ne3A_337 : i1
      %sub3A_339 = arith.constant 1 : i32
      %sub3A_340 = arith.subi %div3A_319, %sub3A_339 : i32
      %select_n3A_341 = arith.select %and3A_338, %sub3A_340, %div3A_319 : i32
      %broadcast_in_dim3A_342 = vector.broadcast %select_n3A_341 : i32 to vector<16xi32>
      %get3A = arith.index_cast %add3A_301 : i32 to index
      %get3A_343 = arith.index_cast %mul3A_317 : i32 to index
      %get3A_344 = tpu.vector_load %arg8[%get3A, %get3A_343] {strides = array<i32>} : memref<80x128xi32, #tpu.memory_space<vmem>>, vector<16xi32>,
      tpu.vector_store_idx %arg5[%broadcast_in_dim3A_342, %get3A_344], %broadcast_in_dim3A_5 : memref<8x4096xf32, #tpu.memory_space<vmem>>[vector<16xi32>, vector<16xi32>], vector<16xf32>,
    }
    %scan3A_168 = arith.constant 64 : i32
    %scan3A_169 = arith.constant 0 : i32
    %scan3A_170 = arith.constant 0 : i32
    %scan3A_171 = arith.constant 64 : i32
    %scan3A_172 = arith.addi %scan3A_170, %scan3A_171 : i32
    %scan3A_173 = arith.constant 1 : i32
    scf.for %scan3A_283 = %scan3A_170 to %scan3A_172 step %scan3A_173  : i32 {
      %jit3A = arith.constant 8 : i32
      %div3A = arith.divsi %scan3A_283, %jit3A : i32
      %sign3A = arith.constant 0 : i32
      %sign3A_284 = arith.cmpi sgt, %scan3A_283, %sign3A : i32
      %sign3A_285 = arith.extui %sign3A_284 : i1 to i32
      %sign3A_286 = arith.constant 0 : i32
      %sign3A_287 = arith.cmpi slt, %scan3A_283, %sign3A_286 : i32
      %sign3A_288 = arith.extui %sign3A_287 : i1 to i32
      %sign3A_289 = arith.subi %sign3A_285, %sign3A_288 : i32
      %sign3A_290 = arith.constant 0 : i32
      %sign3A_291 = arith.cmpi sgt, %jit3A, %sign3A_290 : i32
      %sign3A_292 = arith.extui %sign3A_291 : i1 to i32
      %sign3A_293 = arith.constant 0 : i32
      %sign3A_294 = arith.cmpi slt, %jit3A, %sign3A_293 : i32
      %sign3A_295 = arith.extui %sign3A_294 : i1 to i32
      %sign3A_296 = arith.subi %sign3A_292, %sign3A_295 : i32
      %ne3A = arith.cmpi ne, %sign3A_289, %sign3A_296 : i32
      %rem3A = arith.remsi %scan3A_283, %jit3A : i32
      %ne3A_297 = arith.constant 0 : i32
      %ne3A_298 = arith.cmpi ne, %rem3A, %ne3A_297 : i32
      %and3A = arith.andi %ne3A, %ne3A_298 : i1
      %sub3A = arith.constant 1 : i32
      %sub3A_299 = arith.subi %div3A, %sub3A : i32
      %select_n3A = arith.select %and3A, %sub3A_299, %div3A : i32
      %add3A_300 = arith.constant 48 : i32
      %add3A_301 = arith.addi %add3A_300, %select_n3A : i32
      %jit3A_302 = arith.constant 8 : i32
      %eq3A = arith.constant 0 : i32
      %eq3A_303 = arith.cmpi eq, %jit3A_302, %eq3A : i32
      %jit3A_304 = arith.constant 1 : i32
      %select_n3A_305 = arith.select %eq3A_303, %jit3A_304, %jit3A_302 : i32
      %rem3A_306 = arith.remsi %scan3A_283, %select_n3A_305 : i32
      %ne3A_307 = arith.constant 0 : i32
      %ne3A_308 = arith.cmpi ne, %rem3A_306, %ne3A_307 : i32
      %lt3A = arith.constant 0 : i32
      %lt3A_309 = arith.cmpi slt, %rem3A_306, %lt3A : i32
      %lt3A_310 = arith.constant 0 : i32
      %lt3A_311 = arith.cmpi slt, %select_n3A_305, %lt3A_310 : i32
      %ne3A_312 = arith.xori %lt3A_309, %lt3A_311 : i1
      %and3A_313 = arith.andi %ne3A_312, %ne3A_308 : i1
      %add3A_314 = arith.addi %rem3A_306, %select_n3A_305 : i32
      %select_n3A_315 = arith.select %and3A_313, %add3A_314, %rem3A_306 : i32
      %mul3A_316 = arith.constant 16 : i32
      %mul3A_317 = arith.muli %select_n3A_315, %mul3A_316 : i32
      %jit3A_318 = arith.constant 8 : i32
      %div3A_319 = arith.divsi %scan3A_283, %jit3A_318 : i32
      %sign3A_320 = arith.constant 0 : i32
      %sign3A_321 = arith.cmpi sgt, %scan3A_283, %sign3A_320 : i32
      %sign3A_322 = arith.extui %sign3A_321 : i1 to i32
      %sign3A_323 = arith.constant 0 : i32
      %sign3A_324 = arith.cmpi slt, %scan3A_283, %sign3A_323 : i32
      %sign3A_325 = arith.extui %sign3A_324 : i1 to i32
      %sign3A_326 = arith.subi %sign3A_322, %sign3A_325 : i32
      %sign3A_327 = arith.constant 0 : i32
      %sign3A_328 = arith.cmpi sgt, %jit3A_318, %sign3A_327 : i32
      %sign3A_329 = arith.extui %sign3A_328 : i1 to i32
      %sign3A_330 = arith.constant 0 : i32
      %sign3A_331 = arith.cmpi slt, %jit3A_318, %sign3A_330 : i32
      %sign3A_332 = arith.extui %sign3A_331 : i1 to i32
      %sign3A_333 = arith.subi %sign3A_329, %sign3A_332 : i32
      %ne3A_334 = arith.cmpi ne, %sign3A_326, %sign3A_333 : i32
      %rem3A_335 = arith.remsi %scan3A_283, %jit3A_318 : i32
      %ne3A_336 = arith.constant 0 : i32
      %ne3A_337 = arith.cmpi ne, %rem3A_335, %ne3A_336 : i32
      %and3A_338 = arith.andi %ne3A_334, %ne3A_337 : i1
      %sub3A_339 = arith.constant 1 : i32
      %sub3A_340 = arith.subi %div3A_319, %sub3A_339 : i32
      %select_n3A_341 = arith.select %and3A_338, %sub3A_340, %div3A_319 : i32
      %broadcast_in_dim3A_342 = vector.broadcast %select_n3A_341 : i32 to vector<16xi32>
      %get3A = arith.index_cast %add3A_301 : i32 to index
      %get3A_343 = arith.index_cast %mul3A_317 : i32 to index
      %get3A_344 = tpu.vector_load %arg8[%get3A, %get3A_343] {strides = array<i32>} : memref<80x128xi32, #tpu.memory_space<vmem>>, vector<16xi32>,
      %get3A_345 = arith.index_cast %add3A_301 : i32 to index
      %get3A_346 = arith.index_cast %mul3A_317 : i32 to index
      %get3A_347 = tpu.vector_load %arg7[%get3A_345, %get3A_346] {strides = array<i32>} : memref<80x128xf32, #tpu.memory_space<vmem>>, vector<16xf32>,
      tpu.vector_store_idx %arg5[%broadcast_in_dim3A_342, %get3A_344], %get3A_347 {add = true} : memref<8x4096xf32, #tpu.memory_space<vmem>>[vector<16xi32>, vector<16xi32>], vector<16xf32>,
    }
    %scan3A_174 = arith.constant 64 : i32
    %mul3A_175 = arith.constant 80 : i32
    %mul3A_176 = arith.muli %add3A, %mul3A_175 : i32
    %add3A_177 = arith.constant 48 : i32
    %add3A_178 = arith.addi %mul3A_176, %add3A_177 : i32
    %dma_start3A_179 = arith.constant 0 : i32
    %dma_start3A_180 = tpu.memref_slice %arg4[%add3A_178, %dma_start3A_179] : memref<2560x4096xf32, #tpu.memory_space<hbm>> -> memref<8x4096xf32, #tpu.memory_space<hbm>>
    %dma_start3A_181 = arith.constant 0 : i32
    %dma_start3A_182 = tpu.memref_slice %arg4[%add3A_178, %dma_start3A_181] : memref<2560x4096xf32, #tpu.memory_space<hbm>> -> memref<8x4096xf32, #tpu.memory_space<hbm>>
    tpu.enqueue_dma source(%arg5 : memref<8x4096xf32, #tpu.memory_space<vmem>>) target(%dma_start3A_182 : memref<8x4096xf32, #tpu.memory_space<hbm>>) target_semaphore(%arg9 : memref<!tpu.dma_semaphore, #tpu.memory_space<semaphore_mem>>)
    %mul3A_183 = arith.constant 80 : i32
    %mul3A_184 = arith.muli %add3A, %mul3A_183 : i32
    %add3A_185 = arith.constant 40 : i32
    %add3A_186 = arith.addi %mul3A_184, %add3A_185 : i32
    %dma_wait3A_187 = arith.constant 0 : i32
    %dma_wait3A_188 = tpu.memref_slice %arg4[%add3A_186, %dma_wait3A_187] : memref<2560x4096xf32, #tpu.memory_space<hbm>> -> memref<8x4096xf32, #tpu.memory_space<hbm>>
    %dma_wait3A_189 = arith.constant 0 : i32
    %dma_wait3A_190 = tpu.memref_slice %arg4[%add3A_186, %dma_wait3A_189] : memref<2560x4096xf32, #tpu.memory_space<hbm>> -> memref<8x4096xf32, #tpu.memory_space<hbm>>
    tpu.wait_dma2 semaphore(%arg10 : memref<!tpu.dma_semaphore, #tpu.memory_space<semaphore_mem>>) src(%arg6 : memref<8x4096xf32, #tpu.memory_space<vmem>>) dst(%dma_wait3A_190 : memref<8x4096xf32, #tpu.memory_space<hbm>>)
    %scan3A_191 = arith.constant 0 : i32
    %scan3A_192 = arith.constant 0 : i32
    %scan3A_193 = arith.constant 64 : i32
    %scan3A_194 = arith.addi %scan3A_192, %scan3A_193 : i32
    %scan3A_195 = arith.constant 1 : i32
    scf.for %scan3A_283 = %scan3A_192 to %scan3A_194 step %scan3A_195  : i32 {
      %jit3A = arith.constant 8 : i32
      %div3A = arith.divsi %scan3A_283, %jit3A : i32
      %sign3A = arith.constant 0 : i32
      %sign3A_284 = arith.cmpi sgt, %scan3A_283, %sign3A : i32
      %sign3A_285 = arith.extui %sign3A_284 : i1 to i32
      %sign3A_286 = arith.constant 0 : i32
      %sign3A_287 = arith.cmpi slt, %scan3A_283, %sign3A_286 : i32
      %sign3A_288 = arith.extui %sign3A_287 : i1 to i32
      %sign3A_289 = arith.subi %sign3A_285, %sign3A_288 : i32
      %sign3A_290 = arith.constant 0 : i32
      %sign3A_291 = arith.cmpi sgt, %jit3A, %sign3A_290 : i32
      %sign3A_292 = arith.extui %sign3A_291 : i1 to i32
      %sign3A_293 = arith.constant 0 : i32
      %sign3A_294 = arith.cmpi slt, %jit3A, %sign3A_293 : i32
      %sign3A_295 = arith.extui %sign3A_294 : i1 to i32
      %sign3A_296 = arith.subi %sign3A_292, %sign3A_295 : i32
      %ne3A = arith.cmpi ne, %sign3A_289, %sign3A_296 : i32
      %rem3A = arith.remsi %scan3A_283, %jit3A : i32
      %ne3A_297 = arith.constant 0 : i32
      %ne3A_298 = arith.cmpi ne, %rem3A, %ne3A_297 : i32
      %and3A = arith.andi %ne3A, %ne3A_298 : i1
      %sub3A = arith.constant 1 : i32
      %sub3A_299 = arith.subi %div3A, %sub3A : i32
      %select_n3A = arith.select %and3A, %sub3A_299, %div3A : i32
      %add3A_300 = arith.constant 40 : i32
      %add3A_301 = arith.addi %add3A_300, %select_n3A : i32
      %jit3A_302 = arith.constant 8 : i32
      %eq3A = arith.constant 0 : i32
      %eq3A_303 = arith.cmpi eq, %jit3A_302, %eq3A : i32
      %jit3A_304 = arith.constant 1 : i32
      %select_n3A_305 = arith.select %eq3A_303, %jit3A_304, %jit3A_302 : i32
      %rem3A_306 = arith.remsi %scan3A_283, %select_n3A_305 : i32
      %ne3A_307 = arith.constant 0 : i32
      %ne3A_308 = arith.cmpi ne, %rem3A_306, %ne3A_307 : i32
      %lt3A = arith.constant 0 : i32
      %lt3A_309 = arith.cmpi slt, %rem3A_306, %lt3A : i32
      %lt3A_310 = arith.constant 0 : i32
      %lt3A_311 = arith.cmpi slt, %select_n3A_305, %lt3A_310 : i32
      %ne3A_312 = arith.xori %lt3A_309, %lt3A_311 : i1
      %and3A_313 = arith.andi %ne3A_312, %ne3A_308 : i1
      %add3A_314 = arith.addi %rem3A_306, %select_n3A_305 : i32
      %select_n3A_315 = arith.select %and3A_313, %add3A_314, %rem3A_306 : i32
      %mul3A_316 = arith.constant 16 : i32
      %mul3A_317 = arith.muli %select_n3A_315, %mul3A_316 : i32
      %jit3A_318 = arith.constant 8 : i32
      %div3A_319 = arith.divsi %scan3A_283, %jit3A_318 : i32
      %sign3A_320 = arith.constant 0 : i32
      %sign3A_321 = arith.cmpi sgt, %scan3A_283, %sign3A_320 : i32
      %sign3A_322 = arith.extui %sign3A_321 : i1 to i32
      %sign3A_323 = arith.constant 0 : i32
      %sign3A_324 = arith.cmpi slt, %scan3A_283, %sign3A_323 : i32
      %sign3A_325 = arith.extui %sign3A_324 : i1 to i32
      %sign3A_326 = arith.subi %sign3A_322, %sign3A_325 : i32
      %sign3A_327 = arith.constant 0 : i32
      %sign3A_328 = arith.cmpi sgt, %jit3A_318, %sign3A_327 : i32
      %sign3A_329 = arith.extui %sign3A_328 : i1 to i32
      %sign3A_330 = arith.constant 0 : i32
      %sign3A_331 = arith.cmpi slt, %jit3A_318, %sign3A_330 : i32
      %sign3A_332 = arith.extui %sign3A_331 : i1 to i32
      %sign3A_333 = arith.subi %sign3A_329, %sign3A_332 : i32
      %ne3A_334 = arith.cmpi ne, %sign3A_326, %sign3A_333 : i32
      %rem3A_335 = arith.remsi %scan3A_283, %jit3A_318 : i32
      %ne3A_336 = arith.constant 0 : i32
      %ne3A_337 = arith.cmpi ne, %rem3A_335, %ne3A_336 : i32
      %and3A_338 = arith.andi %ne3A_334, %ne3A_337 : i1
      %sub3A_339 = arith.constant 1 : i32
      %sub3A_340 = arith.subi %div3A_319, %sub3A_339 : i32
      %select_n3A_341 = arith.select %and3A_338, %sub3A_340, %div3A_319 : i32
      %broadcast_in_dim3A_342 = vector.broadcast %select_n3A_341 : i32 to vector<16xi32>
      %get3A = arith.index_cast %add3A_301 : i32 to index
      %get3A_343 = arith.index_cast %mul3A_317 : i32 to index
      %get3A_344 = tpu.vector_load %arg8[%get3A, %get3A_343] {strides = array<i32>} : memref<80x128xi32, #tpu.memory_space<vmem>>, vector<16xi32>,
      tpu.vector_store_idx %arg6[%broadcast_in_dim3A_342, %get3A_344], %broadcast_in_dim3A_5 : memref<8x4096xf32, #tpu.memory_space<vmem>>[vector<16xi32>, vector<16xi32>], vector<16xf32>,
    }
    %scan3A_196 = arith.constant 64 : i32
    %scan3A_197 = arith.constant 0 : i32
    %scan3A_198 = arith.constant 0 : i32
    %scan3A_199 = arith.constant 64 : i32
    %scan3A_200 = arith.addi %scan3A_198, %scan3A_199 : i32
    %scan3A_201 = arith.constant 1 : i32
    scf.for %scan3A_283 = %scan3A_198 to %scan3A_200 step %scan3A_201  : i32 {
      %jit3A = arith.constant 8 : i32
      %div3A = arith.divsi %scan3A_283, %jit3A : i32
      %sign3A = arith.constant 0 : i32
      %sign3A_284 = arith.cmpi sgt, %scan3A_283, %sign3A : i32
      %sign3A_285 = arith.extui %sign3A_284 : i1 to i32
      %sign3A_286 = arith.constant 0 : i32
      %sign3A_287 = arith.cmpi slt, %scan3A_283, %sign3A_286 : i32
      %sign3A_288 = arith.extui %sign3A_287 : i1 to i32
      %sign3A_289 = arith.subi %sign3A_285, %sign3A_288 : i32
      %sign3A_290 = arith.constant 0 : i32
      %sign3A_291 = arith.cmpi sgt, %jit3A, %sign3A_290 : i32
      %sign3A_292 = arith.extui %sign3A_291 : i1 to i32
      %sign3A_293 = arith.constant 0 : i32
      %sign3A_294 = arith.cmpi slt, %jit3A, %sign3A_293 : i32
      %sign3A_295 = arith.extui %sign3A_294 : i1 to i32
      %sign3A_296 = arith.subi %sign3A_292, %sign3A_295 : i32
      %ne3A = arith.cmpi ne, %sign3A_289, %sign3A_296 : i32
      %rem3A = arith.remsi %scan3A_283, %jit3A : i32
      %ne3A_297 = arith.constant 0 : i32
      %ne3A_298 = arith.cmpi ne, %rem3A, %ne3A_297 : i32
      %and3A = arith.andi %ne3A, %ne3A_298 : i1
      %sub3A = arith.constant 1 : i32
      %sub3A_299 = arith.subi %div3A, %sub3A : i32
      %select_n3A = arith.select %and3A, %sub3A_299, %div3A : i32
      %add3A_300 = arith.constant 56 : i32
      %add3A_301 = arith.addi %add3A_300, %select_n3A : i32
      %jit3A_302 = arith.constant 8 : i32
      %eq3A = arith.constant 0 : i32
      %eq3A_303 = arith.cmpi eq, %jit3A_302, %eq3A : i32
      %jit3A_304 = arith.constant 1 : i32
      %select_n3A_305 = arith.select %eq3A_303, %jit3A_304, %jit3A_302 : i32
      %rem3A_306 = arith.remsi %scan3A_283, %select_n3A_305 : i32
      %ne3A_307 = arith.constant 0 : i32
      %ne3A_308 = arith.cmpi ne, %rem3A_306, %ne3A_307 : i32
      %lt3A = arith.constant 0 : i32
      %lt3A_309 = arith.cmpi slt, %rem3A_306, %lt3A : i32
      %lt3A_310 = arith.constant 0 : i32
      %lt3A_311 = arith.cmpi slt, %select_n3A_305, %lt3A_310 : i32
      %ne3A_312 = arith.xori %lt3A_309, %lt3A_311 : i1
      %and3A_313 = arith.andi %ne3A_312, %ne3A_308 : i1
      %add3A_314 = arith.addi %rem3A_306, %select_n3A_305 : i32
      %select_n3A_315 = arith.select %and3A_313, %add3A_314, %rem3A_306 : i32
      %mul3A_316 = arith.constant 16 : i32
      %mul3A_317 = arith.muli %select_n3A_315, %mul3A_316 : i32
      %jit3A_318 = arith.constant 8 : i32
      %div3A_319 = arith.divsi %scan3A_283, %jit3A_318 : i32
      %sign3A_320 = arith.constant 0 : i32
      %sign3A_321 = arith.cmpi sgt, %scan3A_283, %sign3A_320 : i32
      %sign3A_322 = arith.extui %sign3A_321 : i1 to i32
      %sign3A_323 = arith.constant 0 : i32
      %sign3A_324 = arith.cmpi slt, %scan3A_283, %sign3A_323 : i32
      %sign3A_325 = arith.extui %sign3A_324 : i1 to i32
      %sign3A_326 = arith.subi %sign3A_322, %sign3A_325 : i32
      %sign3A_327 = arith.constant 0 : i32
      %sign3A_328 = arith.cmpi sgt, %jit3A_318, %sign3A_327 : i32
      %sign3A_329 = arith.extui %sign3A_328 : i1 to i32
      %sign3A_330 = arith.constant 0 : i32
      %sign3A_331 = arith.cmpi slt, %jit3A_318, %sign3A_330 : i32
      %sign3A_332 = arith.extui %sign3A_331 : i1 to i32
      %sign3A_333 = arith.subi %sign3A_329, %sign3A_332 : i32
      %ne3A_334 = arith.cmpi ne, %sign3A_326, %sign3A_333 : i32
      %rem3A_335 = arith.remsi %scan3A_283, %jit3A_318 : i32
      %ne3A_336 = arith.constant 0 : i32
      %ne3A_337 = arith.cmpi ne, %rem3A_335, %ne3A_336 : i32
      %and3A_338 = arith.andi %ne3A_334, %ne3A_337 : i1
      %sub3A_339 = arith.constant 1 : i32
      %sub3A_340 = arith.subi %div3A_319, %sub3A_339 : i32
      %select_n3A_341 = arith.select %and3A_338, %sub3A_340, %div3A_319 : i32
      %broadcast_in_dim3A_342 = vector.broadcast %select_n3A_341 : i32 to vector<16xi32>
      %get3A = arith.index_cast %add3A_301 : i32 to index
      %get3A_343 = arith.index_cast %mul3A_317 : i32 to index
      %get3A_344 = tpu.vector_load %arg8[%get3A, %get3A_343] {strides = array<i32>} : memref<80x128xi32, #tpu.memory_space<vmem>>, vector<16xi32>,
      %get3A_345 = arith.index_cast %add3A_301 : i32 to index
      %get3A_346 = arith.index_cast %mul3A_317 : i32 to index
      %get3A_347 = tpu.vector_load %arg7[%get3A_345, %get3A_346] {strides = array<i32>} : memref<80x128xf32, #tpu.memory_space<vmem>>, vector<16xf32>,
      tpu.vector_store_idx %arg6[%broadcast_in_dim3A_342, %get3A_344], %get3A_347 {add = true} : memref<8x4096xf32, #tpu.memory_space<vmem>>[vector<16xi32>, vector<16xi32>], vector<16xf32>,
    }
    %scan3A_202 = arith.constant 64 : i32
    %mul3A_203 = arith.constant 80 : i32
    %mul3A_204 = arith.muli %add3A, %mul3A_203 : i32
    %add3A_205 = arith.constant 56 : i32
    %add3A_206 = arith.addi %mul3A_204, %add3A_205 : i32
    %dma_start3A_207 = arith.constant 0 : i32
    %dma_start3A_208 = tpu.memref_slice %arg4[%add3A_206, %dma_start3A_207] : memref<2560x4096xf32, #tpu.memory_space<hbm>> -> memref<8x4096xf32, #tpu.memory_space<hbm>>
    %dma_start3A_209 = arith.constant 0 : i32
    %dma_start3A_210 = tpu.memref_slice %arg4[%add3A_206, %dma_start3A_209] : memref<2560x4096xf32, #tpu.memory_space<hbm>> -> memref<8x4096xf32, #tpu.memory_space<hbm>>
    tpu.enqueue_dma source(%arg6 : memref<8x4096xf32, #tpu.memory_space<vmem>>) target(%dma_start3A_210 : memref<8x4096xf32, #tpu.memory_space<hbm>>) target_semaphore(%arg10 : memref<!tpu.dma_semaphore, #tpu.memory_space<semaphore_mem>>)
    %mul3A_211 = arith.constant 80 : i32
    %mul3A_212 = arith.muli %add3A, %mul3A_211 : i32
    %add3A_213 = arith.constant 48 : i32
    %add3A_214 = arith.addi %mul3A_212, %add3A_213 : i32
    %dma_wait3A_215 = arith.constant 0 : i32
    %dma_wait3A_216 = tpu.memref_slice %arg4[%add3A_214, %dma_wait3A_215] : memref<2560x4096xf32, #tpu.memory_space<hbm>> -> memref<8x4096xf32, #tpu.memory_space<hbm>>
    %dma_wait3A_217 = arith.constant 0 : i32
    %dma_wait3A_218 = tpu.memref_slice %arg4[%add3A_214, %dma_wait3A_217] : memref<2560x4096xf32, #tpu.memory_space<hbm>> -> memref<8x4096xf32, #tpu.memory_space<hbm>>
    tpu.wait_dma2 semaphore(%arg9 : memref<!tpu.dma_semaphore, #tpu.memory_space<semaphore_mem>>) src(%arg5 : memref<8x4096xf32, #tpu.memory_space<vmem>>) dst(%dma_wait3A_218 : memref<8x4096xf32, #tpu.memory_space<hbm>>)
    %scan3A_219 = arith.constant 0 : i32
    %scan3A_220 = arith.constant 0 : i32
    %scan3A_221 = arith.constant 64 : i32
    %scan3A_222 = arith.addi %scan3A_220, %scan3A_221 : i32
    %scan3A_223 = arith.constant 1 : i32
    scf.for %scan3A_283 = %scan3A_220 to %scan3A_222 step %scan3A_223  : i32 {
      %jit3A = arith.constant 8 : i32
      %div3A = arith.divsi %scan3A_283, %jit3A : i32
      %sign3A = arith.constant 0 : i32
      %sign3A_284 = arith.cmpi sgt, %scan3A_283, %sign3A : i32
      %sign3A_285 = arith.extui %sign3A_284 : i1 to i32
      %sign3A_286 = arith.constant 0 : i32
      %sign3A_287 = arith.cmpi slt, %scan3A_283, %sign3A_286 : i32
      %sign3A_288 = arith.extui %sign3A_287 : i1 to i32
      %sign3A_289 = arith.subi %sign3A_285, %sign3A_288 : i32
      %sign3A_290 = arith.constant 0 : i32
      %sign3A_291 = arith.cmpi sgt, %jit3A, %sign3A_290 : i32
      %sign3A_292 = arith.extui %sign3A_291 : i1 to i32
      %sign3A_293 = arith.constant 0 : i32
      %sign3A_294 = arith.cmpi slt, %jit3A, %sign3A_293 : i32
      %sign3A_295 = arith.extui %sign3A_294 : i1 to i32
      %sign3A_296 = arith.subi %sign3A_292, %sign3A_295 : i32
      %ne3A = arith.cmpi ne, %sign3A_289, %sign3A_296 : i32
      %rem3A = arith.remsi %scan3A_283, %jit3A : i32
      %ne3A_297 = arith.constant 0 : i32
      %ne3A_298 = arith.cmpi ne, %rem3A, %ne3A_297 : i32
      %and3A = arith.andi %ne3A, %ne3A_298 : i1
      %sub3A = arith.constant 1 : i32
      %sub3A_299 = arith.subi %div3A, %sub3A : i32
      %select_n3A = arith.select %and3A, %sub3A_299, %div3A : i32
      %add3A_300 = arith.constant 48 : i32
      %add3A_301 = arith.addi %add3A_300, %select_n3A : i32
      %jit3A_302 = arith.constant 8 : i32
      %eq3A = arith.constant 0 : i32
      %eq3A_303 = arith.cmpi eq, %jit3A_302, %eq3A : i32
      %jit3A_304 = arith.constant 1 : i32
      %select_n3A_305 = arith.select %eq3A_303, %jit3A_304, %jit3A_302 : i32
      %rem3A_306 = arith.remsi %scan3A_283, %select_n3A_305 : i32
      %ne3A_307 = arith.constant 0 : i32
      %ne3A_308 = arith.cmpi ne, %rem3A_306, %ne3A_307 : i32
      %lt3A = arith.constant 0 : i32
      %lt3A_309 = arith.cmpi slt, %rem3A_306, %lt3A : i32
      %lt3A_310 = arith.constant 0 : i32
      %lt3A_311 = arith.cmpi slt, %select_n3A_305, %lt3A_310 : i32
      %ne3A_312 = arith.xori %lt3A_309, %lt3A_311 : i1
      %and3A_313 = arith.andi %ne3A_312, %ne3A_308 : i1
      %add3A_314 = arith.addi %rem3A_306, %select_n3A_305 : i32
      %select_n3A_315 = arith.select %and3A_313, %add3A_314, %rem3A_306 : i32
      %mul3A_316 = arith.constant 16 : i32
      %mul3A_317 = arith.muli %select_n3A_315, %mul3A_316 : i32
      %jit3A_318 = arith.constant 8 : i32
      %div3A_319 = arith.divsi %scan3A_283, %jit3A_318 : i32
      %sign3A_320 = arith.constant 0 : i32
      %sign3A_321 = arith.cmpi sgt, %scan3A_283, %sign3A_320 : i32
      %sign3A_322 = arith.extui %sign3A_321 : i1 to i32
      %sign3A_323 = arith.constant 0 : i32
      %sign3A_324 = arith.cmpi slt, %scan3A_283, %sign3A_323 : i32
      %sign3A_325 = arith.extui %sign3A_324 : i1 to i32
      %sign3A_326 = arith.subi %sign3A_322, %sign3A_325 : i32
      %sign3A_327 = arith.constant 0 : i32
      %sign3A_328 = arith.cmpi sgt, %jit3A_318, %sign3A_327 : i32
      %sign3A_329 = arith.extui %sign3A_328 : i1 to i32
      %sign3A_330 = arith.constant 0 : i32
      %sign3A_331 = arith.cmpi slt, %jit3A_318, %sign3A_330 : i32
      %sign3A_332 = arith.extui %sign3A_331 : i1 to i32
      %sign3A_333 = arith.subi %sign3A_329, %sign3A_332 : i32
      %ne3A_334 = arith.cmpi ne, %sign3A_326, %sign3A_333 : i32
      %rem3A_335 = arith.remsi %scan3A_283, %jit3A_318 : i32
      %ne3A_336 = arith.constant 0 : i32
      %ne3A_337 = arith.cmpi ne, %rem3A_335, %ne3A_336 : i32
      %and3A_338 = arith.andi %ne3A_334, %ne3A_337 : i1
      %sub3A_339 = arith.constant 1 : i32
      %sub3A_340 = arith.subi %div3A_319, %sub3A_339 : i32
      %select_n3A_341 = arith.select %and3A_338, %sub3A_340, %div3A_319 : i32
      %broadcast_in_dim3A_342 = vector.broadcast %select_n3A_341 : i32 to vector<16xi32>
      %get3A = arith.index_cast %add3A_301 : i32 to index
      %get3A_343 = arith.index_cast %mul3A_317 : i32 to index
      %get3A_344 = tpu.vector_load %arg8[%get3A, %get3A_343] {strides = array<i32>} : memref<80x128xi32, #tpu.memory_space<vmem>>, vector<16xi32>,
      tpu.vector_store_idx %arg5[%broadcast_in_dim3A_342, %get3A_344], %broadcast_in_dim3A_5 : memref<8x4096xf32, #tpu.memory_space<vmem>>[vector<16xi32>, vector<16xi32>], vector<16xf32>,
    }
    %scan3A_224 = arith.constant 64 : i32
    %scan3A_225 = arith.constant 0 : i32
    %scan3A_226 = arith.constant 0 : i32
    %scan3A_227 = arith.constant 64 : i32
    %scan3A_228 = arith.addi %scan3A_226, %scan3A_227 : i32
    %scan3A_229 = arith.constant 1 : i32
    scf.for %scan3A_283 = %scan3A_226 to %scan3A_228 step %scan3A_229  : i32 {
      %jit3A = arith.constant 8 : i32
      %div3A = arith.divsi %scan3A_283, %jit3A : i32
      %sign3A = arith.constant 0 : i32
      %sign3A_284 = arith.cmpi sgt, %scan3A_283, %sign3A : i32
      %sign3A_285 = arith.extui %sign3A_284 : i1 to i32
      %sign3A_286 = arith.constant 0 : i32
      %sign3A_287 = arith.cmpi slt, %scan3A_283, %sign3A_286 : i32
      %sign3A_288 = arith.extui %sign3A_287 : i1 to i32
      %sign3A_289 = arith.subi %sign3A_285, %sign3A_288 : i32
      %sign3A_290 = arith.constant 0 : i32
      %sign3A_291 = arith.cmpi sgt, %jit3A, %sign3A_290 : i32
      %sign3A_292 = arith.extui %sign3A_291 : i1 to i32
      %sign3A_293 = arith.constant 0 : i32
      %sign3A_294 = arith.cmpi slt, %jit3A, %sign3A_293 : i32
      %sign3A_295 = arith.extui %sign3A_294 : i1 to i32
      %sign3A_296 = arith.subi %sign3A_292, %sign3A_295 : i32
      %ne3A = arith.cmpi ne, %sign3A_289, %sign3A_296 : i32
      %rem3A = arith.remsi %scan3A_283, %jit3A : i32
      %ne3A_297 = arith.constant 0 : i32
      %ne3A_298 = arith.cmpi ne, %rem3A, %ne3A_297 : i32
      %and3A = arith.andi %ne3A, %ne3A_298 : i1
      %sub3A = arith.constant 1 : i32
      %sub3A_299 = arith.subi %div3A, %sub3A : i32
      %select_n3A = arith.select %and3A, %sub3A_299, %div3A : i32
      %add3A_300 = arith.constant 64 : i32
      %add3A_301 = arith.addi %add3A_300, %select_n3A : i32
      %jit3A_302 = arith.constant 8 : i32
      %eq3A = arith.constant 0 : i32
      %eq3A_303 = arith.cmpi eq, %jit3A_302, %eq3A : i32
      %jit3A_304 = arith.constant 1 : i32
      %select_n3A_305 = arith.select %eq3A_303, %jit3A_304, %jit3A_302 : i32
      %rem3A_306 = arith.remsi %scan3A_283, %select_n3A_305 : i32
      %ne3A_307 = arith.constant 0 : i32
      %ne3A_308 = arith.cmpi ne, %rem3A_306, %ne3A_307 : i32
      %lt3A = arith.constant 0 : i32
      %lt3A_309 = arith.cmpi slt, %rem3A_306, %lt3A : i32
      %lt3A_310 = arith.constant 0 : i32
      %lt3A_311 = arith.cmpi slt, %select_n3A_305, %lt3A_310 : i32
      %ne3A_312 = arith.xori %lt3A_309, %lt3A_311 : i1
      %and3A_313 = arith.andi %ne3A_312, %ne3A_308 : i1
      %add3A_314 = arith.addi %rem3A_306, %select_n3A_305 : i32
      %select_n3A_315 = arith.select %and3A_313, %add3A_314, %rem3A_306 : i32
      %mul3A_316 = arith.constant 16 : i32
      %mul3A_317 = arith.muli %select_n3A_315, %mul3A_316 : i32
      %jit3A_318 = arith.constant 8 : i32
      %div3A_319 = arith.divsi %scan3A_283, %jit3A_318 : i32
      %sign3A_320 = arith.constant 0 : i32
      %sign3A_321 = arith.cmpi sgt, %scan3A_283, %sign3A_320 : i32
      %sign3A_322 = arith.extui %sign3A_321 : i1 to i32
      %sign3A_323 = arith.constant 0 : i32
      %sign3A_324 = arith.cmpi slt, %scan3A_283, %sign3A_323 : i32
      %sign3A_325 = arith.extui %sign3A_324 : i1 to i32
      %sign3A_326 = arith.subi %sign3A_322, %sign3A_325 : i32
      %sign3A_327 = arith.constant 0 : i32
      %sign3A_328 = arith.cmpi sgt, %jit3A_318, %sign3A_327 : i32
      %sign3A_329 = arith.extui %sign3A_328 : i1 to i32
      %sign3A_330 = arith.constant 0 : i32
      %sign3A_331 = arith.cmpi slt, %jit3A_318, %sign3A_330 : i32
      %sign3A_332 = arith.extui %sign3A_331 : i1 to i32
      %sign3A_333 = arith.subi %sign3A_329, %sign3A_332 : i32
      %ne3A_334 = arith.cmpi ne, %sign3A_326, %sign3A_333 : i32
      %rem3A_335 = arith.remsi %scan3A_283, %jit3A_318 : i32
      %ne3A_336 = arith.constant 0 : i32
      %ne3A_337 = arith.cmpi ne, %rem3A_335, %ne3A_336 : i32
      %and3A_338 = arith.andi %ne3A_334, %ne3A_337 : i1
      %sub3A_339 = arith.constant 1 : i32
      %sub3A_340 = arith.subi %div3A_319, %sub3A_339 : i32
      %select_n3A_341 = arith.select %and3A_338, %sub3A_340, %div3A_319 : i32
      %broadcast_in_dim3A_342 = vector.broadcast %select_n3A_341 : i32 to vector<16xi32>
      %get3A = arith.index_cast %add3A_301 : i32 to index
      %get3A_343 = arith.index_cast %mul3A_317 : i32 to index
      %get3A_344 = tpu.vector_load %arg8[%get3A, %get3A_343] {strides = array<i32>} : memref<80x128xi32, #tpu.memory_space<vmem>>, vector<16xi32>,
      %get3A_345 = arith.index_cast %add3A_301 : i32 to index
      %get3A_346 = arith.index_cast %mul3A_317 : i32 to index
      %get3A_347 = tpu.vector_load %arg7[%get3A_345, %get3A_346] {strides = array<i32>} : memref<80x128xf32, #tpu.memory_space<vmem>>, vector<16xf32>,
      tpu.vector_store_idx %arg5[%broadcast_in_dim3A_342, %get3A_344], %get3A_347 {add = true} : memref<8x4096xf32, #tpu.memory_space<vmem>>[vector<16xi32>, vector<16xi32>], vector<16xf32>,
    }
    %scan3A_230 = arith.constant 64 : i32
    %mul3A_231 = arith.constant 80 : i32
    %mul3A_232 = arith.muli %add3A, %mul3A_231 : i32
    %add3A_233 = arith.constant 64 : i32
    %add3A_234 = arith.addi %mul3A_232, %add3A_233 : i32
    %dma_start3A_235 = arith.constant 0 : i32
    %dma_start3A_236 = tpu.memref_slice %arg4[%add3A_234, %dma_start3A_235] : memref<2560x4096xf32, #tpu.memory_space<hbm>> -> memref<8x4096xf32, #tpu.memory_space<hbm>>
    %dma_start3A_237 = arith.constant 0 : i32
    %dma_start3A_238 = tpu.memref_slice %arg4[%add3A_234, %dma_start3A_237] : memref<2560x4096xf32, #tpu.memory_space<hbm>> -> memref<8x4096xf32, #tpu.memory_space<hbm>>
    tpu.enqueue_dma source(%arg5 : memref<8x4096xf32, #tpu.memory_space<vmem>>) target(%dma_start3A_238 : memref<8x4096xf32, #tpu.memory_space<hbm>>) target_semaphore(%arg9 : memref<!tpu.dma_semaphore, #tpu.memory_space<semaphore_mem>>)
    %mul3A_239 = arith.constant 80 : i32
    %mul3A_240 = arith.muli %add3A, %mul3A_239 : i32
    %add3A_241 = arith.constant 56 : i32
    %add3A_242 = arith.addi %mul3A_240, %add3A_241 : i32
    %dma_wait3A_243 = arith.constant 0 : i32
    %dma_wait3A_244 = tpu.memref_slice %arg4[%add3A_242, %dma_wait3A_243] : memref<2560x4096xf32, #tpu.memory_space<hbm>> -> memref<8x4096xf32, #tpu.memory_space<hbm>>
    %dma_wait3A_245 = arith.constant 0 : i32
    %dma_wait3A_246 = tpu.memref_slice %arg4[%add3A_242, %dma_wait3A_245] : memref<2560x4096xf32, #tpu.memory_space<hbm>> -> memref<8x4096xf32, #tpu.memory_space<hbm>>
    tpu.wait_dma2 semaphore(%arg10 : memref<!tpu.dma_semaphore, #tpu.memory_space<semaphore_mem>>) src(%arg6 : memref<8x4096xf32, #tpu.memory_space<vmem>>) dst(%dma_wait3A_246 : memref<8x4096xf32, #tpu.memory_space<hbm>>)
    %scan3A_247 = arith.constant 0 : i32
    %scan3A_248 = arith.constant 0 : i32
    %scan3A_249 = arith.constant 64 : i32
    %scan3A_250 = arith.addi %scan3A_248, %scan3A_249 : i32
    %scan3A_251 = arith.constant 1 : i32
    scf.for %scan3A_283 = %scan3A_248 to %scan3A_250 step %scan3A_251  : i32 {
      %jit3A = arith.constant 8 : i32
      %div3A = arith.divsi %scan3A_283, %jit3A : i32
      %sign3A = arith.constant 0 : i32
      %sign3A_284 = arith.cmpi sgt, %scan3A_283, %sign3A : i32
      %sign3A_285 = arith.extui %sign3A_284 : i1 to i32
      %sign3A_286 = arith.constant 0 : i32
      %sign3A_287 = arith.cmpi slt, %scan3A_283, %sign3A_286 : i32
      %sign3A_288 = arith.extui %sign3A_287 : i1 to i32
      %sign3A_289 = arith.subi %sign3A_285, %sign3A_288 : i32
      %sign3A_290 = arith.constant 0 : i32
      %sign3A_291 = arith.cmpi sgt, %jit3A, %sign3A_290 : i32
      %sign3A_292 = arith.extui %sign3A_291 : i1 to i32
      %sign3A_293 = arith.constant 0 : i32
      %sign3A_294 = arith.cmpi slt, %jit3A, %sign3A_293 : i32
      %sign3A_295 = arith.extui %sign3A_294 : i1 to i32
      %sign3A_296 = arith.subi %sign3A_292, %sign3A_295 : i32
      %ne3A = arith.cmpi ne, %sign3A_289, %sign3A_296 : i32
      %rem3A = arith.remsi %scan3A_283, %jit3A : i32
      %ne3A_297 = arith.constant 0 : i32
      %ne3A_298 = arith.cmpi ne, %rem3A, %ne3A_297 : i32
      %and3A = arith.andi %ne3A, %ne3A_298 : i1
      %sub3A = arith.constant 1 : i32
      %sub3A_299 = arith.subi %div3A, %sub3A : i32
      %select_n3A = arith.select %and3A, %sub3A_299, %div3A : i32
      %add3A_300 = arith.constant 56 : i32
      %add3A_301 = arith.addi %add3A_300, %select_n3A : i32
      %jit3A_302 = arith.constant 8 : i32
      %eq3A = arith.constant 0 : i32
      %eq3A_303 = arith.cmpi eq, %jit3A_302, %eq3A : i32
      %jit3A_304 = arith.constant 1 : i32
      %select_n3A_305 = arith.select %eq3A_303, %jit3A_304, %jit3A_302 : i32
      %rem3A_306 = arith.remsi %scan3A_283, %select_n3A_305 : i32
      %ne3A_307 = arith.constant 0 : i32
      %ne3A_308 = arith.cmpi ne, %rem3A_306, %ne3A_307 : i32
      %lt3A = arith.constant 0 : i32
      %lt3A_309 = arith.cmpi slt, %rem3A_306, %lt3A : i32
      %lt3A_310 = arith.constant 0 : i32
      %lt3A_311 = arith.cmpi slt, %select_n3A_305, %lt3A_310 : i32
      %ne3A_312 = arith.xori %lt3A_309, %lt3A_311 : i1
      %and3A_313 = arith.andi %ne3A_312, %ne3A_308 : i1
      %add3A_314 = arith.addi %rem3A_306, %select_n3A_305 : i32
      %select_n3A_315 = arith.select %and3A_313, %add3A_314, %rem3A_306 : i32
      %mul3A_316 = arith.constant 16 : i32
      %mul3A_317 = arith.muli %select_n3A_315, %mul3A_316 : i32
      %jit3A_318 = arith.constant 8 : i32
      %div3A_319 = arith.divsi %scan3A_283, %jit3A_318 : i32
      %sign3A_320 = arith.constant 0 : i32
      %sign3A_321 = arith.cmpi sgt, %scan3A_283, %sign3A_320 : i32
      %sign3A_322 = arith.extui %sign3A_321 : i1 to i32
      %sign3A_323 = arith.constant 0 : i32
      %sign3A_324 = arith.cmpi slt, %scan3A_283, %sign3A_323 : i32
      %sign3A_325 = arith.extui %sign3A_324 : i1 to i32
      %sign3A_326 = arith.subi %sign3A_322, %sign3A_325 : i32
      %sign3A_327 = arith.constant 0 : i32
      %sign3A_328 = arith.cmpi sgt, %jit3A_318, %sign3A_327 : i32
      %sign3A_329 = arith.extui %sign3A_328 : i1 to i32
      %sign3A_330 = arith.constant 0 : i32
      %sign3A_331 = arith.cmpi slt, %jit3A_318, %sign3A_330 : i32
      %sign3A_332 = arith.extui %sign3A_331 : i1 to i32
      %sign3A_333 = arith.subi %sign3A_329, %sign3A_332 : i32
      %ne3A_334 = arith.cmpi ne, %sign3A_326, %sign3A_333 : i32
      %rem3A_335 = arith.remsi %scan3A_283, %jit3A_318 : i32
      %ne3A_336 = arith.constant 0 : i32
      %ne3A_337 = arith.cmpi ne, %rem3A_335, %ne3A_336 : i32
      %and3A_338 = arith.andi %ne3A_334, %ne3A_337 : i1
      %sub3A_339 = arith.constant 1 : i32
      %sub3A_340 = arith.subi %div3A_319, %sub3A_339 : i32
      %select_n3A_341 = arith.select %and3A_338, %sub3A_340, %div3A_319 : i32
      %broadcast_in_dim3A_342 = vector.broadcast %select_n3A_341 : i32 to vector<16xi32>
      %get3A = arith.index_cast %add3A_301 : i32 to index
      %get3A_343 = arith.index_cast %mul3A_317 : i32 to index
      %get3A_344 = tpu.vector_load %arg8[%get3A, %get3A_343] {strides = array<i32>} : memref<80x128xi32, #tpu.memory_space<vmem>>, vector<16xi32>,
      tpu.vector_store_idx %arg6[%broadcast_in_dim3A_342, %get3A_344], %broadcast_in_dim3A_5 : memref<8x4096xf32, #tpu.memory_space<vmem>>[vector<16xi32>, vector<16xi32>], vector<16xf32>,
    }
    %scan3A_252 = arith.constant 64 : i32
    %scan3A_253 = arith.constant 0 : i32
    %scan3A_254 = arith.constant 0 : i32
    %scan3A_255 = arith.constant 64 : i32
    %scan3A_256 = arith.addi %scan3A_254, %scan3A_255 : i32
    %scan3A_257 = arith.constant 1 : i32
    scf.for %scan3A_283 = %scan3A_254 to %scan3A_256 step %scan3A_257  : i32 {
      %jit3A = arith.constant 8 : i32
      %div3A = arith.divsi %scan3A_283, %jit3A : i32
      %sign3A = arith.constant 0 : i32
      %sign3A_284 = arith.cmpi sgt, %scan3A_283, %sign3A : i32
      %sign3A_285 = arith.extui %sign3A_284 : i1 to i32
      %sign3A_286 = arith.constant 0 : i32
      %sign3A_287 = arith.cmpi slt, %scan3A_283, %sign3A_286 : i32
      %sign3A_288 = arith.extui %sign3A_287 : i1 to i32
      %sign3A_289 = arith.subi %sign3A_285, %sign3A_288 : i32
      %sign3A_290 = arith.constant 0 : i32
      %sign3A_291 = arith.cmpi sgt, %jit3A, %sign3A_290 : i32
      %sign3A_292 = arith.extui %sign3A_291 : i1 to i32
      %sign3A_293 = arith.constant 0 : i32
      %sign3A_294 = arith.cmpi slt, %jit3A, %sign3A_293 : i32
      %sign3A_295 = arith.extui %sign3A_294 : i1 to i32
      %sign3A_296 = arith.subi %sign3A_292, %sign3A_295 : i32
      %ne3A = arith.cmpi ne, %sign3A_289, %sign3A_296 : i32
      %rem3A = arith.remsi %scan3A_283, %jit3A : i32
      %ne3A_297 = arith.constant 0 : i32
      %ne3A_298 = arith.cmpi ne, %rem3A, %ne3A_297 : i32
      %and3A = arith.andi %ne3A, %ne3A_298 : i1
      %sub3A = arith.constant 1 : i32
      %sub3A_299 = arith.subi %div3A, %sub3A : i32
      %select_n3A = arith.select %and3A, %sub3A_299, %div3A : i32
      %add3A_300 = arith.constant 72 : i32
      %add3A_301 = arith.addi %add3A_300, %select_n3A : i32
      %jit3A_302 = arith.constant 8 : i32
      %eq3A = arith.constant 0 : i32
      %eq3A_303 = arith.cmpi eq, %jit3A_302, %eq3A : i32
      %jit3A_304 = arith.constant 1 : i32
      %select_n3A_305 = arith.select %eq3A_303, %jit3A_304, %jit3A_302 : i32
      %rem3A_306 = arith.remsi %scan3A_283, %select_n3A_305 : i32
      %ne3A_307 = arith.constant 0 : i32
      %ne3A_308 = arith.cmpi ne, %rem3A_306, %ne3A_307 : i32
      %lt3A = arith.constant 0 : i32
      %lt3A_309 = arith.cmpi slt, %rem3A_306, %lt3A : i32
      %lt3A_310 = arith.constant 0 : i32
      %lt3A_311 = arith.cmpi slt, %select_n3A_305, %lt3A_310 : i32
      %ne3A_312 = arith.xori %lt3A_309, %lt3A_311 : i1
      %and3A_313 = arith.andi %ne3A_312, %ne3A_308 : i1
      %add3A_314 = arith.addi %rem3A_306, %select_n3A_305 : i32
      %select_n3A_315 = arith.select %and3A_313, %add3A_314, %rem3A_306 : i32
      %mul3A_316 = arith.constant 16 : i32
      %mul3A_317 = arith.muli %select_n3A_315, %mul3A_316 : i32
      %jit3A_318 = arith.constant 8 : i32
      %div3A_319 = arith.divsi %scan3A_283, %jit3A_318 : i32
      %sign3A_320 = arith.constant 0 : i32
      %sign3A_321 = arith.cmpi sgt, %scan3A_283, %sign3A_320 : i32
      %sign3A_322 = arith.extui %sign3A_321 : i1 to i32
      %sign3A_323 = arith.constant 0 : i32
      %sign3A_324 = arith.cmpi slt, %scan3A_283, %sign3A_323 : i32
      %sign3A_325 = arith.extui %sign3A_324 : i1 to i32
      %sign3A_326 = arith.subi %sign3A_322, %sign3A_325 : i32
      %sign3A_327 = arith.constant 0 : i32
      %sign3A_328 = arith.cmpi sgt, %jit3A_318, %sign3A_327 : i32
      %sign3A_329 = arith.extui %sign3A_328 : i1 to i32
      %sign3A_330 = arith.constant 0 : i32
      %sign3A_331 = arith.cmpi slt, %jit3A_318, %sign3A_330 : i32
      %sign3A_332 = arith.extui %sign3A_331 : i1 to i32
      %sign3A_333 = arith.subi %sign3A_329, %sign3A_332 : i32
      %ne3A_334 = arith.cmpi ne, %sign3A_326, %sign3A_333 : i32
      %rem3A_335 = arith.remsi %scan3A_283, %jit3A_318 : i32
      %ne3A_336 = arith.constant 0 : i32
      %ne3A_337 = arith.cmpi ne, %rem3A_335, %ne3A_336 : i32
      %and3A_338 = arith.andi %ne3A_334, %ne3A_337 : i1
      %sub3A_339 = arith.constant 1 : i32
      %sub3A_340 = arith.subi %div3A_319, %sub3A_339 : i32
      %select_n3A_341 = arith.select %and3A_338, %sub3A_340, %div3A_319 : i32
      %broadcast_in_dim3A_342 = vector.broadcast %select_n3A_341 : i32 to vector<16xi32>
      %get3A = arith.index_cast %add3A_301 : i32 to index
      %get3A_343 = arith.index_cast %mul3A_317 : i32 to index
      %get3A_344 = tpu.vector_load %arg8[%get3A, %get3A_343] {strides = array<i32>} : memref<80x128xi32, #tpu.memory_space<vmem>>, vector<16xi32>,
      %get3A_345 = arith.index_cast %add3A_301 : i32 to index
      %get3A_346 = arith.index_cast %mul3A_317 : i32 to index
      %get3A_347 = tpu.vector_load %arg7[%get3A_345, %get3A_346] {strides = array<i32>} : memref<80x128xf32, #tpu.memory_space<vmem>>, vector<16xf32>,
      tpu.vector_store_idx %arg6[%broadcast_in_dim3A_342, %get3A_344], %get3A_347 {add = true} : memref<8x4096xf32, #tpu.memory_space<vmem>>[vector<16xi32>, vector<16xi32>], vector<16xf32>,
    }
    %scan3A_258 = arith.constant 64 : i32
    %mul3A_259 = arith.constant 80 : i32
    %mul3A_260 = arith.muli %add3A, %mul3A_259 : i32
    %add3A_261 = arith.constant 72 : i32
    %add3A_262 = arith.addi %mul3A_260, %add3A_261 : i32
    %dma_start3A_263 = arith.constant 0 : i32
    %dma_start3A_264 = tpu.memref_slice %arg4[%add3A_262, %dma_start3A_263] : memref<2560x4096xf32, #tpu.memory_space<hbm>> -> memref<8x4096xf32, #tpu.memory_space<hbm>>
    %dma_start3A_265 = arith.constant 0 : i32
    %dma_start3A_266 = tpu.memref_slice %arg4[%add3A_262, %dma_start3A_265] : memref<2560x4096xf32, #tpu.memory_space<hbm>> -> memref<8x4096xf32, #tpu.memory_space<hbm>>
    tpu.enqueue_dma source(%arg6 : memref<8x4096xf32, #tpu.memory_space<vmem>>) target(%dma_start3A_266 : memref<8x4096xf32, #tpu.memory_space<hbm>>) target_semaphore(%arg10 : memref<!tpu.dma_semaphore, #tpu.memory_space<semaphore_mem>>)
    %mul3A_267 = arith.constant 80 : i32
    %mul3A_268 = arith.muli %add3A, %mul3A_267 : i32
    %add3A_269 = arith.constant 64 : i32
    %add3A_270 = arith.addi %mul3A_268, %add3A_269 : i32
    %dma_wait3A_271 = arith.constant 0 : i32
    %dma_wait3A_272 = tpu.memref_slice %arg4[%add3A_270, %dma_wait3A_271] : memref<2560x4096xf32, #tpu.memory_space<hbm>> -> memref<8x4096xf32, #tpu.memory_space<hbm>>
    %dma_wait3A_273 = arith.constant 0 : i32
    %dma_wait3A_274 = tpu.memref_slice %arg4[%add3A_270, %dma_wait3A_273] : memref<2560x4096xf32, #tpu.memory_space<hbm>> -> memref<8x4096xf32, #tpu.memory_space<hbm>>
    tpu.wait_dma2 semaphore(%arg9 : memref<!tpu.dma_semaphore, #tpu.memory_space<semaphore_mem>>) src(%arg5 : memref<8x4096xf32, #tpu.memory_space<vmem>>) dst(%dma_wait3A_274 : memref<8x4096xf32, #tpu.memory_space<hbm>>)
    %mul3A_275 = arith.constant 80 : i32
    %mul3A_276 = arith.muli %add3A, %mul3A_275 : i32
    %add3A_277 = arith.constant 72 : i32
    %add3A_278 = arith.addi %mul3A_276, %add3A_277 : i32
    %dma_wait3A_279 = arith.constant 0 : i32
    %dma_wait3A_280 = tpu.memref_slice %arg4[%add3A_278, %dma_wait3A_279] : memref<2560x4096xf32, #tpu.memory_space<hbm>> -> memref<8x4096xf32, #tpu.memory_space<hbm>>
    %dma_wait3A_281 = arith.constant 0 : i32
    %dma_wait3A_282 = tpu.memref_slice %arg4[%add3A_278, %dma_wait3A_281] : memref<2560x4096xf32, #tpu.memory_space<hbm>> -> memref<8x4096xf32, #tpu.memory_space<hbm>>
    tpu.wait_dma2 semaphore(%arg10 : memref<!tpu.dma_semaphore, #tpu.memory_space<semaphore_mem>>) src(%arg6 : memref<8x4096xf32, #tpu.memory_space<vmem>>) dst(%dma_wait3A_282 : memref<8x4096xf32, #tpu.memory_space<hbm>>)
    return
  }
}

#map = affine_map<(d0, d1) -> (0, 0)>
module attributes {stable_mosaic.version = 14 : i64} {
  func.func @densify_chunk0(%arg0: i32, %arg1: i32, %arg2: memref<4096x128xf32, #tpu.memory_space<hbm>>, %arg3: memref<4096x128xi32, #tpu.memory_space<hbm>>, %arg4: memref<1536x4096xf32, #tpu.memory_space<hbm>>, %arg5: memref<8x4096xf32, #tpu.memory_space<vmem>>, %arg6: memref<8x4096xf32, #tpu.memory_space<vmem>>, %arg7: memref<48x128xf32, #tpu.memory_space<vmem>>, %arg8: memref<48x128xi32, #tpu.memory_space<vmem>>, %arg9: memref<!tpu.dma_semaphore, #tpu.memory_space<semaphore_mem>>, %arg10: memref<!tpu.dma_semaphore, #tpu.memory_space<semaphore_mem>>) attributes {dimension_semantics = [#tpu.dimension_semantics<core_parallel>, #tpu.dimension_semantics<subcore_parallel>], iteration_bounds = array<i64: 2, 16>, scalar_prefetch = 0 : i64, scratch_operands = 6 : i64, tpu.core_type = #tpu.core_type<sc_vector_subcore>, window_params = [{transform_indices = #map}, {transform_indices = #map}, {transform_indices = #map}]} {
    %mul3A = arith.constant 2 : i32
    %mul3A_0 = arith.muli %arg1, %mul3A : i32
    %add3A = arith.addi %mul3A_0, %arg0 : i32
    %mul3A_1 = arith.constant 48 : i32
    %mul3A_2 = arith.muli %add3A, %mul3A_1 : i32
    %add3A_3 = arith.constant 0 : i32
    %add3A_4 = arith.addi %add3A_3, %mul3A_2 : i32
    "tpu.region"() ({
      %run_scoped3A = tpu.sem_alloc : memref<!tpu.dma_semaphore, #tpu.memory_space<semaphore_mem>>
      %dma_start3A_171 = arith.constant 0 : i32
      %dma_start3A_172 = tpu.memref_slice %arg2[%add3A_4, %dma_start3A_171] : memref<4096x128xf32, #tpu.memory_space<hbm>> -> memref<48x128xf32, #tpu.memory_space<hbm>>
      %dma_start3A_173 = arith.constant 0 : i32
      %dma_start3A_174 = tpu.memref_slice %arg2[%add3A_4, %dma_start3A_173] : memref<4096x128xf32, #tpu.memory_space<hbm>> -> memref<48x128xf32, #tpu.memory_space<hbm>>
      tpu.enqueue_dma source(%dma_start3A_174 : memref<48x128xf32, #tpu.memory_space<hbm>>) target(%arg7 : memref<48x128xf32, #tpu.memory_space<vmem>>) target_semaphore(%run_scoped3A : memref<!tpu.dma_semaphore, #tpu.memory_space<semaphore_mem>>)
      %dma_wait3A_175 = arith.constant 0 : i32
      %dma_wait3A_176 = tpu.memref_slice %arg2[%add3A_4, %dma_wait3A_175] : memref<4096x128xf32, #tpu.memory_space<hbm>> -> memref<48x128xf32, #tpu.memory_space<hbm>>
      %dma_wait3A_177 = arith.constant 0 : i32
      %dma_wait3A_178 = tpu.memref_slice %arg2[%add3A_4, %dma_wait3A_177] : memref<4096x128xf32, #tpu.memory_space<hbm>> -> memref<48x128xf32, #tpu.memory_space<hbm>>
      tpu.wait_dma2 semaphore(%run_scoped3A : memref<!tpu.dma_semaphore, #tpu.memory_space<semaphore_mem>>) src(%dma_wait3A_178 : memref<48x128xf32, #tpu.memory_space<hbm>>) dst(%arg7 : memref<48x128xf32, #tpu.memory_space<vmem>>)
      tpu.yield
    }) : () -> ()
    "tpu.region"() ({
      %run_scoped3A = tpu.sem_alloc : memref<!tpu.dma_semaphore, #tpu.memory_space<semaphore_mem>>
      %dma_start3A_171 = arith.constant 0 : i32
      %dma_start3A_172 = tpu.memref_slice %arg3[%add3A_4, %dma_start3A_171] : memref<4096x128xi32, #tpu.memory_space<hbm>> -> memref<48x128xi32, #tpu.memory_space<hbm>>
      %dma_start3A_173 = arith.constant 0 : i32
      %dma_start3A_174 = tpu.memref_slice %arg3[%add3A_4, %dma_start3A_173] : memref<4096x128xi32, #tpu.memory_space<hbm>> -> memref<48x128xi32, #tpu.memory_space<hbm>>
      tpu.enqueue_dma source(%dma_start3A_174 : memref<48x128xi32, #tpu.memory_space<hbm>>) target(%arg8 : memref<48x128xi32, #tpu.memory_space<vmem>>) target_semaphore(%run_scoped3A : memref<!tpu.dma_semaphore, #tpu.memory_space<semaphore_mem>>)
      %dma_wait3A_175 = arith.constant 0 : i32
      %dma_wait3A_176 = tpu.memref_slice %arg3[%add3A_4, %dma_wait3A_175] : memref<4096x128xi32, #tpu.memory_space<hbm>> -> memref<48x128xi32, #tpu.memory_space<hbm>>
      %dma_wait3A_177 = arith.constant 0 : i32
      %dma_wait3A_178 = tpu.memref_slice %arg3[%add3A_4, %dma_wait3A_177] : memref<4096x128xi32, #tpu.memory_space<hbm>> -> memref<48x128xi32, #tpu.memory_space<hbm>>
      tpu.wait_dma2 semaphore(%run_scoped3A : memref<!tpu.dma_semaphore, #tpu.memory_space<semaphore_mem>>) src(%dma_wait3A_178 : memref<48x128xi32, #tpu.memory_space<hbm>>) dst(%arg8 : memref<48x128xi32, #tpu.memory_space<vmem>>)
      tpu.yield
    }) : () -> ()
    %broadcast_in_dim3A = arith.constant 0.000000e+00 : f32
    %broadcast_in_dim3A_5 = vector.broadcast %broadcast_in_dim3A : f32 to vector<16xf32>
    %scan3A = arith.constant 0 : i32
    %scan3A_6 = arith.constant 0 : i32
    %scan3A_7 = arith.constant 8 : i32
    %scan3A_8 = arith.addi %scan3A_6, %scan3A_7 : i32
    %scan3A_9 = arith.constant 1 : i32
    scf.for %scan3A_171 = %scan3A_6 to %scan3A_8 step %scan3A_9  : i32 {
      %scan3A_172 = arith.constant 0 : i32
      %scan3A_173 = arith.constant 0 : i32
      %scan3A_174 = arith.constant 32 : i32
      %scan3A_175 = arith.addi %scan3A_173, %scan3A_174 : i32
      %scan3A_176 = arith.constant 1 : i32
      scf.for %scan3A_178 = %scan3A_173 to %scan3A_175 step %scan3A_176  : i32 {
        %mul3A_179 = arith.constant 128 : i32
        %mul3A_180 = arith.muli %scan3A_178, %mul3A_179 : i32
        %add3A_181 = arith.constant 0 : i32
        %add3A_182 = arith.addi %mul3A_180, %add3A_181 : i32
        %swap3A = arith.index_cast %scan3A_171 : i32 to index
        %swap3A_183 = arith.index_cast %add3A_182 : i32 to index
        %swap3A_184 = tpu.vector_load %arg5[%swap3A, %swap3A_183] {strides = array<i32>} : memref<8x4096xf32, #tpu.memory_space<vmem>>, vector<16xf32>,
        tpu.vector_store %arg5[%swap3A, %swap3A_183], %broadcast_in_dim3A_5 {strides = array<i32>} : memref<8x4096xf32, #tpu.memory_space<vmem>>, vector<16xf32>,
        %add3A_185 = arith.constant 16 : i32
        %add3A_186 = arith.addi %mul3A_180, %add3A_185 : i32
        %swap3A_187 = arith.index_cast %scan3A_171 : i32 to index
        %swap3A_188 = arith.index_cast %add3A_186 : i32 to index
        %swap3A_189 = tpu.vector_load %arg5[%swap3A_187, %swap3A_188] {strides = array<i32>} : memref<8x4096xf32, #tpu.memory_space<vmem>>, vector<16xf32>,
        tpu.vector_store %arg5[%swap3A_187, %swap3A_188], %broadcast_in_dim3A_5 {strides = array<i32>} : memref<8x4096xf32, #tpu.memory_space<vmem>>, vector<16xf32>,
        %add3A_190 = arith.constant 32 : i32
        %add3A_191 = arith.addi %mul3A_180, %add3A_190 : i32
        %swap3A_192 = arith.index_cast %scan3A_171 : i32 to index
        %swap3A_193 = arith.index_cast %add3A_191 : i32 to index
        %swap3A_194 = tpu.vector_load %arg5[%swap3A_192, %swap3A_193] {strides = array<i32>} : memref<8x4096xf32, #tpu.memory_space<vmem>>, vector<16xf32>,
        tpu.vector_store %arg5[%swap3A_192, %swap3A_193], %broadcast_in_dim3A_5 {strides = array<i32>} : memref<8x4096xf32, #tpu.memory_space<vmem>>, vector<16xf32>,
        %add3A_195 = arith.constant 48 : i32
        %add3A_196 = arith.addi %mul3A_180, %add3A_195 : i32
        %swap3A_197 = arith.index_cast %scan3A_171 : i32 to index
        %swap3A_198 = arith.index_cast %add3A_196 : i32 to index
        %swap3A_199 = tpu.vector_load %arg5[%swap3A_197, %swap3A_198] {strides = array<i32>} : memref<8x4096xf32, #tpu.memory_space<vmem>>, vector<16xf32>,
        tpu.vector_store %arg5[%swap3A_197, %swap3A_198], %broadcast_in_dim3A_5 {strides = array<i32>} : memref<8x4096xf32, #tpu.memory_space<vmem>>, vector<16xf32>,
        %add3A_200 = arith.constant 64 : i32
        %add3A_201 = arith.addi %mul3A_180, %add3A_200 : i32
        %swap3A_202 = arith.index_cast %scan3A_171 : i32 to index
        %swap3A_203 = arith.index_cast %add3A_201 : i32 to index
        %swap3A_204 = tpu.vector_load %arg5[%swap3A_202, %swap3A_203] {strides = array<i32>} : memref<8x4096xf32, #tpu.memory_space<vmem>>, vector<16xf32>,
        tpu.vector_store %arg5[%swap3A_202, %swap3A_203], %broadcast_in_dim3A_5 {strides = array<i32>} : memref<8x4096xf32, #tpu.memory_space<vmem>>, vector<16xf32>,
        %add3A_205 = arith.constant 80 : i32
        %add3A_206 = arith.addi %mul3A_180, %add3A_205 : i32
        %swap3A_207 = arith.index_cast %scan3A_171 : i32 to index
        %swap3A_208 = arith.index_cast %add3A_206 : i32 to index
        %swap3A_209 = tpu.vector_load %arg5[%swap3A_207, %swap3A_208] {strides = array<i32>} : memref<8x4096xf32, #tpu.memory_space<vmem>>, vector<16xf32>,
        tpu.vector_store %arg5[%swap3A_207, %swap3A_208], %broadcast_in_dim3A_5 {strides = array<i32>} : memref<8x4096xf32, #tpu.memory_space<vmem>>, vector<16xf32>,
        %add3A_210 = arith.constant 96 : i32
        %add3A_211 = arith.addi %mul3A_180, %add3A_210 : i32
        %swap3A_212 = arith.index_cast %scan3A_171 : i32 to index
        %swap3A_213 = arith.index_cast %add3A_211 : i32 to index
        %swap3A_214 = tpu.vector_load %arg5[%swap3A_212, %swap3A_213] {strides = array<i32>} : memref<8x4096xf32, #tpu.memory_space<vmem>>, vector<16xf32>,
        tpu.vector_store %arg5[%swap3A_212, %swap3A_213], %broadcast_in_dim3A_5 {strides = array<i32>} : memref<8x4096xf32, #tpu.memory_space<vmem>>, vector<16xf32>,
        %add3A_215 = arith.constant 112 : i32
        %add3A_216 = arith.addi %mul3A_180, %add3A_215 : i32
        %swap3A_217 = arith.index_cast %scan3A_171 : i32 to index
        %swap3A_218 = arith.index_cast %add3A_216 : i32 to index
        %swap3A_219 = tpu.vector_load %arg5[%swap3A_217, %swap3A_218] {strides = array<i32>} : memref<8x4096xf32, #tpu.memory_space<vmem>>, vector<16xf32>,
        tpu.vector_store %arg5[%swap3A_217, %swap3A_218], %broadcast_in_dim3A_5 {strides = array<i32>} : memref<8x4096xf32, #tpu.memory_space<vmem>>, vector<16xf32>,
      }
      %scan3A_177 = arith.constant 32 : i32
    }
    %scan3A_10 = arith.constant 8 : i32
    %scan3A_11 = arith.constant 0 : i32
    %scan3A_12 = arith.constant 0 : i32
    %scan3A_13 = arith.constant 8 : i32
    %scan3A_14 = arith.addi %scan3A_12, %scan3A_13 : i32
    %scan3A_15 = arith.constant 1 : i32
    scf.for %scan3A_171 = %scan3A_12 to %scan3A_14 step %scan3A_15  : i32 {
      %scan3A_172 = arith.constant 0 : i32
      %scan3A_173 = arith.constant 0 : i32
      %scan3A_174 = arith.constant 32 : i32
      %scan3A_175 = arith.addi %scan3A_173, %scan3A_174 : i32
      %scan3A_176 = arith.constant 1 : i32
      scf.for %scan3A_178 = %scan3A_173 to %scan3A_175 step %scan3A_176  : i32 {
        %mul3A_179 = arith.constant 128 : i32
        %mul3A_180 = arith.muli %scan3A_178, %mul3A_179 : i32
        %add3A_181 = arith.constant 0 : i32
        %add3A_182 = arith.addi %mul3A_180, %add3A_181 : i32
        %swap3A = arith.index_cast %scan3A_171 : i32 to index
        %swap3A_183 = arith.index_cast %add3A_182 : i32 to index
        %swap3A_184 = tpu.vector_load %arg6[%swap3A, %swap3A_183] {strides = array<i32>} : memref<8x4096xf32, #tpu.memory_space<vmem>>, vector<16xf32>,
        tpu.vector_store %arg6[%swap3A, %swap3A_183], %broadcast_in_dim3A_5 {strides = array<i32>} : memref<8x4096xf32, #tpu.memory_space<vmem>>, vector<16xf32>,
        %add3A_185 = arith.constant 16 : i32
        %add3A_186 = arith.addi %mul3A_180, %add3A_185 : i32
        %swap3A_187 = arith.index_cast %scan3A_171 : i32 to index
        %swap3A_188 = arith.index_cast %add3A_186 : i32 to index
        %swap3A_189 = tpu.vector_load %arg6[%swap3A_187, %swap3A_188] {strides = array<i32>} : memref<8x4096xf32, #tpu.memory_space<vmem>>, vector<16xf32>,
        tpu.vector_store %arg6[%swap3A_187, %swap3A_188], %broadcast_in_dim3A_5 {strides = array<i32>} : memref<8x4096xf32, #tpu.memory_space<vmem>>, vector<16xf32>,
        %add3A_190 = arith.constant 32 : i32
        %add3A_191 = arith.addi %mul3A_180, %add3A_190 : i32
        %swap3A_192 = arith.index_cast %scan3A_171 : i32 to index
        %swap3A_193 = arith.index_cast %add3A_191 : i32 to index
        %swap3A_194 = tpu.vector_load %arg6[%swap3A_192, %swap3A_193] {strides = array<i32>} : memref<8x4096xf32, #tpu.memory_space<vmem>>, vector<16xf32>,
        tpu.vector_store %arg6[%swap3A_192, %swap3A_193], %broadcast_in_dim3A_5 {strides = array<i32>} : memref<8x4096xf32, #tpu.memory_space<vmem>>, vector<16xf32>,
        %add3A_195 = arith.constant 48 : i32
        %add3A_196 = arith.addi %mul3A_180, %add3A_195 : i32
        %swap3A_197 = arith.index_cast %scan3A_171 : i32 to index
        %swap3A_198 = arith.index_cast %add3A_196 : i32 to index
        %swap3A_199 = tpu.vector_load %arg6[%swap3A_197, %swap3A_198] {strides = array<i32>} : memref<8x4096xf32, #tpu.memory_space<vmem>>, vector<16xf32>,
        tpu.vector_store %arg6[%swap3A_197, %swap3A_198], %broadcast_in_dim3A_5 {strides = array<i32>} : memref<8x4096xf32, #tpu.memory_space<vmem>>, vector<16xf32>,
        %add3A_200 = arith.constant 64 : i32
        %add3A_201 = arith.addi %mul3A_180, %add3A_200 : i32
        %swap3A_202 = arith.index_cast %scan3A_171 : i32 to index
        %swap3A_203 = arith.index_cast %add3A_201 : i32 to index
        %swap3A_204 = tpu.vector_load %arg6[%swap3A_202, %swap3A_203] {strides = array<i32>} : memref<8x4096xf32, #tpu.memory_space<vmem>>, vector<16xf32>,
        tpu.vector_store %arg6[%swap3A_202, %swap3A_203], %broadcast_in_dim3A_5 {strides = array<i32>} : memref<8x4096xf32, #tpu.memory_space<vmem>>, vector<16xf32>,
        %add3A_205 = arith.constant 80 : i32
        %add3A_206 = arith.addi %mul3A_180, %add3A_205 : i32
        %swap3A_207 = arith.index_cast %scan3A_171 : i32 to index
        %swap3A_208 = arith.index_cast %add3A_206 : i32 to index
        %swap3A_209 = tpu.vector_load %arg6[%swap3A_207, %swap3A_208] {strides = array<i32>} : memref<8x4096xf32, #tpu.memory_space<vmem>>, vector<16xf32>,
        tpu.vector_store %arg6[%swap3A_207, %swap3A_208], %broadcast_in_dim3A_5 {strides = array<i32>} : memref<8x4096xf32, #tpu.memory_space<vmem>>, vector<16xf32>,
        %add3A_210 = arith.constant 96 : i32
        %add3A_211 = arith.addi %mul3A_180, %add3A_210 : i32
        %swap3A_212 = arith.index_cast %scan3A_171 : i32 to index
        %swap3A_213 = arith.index_cast %add3A_211 : i32 to index
        %swap3A_214 = tpu.vector_load %arg6[%swap3A_212, %swap3A_213] {strides = array<i32>} : memref<8x4096xf32, #tpu.memory_space<vmem>>, vector<16xf32>,
        tpu.vector_store %arg6[%swap3A_212, %swap3A_213], %broadcast_in_dim3A_5 {strides = array<i32>} : memref<8x4096xf32, #tpu.memory_space<vmem>>, vector<16xf32>,
        %add3A_215 = arith.constant 112 : i32
        %add3A_216 = arith.addi %mul3A_180, %add3A_215 : i32
        %swap3A_217 = arith.index_cast %scan3A_171 : i32 to index
        %swap3A_218 = arith.index_cast %add3A_216 : i32 to index
        %swap3A_219 = tpu.vector_load %arg6[%swap3A_217, %swap3A_218] {strides = array<i32>} : memref<8x4096xf32, #tpu.memory_space<vmem>>, vector<16xf32>,
        tpu.vector_store %arg6[%swap3A_217, %swap3A_218], %broadcast_in_dim3A_5 {strides = array<i32>} : memref<8x4096xf32, #tpu.memory_space<vmem>>, vector<16xf32>,
      }
      %scan3A_177 = arith.constant 32 : i32
    }
    %scan3A_16 = arith.constant 8 : i32
    %scan3A_17 = arith.constant 0 : i32
    %scan3A_18 = arith.constant 0 : i32
    %scan3A_19 = arith.constant 64 : i32
    %scan3A_20 = arith.addi %scan3A_18, %scan3A_19 : i32
    %scan3A_21 = arith.constant 1 : i32
    scf.for %scan3A_171 = %scan3A_18 to %scan3A_20 step %scan3A_21  : i32 {
      %jit3A = arith.constant 8 : i32
      %div3A = arith.divsi %scan3A_171, %jit3A : i32
      %sign3A = arith.constant 0 : i32
      %sign3A_172 = arith.cmpi sgt, %scan3A_171, %sign3A : i32
      %sign3A_173 = arith.extui %sign3A_172 : i1 to i32
      %sign3A_174 = arith.constant 0 : i32
      %sign3A_175 = arith.cmpi slt, %scan3A_171, %sign3A_174 : i32
      %sign3A_176 = arith.extui %sign3A_175 : i1 to i32
      %sign3A_177 = arith.subi %sign3A_173, %sign3A_176 : i32
      %sign3A_178 = arith.constant 0 : i32
      %sign3A_179 = arith.cmpi sgt, %jit3A, %sign3A_178 : i32
      %sign3A_180 = arith.extui %sign3A_179 : i1 to i32
      %sign3A_181 = arith.constant 0 : i32
      %sign3A_182 = arith.cmpi slt, %jit3A, %sign3A_181 : i32
      %sign3A_183 = arith.extui %sign3A_182 : i1 to i32
      %sign3A_184 = arith.subi %sign3A_180, %sign3A_183 : i32
      %ne3A = arith.cmpi ne, %sign3A_177, %sign3A_184 : i32
      %rem3A = arith.remsi %scan3A_171, %jit3A : i32
      %ne3A_185 = arith.constant 0 : i32
      %ne3A_186 = arith.cmpi ne, %rem3A, %ne3A_185 : i32
      %and3A = arith.andi %ne3A, %ne3A_186 : i1
      %sub3A = arith.constant 1 : i32
      %sub3A_187 = arith.subi %div3A, %sub3A : i32
      %select_n3A = arith.select %and3A, %sub3A_187, %div3A : i32
      %add3A_188 = arith.constant 0 : i32
      %add3A_189 = arith.addi %add3A_188, %select_n3A : i32
      %jit3A_190 = arith.constant 8 : i32
      %eq3A = arith.constant 0 : i32
      %eq3A_191 = arith.cmpi eq, %jit3A_190, %eq3A : i32
      %jit3A_192 = arith.constant 1 : i32
      %select_n3A_193 = arith.select %eq3A_191, %jit3A_192, %jit3A_190 : i32
      %rem3A_194 = arith.remsi %scan3A_171, %select_n3A_193 : i32
      %ne3A_195 = arith.constant 0 : i32
      %ne3A_196 = arith.cmpi ne, %rem3A_194, %ne3A_195 : i32
      %lt3A = arith.constant 0 : i32
      %lt3A_197 = arith.cmpi slt, %rem3A_194, %lt3A : i32
      %lt3A_198 = arith.constant 0 : i32
      %lt3A_199 = arith.cmpi slt, %select_n3A_193, %lt3A_198 : i32
      %ne3A_200 = arith.xori %lt3A_197, %lt3A_199 : i1
      %and3A_201 = arith.andi %ne3A_200, %ne3A_196 : i1
      %add3A_202 = arith.addi %rem3A_194, %select_n3A_193 : i32
      %select_n3A_203 = arith.select %and3A_201, %add3A_202, %rem3A_194 : i32
      %mul3A_204 = arith.constant 16 : i32
      %mul3A_205 = arith.muli %select_n3A_203, %mul3A_204 : i32
      %jit3A_206 = arith.constant 8 : i32
      %div3A_207 = arith.divsi %scan3A_171, %jit3A_206 : i32
      %sign3A_208 = arith.constant 0 : i32
      %sign3A_209 = arith.cmpi sgt, %scan3A_171, %sign3A_208 : i32
      %sign3A_210 = arith.extui %sign3A_209 : i1 to i32
      %sign3A_211 = arith.constant 0 : i32
      %sign3A_212 = arith.cmpi slt, %scan3A_171, %sign3A_211 : i32
      %sign3A_213 = arith.extui %sign3A_212 : i1 to i32
      %sign3A_214 = arith.subi %sign3A_210, %sign3A_213 : i32
      %sign3A_215 = arith.constant 0 : i32
      %sign3A_216 = arith.cmpi sgt, %jit3A_206, %sign3A_215 : i32
      %sign3A_217 = arith.extui %sign3A_216 : i1 to i32
      %sign3A_218 = arith.constant 0 : i32
      %sign3A_219 = arith.cmpi slt, %jit3A_206, %sign3A_218 : i32
      %sign3A_220 = arith.extui %sign3A_219 : i1 to i32
      %sign3A_221 = arith.subi %sign3A_217, %sign3A_220 : i32
      %ne3A_222 = arith.cmpi ne, %sign3A_214, %sign3A_221 : i32
      %rem3A_223 = arith.remsi %scan3A_171, %jit3A_206 : i32
      %ne3A_224 = arith.constant 0 : i32
      %ne3A_225 = arith.cmpi ne, %rem3A_223, %ne3A_224 : i32
      %and3A_226 = arith.andi %ne3A_222, %ne3A_225 : i1
      %sub3A_227 = arith.constant 1 : i32
      %sub3A_228 = arith.subi %div3A_207, %sub3A_227 : i32
      %select_n3A_229 = arith.select %and3A_226, %sub3A_228, %div3A_207 : i32
      %broadcast_in_dim3A_230 = vector.broadcast %select_n3A_229 : i32 to vector<16xi32>
      %get3A = arith.index_cast %add3A_189 : i32 to index
      %get3A_231 = arith.index_cast %mul3A_205 : i32 to index
      %get3A_232 = tpu.vector_load %arg8[%get3A, %get3A_231] {strides = array<i32>} : memref<48x128xi32, #tpu.memory_space<vmem>>, vector<16xi32>,
      %get3A_233 = arith.index_cast %add3A_189 : i32 to index
      %get3A_234 = arith.index_cast %mul3A_205 : i32 to index
      %get3A_235 = tpu.vector_load %arg7[%get3A_233, %get3A_234] {strides = array<i32>} : memref<48x128xf32, #tpu.memory_space<vmem>>, vector<16xf32>,
      tpu.vector_store_idx %arg5[%broadcast_in_dim3A_230, %get3A_232], %get3A_235 {add = true} : memref<8x4096xf32, #tpu.memory_space<vmem>>[vector<16xi32>, vector<16xi32>], vector<16xf32>,
    }
    %scan3A_22 = arith.constant 64 : i32
    %mul3A_23 = arith.constant 48 : i32
    %mul3A_24 = arith.muli %add3A, %mul3A_23 : i32
    %add3A_25 = arith.constant 0 : i32
    %add3A_26 = arith.addi %mul3A_24, %add3A_25 : i32
    %dma_start3A = arith.constant 0 : i32
    %dma_start3A_27 = tpu.memref_slice %arg4[%add3A_26, %dma_start3A] : memref<1536x4096xf32, #tpu.memory_space<hbm>> -> memref<8x4096xf32, #tpu.memory_space<hbm>>
    %dma_start3A_28 = arith.constant 0 : i32
    %dma_start3A_29 = tpu.memref_slice %arg4[%add3A_26, %dma_start3A_28] : memref<1536x4096xf32, #tpu.memory_space<hbm>> -> memref<8x4096xf32, #tpu.memory_space<hbm>>
    tpu.enqueue_dma source(%arg5 : memref<8x4096xf32, #tpu.memory_space<vmem>>) target(%dma_start3A_29 : memref<8x4096xf32, #tpu.memory_space<hbm>>) target_semaphore(%arg9 : memref<!tpu.dma_semaphore, #tpu.memory_space<semaphore_mem>>)
    %scan3A_30 = arith.constant 0 : i32
    %scan3A_31 = arith.constant 0 : i32
    %scan3A_32 = arith.constant 64 : i32
    %scan3A_33 = arith.addi %scan3A_31, %scan3A_32 : i32
    %scan3A_34 = arith.constant 1 : i32
    scf.for %scan3A_171 = %scan3A_31 to %scan3A_33 step %scan3A_34  : i32 {
      %jit3A = arith.constant 8 : i32
      %div3A = arith.divsi %scan3A_171, %jit3A : i32
      %sign3A = arith.constant 0 : i32
      %sign3A_172 = arith.cmpi sgt, %scan3A_171, %sign3A : i32
      %sign3A_173 = arith.extui %sign3A_172 : i1 to i32
      %sign3A_174 = arith.constant 0 : i32
      %sign3A_175 = arith.cmpi slt, %scan3A_171, %sign3A_174 : i32
      %sign3A_176 = arith.extui %sign3A_175 : i1 to i32
      %sign3A_177 = arith.subi %sign3A_173, %sign3A_176 : i32
      %sign3A_178 = arith.constant 0 : i32
      %sign3A_179 = arith.cmpi sgt, %jit3A, %sign3A_178 : i32
      %sign3A_180 = arith.extui %sign3A_179 : i1 to i32
      %sign3A_181 = arith.constant 0 : i32
      %sign3A_182 = arith.cmpi slt, %jit3A, %sign3A_181 : i32
      %sign3A_183 = arith.extui %sign3A_182 : i1 to i32
      %sign3A_184 = arith.subi %sign3A_180, %sign3A_183 : i32
      %ne3A = arith.cmpi ne, %sign3A_177, %sign3A_184 : i32
      %rem3A = arith.remsi %scan3A_171, %jit3A : i32
      %ne3A_185 = arith.constant 0 : i32
      %ne3A_186 = arith.cmpi ne, %rem3A, %ne3A_185 : i32
      %and3A = arith.andi %ne3A, %ne3A_186 : i1
      %sub3A = arith.constant 1 : i32
      %sub3A_187 = arith.subi %div3A, %sub3A : i32
      %select_n3A = arith.select %and3A, %sub3A_187, %div3A : i32
      %add3A_188 = arith.constant 8 : i32
      %add3A_189 = arith.addi %add3A_188, %select_n3A : i32
      %jit3A_190 = arith.constant 8 : i32
      %eq3A = arith.constant 0 : i32
      %eq3A_191 = arith.cmpi eq, %jit3A_190, %eq3A : i32
      %jit3A_192 = arith.constant 1 : i32
      %select_n3A_193 = arith.select %eq3A_191, %jit3A_192, %jit3A_190 : i32
      %rem3A_194 = arith.remsi %scan3A_171, %select_n3A_193 : i32
      %ne3A_195 = arith.constant 0 : i32
      %ne3A_196 = arith.cmpi ne, %rem3A_194, %ne3A_195 : i32
      %lt3A = arith.constant 0 : i32
      %lt3A_197 = arith.cmpi slt, %rem3A_194, %lt3A : i32
      %lt3A_198 = arith.constant 0 : i32
      %lt3A_199 = arith.cmpi slt, %select_n3A_193, %lt3A_198 : i32
      %ne3A_200 = arith.xori %lt3A_197, %lt3A_199 : i1
      %and3A_201 = arith.andi %ne3A_200, %ne3A_196 : i1
      %add3A_202 = arith.addi %rem3A_194, %select_n3A_193 : i32
      %select_n3A_203 = arith.select %and3A_201, %add3A_202, %rem3A_194 : i32
      %mul3A_204 = arith.constant 16 : i32
      %mul3A_205 = arith.muli %select_n3A_203, %mul3A_204 : i32
      %jit3A_206 = arith.constant 8 : i32
      %div3A_207 = arith.divsi %scan3A_171, %jit3A_206 : i32
      %sign3A_208 = arith.constant 0 : i32
      %sign3A_209 = arith.cmpi sgt, %scan3A_171, %sign3A_208 : i32
      %sign3A_210 = arith.extui %sign3A_209 : i1 to i32
      %sign3A_211 = arith.constant 0 : i32
      %sign3A_212 = arith.cmpi slt, %scan3A_171, %sign3A_211 : i32
      %sign3A_213 = arith.extui %sign3A_212 : i1 to i32
      %sign3A_214 = arith.subi %sign3A_210, %sign3A_213 : i32
      %sign3A_215 = arith.constant 0 : i32
      %sign3A_216 = arith.cmpi sgt, %jit3A_206, %sign3A_215 : i32
      %sign3A_217 = arith.extui %sign3A_216 : i1 to i32
      %sign3A_218 = arith.constant 0 : i32
      %sign3A_219 = arith.cmpi slt, %jit3A_206, %sign3A_218 : i32
      %sign3A_220 = arith.extui %sign3A_219 : i1 to i32
      %sign3A_221 = arith.subi %sign3A_217, %sign3A_220 : i32
      %ne3A_222 = arith.cmpi ne, %sign3A_214, %sign3A_221 : i32
      %rem3A_223 = arith.remsi %scan3A_171, %jit3A_206 : i32
      %ne3A_224 = arith.constant 0 : i32
      %ne3A_225 = arith.cmpi ne, %rem3A_223, %ne3A_224 : i32
      %and3A_226 = arith.andi %ne3A_222, %ne3A_225 : i1
      %sub3A_227 = arith.constant 1 : i32
      %sub3A_228 = arith.subi %div3A_207, %sub3A_227 : i32
      %select_n3A_229 = arith.select %and3A_226, %sub3A_228, %div3A_207 : i32
      %broadcast_in_dim3A_230 = vector.broadcast %select_n3A_229 : i32 to vector<16xi32>
      %get3A = arith.index_cast %add3A_189 : i32 to index
      %get3A_231 = arith.index_cast %mul3A_205 : i32 to index
      %get3A_232 = tpu.vector_load %arg8[%get3A, %get3A_231] {strides = array<i32>} : memref<48x128xi32, #tpu.memory_space<vmem>>, vector<16xi32>,
      %get3A_233 = arith.index_cast %add3A_189 : i32 to index
      %get3A_234 = arith.index_cast %mul3A_205 : i32 to index
      %get3A_235 = tpu.vector_load %arg7[%get3A_233, %get3A_234] {strides = array<i32>} : memref<48x128xf32, #tpu.memory_space<vmem>>, vector<16xf32>,
      tpu.vector_store_idx %arg6[%broadcast_in_dim3A_230, %get3A_232], %get3A_235 {add = true} : memref<8x4096xf32, #tpu.memory_space<vmem>>[vector<16xi32>, vector<16xi32>], vector<16xf32>,
    }
    %scan3A_35 = arith.constant 64 : i32
    %mul3A_36 = arith.constant 48 : i32
    %mul3A_37 = arith.muli %add3A, %mul3A_36 : i32
    %add3A_38 = arith.constant 8 : i32
    %add3A_39 = arith.addi %mul3A_37, %add3A_38 : i32
    %dma_start3A_40 = arith.constant 0 : i32
    %dma_start3A_41 = tpu.memref_slice %arg4[%add3A_39, %dma_start3A_40] : memref<1536x4096xf32, #tpu.memory_space<hbm>> -> memref<8x4096xf32, #tpu.memory_space<hbm>>
    %dma_start3A_42 = arith.constant 0 : i32
    %dma_start3A_43 = tpu.memref_slice %arg4[%add3A_39, %dma_start3A_42] : memref<1536x4096xf32, #tpu.memory_space<hbm>> -> memref<8x4096xf32, #tpu.memory_space<hbm>>
    tpu.enqueue_dma source(%arg6 : memref<8x4096xf32, #tpu.memory_space<vmem>>) target(%dma_start3A_43 : memref<8x4096xf32, #tpu.memory_space<hbm>>) target_semaphore(%arg10 : memref<!tpu.dma_semaphore, #tpu.memory_space<semaphore_mem>>)
    %mul3A_44 = arith.constant 48 : i32
    %mul3A_45 = arith.muli %add3A, %mul3A_44 : i32
    %add3A_46 = arith.constant 0 : i32
    %add3A_47 = arith.addi %mul3A_45, %add3A_46 : i32
    %dma_wait3A = arith.constant 0 : i32
    %dma_wait3A_48 = tpu.memref_slice %arg4[%add3A_47, %dma_wait3A] : memref<1536x4096xf32, #tpu.memory_space<hbm>> -> memref<8x4096xf32, #tpu.memory_space<hbm>>
    %dma_wait3A_49 = arith.constant 0 : i32
    %dma_wait3A_50 = tpu.memref_slice %arg4[%add3A_47, %dma_wait3A_49] : memref<1536x4096xf32, #tpu.memory_space<hbm>> -> memref<8x4096xf32, #tpu.memory_space<hbm>>
    tpu.wait_dma2 semaphore(%arg9 : memref<!tpu.dma_semaphore, #tpu.memory_space<semaphore_mem>>) src(%arg5 : memref<8x4096xf32, #tpu.memory_space<vmem>>) dst(%dma_wait3A_50 : memref<8x4096xf32, #tpu.memory_space<hbm>>)
    %scan3A_51 = arith.constant 0 : i32
    %scan3A_52 = arith.constant 0 : i32
    %scan3A_53 = arith.constant 64 : i32
    %scan3A_54 = arith.addi %scan3A_52, %scan3A_53 : i32
    %scan3A_55 = arith.constant 1 : i32
    scf.for %scan3A_171 = %scan3A_52 to %scan3A_54 step %scan3A_55  : i32 {
      %jit3A = arith.constant 8 : i32
      %div3A = arith.divsi %scan3A_171, %jit3A : i32
      %sign3A = arith.constant 0 : i32
      %sign3A_172 = arith.cmpi sgt, %scan3A_171, %sign3A : i32
      %sign3A_173 = arith.extui %sign3A_172 : i1 to i32
      %sign3A_174 = arith.constant 0 : i32
      %sign3A_175 = arith.cmpi slt, %scan3A_171, %sign3A_174 : i32
      %sign3A_176 = arith.extui %sign3A_175 : i1 to i32
      %sign3A_177 = arith.subi %sign3A_173, %sign3A_176 : i32
      %sign3A_178 = arith.constant 0 : i32
      %sign3A_179 = arith.cmpi sgt, %jit3A, %sign3A_178 : i32
      %sign3A_180 = arith.extui %sign3A_179 : i1 to i32
      %sign3A_181 = arith.constant 0 : i32
      %sign3A_182 = arith.cmpi slt, %jit3A, %sign3A_181 : i32
      %sign3A_183 = arith.extui %sign3A_182 : i1 to i32
      %sign3A_184 = arith.subi %sign3A_180, %sign3A_183 : i32
      %ne3A = arith.cmpi ne, %sign3A_177, %sign3A_184 : i32
      %rem3A = arith.remsi %scan3A_171, %jit3A : i32
      %ne3A_185 = arith.constant 0 : i32
      %ne3A_186 = arith.cmpi ne, %rem3A, %ne3A_185 : i32
      %and3A = arith.andi %ne3A, %ne3A_186 : i1
      %sub3A = arith.constant 1 : i32
      %sub3A_187 = arith.subi %div3A, %sub3A : i32
      %select_n3A = arith.select %and3A, %sub3A_187, %div3A : i32
      %add3A_188 = arith.constant 0 : i32
      %add3A_189 = arith.addi %add3A_188, %select_n3A : i32
      %jit3A_190 = arith.constant 8 : i32
      %eq3A = arith.constant 0 : i32
      %eq3A_191 = arith.cmpi eq, %jit3A_190, %eq3A : i32
      %jit3A_192 = arith.constant 1 : i32
      %select_n3A_193 = arith.select %eq3A_191, %jit3A_192, %jit3A_190 : i32
      %rem3A_194 = arith.remsi %scan3A_171, %select_n3A_193 : i32
      %ne3A_195 = arith.constant 0 : i32
      %ne3A_196 = arith.cmpi ne, %rem3A_194, %ne3A_195 : i32
      %lt3A = arith.constant 0 : i32
      %lt3A_197 = arith.cmpi slt, %rem3A_194, %lt3A : i32
      %lt3A_198 = arith.constant 0 : i32
      %lt3A_199 = arith.cmpi slt, %select_n3A_193, %lt3A_198 : i32
      %ne3A_200 = arith.xori %lt3A_197, %lt3A_199 : i1
      %and3A_201 = arith.andi %ne3A_200, %ne3A_196 : i1
      %add3A_202 = arith.addi %rem3A_194, %select_n3A_193 : i32
      %select_n3A_203 = arith.select %and3A_201, %add3A_202, %rem3A_194 : i32
      %mul3A_204 = arith.constant 16 : i32
      %mul3A_205 = arith.muli %select_n3A_203, %mul3A_204 : i32
      %jit3A_206 = arith.constant 8 : i32
      %div3A_207 = arith.divsi %scan3A_171, %jit3A_206 : i32
      %sign3A_208 = arith.constant 0 : i32
      %sign3A_209 = arith.cmpi sgt, %scan3A_171, %sign3A_208 : i32
      %sign3A_210 = arith.extui %sign3A_209 : i1 to i32
      %sign3A_211 = arith.constant 0 : i32
      %sign3A_212 = arith.cmpi slt, %scan3A_171, %sign3A_211 : i32
      %sign3A_213 = arith.extui %sign3A_212 : i1 to i32
      %sign3A_214 = arith.subi %sign3A_210, %sign3A_213 : i32
      %sign3A_215 = arith.constant 0 : i32
      %sign3A_216 = arith.cmpi sgt, %jit3A_206, %sign3A_215 : i32
      %sign3A_217 = arith.extui %sign3A_216 : i1 to i32
      %sign3A_218 = arith.constant 0 : i32
      %sign3A_219 = arith.cmpi slt, %jit3A_206, %sign3A_218 : i32
      %sign3A_220 = arith.extui %sign3A_219 : i1 to i32
      %sign3A_221 = arith.subi %sign3A_217, %sign3A_220 : i32
      %ne3A_222 = arith.cmpi ne, %sign3A_214, %sign3A_221 : i32
      %rem3A_223 = arith.remsi %scan3A_171, %jit3A_206 : i32
      %ne3A_224 = arith.constant 0 : i32
      %ne3A_225 = arith.cmpi ne, %rem3A_223, %ne3A_224 : i32
      %and3A_226 = arith.andi %ne3A_222, %ne3A_225 : i1
      %sub3A_227 = arith.constant 1 : i32
      %sub3A_228 = arith.subi %div3A_207, %sub3A_227 : i32
      %select_n3A_229 = arith.select %and3A_226, %sub3A_228, %div3A_207 : i32
      %broadcast_in_dim3A_230 = vector.broadcast %select_n3A_229 : i32 to vector<16xi32>
      %get3A = arith.index_cast %add3A_189 : i32 to index
      %get3A_231 = arith.index_cast %mul3A_205 : i32 to index
      %get3A_232 = tpu.vector_load %arg8[%get3A, %get3A_231] {strides = array<i32>} : memref<48x128xi32, #tpu.memory_space<vmem>>, vector<16xi32>,
      tpu.vector_store_idx %arg5[%broadcast_in_dim3A_230, %get3A_232], %broadcast_in_dim3A_5 : memref<8x4096xf32, #tpu.memory_space<vmem>>[vector<16xi32>, vector<16xi32>], vector<16xf32>,
    }
    %scan3A_56 = arith.constant 64 : i32
    %scan3A_57 = arith.constant 0 : i32
    %scan3A_58 = arith.constant 0 : i32
    %scan3A_59 = arith.constant 64 : i32
    %scan3A_60 = arith.addi %scan3A_58, %scan3A_59 : i32
    %scan3A_61 = arith.constant 1 : i32
    scf.for %scan3A_171 = %scan3A_58 to %scan3A_60 step %scan3A_61  : i32 {
      %jit3A = arith.constant 8 : i32
      %div3A = arith.divsi %scan3A_171, %jit3A : i32
      %sign3A = arith.constant 0 : i32
      %sign3A_172 = arith.cmpi sgt, %scan3A_171, %sign3A : i32
      %sign3A_173 = arith.extui %sign3A_172 : i1 to i32
      %sign3A_174 = arith.constant 0 : i32
      %sign3A_175 = arith.cmpi slt, %scan3A_171, %sign3A_174 : i32
      %sign3A_176 = arith.extui %sign3A_175 : i1 to i32
      %sign3A_177 = arith.subi %sign3A_173, %sign3A_176 : i32
      %sign3A_178 = arith.constant 0 : i32
      %sign3A_179 = arith.cmpi sgt, %jit3A, %sign3A_178 : i32
      %sign3A_180 = arith.extui %sign3A_179 : i1 to i32
      %sign3A_181 = arith.constant 0 : i32
      %sign3A_182 = arith.cmpi slt, %jit3A, %sign3A_181 : i32
      %sign3A_183 = arith.extui %sign3A_182 : i1 to i32
      %sign3A_184 = arith.subi %sign3A_180, %sign3A_183 : i32
      %ne3A = arith.cmpi ne, %sign3A_177, %sign3A_184 : i32
      %rem3A = arith.remsi %scan3A_171, %jit3A : i32
      %ne3A_185 = arith.constant 0 : i32
      %ne3A_186 = arith.cmpi ne, %rem3A, %ne3A_185 : i32
      %and3A = arith.andi %ne3A, %ne3A_186 : i1
      %sub3A = arith.constant 1 : i32
      %sub3A_187 = arith.subi %div3A, %sub3A : i32
      %select_n3A = arith.select %and3A, %sub3A_187, %div3A : i32
      %add3A_188 = arith.constant 16 : i32
      %add3A_189 = arith.addi %add3A_188, %select_n3A : i32
      %jit3A_190 = arith.constant 8 : i32
      %eq3A = arith.constant 0 : i32
      %eq3A_191 = arith.cmpi eq, %jit3A_190, %eq3A : i32
      %jit3A_192 = arith.constant 1 : i32
      %select_n3A_193 = arith.select %eq3A_191, %jit3A_192, %jit3A_190 : i32
      %rem3A_194 = arith.remsi %scan3A_171, %select_n3A_193 : i32
      %ne3A_195 = arith.constant 0 : i32
      %ne3A_196 = arith.cmpi ne, %rem3A_194, %ne3A_195 : i32
      %lt3A = arith.constant 0 : i32
      %lt3A_197 = arith.cmpi slt, %rem3A_194, %lt3A : i32
      %lt3A_198 = arith.constant 0 : i32
      %lt3A_199 = arith.cmpi slt, %select_n3A_193, %lt3A_198 : i32
      %ne3A_200 = arith.xori %lt3A_197, %lt3A_199 : i1
      %and3A_201 = arith.andi %ne3A_200, %ne3A_196 : i1
      %add3A_202 = arith.addi %rem3A_194, %select_n3A_193 : i32
      %select_n3A_203 = arith.select %and3A_201, %add3A_202, %rem3A_194 : i32
      %mul3A_204 = arith.constant 16 : i32
      %mul3A_205 = arith.muli %select_n3A_203, %mul3A_204 : i32
      %jit3A_206 = arith.constant 8 : i32
      %div3A_207 = arith.divsi %scan3A_171, %jit3A_206 : i32
      %sign3A_208 = arith.constant 0 : i32
      %sign3A_209 = arith.cmpi sgt, %scan3A_171, %sign3A_208 : i32
      %sign3A_210 = arith.extui %sign3A_209 : i1 to i32
      %sign3A_211 = arith.constant 0 : i32
      %sign3A_212 = arith.cmpi slt, %scan3A_171, %sign3A_211 : i32
      %sign3A_213 = arith.extui %sign3A_212 : i1 to i32
      %sign3A_214 = arith.subi %sign3A_210, %sign3A_213 : i32
      %sign3A_215 = arith.constant 0 : i32
      %sign3A_216 = arith.cmpi sgt, %jit3A_206, %sign3A_215 : i32
      %sign3A_217 = arith.extui %sign3A_216 : i1 to i32
      %sign3A_218 = arith.constant 0 : i32
      %sign3A_219 = arith.cmpi slt, %jit3A_206, %sign3A_218 : i32
      %sign3A_220 = arith.extui %sign3A_219 : i1 to i32
      %sign3A_221 = arith.subi %sign3A_217, %sign3A_220 : i32
      %ne3A_222 = arith.cmpi ne, %sign3A_214, %sign3A_221 : i32
      %rem3A_223 = arith.remsi %scan3A_171, %jit3A_206 : i32
      %ne3A_224 = arith.constant 0 : i32
      %ne3A_225 = arith.cmpi ne, %rem3A_223, %ne3A_224 : i32
      %and3A_226 = arith.andi %ne3A_222, %ne3A_225 : i1
      %sub3A_227 = arith.constant 1 : i32
      %sub3A_228 = arith.subi %div3A_207, %sub3A_227 : i32
      %select_n3A_229 = arith.select %and3A_226, %sub3A_228, %div3A_207 : i32
      %broadcast_in_dim3A_230 = vector.broadcast %select_n3A_229 : i32 to vector<16xi32>
      %get3A = arith.index_cast %add3A_189 : i32 to index
      %get3A_231 = arith.index_cast %mul3A_205 : i32 to index
      %get3A_232 = tpu.vector_load %arg8[%get3A, %get3A_231] {strides = array<i32>} : memref<48x128xi32, #tpu.memory_space<vmem>>, vector<16xi32>,
      %get3A_233 = arith.index_cast %add3A_189 : i32 to index
      %get3A_234 = arith.index_cast %mul3A_205 : i32 to index
      %get3A_235 = tpu.vector_load %arg7[%get3A_233, %get3A_234] {strides = array<i32>} : memref<48x128xf32, #tpu.memory_space<vmem>>, vector<16xf32>,
      tpu.vector_store_idx %arg5[%broadcast_in_dim3A_230, %get3A_232], %get3A_235 {add = true} : memref<8x4096xf32, #tpu.memory_space<vmem>>[vector<16xi32>, vector<16xi32>], vector<16xf32>,
    }
    %scan3A_62 = arith.constant 64 : i32
    %mul3A_63 = arith.constant 48 : i32
    %mul3A_64 = arith.muli %add3A, %mul3A_63 : i32
    %add3A_65 = arith.constant 16 : i32
    %add3A_66 = arith.addi %mul3A_64, %add3A_65 : i32
    %dma_start3A_67 = arith.constant 0 : i32
    %dma_start3A_68 = tpu.memref_slice %arg4[%add3A_66, %dma_start3A_67] : memref<1536x4096xf32, #tpu.memory_space<hbm>> -> memref<8x4096xf32, #tpu.memory_space<hbm>>
    %dma_start3A_69 = arith.constant 0 : i32
    %dma_start3A_70 = tpu.memref_slice %arg4[%add3A_66, %dma_start3A_69] : memref<1536x4096xf32, #tpu.memory_space<hbm>> -> memref<8x4096xf32, #tpu.memory_space<hbm>>
    tpu.enqueue_dma source(%arg5 : memref<8x4096xf32, #tpu.memory_space<vmem>>) target(%dma_start3A_70 : memref<8x4096xf32, #tpu.memory_space<hbm>>) target_semaphore(%arg9 : memref<!tpu.dma_semaphore, #tpu.memory_space<semaphore_mem>>)
    %mul3A_71 = arith.constant 48 : i32
    %mul3A_72 = arith.muli %add3A, %mul3A_71 : i32
    %add3A_73 = arith.constant 8 : i32
    %add3A_74 = arith.addi %mul3A_72, %add3A_73 : i32
    %dma_wait3A_75 = arith.constant 0 : i32
    %dma_wait3A_76 = tpu.memref_slice %arg4[%add3A_74, %dma_wait3A_75] : memref<1536x4096xf32, #tpu.memory_space<hbm>> -> memref<8x4096xf32, #tpu.memory_space<hbm>>
    %dma_wait3A_77 = arith.constant 0 : i32
    %dma_wait3A_78 = tpu.memref_slice %arg4[%add3A_74, %dma_wait3A_77] : memref<1536x4096xf32, #tpu.memory_space<hbm>> -> memref<8x4096xf32, #tpu.memory_space<hbm>>
    tpu.wait_dma2 semaphore(%arg10 : memref<!tpu.dma_semaphore, #tpu.memory_space<semaphore_mem>>) src(%arg6 : memref<8x4096xf32, #tpu.memory_space<vmem>>) dst(%dma_wait3A_78 : memref<8x4096xf32, #tpu.memory_space<hbm>>)
    %scan3A_79 = arith.constant 0 : i32
    %scan3A_80 = arith.constant 0 : i32
    %scan3A_81 = arith.constant 64 : i32
    %scan3A_82 = arith.addi %scan3A_80, %scan3A_81 : i32
    %scan3A_83 = arith.constant 1 : i32
    scf.for %scan3A_171 = %scan3A_80 to %scan3A_82 step %scan3A_83  : i32 {
      %jit3A = arith.constant 8 : i32
      %div3A = arith.divsi %scan3A_171, %jit3A : i32
      %sign3A = arith.constant 0 : i32
      %sign3A_172 = arith.cmpi sgt, %scan3A_171, %sign3A : i32
      %sign3A_173 = arith.extui %sign3A_172 : i1 to i32
      %sign3A_174 = arith.constant 0 : i32
      %sign3A_175 = arith.cmpi slt, %scan3A_171, %sign3A_174 : i32
      %sign3A_176 = arith.extui %sign3A_175 : i1 to i32
      %sign3A_177 = arith.subi %sign3A_173, %sign3A_176 : i32
      %sign3A_178 = arith.constant 0 : i32
      %sign3A_179 = arith.cmpi sgt, %jit3A, %sign3A_178 : i32
      %sign3A_180 = arith.extui %sign3A_179 : i1 to i32
      %sign3A_181 = arith.constant 0 : i32
      %sign3A_182 = arith.cmpi slt, %jit3A, %sign3A_181 : i32
      %sign3A_183 = arith.extui %sign3A_182 : i1 to i32
      %sign3A_184 = arith.subi %sign3A_180, %sign3A_183 : i32
      %ne3A = arith.cmpi ne, %sign3A_177, %sign3A_184 : i32
      %rem3A = arith.remsi %scan3A_171, %jit3A : i32
      %ne3A_185 = arith.constant 0 : i32
      %ne3A_186 = arith.cmpi ne, %rem3A, %ne3A_185 : i32
      %and3A = arith.andi %ne3A, %ne3A_186 : i1
      %sub3A = arith.constant 1 : i32
      %sub3A_187 = arith.subi %div3A, %sub3A : i32
      %select_n3A = arith.select %and3A, %sub3A_187, %div3A : i32
      %add3A_188 = arith.constant 8 : i32
      %add3A_189 = arith.addi %add3A_188, %select_n3A : i32
      %jit3A_190 = arith.constant 8 : i32
      %eq3A = arith.constant 0 : i32
      %eq3A_191 = arith.cmpi eq, %jit3A_190, %eq3A : i32
      %jit3A_192 = arith.constant 1 : i32
      %select_n3A_193 = arith.select %eq3A_191, %jit3A_192, %jit3A_190 : i32
      %rem3A_194 = arith.remsi %scan3A_171, %select_n3A_193 : i32
      %ne3A_195 = arith.constant 0 : i32
      %ne3A_196 = arith.cmpi ne, %rem3A_194, %ne3A_195 : i32
      %lt3A = arith.constant 0 : i32
      %lt3A_197 = arith.cmpi slt, %rem3A_194, %lt3A : i32
      %lt3A_198 = arith.constant 0 : i32
      %lt3A_199 = arith.cmpi slt, %select_n3A_193, %lt3A_198 : i32
      %ne3A_200 = arith.xori %lt3A_197, %lt3A_199 : i1
      %and3A_201 = arith.andi %ne3A_200, %ne3A_196 : i1
      %add3A_202 = arith.addi %rem3A_194, %select_n3A_193 : i32
      %select_n3A_203 = arith.select %and3A_201, %add3A_202, %rem3A_194 : i32
      %mul3A_204 = arith.constant 16 : i32
      %mul3A_205 = arith.muli %select_n3A_203, %mul3A_204 : i32
      %jit3A_206 = arith.constant 8 : i32
      %div3A_207 = arith.divsi %scan3A_171, %jit3A_206 : i32
      %sign3A_208 = arith.constant 0 : i32
      %sign3A_209 = arith.cmpi sgt, %scan3A_171, %sign3A_208 : i32
      %sign3A_210 = arith.extui %sign3A_209 : i1 to i32
      %sign3A_211 = arith.constant 0 : i32
      %sign3A_212 = arith.cmpi slt, %scan3A_171, %sign3A_211 : i32
      %sign3A_213 = arith.extui %sign3A_212 : i1 to i32
      %sign3A_214 = arith.subi %sign3A_210, %sign3A_213 : i32
      %sign3A_215 = arith.constant 0 : i32
      %sign3A_216 = arith.cmpi sgt, %jit3A_206, %sign3A_215 : i32
      %sign3A_217 = arith.extui %sign3A_216 : i1 to i32
      %sign3A_218 = arith.constant 0 : i32
      %sign3A_219 = arith.cmpi slt, %jit3A_206, %sign3A_218 : i32
      %sign3A_220 = arith.extui %sign3A_219 : i1 to i32
      %sign3A_221 = arith.subi %sign3A_217, %sign3A_220 : i32
      %ne3A_222 = arith.cmpi ne, %sign3A_214, %sign3A_221 : i32
      %rem3A_223 = arith.remsi %scan3A_171, %jit3A_206 : i32
      %ne3A_224 = arith.constant 0 : i32
      %ne3A_225 = arith.cmpi ne, %rem3A_223, %ne3A_224 : i32
      %and3A_226 = arith.andi %ne3A_222, %ne3A_225 : i1
      %sub3A_227 = arith.constant 1 : i32
      %sub3A_228 = arith.subi %div3A_207, %sub3A_227 : i32
      %select_n3A_229 = arith.select %and3A_226, %sub3A_228, %div3A_207 : i32
      %broadcast_in_dim3A_230 = vector.broadcast %select_n3A_229 : i32 to vector<16xi32>
      %get3A = arith.index_cast %add3A_189 : i32 to index
      %get3A_231 = arith.index_cast %mul3A_205 : i32 to index
      %get3A_232 = tpu.vector_load %arg8[%get3A, %get3A_231] {strides = array<i32>} : memref<48x128xi32, #tpu.memory_space<vmem>>, vector<16xi32>,
      tpu.vector_store_idx %arg6[%broadcast_in_dim3A_230, %get3A_232], %broadcast_in_dim3A_5 : memref<8x4096xf32, #tpu.memory_space<vmem>>[vector<16xi32>, vector<16xi32>], vector<16xf32>,
    }
    %scan3A_84 = arith.constant 64 : i32
    %scan3A_85 = arith.constant 0 : i32
    %scan3A_86 = arith.constant 0 : i32
    %scan3A_87 = arith.constant 64 : i32
    %scan3A_88 = arith.addi %scan3A_86, %scan3A_87 : i32
    %scan3A_89 = arith.constant 1 : i32
    scf.for %scan3A_171 = %scan3A_86 to %scan3A_88 step %scan3A_89  : i32 {
      %jit3A = arith.constant 8 : i32
      %div3A = arith.divsi %scan3A_171, %jit3A : i32
      %sign3A = arith.constant 0 : i32
      %sign3A_172 = arith.cmpi sgt, %scan3A_171, %sign3A : i32
      %sign3A_173 = arith.extui %sign3A_172 : i1 to i32
      %sign3A_174 = arith.constant 0 : i32
      %sign3A_175 = arith.cmpi slt, %scan3A_171, %sign3A_174 : i32
      %sign3A_176 = arith.extui %sign3A_175 : i1 to i32
      %sign3A_177 = arith.subi %sign3A_173, %sign3A_176 : i32
      %sign3A_178 = arith.constant 0 : i32
      %sign3A_179 = arith.cmpi sgt, %jit3A, %sign3A_178 : i32
      %sign3A_180 = arith.extui %sign3A_179 : i1 to i32
      %sign3A_181 = arith.constant 0 : i32
      %sign3A_182 = arith.cmpi slt, %jit3A, %sign3A_181 : i32
      %sign3A_183 = arith.extui %sign3A_182 : i1 to i32
      %sign3A_184 = arith.subi %sign3A_180, %sign3A_183 : i32
      %ne3A = arith.cmpi ne, %sign3A_177, %sign3A_184 : i32
      %rem3A = arith.remsi %scan3A_171, %jit3A : i32
      %ne3A_185 = arith.constant 0 : i32
      %ne3A_186 = arith.cmpi ne, %rem3A, %ne3A_185 : i32
      %and3A = arith.andi %ne3A, %ne3A_186 : i1
      %sub3A = arith.constant 1 : i32
      %sub3A_187 = arith.subi %div3A, %sub3A : i32
      %select_n3A = arith.select %and3A, %sub3A_187, %div3A : i32
      %add3A_188 = arith.constant 24 : i32
      %add3A_189 = arith.addi %add3A_188, %select_n3A : i32
      %jit3A_190 = arith.constant 8 : i32
      %eq3A = arith.constant 0 : i32
      %eq3A_191 = arith.cmpi eq, %jit3A_190, %eq3A : i32
      %jit3A_192 = arith.constant 1 : i32
      %select_n3A_193 = arith.select %eq3A_191, %jit3A_192, %jit3A_190 : i32
      %rem3A_194 = arith.remsi %scan3A_171, %select_n3A_193 : i32
      %ne3A_195 = arith.constant 0 : i32
      %ne3A_196 = arith.cmpi ne, %rem3A_194, %ne3A_195 : i32
      %lt3A = arith.constant 0 : i32
      %lt3A_197 = arith.cmpi slt, %rem3A_194, %lt3A : i32
      %lt3A_198 = arith.constant 0 : i32
      %lt3A_199 = arith.cmpi slt, %select_n3A_193, %lt3A_198 : i32
      %ne3A_200 = arith.xori %lt3A_197, %lt3A_199 : i1
      %and3A_201 = arith.andi %ne3A_200, %ne3A_196 : i1
      %add3A_202 = arith.addi %rem3A_194, %select_n3A_193 : i32
      %select_n3A_203 = arith.select %and3A_201, %add3A_202, %rem3A_194 : i32
      %mul3A_204 = arith.constant 16 : i32
      %mul3A_205 = arith.muli %select_n3A_203, %mul3A_204 : i32
      %jit3A_206 = arith.constant 8 : i32
      %div3A_207 = arith.divsi %scan3A_171, %jit3A_206 : i32
      %sign3A_208 = arith.constant 0 : i32
      %sign3A_209 = arith.cmpi sgt, %scan3A_171, %sign3A_208 : i32
      %sign3A_210 = arith.extui %sign3A_209 : i1 to i32
      %sign3A_211 = arith.constant 0 : i32
      %sign3A_212 = arith.cmpi slt, %scan3A_171, %sign3A_211 : i32
      %sign3A_213 = arith.extui %sign3A_212 : i1 to i32
      %sign3A_214 = arith.subi %sign3A_210, %sign3A_213 : i32
      %sign3A_215 = arith.constant 0 : i32
      %sign3A_216 = arith.cmpi sgt, %jit3A_206, %sign3A_215 : i32
      %sign3A_217 = arith.extui %sign3A_216 : i1 to i32
      %sign3A_218 = arith.constant 0 : i32
      %sign3A_219 = arith.cmpi slt, %jit3A_206, %sign3A_218 : i32
      %sign3A_220 = arith.extui %sign3A_219 : i1 to i32
      %sign3A_221 = arith.subi %sign3A_217, %sign3A_220 : i32
      %ne3A_222 = arith.cmpi ne, %sign3A_214, %sign3A_221 : i32
      %rem3A_223 = arith.remsi %scan3A_171, %jit3A_206 : i32
      %ne3A_224 = arith.constant 0 : i32
      %ne3A_225 = arith.cmpi ne, %rem3A_223, %ne3A_224 : i32
      %and3A_226 = arith.andi %ne3A_222, %ne3A_225 : i1
      %sub3A_227 = arith.constant 1 : i32
      %sub3A_228 = arith.subi %div3A_207, %sub3A_227 : i32
      %select_n3A_229 = arith.select %and3A_226, %sub3A_228, %div3A_207 : i32
      %broadcast_in_dim3A_230 = vector.broadcast %select_n3A_229 : i32 to vector<16xi32>
      %get3A = arith.index_cast %add3A_189 : i32 to index
      %get3A_231 = arith.index_cast %mul3A_205 : i32 to index
      %get3A_232 = tpu.vector_load %arg8[%get3A, %get3A_231] {strides = array<i32>} : memref<48x128xi32, #tpu.memory_space<vmem>>, vector<16xi32>,
      %get3A_233 = arith.index_cast %add3A_189 : i32 to index
      %get3A_234 = arith.index_cast %mul3A_205 : i32 to index
      %get3A_235 = tpu.vector_load %arg7[%get3A_233, %get3A_234] {strides = array<i32>} : memref<48x128xf32, #tpu.memory_space<vmem>>, vector<16xf32>,
      tpu.vector_store_idx %arg6[%broadcast_in_dim3A_230, %get3A_232], %get3A_235 {add = true} : memref<8x4096xf32, #tpu.memory_space<vmem>>[vector<16xi32>, vector<16xi32>], vector<16xf32>,
    }
    %scan3A_90 = arith.constant 64 : i32
    %mul3A_91 = arith.constant 48 : i32
    %mul3A_92 = arith.muli %add3A, %mul3A_91 : i32
    %add3A_93 = arith.constant 24 : i32
    %add3A_94 = arith.addi %mul3A_92, %add3A_93 : i32
    %dma_start3A_95 = arith.constant 0 : i32
    %dma_start3A_96 = tpu.memref_slice %arg4[%add3A_94, %dma_start3A_95] : memref<1536x4096xf32, #tpu.memory_space<hbm>> -> memref<8x4096xf32, #tpu.memory_space<hbm>>
    %dma_start3A_97 = arith.constant 0 : i32
    %dma_start3A_98 = tpu.memref_slice %arg4[%add3A_94, %dma_start3A_97] : memref<1536x4096xf32, #tpu.memory_space<hbm>> -> memref<8x4096xf32, #tpu.memory_space<hbm>>
    tpu.enqueue_dma source(%arg6 : memref<8x4096xf32, #tpu.memory_space<vmem>>) target(%dma_start3A_98 : memref<8x4096xf32, #tpu.memory_space<hbm>>) target_semaphore(%arg10 : memref<!tpu.dma_semaphore, #tpu.memory_space<semaphore_mem>>)
    %mul3A_99 = arith.constant 48 : i32
    %mul3A_100 = arith.muli %add3A, %mul3A_99 : i32
    %add3A_101 = arith.constant 16 : i32
    %add3A_102 = arith.addi %mul3A_100, %add3A_101 : i32
    %dma_wait3A_103 = arith.constant 0 : i32
    %dma_wait3A_104 = tpu.memref_slice %arg4[%add3A_102, %dma_wait3A_103] : memref<1536x4096xf32, #tpu.memory_space<hbm>> -> memref<8x4096xf32, #tpu.memory_space<hbm>>
    %dma_wait3A_105 = arith.constant 0 : i32
    %dma_wait3A_106 = tpu.memref_slice %arg4[%add3A_102, %dma_wait3A_105] : memref<1536x4096xf32, #tpu.memory_space<hbm>> -> memref<8x4096xf32, #tpu.memory_space<hbm>>
    tpu.wait_dma2 semaphore(%arg9 : memref<!tpu.dma_semaphore, #tpu.memory_space<semaphore_mem>>) src(%arg5 : memref<8x4096xf32, #tpu.memory_space<vmem>>) dst(%dma_wait3A_106 : memref<8x4096xf32, #tpu.memory_space<hbm>>)
    %scan3A_107 = arith.constant 0 : i32
    %scan3A_108 = arith.constant 0 : i32
    %scan3A_109 = arith.constant 64 : i32
    %scan3A_110 = arith.addi %scan3A_108, %scan3A_109 : i32
    %scan3A_111 = arith.constant 1 : i32
    scf.for %scan3A_171 = %scan3A_108 to %scan3A_110 step %scan3A_111  : i32 {
      %jit3A = arith.constant 8 : i32
      %div3A = arith.divsi %scan3A_171, %jit3A : i32
      %sign3A = arith.constant 0 : i32
      %sign3A_172 = arith.cmpi sgt, %scan3A_171, %sign3A : i32
      %sign3A_173 = arith.extui %sign3A_172 : i1 to i32
      %sign3A_174 = arith.constant 0 : i32
      %sign3A_175 = arith.cmpi slt, %scan3A_171, %sign3A_174 : i32
      %sign3A_176 = arith.extui %sign3A_175 : i1 to i32
      %sign3A_177 = arith.subi %sign3A_173, %sign3A_176 : i32
      %sign3A_178 = arith.constant 0 : i32
      %sign3A_179 = arith.cmpi sgt, %jit3A, %sign3A_178 : i32
      %sign3A_180 = arith.extui %sign3A_179 : i1 to i32
      %sign3A_181 = arith.constant 0 : i32
      %sign3A_182 = arith.cmpi slt, %jit3A, %sign3A_181 : i32
      %sign3A_183 = arith.extui %sign3A_182 : i1 to i32
      %sign3A_184 = arith.subi %sign3A_180, %sign3A_183 : i32
      %ne3A = arith.cmpi ne, %sign3A_177, %sign3A_184 : i32
      %rem3A = arith.remsi %scan3A_171, %jit3A : i32
      %ne3A_185 = arith.constant 0 : i32
      %ne3A_186 = arith.cmpi ne, %rem3A, %ne3A_185 : i32
      %and3A = arith.andi %ne3A, %ne3A_186 : i1
      %sub3A = arith.constant 1 : i32
      %sub3A_187 = arith.subi %div3A, %sub3A : i32
      %select_n3A = arith.select %and3A, %sub3A_187, %div3A : i32
      %add3A_188 = arith.constant 16 : i32
      %add3A_189 = arith.addi %add3A_188, %select_n3A : i32
      %jit3A_190 = arith.constant 8 : i32
      %eq3A = arith.constant 0 : i32
      %eq3A_191 = arith.cmpi eq, %jit3A_190, %eq3A : i32
      %jit3A_192 = arith.constant 1 : i32
      %select_n3A_193 = arith.select %eq3A_191, %jit3A_192, %jit3A_190 : i32
      %rem3A_194 = arith.remsi %scan3A_171, %select_n3A_193 : i32
      %ne3A_195 = arith.constant 0 : i32
      %ne3A_196 = arith.cmpi ne, %rem3A_194, %ne3A_195 : i32
      %lt3A = arith.constant 0 : i32
      %lt3A_197 = arith.cmpi slt, %rem3A_194, %lt3A : i32
      %lt3A_198 = arith.constant 0 : i32
      %lt3A_199 = arith.cmpi slt, %select_n3A_193, %lt3A_198 : i32
      %ne3A_200 = arith.xori %lt3A_197, %lt3A_199 : i1
      %and3A_201 = arith.andi %ne3A_200, %ne3A_196 : i1
      %add3A_202 = arith.addi %rem3A_194, %select_n3A_193 : i32
      %select_n3A_203 = arith.select %and3A_201, %add3A_202, %rem3A_194 : i32
      %mul3A_204 = arith.constant 16 : i32
      %mul3A_205 = arith.muli %select_n3A_203, %mul3A_204 : i32
      %jit3A_206 = arith.constant 8 : i32
      %div3A_207 = arith.divsi %scan3A_171, %jit3A_206 : i32
      %sign3A_208 = arith.constant 0 : i32
      %sign3A_209 = arith.cmpi sgt, %scan3A_171, %sign3A_208 : i32
      %sign3A_210 = arith.extui %sign3A_209 : i1 to i32
      %sign3A_211 = arith.constant 0 : i32
      %sign3A_212 = arith.cmpi slt, %scan3A_171, %sign3A_211 : i32
      %sign3A_213 = arith.extui %sign3A_212 : i1 to i32
      %sign3A_214 = arith.subi %sign3A_210, %sign3A_213 : i32
      %sign3A_215 = arith.constant 0 : i32
      %sign3A_216 = arith.cmpi sgt, %jit3A_206, %sign3A_215 : i32
      %sign3A_217 = arith.extui %sign3A_216 : i1 to i32
      %sign3A_218 = arith.constant 0 : i32
      %sign3A_219 = arith.cmpi slt, %jit3A_206, %sign3A_218 : i32
      %sign3A_220 = arith.extui %sign3A_219 : i1 to i32
      %sign3A_221 = arith.subi %sign3A_217, %sign3A_220 : i32
      %ne3A_222 = arith.cmpi ne, %sign3A_214, %sign3A_221 : i32
      %rem3A_223 = arith.remsi %scan3A_171, %jit3A_206 : i32
      %ne3A_224 = arith.constant 0 : i32
      %ne3A_225 = arith.cmpi ne, %rem3A_223, %ne3A_224 : i32
      %and3A_226 = arith.andi %ne3A_222, %ne3A_225 : i1
      %sub3A_227 = arith.constant 1 : i32
      %sub3A_228 = arith.subi %div3A_207, %sub3A_227 : i32
      %select_n3A_229 = arith.select %and3A_226, %sub3A_228, %div3A_207 : i32
      %broadcast_in_dim3A_230 = vector.broadcast %select_n3A_229 : i32 to vector<16xi32>
      %get3A = arith.index_cast %add3A_189 : i32 to index
      %get3A_231 = arith.index_cast %mul3A_205 : i32 to index
      %get3A_232 = tpu.vector_load %arg8[%get3A, %get3A_231] {strides = array<i32>} : memref<48x128xi32, #tpu.memory_space<vmem>>, vector<16xi32>,
      tpu.vector_store_idx %arg5[%broadcast_in_dim3A_230, %get3A_232], %broadcast_in_dim3A_5 : memref<8x4096xf32, #tpu.memory_space<vmem>>[vector<16xi32>, vector<16xi32>], vector<16xf32>,
    }
    %scan3A_112 = arith.constant 64 : i32
    %scan3A_113 = arith.constant 0 : i32
    %scan3A_114 = arith.constant 0 : i32
    %scan3A_115 = arith.constant 64 : i32
    %scan3A_116 = arith.addi %scan3A_114, %scan3A_115 : i32
    %scan3A_117 = arith.constant 1 : i32
    scf.for %scan3A_171 = %scan3A_114 to %scan3A_116 step %scan3A_117  : i32 {
      %jit3A = arith.constant 8 : i32
      %div3A = arith.divsi %scan3A_171, %jit3A : i32
      %sign3A = arith.constant 0 : i32
      %sign3A_172 = arith.cmpi sgt, %scan3A_171, %sign3A : i32
      %sign3A_173 = arith.extui %sign3A_172 : i1 to i32
      %sign3A_174 = arith.constant 0 : i32
      %sign3A_175 = arith.cmpi slt, %scan3A_171, %sign3A_174 : i32
      %sign3A_176 = arith.extui %sign3A_175 : i1 to i32
      %sign3A_177 = arith.subi %sign3A_173, %sign3A_176 : i32
      %sign3A_178 = arith.constant 0 : i32
      %sign3A_179 = arith.cmpi sgt, %jit3A, %sign3A_178 : i32
      %sign3A_180 = arith.extui %sign3A_179 : i1 to i32
      %sign3A_181 = arith.constant 0 : i32
      %sign3A_182 = arith.cmpi slt, %jit3A, %sign3A_181 : i32
      %sign3A_183 = arith.extui %sign3A_182 : i1 to i32
      %sign3A_184 = arith.subi %sign3A_180, %sign3A_183 : i32
      %ne3A = arith.cmpi ne, %sign3A_177, %sign3A_184 : i32
      %rem3A = arith.remsi %scan3A_171, %jit3A : i32
      %ne3A_185 = arith.constant 0 : i32
      %ne3A_186 = arith.cmpi ne, %rem3A, %ne3A_185 : i32
      %and3A = arith.andi %ne3A, %ne3A_186 : i1
      %sub3A = arith.constant 1 : i32
      %sub3A_187 = arith.subi %div3A, %sub3A : i32
      %select_n3A = arith.select %and3A, %sub3A_187, %div3A : i32
      %add3A_188 = arith.constant 32 : i32
      %add3A_189 = arith.addi %add3A_188, %select_n3A : i32
      %jit3A_190 = arith.constant 8 : i32
      %eq3A = arith.constant 0 : i32
      %eq3A_191 = arith.cmpi eq, %jit3A_190, %eq3A : i32
      %jit3A_192 = arith.constant 1 : i32
      %select_n3A_193 = arith.select %eq3A_191, %jit3A_192, %jit3A_190 : i32
      %rem3A_194 = arith.remsi %scan3A_171, %select_n3A_193 : i32
      %ne3A_195 = arith.constant 0 : i32
      %ne3A_196 = arith.cmpi ne, %rem3A_194, %ne3A_195 : i32
      %lt3A = arith.constant 0 : i32
      %lt3A_197 = arith.cmpi slt, %rem3A_194, %lt3A : i32
      %lt3A_198 = arith.constant 0 : i32
      %lt3A_199 = arith.cmpi slt, %select_n3A_193, %lt3A_198 : i32
      %ne3A_200 = arith.xori %lt3A_197, %lt3A_199 : i1
      %and3A_201 = arith.andi %ne3A_200, %ne3A_196 : i1
      %add3A_202 = arith.addi %rem3A_194, %select_n3A_193 : i32
      %select_n3A_203 = arith.select %and3A_201, %add3A_202, %rem3A_194 : i32
      %mul3A_204 = arith.constant 16 : i32
      %mul3A_205 = arith.muli %select_n3A_203, %mul3A_204 : i32
      %jit3A_206 = arith.constant 8 : i32
      %div3A_207 = arith.divsi %scan3A_171, %jit3A_206 : i32
      %sign3A_208 = arith.constant 0 : i32
      %sign3A_209 = arith.cmpi sgt, %scan3A_171, %sign3A_208 : i32
      %sign3A_210 = arith.extui %sign3A_209 : i1 to i32
      %sign3A_211 = arith.constant 0 : i32
      %sign3A_212 = arith.cmpi slt, %scan3A_171, %sign3A_211 : i32
      %sign3A_213 = arith.extui %sign3A_212 : i1 to i32
      %sign3A_214 = arith.subi %sign3A_210, %sign3A_213 : i32
      %sign3A_215 = arith.constant 0 : i32
      %sign3A_216 = arith.cmpi sgt, %jit3A_206, %sign3A_215 : i32
      %sign3A_217 = arith.extui %sign3A_216 : i1 to i32
      %sign3A_218 = arith.constant 0 : i32
      %sign3A_219 = arith.cmpi slt, %jit3A_206, %sign3A_218 : i32
      %sign3A_220 = arith.extui %sign3A_219 : i1 to i32
      %sign3A_221 = arith.subi %sign3A_217, %sign3A_220 : i32
      %ne3A_222 = arith.cmpi ne, %sign3A_214, %sign3A_221 : i32
      %rem3A_223 = arith.remsi %scan3A_171, %jit3A_206 : i32
      %ne3A_224 = arith.constant 0 : i32
      %ne3A_225 = arith.cmpi ne, %rem3A_223, %ne3A_224 : i32
      %and3A_226 = arith.andi %ne3A_222, %ne3A_225 : i1
      %sub3A_227 = arith.constant 1 : i32
      %sub3A_228 = arith.subi %div3A_207, %sub3A_227 : i32
      %select_n3A_229 = arith.select %and3A_226, %sub3A_228, %div3A_207 : i32
      %broadcast_in_dim3A_230 = vector.broadcast %select_n3A_229 : i32 to vector<16xi32>
      %get3A = arith.index_cast %add3A_189 : i32 to index
      %get3A_231 = arith.index_cast %mul3A_205 : i32 to index
      %get3A_232 = tpu.vector_load %arg8[%get3A, %get3A_231] {strides = array<i32>} : memref<48x128xi32, #tpu.memory_space<vmem>>, vector<16xi32>,
      %get3A_233 = arith.index_cast %add3A_189 : i32 to index
      %get3A_234 = arith.index_cast %mul3A_205 : i32 to index
      %get3A_235 = tpu.vector_load %arg7[%get3A_233, %get3A_234] {strides = array<i32>} : memref<48x128xf32, #tpu.memory_space<vmem>>, vector<16xf32>,
      tpu.vector_store_idx %arg5[%broadcast_in_dim3A_230, %get3A_232], %get3A_235 {add = true} : memref<8x4096xf32, #tpu.memory_space<vmem>>[vector<16xi32>, vector<16xi32>], vector<16xf32>,
    }
    %scan3A_118 = arith.constant 64 : i32
    %mul3A_119 = arith.constant 48 : i32
    %mul3A_120 = arith.muli %add3A, %mul3A_119 : i32
    %add3A_121 = arith.constant 32 : i32
    %add3A_122 = arith.addi %mul3A_120, %add3A_121 : i32
    %dma_start3A_123 = arith.constant 0 : i32
    %dma_start3A_124 = tpu.memref_slice %arg4[%add3A_122, %dma_start3A_123] : memref<1536x4096xf32, #tpu.memory_space<hbm>> -> memref<8x4096xf32, #tpu.memory_space<hbm>>
    %dma_start3A_125 = arith.constant 0 : i32
    %dma_start3A_126 = tpu.memref_slice %arg4[%add3A_122, %dma_start3A_125] : memref<1536x4096xf32, #tpu.memory_space<hbm>> -> memref<8x4096xf32, #tpu.memory_space<hbm>>
    tpu.enqueue_dma source(%arg5 : memref<8x4096xf32, #tpu.memory_space<vmem>>) target(%dma_start3A_126 : memref<8x4096xf32, #tpu.memory_space<hbm>>) target_semaphore(%arg9 : memref<!tpu.dma_semaphore, #tpu.memory_space<semaphore_mem>>)
    %mul3A_127 = arith.constant 48 : i32
    %mul3A_128 = arith.muli %add3A, %mul3A_127 : i32
    %add3A_129 = arith.constant 24 : i32
    %add3A_130 = arith.addi %mul3A_128, %add3A_129 : i32
    %dma_wait3A_131 = arith.constant 0 : i32
    %dma_wait3A_132 = tpu.memref_slice %arg4[%add3A_130, %dma_wait3A_131] : memref<1536x4096xf32, #tpu.memory_space<hbm>> -> memref<8x4096xf32, #tpu.memory_space<hbm>>
    %dma_wait3A_133 = arith.constant 0 : i32
    %dma_wait3A_134 = tpu.memref_slice %arg4[%add3A_130, %dma_wait3A_133] : memref<1536x4096xf32, #tpu.memory_space<hbm>> -> memref<8x4096xf32, #tpu.memory_space<hbm>>
    tpu.wait_dma2 semaphore(%arg10 : memref<!tpu.dma_semaphore, #tpu.memory_space<semaphore_mem>>) src(%arg6 : memref<8x4096xf32, #tpu.memory_space<vmem>>) dst(%dma_wait3A_134 : memref<8x4096xf32, #tpu.memory_space<hbm>>)
    %scan3A_135 = arith.constant 0 : i32
    %scan3A_136 = arith.constant 0 : i32
    %scan3A_137 = arith.constant 64 : i32
    %scan3A_138 = arith.addi %scan3A_136, %scan3A_137 : i32
    %scan3A_139 = arith.constant 1 : i32
    scf.for %scan3A_171 = %scan3A_136 to %scan3A_138 step %scan3A_139  : i32 {
      %jit3A = arith.constant 8 : i32
      %div3A = arith.divsi %scan3A_171, %jit3A : i32
      %sign3A = arith.constant 0 : i32
      %sign3A_172 = arith.cmpi sgt, %scan3A_171, %sign3A : i32
      %sign3A_173 = arith.extui %sign3A_172 : i1 to i32
      %sign3A_174 = arith.constant 0 : i32
      %sign3A_175 = arith.cmpi slt, %scan3A_171, %sign3A_174 : i32
      %sign3A_176 = arith.extui %sign3A_175 : i1 to i32
      %sign3A_177 = arith.subi %sign3A_173, %sign3A_176 : i32
      %sign3A_178 = arith.constant 0 : i32
      %sign3A_179 = arith.cmpi sgt, %jit3A, %sign3A_178 : i32
      %sign3A_180 = arith.extui %sign3A_179 : i1 to i32
      %sign3A_181 = arith.constant 0 : i32
      %sign3A_182 = arith.cmpi slt, %jit3A, %sign3A_181 : i32
      %sign3A_183 = arith.extui %sign3A_182 : i1 to i32
      %sign3A_184 = arith.subi %sign3A_180, %sign3A_183 : i32
      %ne3A = arith.cmpi ne, %sign3A_177, %sign3A_184 : i32
      %rem3A = arith.remsi %scan3A_171, %jit3A : i32
      %ne3A_185 = arith.constant 0 : i32
      %ne3A_186 = arith.cmpi ne, %rem3A, %ne3A_185 : i32
      %and3A = arith.andi %ne3A, %ne3A_186 : i1
      %sub3A = arith.constant 1 : i32
      %sub3A_187 = arith.subi %div3A, %sub3A : i32
      %select_n3A = arith.select %and3A, %sub3A_187, %div3A : i32
      %add3A_188 = arith.constant 24 : i32
      %add3A_189 = arith.addi %add3A_188, %select_n3A : i32
      %jit3A_190 = arith.constant 8 : i32
      %eq3A = arith.constant 0 : i32
      %eq3A_191 = arith.cmpi eq, %jit3A_190, %eq3A : i32
      %jit3A_192 = arith.constant 1 : i32
      %select_n3A_193 = arith.select %eq3A_191, %jit3A_192, %jit3A_190 : i32
      %rem3A_194 = arith.remsi %scan3A_171, %select_n3A_193 : i32
      %ne3A_195 = arith.constant 0 : i32
      %ne3A_196 = arith.cmpi ne, %rem3A_194, %ne3A_195 : i32
      %lt3A = arith.constant 0 : i32
      %lt3A_197 = arith.cmpi slt, %rem3A_194, %lt3A : i32
      %lt3A_198 = arith.constant 0 : i32
      %lt3A_199 = arith.cmpi slt, %select_n3A_193, %lt3A_198 : i32
      %ne3A_200 = arith.xori %lt3A_197, %lt3A_199 : i1
      %and3A_201 = arith.andi %ne3A_200, %ne3A_196 : i1
      %add3A_202 = arith.addi %rem3A_194, %select_n3A_193 : i32
      %select_n3A_203 = arith.select %and3A_201, %add3A_202, %rem3A_194 : i32
      %mul3A_204 = arith.constant 16 : i32
      %mul3A_205 = arith.muli %select_n3A_203, %mul3A_204 : i32
      %jit3A_206 = arith.constant 8 : i32
      %div3A_207 = arith.divsi %scan3A_171, %jit3A_206 : i32
      %sign3A_208 = arith.constant 0 : i32
      %sign3A_209 = arith.cmpi sgt, %scan3A_171, %sign3A_208 : i32
      %sign3A_210 = arith.extui %sign3A_209 : i1 to i32
      %sign3A_211 = arith.constant 0 : i32
      %sign3A_212 = arith.cmpi slt, %scan3A_171, %sign3A_211 : i32
      %sign3A_213 = arith.extui %sign3A_212 : i1 to i32
      %sign3A_214 = arith.subi %sign3A_210, %sign3A_213 : i32
      %sign3A_215 = arith.constant 0 : i32
      %sign3A_216 = arith.cmpi sgt, %jit3A_206, %sign3A_215 : i32
      %sign3A_217 = arith.extui %sign3A_216 : i1 to i32
      %sign3A_218 = arith.constant 0 : i32
      %sign3A_219 = arith.cmpi slt, %jit3A_206, %sign3A_218 : i32
      %sign3A_220 = arith.extui %sign3A_219 : i1 to i32
      %sign3A_221 = arith.subi %sign3A_217, %sign3A_220 : i32
      %ne3A_222 = arith.cmpi ne, %sign3A_214, %sign3A_221 : i32
      %rem3A_223 = arith.remsi %scan3A_171, %jit3A_206 : i32
      %ne3A_224 = arith.constant 0 : i32
      %ne3A_225 = arith.cmpi ne, %rem3A_223, %ne3A_224 : i32
      %and3A_226 = arith.andi %ne3A_222, %ne3A_225 : i1
      %sub3A_227 = arith.constant 1 : i32
      %sub3A_228 = arith.subi %div3A_207, %sub3A_227 : i32
      %select_n3A_229 = arith.select %and3A_226, %sub3A_228, %div3A_207 : i32
      %broadcast_in_dim3A_230 = vector.broadcast %select_n3A_229 : i32 to vector<16xi32>
      %get3A = arith.index_cast %add3A_189 : i32 to index
      %get3A_231 = arith.index_cast %mul3A_205 : i32 to index
      %get3A_232 = tpu.vector_load %arg8[%get3A, %get3A_231] {strides = array<i32>} : memref<48x128xi32, #tpu.memory_space<vmem>>, vector<16xi32>,
      tpu.vector_store_idx %arg6[%broadcast_in_dim3A_230, %get3A_232], %broadcast_in_dim3A_5 : memref<8x4096xf32, #tpu.memory_space<vmem>>[vector<16xi32>, vector<16xi32>], vector<16xf32>,
    }
    %scan3A_140 = arith.constant 64 : i32
    %scan3A_141 = arith.constant 0 : i32
    %scan3A_142 = arith.constant 0 : i32
    %scan3A_143 = arith.constant 64 : i32
    %scan3A_144 = arith.addi %scan3A_142, %scan3A_143 : i32
    %scan3A_145 = arith.constant 1 : i32
    scf.for %scan3A_171 = %scan3A_142 to %scan3A_144 step %scan3A_145  : i32 {
      %jit3A = arith.constant 8 : i32
      %div3A = arith.divsi %scan3A_171, %jit3A : i32
      %sign3A = arith.constant 0 : i32
      %sign3A_172 = arith.cmpi sgt, %scan3A_171, %sign3A : i32
      %sign3A_173 = arith.extui %sign3A_172 : i1 to i32
      %sign3A_174 = arith.constant 0 : i32
      %sign3A_175 = arith.cmpi slt, %scan3A_171, %sign3A_174 : i32
      %sign3A_176 = arith.extui %sign3A_175 : i1 to i32
      %sign3A_177 = arith.subi %sign3A_173, %sign3A_176 : i32
      %sign3A_178 = arith.constant 0 : i32
      %sign3A_179 = arith.cmpi sgt, %jit3A, %sign3A_178 : i32
      %sign3A_180 = arith.extui %sign3A_179 : i1 to i32
      %sign3A_181 = arith.constant 0 : i32
      %sign3A_182 = arith.cmpi slt, %jit3A, %sign3A_181 : i32
      %sign3A_183 = arith.extui %sign3A_182 : i1 to i32
      %sign3A_184 = arith.subi %sign3A_180, %sign3A_183 : i32
      %ne3A = arith.cmpi ne, %sign3A_177, %sign3A_184 : i32
      %rem3A = arith.remsi %scan3A_171, %jit3A : i32
      %ne3A_185 = arith.constant 0 : i32
      %ne3A_186 = arith.cmpi ne, %rem3A, %ne3A_185 : i32
      %and3A = arith.andi %ne3A, %ne3A_186 : i1
      %sub3A = arith.constant 1 : i32
      %sub3A_187 = arith.subi %div3A, %sub3A : i32
      %select_n3A = arith.select %and3A, %sub3A_187, %div3A : i32
      %add3A_188 = arith.constant 40 : i32
      %add3A_189 = arith.addi %add3A_188, %select_n3A : i32
      %jit3A_190 = arith.constant 8 : i32
      %eq3A = arith.constant 0 : i32
      %eq3A_191 = arith.cmpi eq, %jit3A_190, %eq3A : i32
      %jit3A_192 = arith.constant 1 : i32
      %select_n3A_193 = arith.select %eq3A_191, %jit3A_192, %jit3A_190 : i32
      %rem3A_194 = arith.remsi %scan3A_171, %select_n3A_193 : i32
      %ne3A_195 = arith.constant 0 : i32
      %ne3A_196 = arith.cmpi ne, %rem3A_194, %ne3A_195 : i32
      %lt3A = arith.constant 0 : i32
      %lt3A_197 = arith.cmpi slt, %rem3A_194, %lt3A : i32
      %lt3A_198 = arith.constant 0 : i32
      %lt3A_199 = arith.cmpi slt, %select_n3A_193, %lt3A_198 : i32
      %ne3A_200 = arith.xori %lt3A_197, %lt3A_199 : i1
      %and3A_201 = arith.andi %ne3A_200, %ne3A_196 : i1
      %add3A_202 = arith.addi %rem3A_194, %select_n3A_193 : i32
      %select_n3A_203 = arith.select %and3A_201, %add3A_202, %rem3A_194 : i32
      %mul3A_204 = arith.constant 16 : i32
      %mul3A_205 = arith.muli %select_n3A_203, %mul3A_204 : i32
      %jit3A_206 = arith.constant 8 : i32
      %div3A_207 = arith.divsi %scan3A_171, %jit3A_206 : i32
      %sign3A_208 = arith.constant 0 : i32
      %sign3A_209 = arith.cmpi sgt, %scan3A_171, %sign3A_208 : i32
      %sign3A_210 = arith.extui %sign3A_209 : i1 to i32
      %sign3A_211 = arith.constant 0 : i32
      %sign3A_212 = arith.cmpi slt, %scan3A_171, %sign3A_211 : i32
      %sign3A_213 = arith.extui %sign3A_212 : i1 to i32
      %sign3A_214 = arith.subi %sign3A_210, %sign3A_213 : i32
      %sign3A_215 = arith.constant 0 : i32
      %sign3A_216 = arith.cmpi sgt, %jit3A_206, %sign3A_215 : i32
      %sign3A_217 = arith.extui %sign3A_216 : i1 to i32
      %sign3A_218 = arith.constant 0 : i32
      %sign3A_219 = arith.cmpi slt, %jit3A_206, %sign3A_218 : i32
      %sign3A_220 = arith.extui %sign3A_219 : i1 to i32
      %sign3A_221 = arith.subi %sign3A_217, %sign3A_220 : i32
      %ne3A_222 = arith.cmpi ne, %sign3A_214, %sign3A_221 : i32
      %rem3A_223 = arith.remsi %scan3A_171, %jit3A_206 : i32
      %ne3A_224 = arith.constant 0 : i32
      %ne3A_225 = arith.cmpi ne, %rem3A_223, %ne3A_224 : i32
      %and3A_226 = arith.andi %ne3A_222, %ne3A_225 : i1
      %sub3A_227 = arith.constant 1 : i32
      %sub3A_228 = arith.subi %div3A_207, %sub3A_227 : i32
      %select_n3A_229 = arith.select %and3A_226, %sub3A_228, %div3A_207 : i32
      %broadcast_in_dim3A_230 = vector.broadcast %select_n3A_229 : i32 to vector<16xi32>
      %get3A = arith.index_cast %add3A_189 : i32 to index
      %get3A_231 = arith.index_cast %mul3A_205 : i32 to index
      %get3A_232 = tpu.vector_load %arg8[%get3A, %get3A_231] {strides = array<i32>} : memref<48x128xi32, #tpu.memory_space<vmem>>, vector<16xi32>,
      %get3A_233 = arith.index_cast %add3A_189 : i32 to index
      %get3A_234 = arith.index_cast %mul3A_205 : i32 to index
      %get3A_235 = tpu.vector_load %arg7[%get3A_233, %get3A_234] {strides = array<i32>} : memref<48x128xf32, #tpu.memory_space<vmem>>, vector<16xf32>,
      tpu.vector_store_idx %arg6[%broadcast_in_dim3A_230, %get3A_232], %get3A_235 {add = true} : memref<8x4096xf32, #tpu.memory_space<vmem>>[vector<16xi32>, vector<16xi32>], vector<16xf32>,
    }
    %scan3A_146 = arith.constant 64 : i32
    %mul3A_147 = arith.constant 48 : i32
    %mul3A_148 = arith.muli %add3A, %mul3A_147 : i32
    %add3A_149 = arith.constant 40 : i32
    %add3A_150 = arith.addi %mul3A_148, %add3A_149 : i32
    %dma_start3A_151 = arith.constant 0 : i32
    %dma_start3A_152 = tpu.memref_slice %arg4[%add3A_150, %dma_start3A_151] : memref<1536x4096xf32, #tpu.memory_space<hbm>> -> memref<8x4096xf32, #tpu.memory_space<hbm>>
    %dma_start3A_153 = arith.constant 0 : i32
    %dma_start3A_154 = tpu.memref_slice %arg4[%add3A_150, %dma_start3A_153] : memref<1536x4096xf32, #tpu.memory_space<hbm>> -> memref<8x4096xf32, #tpu.memory_space<hbm>>
    tpu.enqueue_dma source(%arg6 : memref<8x4096xf32, #tpu.memory_space<vmem>>) target(%dma_start3A_154 : memref<8x4096xf32, #tpu.memory_space<hbm>>) target_semaphore(%arg10 : memref<!tpu.dma_semaphore, #tpu.memory_space<semaphore_mem>>)
    %mul3A_155 = arith.constant 48 : i32
    %mul3A_156 = arith.muli %add3A, %mul3A_155 : i32
    %add3A_157 = arith.constant 32 : i32
    %add3A_158 = arith.addi %mul3A_156, %add3A_157 : i32
    %dma_wait3A_159 = arith.constant 0 : i32
    %dma_wait3A_160 = tpu.memref_slice %arg4[%add3A_158, %dma_wait3A_159] : memref<1536x4096xf32, #tpu.memory_space<hbm>> -> memref<8x4096xf32, #tpu.memory_space<hbm>>
    %dma_wait3A_161 = arith.constant 0 : i32
    %dma_wait3A_162 = tpu.memref_slice %arg4[%add3A_158, %dma_wait3A_161] : memref<1536x4096xf32, #tpu.memory_space<hbm>> -> memref<8x4096xf32, #tpu.memory_space<hbm>>
    tpu.wait_dma2 semaphore(%arg9 : memref<!tpu.dma_semaphore, #tpu.memory_space<semaphore_mem>>) src(%arg5 : memref<8x4096xf32, #tpu.memory_space<vmem>>) dst(%dma_wait3A_162 : memref<8x4096xf32, #tpu.memory_space<hbm>>)
    %mul3A_163 = arith.constant 48 : i32
    %mul3A_164 = arith.muli %add3A, %mul3A_163 : i32
    %add3A_165 = arith.constant 40 : i32
    %add3A_166 = arith.addi %mul3A_164, %add3A_165 : i32
    %dma_wait3A_167 = arith.constant 0 : i32
    %dma_wait3A_168 = tpu.memref_slice %arg4[%add3A_166, %dma_wait3A_167] : memref<1536x4096xf32, #tpu.memory_space<hbm>> -> memref<8x4096xf32, #tpu.memory_space<hbm>>
    %dma_wait3A_169 = arith.constant 0 : i32
    %dma_wait3A_170 = tpu.memref_slice %arg4[%add3A_166, %dma_wait3A_169] : memref<1536x4096xf32, #tpu.memory_space<hbm>> -> memref<8x4096xf32, #tpu.memory_space<hbm>>
    tpu.wait_dma2 semaphore(%arg10 : memref<!tpu.dma_semaphore, #tpu.memory_space<semaphore_mem>>) src(%arg6 : memref<8x4096xf32, #tpu.memory_space<vmem>>) dst(%dma_wait3A_170 : memref<8x4096xf32, #tpu.memory_space<hbm>>)
    return
  }
}

module attributes {stable_mosaic.version = 14 : i64} {
  func.func @_matmul_first_body(%arg0: i32, %arg1: memref<2048x4096xbf16, #tpu.memory_space<vmem>>, %arg2: memref<256x4096xf32, #tpu.memory_space<vmem>>, %arg3: memref<256xf32, #tpu.memory_space<vmem>>, %arg4: memref<2048x256xf32, #tpu.memory_space<vmem>>) attributes {dimension_semantics = [#tpu.dimension_semantics<arbitrary>], iteration_bounds = array<i64: 6>, scalar_prefetch = 0 : i64, scratch_operands = 0 : i64, tpu.core_type = #tpu.core_type<tc>, window_params = [{pipeline_mode = #tpu.pipeline_mode<synchronous>, transform_indices = @transform_0, window_bounds = array<i64: 2048, 4096>}, {transform_indices = @transform_1, window_bounds = array<i64: 256, 4096>}, {transform_indices = @transform_2, window_bounds = array<i64: 256>}, {transform_indices = @transform_3, window_bounds = array<i64: 2048, 256>}]} {
    %get3A = arith.constant 0 : index
    %get3A_0 = arith.constant 0 : index
    %get3A_1 = vector.load %arg1[%get3A, %get3A_0] : memref<2048x4096xbf16, #tpu.memory_space<vmem>>, vector<2048x4096xbf16>
    %get3A_2 = arith.constant 0 : index
    %get3A_3 = arith.constant 0 : index
    %get3A_4 = vector.load %arg2[%get3A_2, %get3A_3] : memref<256x4096xf32, #tpu.memory_space<vmem>>, vector<256x4096xf32>
    %convert_element_type3A = arith.truncf %get3A_4 : vector<256x4096xf32> to vector<256x4096xbf16>
    %dot_general3A = arith.constant dense<0.000000e+00> : vector<2048x256xf32>
    %dot_general3A_5 = tpu.matmul %get3A_1, %convert_element_type3A, %dot_general3A {dimension_numbers = #tpu.dot_dimension_numbers<[1], [1], [0], [0], [0, 0, 1, 0], [], []>, transpose_lhs_hint = false} : vector<2048x4096xbf16>, vector<256x4096xbf16>, vector<2048x256xf32> -> vector<2048x256xf32>
    %get3A_6 = arith.constant 0 : index
    %get3A_7 = vector.load %arg3[%get3A_6] : memref<256xf32, #tpu.memory_space<vmem>>, vector<256xf32>
    %broadcast_in_dim3A = vector.shape_cast %get3A_7 : vector<256xf32> to vector<1x256xf32>
    %add3A = vector.broadcast %broadcast_in_dim3A : vector<1x256xf32> to vector<2048x256xf32>
    %add3A_8 = arith.addf %dot_general3A_5, %add3A : vector<2048x256xf32>
    %swap3A = arith.constant 0 : index
    %swap3A_9 = arith.constant 0 : index
    %swap3A_10 = vector.load %arg4[%swap3A, %swap3A_9] : memref<2048x256xf32, #tpu.memory_space<vmem>>, vector<2048x256xf32>
    tpu.vector_store %arg4[%swap3A, %swap3A_9], %add3A_8 {strides = array<i32>} : memref<2048x256xf32, #tpu.memory_space<vmem>>, vector<2048x256xf32>,
    return
  }
  func.func @transform_0(%arg0: i32) -> (i32, i32) {
    %c0_i32 = arith.constant 0 : i32
    %c0_i32_0 = arith.constant 0 : i32
    %c0_i32_1 = arith.constant 0 : i32
    return %c0_i32, %c0_i32_0 : i32, i32
  }
  func.func @transform_1(%arg0: i32) -> (i32, i32) {
    %c0_i32 = arith.constant 0 : i32
    %c0_i32_0 = arith.constant 0 : i32
    return %arg0, %c0_i32 : i32, i32
  }
  func.func @transform_2(%arg0: i32) -> i32 {
    %c0_i32 = arith.constant 0 : i32
    return %arg0 : i32
  }
  func.func @transform_3(%arg0: i32) -> (i32, i32) {
    %add3A = arith.constant 0 : i32
    %add3A_0 = arith.addi %arg0, %add3A : i32
    %c0_i32 = arith.constant 0 : i32
    %c0_i32_1 = arith.constant 0 : i32
    return %c0_i32, %add3A_0 : i32, i32
  }
}

module attributes {stable_mosaic.version = 14 : i64} {
  func.func @_matmul_rest_body(%arg0: i32, %arg1: memref<2048x4096xbf16, #tpu.memory_space<vmem>>, %arg2: memref<256x4096xf32, #tpu.memory_space<vmem>>, %arg3: memref<256xf32, #tpu.memory_space<vmem>>, %arg4: memref<2048x4096xf32, #tpu.memory_space<any>>, %arg5: memref<2048x256xf32, #tpu.memory_space<vmem>>) attributes {dimension_semantics = [#tpu.dimension_semantics<arbitrary>], iteration_bounds = array<i64: 10>, scalar_prefetch = 0 : i64, scratch_operands = 0 : i64, tpu.core_type = #tpu.core_type<tc>, window_params = [{pipeline_mode = #tpu.pipeline_mode<synchronous>, transform_indices = @transform_0, window_bounds = array<i64: 2048, 4096>}, {transform_indices = @transform_1, window_bounds = array<i64: 256, 4096>}, {transform_indices = @transform_2, window_bounds = array<i64: 256>}, {}, {transform_indices = @transform_4, window_bounds = array<i64: 2048, 256>}]} {
    %get3A = arith.constant 0 : index
    %get3A_0 = arith.constant 0 : index
    %get3A_1 = vector.load %arg1[%get3A, %get3A_0] : memref<2048x4096xbf16, #tpu.memory_space<vmem>>, vector<2048x4096xbf16>
    %get3A_2 = arith.constant 0 : index
    %get3A_3 = arith.constant 0 : index
    %get3A_4 = vector.load %arg2[%get3A_2, %get3A_3] : memref<256x4096xf32, #tpu.memory_space<vmem>>, vector<256x4096xf32>
    %convert_element_type3A = arith.truncf %get3A_4 : vector<256x4096xf32> to vector<256x4096xbf16>
    %dot_general3A = arith.constant dense<0.000000e+00> : vector<2048x256xf32>
    %dot_general3A_5 = tpu.matmul %get3A_1, %convert_element_type3A, %dot_general3A {dimension_numbers = #tpu.dot_dimension_numbers<[1], [1], [0], [0], [0, 0, 1, 0], [], []>, transpose_lhs_hint = false} : vector<2048x4096xbf16>, vector<256x4096xbf16>, vector<2048x256xf32> -> vector<2048x256xf32>
    %get3A_6 = arith.constant 0 : index
    %get3A_7 = vector.load %arg3[%get3A_6] : memref<256xf32, #tpu.memory_space<vmem>>, vector<256xf32>
    %broadcast_in_dim3A = vector.shape_cast %get3A_7 : vector<256xf32> to vector<1x256xf32>
    %add3A = vector.broadcast %broadcast_in_dim3A : vector<1x256xf32> to vector<2048x256xf32>
    %add3A_8 = arith.addf %dot_general3A_5, %add3A : vector<2048x256xf32>
    %swap3A = arith.constant 0 : index
    %swap3A_9 = arith.constant 0 : index
    %swap3A_10 = vector.load %arg5[%swap3A, %swap3A_9] : memref<2048x256xf32, #tpu.memory_space<vmem>>, vector<2048x256xf32>
    tpu.vector_store %arg5[%swap3A, %swap3A_9], %add3A_8 {strides = array<i32>} : memref<2048x256xf32, #tpu.memory_space<vmem>>, vector<2048x256xf32>,
    return
  }
  func.func @transform_0(%arg0: i32) -> (i32, i32) {
    %c0_i32 = arith.constant 0 : i32
    %c0_i32_0 = arith.constant 0 : i32
    %c0_i32_1 = arith.constant 0 : i32
    return %c0_i32, %c0_i32_0 : i32, i32
  }
  func.func @transform_1(%arg0: i32) -> (i32, i32) {
    %c0_i32 = arith.constant 0 : i32
    %c0_i32_0 = arith.constant 0 : i32
    return %arg0, %c0_i32 : i32, i32
  }
  func.func @transform_2(%arg0: i32) -> i32 {
    %c0_i32 = arith.constant 0 : i32
    return %arg0 : i32
  }
  func.func @transform_4(%arg0: i32) -> (i32, i32) {
    %add3A = arith.constant 6 : i32
    %add3A_0 = arith.addi %arg0, %add3A : i32
    %c0_i32 = arith.constant 0 : i32
    %c0_i32_1 = arith.constant 0 : i32
    return %c0_i32, %add3A_0 : i32, i32
  }
}

</mosaic_0001>

<sc_bundles>
// kernel: densify_chunk0.3.cloned.1.call-start
scs
__scs_entry_jumppad:
0x0: {  	(pc) =	sbr.rel $0x88, $3  }
0x1: {  	(tag) =	ssettag $0x0;
	lr =	simm.s32 $0x1  }
0x2: {  	[smem:$0x3F9D] =	sst lr;
	_ =	strace $0xD0000000  }
0x3: {  	_ = 	snop  }
0x4: {  	_ = 	snop  }
0x5: {  	_ = 	snop  }
0x6: {  	_ = 	snop  }
0x7: {  	_ = 	snop  }
__scs_overlays_trampoline_lowered:
0x8: {  	[smem:$0x3FAC] =	sst s0  }
0x9: {  	[smem:$0x3FAD] =	sst s1  }
0xa: {  	[smem:$0x3FAE] =	sst s2  }
0xb: {  	[smem:$0x3FAF] =	sst s3  }
0xc: {  	[smem:$0x3FB0] =	sst s4  }
0xd: {  	[smem:$0x3FB1] =	sst s5  }
0xe: {  	[smem:$0x3FB2] =	sst s6  }
0xf: {  	[smem:$0x3FB3] =	sst s7  }
0x10: {  	[smem:$0x3FB4] =	sst s8  }
0x11: {  	[smem:$0x3FB5] =	sst s9;
	s0 =	simm.s32 @!p0 $0x0  }
0x12: {  	s1 =	sld [smem:$0x3F9B];
	s0 =	simm.s32 @p0 $0x1  }
0x13: {  	[smem:$0x3FB6] =	sst s0;
	s0 =	simm.s32 @!p1 $0x0  }
0x14: {  	s2 =	sld [smem:$0x3F9A];
	s0 =	simm.s32 @p1 $0x1  }
0x15: {  	[smem:$0x3FB7] =	sst s0;
	s0 =	simm.s32 @!p2 $0x0  }
0x16: {  	s3 =	sld [smem:$0x3FDB];
	s0 =	simm.s32 @p2 $0x1  }
0x17: {  	s4 =	simm.s32 $0x1BF5;
	[smem:$0x3FB9] =	sst s0  }
0x18: {  	s0 =	sld [smem:$0x3F9C];
	_ =	swait.ge [sflag:s4], $0x0  }
0x19: {  	s7 =	sld [smem:$0x3F9D]  }
0x1a: {  	s8 =	sadd.s32 $0xFFFFE003, lr  }
0x1b: {  	s9 =	sadd.s32 $0xFFFFFEF7, lr;
	s5 =	simm.s32 $0xFFFFFFFF;
	p2 =	slt.u32 s8, $0xFFFFF086  }
0x1c: {  	p1 =	slt.u32 s9, $0xF7A;
	s5 =	simm.s32 @!p2 $0x0  }
0x1d: {  	s5 =	simm.s32 @p1 $0x1;
	p0 =	seq.s32 s7, s2  }
0x1e: {  	s7 =	smul.u32 @!p0 $0xF7A, s2;
	p2 =	seq.s32 @!p0 s5, $0x0  }
0x1f: {  	s9 =	smul.u32 $0xF7A, s1;
	s8 =	simm.s32 @!p0 $0x1BF5;
	p2 =	por !p2, p0  }
0x20: {  	[sflag:s8] =	ssyncset.s32 @!p0 $0xFFFFF086;
	s6 =	sadd.s32 @!p0 s3, s7;
	s7 =	simm.s32 @!p0 $0x108  }
0x21: {  	s3 =	sadd.s32 s3, s9;
	s6 =	sadd.s32 @!p0 $0x88, s6;
	s7 =	simm.s32 @p2 $0x1082  }
0x22: {  	[simem:s7], [sflag:s8] =	dma.local @!p0 [hbm:s6], $0xF7A  }
0x23: {  	s9 =	sor.u32 $0xD0000000, s2;
	s6 =	simm.s32 $0x108;
	_ =	swait.ge @!p0 [sflag:s8], $0x0  }
0x24: {  	s3 =	sadd.s32 $0x88, s3;
	s6 =	simm.s32 @!p1 $0x1082;
	[sflag:s4] =	ssyncset.s32 $0xFFFFF086  }
0x25: {  	[simem:s6], [sflag:s4] =	dma.local [hbm:s3], $0xF7A  }
0x26: {  	[smem:$0x3F9D] =	sst s1;
	(tag) =	ssettag s2;
	_ =	strace s9  }
0x27: {  	s1 =	sld [smem:$0x3FAD]  }
0x28: {  	s2 =	sld [smem:$0x3FAE]  }
0x29: {  	s4 =	sld [smem:$0x3FB0]  }
0x2a: {  	p0 =	seq.s32 s5, $0x0;
	s5 =	sld [smem:$0x3FB1]  }
0x2b: {  	s6 =	sld [smem:$0x3FB2]  }
0x2c: {  	s7 =	sld [smem:$0x3FB3]  }
0x2d: {  	s3 =	simm.s32 $0x108;
	s8 =	sld [smem:$0x3FB4]  }
0x2e: {  	s3 =	simm.s32 @!p0 $0x1082;
	s9 =	sld [smem:$0x3FB5]  }
0x2f: {  	lr =	sadd.s32 s0, s3;
	s0 =	sld [smem:$0x3FAC]  }
0x30: {  	s3 =	sld [smem:$0x3FAF]  }
0x31: {  	[smem:$0x3FB8] =	sst s10  }
0x32: {  	s10 =	sld [smem:$0x3FB6];
	_ =	sdelay $0x3  }
0x33: {  	p0 =	seq.s32 s10, $0x1;
	s10 =	sld [smem:$0x3FB8];
	_ =	sdelay $0x3  }
0x34: {  	[smem:$0x3FB8] =	sst s10  }
0x35: {  	s10 =	sld [smem:$0x3FB7];
	_ =	sdelay $0x3  }
0x36: {  	p1 =	seq.s32 s10, $0x1;
	s10 =	sld [smem:$0x3FB8];
	_ =	sdelay $0x3  }
0x37: {  	[smem:$0x3FB8] =	sst s10  }
0x38: {  	s10 =	sld [smem:$0x3FB9]  }
0x39: {  	_ = 	snop;
	(pc) =	sbr.ind lr, $3  }
0x3a: {  	_ = 	snop  }
0x3b: {  	_ = 	snop  }
0x3c: {  	p2 =	seq.s32 s10, $0x1;
	s10 =	sld [smem:$0x3FB8]  }
0x3d: {  	_ =	shalt  }
0x3e: {  	_ =	shalt  }
0x3f: {  	_ =	shalt  }
0x40: {  	_ =	shalt  }
0x41: {  	_ =	shalt  }
0x42: {  	_ =	shalt  }
0x43: {  	_ =	shalt  }
0x44: {  	_ =	shalt  }
0x45: {  	_ =	shalt  }
0x46: {  	_ =	shalt  }
0x47: {  	_ =	shalt  }
0x48: {  	_ =	shalt  }
0x49: {  	_ =	shalt  }
0x4a: {  	_ =	shalt  }
0x4b: {  	_ =	shalt  }
0x4c: {  	_ =	shalt  }
0x4d: {  	_ =	shalt  }
0x4e: {  	_ =	shalt  }
0x4f: {  	_ =	shalt  }
0x50: {  	_ =	shalt  }
0x51: {  	_ =	shalt  }
0x52: {  	_ =	shalt  }
0x53: {  	_ =	shalt  }
0x54: {  	_ =	shalt  }
0x55: {  	_ =	shalt  }
0x56: {  	_ =	shalt  }
0x57: {  	_ =	shalt  }
0x58: {  	_ =	shalt  }
0x59: {  	_ =	shalt  }
0x5a: {  	_ =	shalt  }
0x5b: {  	_ =	shalt  }
0x5c: {  	_ =	shalt  }
0x5d: {  	_ =	shalt  }
0x5e: {  	_ =	shalt  }
0x5f: {  	_ =	shalt  }
0x60: {  	_ =	shalt  }
0x61: {  	_ =	shalt  }
0x62: {  	_ =	shalt  }
0x63: {  	_ =	shalt  }
0x64: {  	_ =	shalt  }
0x65: {  	_ =	shalt  }
0x66: {  	_ =	shalt  }
0x67: {  	_ =	shalt  }
0x68: {  	_ =	shalt  }
0x69: {  	_ =	shalt  }
0x6a: {  	_ =	shalt  }
0x6b: {  	_ =	shalt  }
0x6c: {  	_ =	shalt  }
0x6d: {  	_ =	shalt  }
0x6e: {  	_ =	shalt  }
0x6f: {  	_ =	shalt  }
0x70: {  	_ =	shalt  }
0x71: {  	_ =	shalt  }
0x72: {  	_ =	shalt  }
0x73: {  	_ =	shalt  }
0x74: {  	_ =	shalt  }
0x75: {  	_ =	shalt  }
0x76: {  	_ =	shalt  }
0x77: {  	_ =	shalt  }
0x78: {  	_ =	shalt  }
0x79: {  	_ =	shalt  }
0x7a: {  	_ =	shalt  }
0x7b: {  	_ =	shalt  }
0x7c: {  	_ =	shalt  }
0x7d: {  	_ =	shalt  }
0x7e: {  	_ =	shalt  }
0x7f: {  	_ =	shalt  }
0x80: {  	_ =	shalt  }
0x81: {  	_ =	shalt  }
0x82: {  	_ =	shalt  }
0x83: {  	_ =	shalt  }
0x84: {  	_ =	shalt  }
0x85: {  	_ =	shalt  }
0x86: {  	_ =	shalt  }
0x87: {  	_ =	shalt  }
.Lfunc_end0:
.L_simem_size_0:
called_computation_lowered:
.L_overlay_start_0:
0x88: {  	s2 =	sld [smem:$0x3FD9]  }
0x89: {  	s3 =	sld [smem:$0x3FFE];
	_ =	sdelay $0x1  }
0x8a: {  	s1 =	srdreg.scid  }
0x8b: {  	s0 =	sand.u32 $0x1, s1  }
0x8c: {  	s17 =	sshll.u32 s0, $0xA;
	s2 =	sadd.s32 s3, s2  }
0x8d: {  	s2 =	sadd.s32 s2, s17  }
0x8e: {  	[smem:$0x3FC4] =	sst s2  }
0x8f: {  	_ = 	snop  }
0x90: {  	s2 =	sld [smem:$0x3FC8]  }
0x91: {  	s18 =	sld [smem:$0x3FC7];
	(tm) =	ssettm $0x1  }
0x92: {  	s4 =	sld [smem:$0x3FFB];
	_ =	sdelay $0x3  }
0x93: {  	_ =	strace s4  }
0x94: {  	s4 =	sld [smem:$0x3FFC];
	_ =	sdelay $0x3  }
0x95: {  	_ =	strace s4  }
0x96: {  	s4 =	sld [smem:$0x3FFD];
	_ =	sdelay $0x3  }
0x97: {  	_ =	strace s4  }
0x98: {  	_ =	strace $0x8FFFFFFF  }
0x99: {  	s19 =	sld [smem:$0x3FDB];
	_ =	sdelay $0x1  }
0x9a: {  	s5 =	simm.s32 $_scs_section_size  }
0x9b: {  	s6 =	simm.s32 $_size__tile_overlayer_lowered;
	s7 =	simm.s32 $_tile_overlayer_lowered  }
0x9c: {  	s22 =	simm.s32 $0x1BFF;
	s21 =	sshll.u32 s7, $0x1;
	s4 =	sadd.s32 s5, s19  }
0x9d: {  	s8 =	simm.s32 $0x0;
	s20 =	sshll.u32 s6, $0x1;
	s6 =	sadd.s32 s21, s4  }
0x9e: {  	[timem:s8], [sflag:s22] =	dma.local [hbm:s6], s20  }
0x9f: {  	_ =	swait.ge [sflag:s22], s20  }
0xa0: {  	s5 =	ssub.s32 $0x0, s20;
	[sflag:s22] =	ssyncset.done $0x0  }
0xa1: {  	[sflag:s22] =	ssyncadd.s32 s5;
	_ =	sdelay $0x1  }
0xa2: {  	s23 =	simm.s32 $0x1B8B  }
0xa3: {  	_ =	swait.ge [sflag:s23], $0x1  }
0xa4: {  	[sflag:s23] =	ssyncset.done $0x0  }
0xa5: {  	s25 =	simm.s32 $0x1B8E;
	s24 =	sld [smem:$0x3FFE];
	[sflag:s23] =	ssyncadd.s32 $0xFFFFFFFF  }
0xa6: {  	s26 =	simm.s32 $execute0_lowered;
	[smem:$0x3FD2] =	sst s25  }
0xa7: {  	s6 =	sshll.u32 s26, $0x1;
	_ =	strace $0x80000046;
	[dreg:$0x1] =	wrdreg $0xFFFFFFFF  }
0xa8: {  	s28 =	simm.s32 $_size_execute0_lowered;
	s4 =	sadd.s32 s4, s6;
	[dreg:$0x0] =	wrdreg $0x0  }
0xa9: {  	s6 =	sshll.u32 s28, $0x1;
	[dreg:$0x2] =	wrdreg s4  }
0xaa: {  	[dreg:$0x3] =	wrdreg s6  }
0xab: {  	[dreg:$0x4] =	wrdreg $0xC0  }
0xac: {  	_ =	task [dreg:s8], $0x5FFFF  }
0xad: {  	[dreg:$0x1] =	wrdreg $0xFFFFFFFF  }
0xae: {  	[dreg:$0x0] =	wrdreg $0x60  }
0xaf: {  	[dreg:$0x2] =	wrdreg s2  }
0xb0: {  	[dreg:$0x3] =	wrdreg s18  }
0xb1: {  	[dreg:$0x4] =	wrdreg s24  }
0xb2: {  	[dreg:$0x5] =	wrdreg $0x9  }
0xb3: {  	_ =	task.clear_ibuf [dreg:s8], $0x6FFFF;
	_ =	strace $0x90000046  }
0xb4: {  	s29 =	simm.s32 $0x9;
	_ =	strace $0x80000048  }
0xb5: {  	_ =	swait.ge [sflag:s29], $0x1  }
0xb6: {  	[sflag:s29] =	ssyncadd.s32 $0xFFFFFFFF  }
0xb7: {  	_ =	strace $0x90000048  }
0xb8: {  	_ =	sfence  }
0xb9: {  	s30 =	sld [smem:$0x0];
	_ =	sdelay $0x2  }
0xba: {  	s31 =	sshll.u32 s1, $0xD;
	s1 =	sshrl.u32 s1, $0x2  }
0xbb: {  	s3 =	sand.u32 $0x4000, s31;
	s1 =	sadd.s32 s1, s30  }
0xbc: {  	s0 =	sor.u32 s3, s0;
	s1 =	sshll.u32 s1, $0x11  }
0xbd: {  	s0 =	sor.u32 s1, s0  }
0xbe: {  	s0 =	sadd.s32 $0x8F2B, s0  }
0xbf: {  	[sflag:s0] =	ssyncadd.remote.s32 $0x1  }
0xc0: {  	_ =	sfence.sel $0xFFFF  }
0xc1: {  	[dreg:$0x0] =	wrdreg $0xFFFFFFFF;
	(pc) =	sbr.abs _section_cstart, $3  }
0xc2: {  	[dreg:$0x1] =	wrdreg $0xFFFFFFFF  }
0xc3: {  	_ =	task.clear_ibuf [dreg:s8], $0x2FFFF;
	_ =	strace $0x9FFFFFFF  }
0xc4: {  	(tm) =	ssettm $0x7FFFFFFF  }
0xc5: {  	_ =	shalt  }
tec
execute0_lowered:
.L_overlay_start_1:
0x0: {  	(tag) =	ssettag $0x1  }
0x1: {  	s3 =	rddreg [dreg:$0x0];
	s1 =	srdreg.scid  }
0x2: {  	s0 =	stileid.u32;
	s5 =	rddreg [dreg:$0x1]  }
0x3: {  	s6 =	rddreg [dreg:$0x2];
	s2 =	simm.s32 $0x0;
	s13 =	simm.s32 $0x3  }
0x4: {  	s14 =	simm.s32 $0x11800;
	s4 =	sand.u32 $0x1, s1;
	s30 =	sshll.u32 s0, $0x1  }
0x5: {  	s15 =	simm.s32 $0x8000;
	s16 =	simm.s32 $0x1;
	s7 =	sor.u32 s4, s30  }
0x6: {  	s17 =	simm.s32 $0x2;
	s18 =	simm.s32 $0x0;
	s8 =	smul.u32 $0x300, s7  }
0x7: {  	s1 =	rddreg [dreg:$0x3];
	s4 =	ssub.s32 $0x2, s4;
	s9 =	smul.u32 $0x6000, s7  }
0x8: {  	[smem:$0x7FF] =	sst s2;
	s10 =	sshrl.u32 s4, $0x1;
	s7 =	smul.u32 $0x30000, s7  }
0x9: {  	s11 =	sadd.s32 $0xA00, s6;
	_ =	strace $0x80000047;
	s12 =	ssub.s32 s4, s10  }
0xa: {  	s3 =	sadd.s32 s3, s8;
	s4 =	sadd.s32 s11, s9;
	s7 =	sshrl.u32 s7, $0x3  }
0xb: {  	s5 =	sadd.s32 s5, s8;
	s6 =	sadd.s32 $0x1000, s4;
	s31 =	sadd.s32 s11, s7  }
0xc: {  	s11 =	smax.u32 s12, $0x1;
	s12 =	simm.s32 $0x10000;
	s7 =	sadd.s32 $0x2000, s31  }
0xd: {  	v0 =	vimm.f32 $0.0e+00;
	s8 =	sadd.s32 $0x3000, s31;
	s9 =	sadd.s32 $0x4000, s31;
	s10 =	sadd.s32 $0x5000, s31  }
.LBB2_1:
0xe: {  	[tilespmem:s12], [sflag:$0x3] =	stream.linear.gather [hbm4b:s3+s2], $0x1800, $0x38;
	[tilespmem:$0x13000] =	vst v63  }
0xf: {  	_ =	swait.ge [sflag:s13], $0x1800  }
0x10: {  	[sflag:s13] =	ssyncset.done $0x0  }
0x11: {  	[sflag:s13] =	ssyncadd.s32 $0xFFFFE800  }
0x12: {  	[tilespmem:s14], [sflag:$0x3] =	stream.linear.gather [hbm4b:s5+s2], $0x1800, $0x38;
	[tilespmem:$0x13000] =	vst v63  }
0x13: {  	_ =	swait.ge [sflag:s13], $0x1800  }
0x14: {  	[sflag:s13] =	ssyncset.done $0x0  }
0x15: {  	s19 =	simm.s32 $0x0;
	s20 =	simm.s32 $0x1000;
	[sflag:s13] =	ssyncadd.s32 $0xFFFFE800  }
.LBB2_2:
0x16: {  	p0 =	sne.s32 s20, $0x1F000;
	[tilespmem:s19+$0x70] =	vst v0  }
0x17: {  	[tilespmem:s19+$0x0] =	vst v0  }
0x18: {  	[tilespmem:s19+$0x10] =	vst v0  }
.Ltmp0:
0x19: {  	[tilespmem:s19+$0x20] =	vst v0;
	(pc) =	sbr.rel @p0 .LBB2_2-.Ltmp0, $4  }
0x1a: {  	[tilespmem:s19+$0x30] =	vst v0  }
0x1b: {  	[tilespmem:s19+$0x40] =	vst v0  }
0x1c: {  	[tilespmem:s19+$0x50] =	vst v0  }
0x1d: {  	[tilespmem:s19+$0x60] =	vst v0;
	s19 =	sshra.s32 s20, $0x2;
	s20 =	sadd.s32 $0x1000, s20  }
0x1e: {  	[tilespmem:s19+$0x70] =	vst v0  }
0x1f: {  	[tilespmem:s19+$0x0] =	vst v0  }
0x20: {  	[tilespmem:s19+$0x10] =	vst v0  }
0x21: {  	[tilespmem:s19+$0x20] =	vst v0  }
0x22: {  	[tilespmem:s19+$0x30] =	vst v0  }
0x23: {  	[tilespmem:s19+$0x40] =	vst v0  }
0x24: {  	[tilespmem:s19+$0x50] =	vst v0  }
0x25: {  	[tilespmem:s19+$0x60] =	vst v0;
	s19 =	simm.s32 $0x0;
	s20 =	simm.s32 $0x1000  }
.LBB2_4:
0x26: {  	p0 =	sne.s32 s20, $0x1F000;
	[tilespmem:s19+$0xF0] =	vst v0  }
0x27: {  	[tilespmem:s19+$0x80] =	vst v0  }
0x28: {  	[tilespmem:s19+$0x90] =	vst v0  }
.Ltmp1:
0x29: {  	[tilespmem:s19+$0xA0] =	vst v0;
	(pc) =	sbr.rel @p0 .LBB2_4-.Ltmp1, $4  }
0x2a: {  	[tilespmem:s19+$0xB0] =	vst v0  }
0x2b: {  	[tilespmem:s19+$0xC0] =	vst v0  }
0x2c: {  	[tilespmem:s19+$0xD0] =	vst v0  }
0x2d: {  	[tilespmem:s19+$0xE0] =	vst v0;
	s19 =	sshra.s32 s20, $0x2;
	s20 =	sadd.s32 $0x1000, s20  }
0x2e: {  	[tilespmem:s19+$0xF0] =	vst v0  }
0x2f: {  	[tilespmem:s19+$0x80] =	vst v0  }
0x30: {  	[tilespmem:s19+$0x90] =	vst v0  }
0x31: {  	[tilespmem:s19+$0xA0] =	vst v0  }
0x32: {  	[tilespmem:s19+$0xB0] =	vst v0  }
0x33: {  	[tilespmem:s19+$0xC0] =	vst v0  }
0x34: {  	[tilespmem:s19+$0xD0] =	vst v0  }
0x35: {  	[tilespmem:s19+$0xE0] =	vst v0;
	s19 =	simm.s32 $0x0;
	s20 =	simm.s32 $0x1000  }
.LBB2_6:
0x36: {  	p0 =	sne.s32 s20, $0x1F000;
	[tilespmem:s19+$0x170] =	vst v0  }
0x37: {  	[tilespmem:s19+$0x100] =	vst v0  }
0x38: {  	[tilespmem:s19+$0x110] =	vst v0  }
.Ltmp2:
0x39: {  	[tilespmem:s19+$0x120] =	vst v0;
	(pc) =	sbr.rel @p0 .LBB2_6-.Ltmp2, $4  }
0x3a: {  	[tilespmem:s19+$0x130] =	vst v0  }
0x3b: {  	[tilespmem:s19+$0x140] =	vst v0  }
0x3c: {  	[tilespmem:s19+$0x150] =	vst v0  }
0x3d: {  	[tilespmem:s19+$0x160] =	vst v0;
	s19 =	sshra.s32 s20, $0x2;
	s20 =	sadd.s32 $0x1000, s20  }
0x3e: {  	[tilespmem:s19+$0x170] =	vst v0  }
0x3f: {  	[tilespmem:s19+$0x100] =	vst v0  }
0x40: {  	[tilespmem:s19+$0x110] =	vst v0  }
0x41: {  	[tilespmem:s19+$0x120] =	vst v0  }
0x42: {  	[tilespmem:s19+$0x130] =	vst v0  }
0x43: {  	[tilespmem:s19+$0x140] =	vst v0  }
0x44: {  	[tilespmem:s19+$0x150] =	vst v0  }
0x45: {  	[tilespmem:s19+$0x160] =	vst v0;
	s19 =	simm.s32 $0x0;
	s20 =	simm.s32 $0x1000  }
.LBB2_8:
0x46: {  	p0 =	sne.s32 s20, $0x1F000;
	[tilespmem:s19+$0x1F0] =	vst v0  }
0x47: {  	[tilespmem:s19+$0x180] =	vst v0  }
0x48: {  	[tilespmem:s19+$0x190] =	vst v0  }
.Ltmp3:
0x49: {  	[tilespmem:s19+$0x1A0] =	vst v0;
	(pc) =	sbr.rel @p0 .LBB2_8-.Ltmp3, $4  }
0x4a: {  	[tilespmem:s19+$0x1B0] =	vst v0  }
0x4b: {  	[tilespmem:s19+$0x1C0] =	vst v0  }
0x4c: {  	[tilespmem:s19+$0x1D0] =	vst v0  }
0x4d: {  	[tilespmem:s19+$0x1E0] =	vst v0;
	s19 =	sshra.s32 s20, $0x2;
	s20 =	sadd.s32 $0x1000, s20  }
0x4e: {  	[tilespmem:s19+$0x1F0] =	vst v0  }
0x4f: {  	[tilespmem:s19+$0x180] =	vst v0  }
0x50: {  	[tilespmem:s19+$0x190] =	vst v0  }
0x51: {  	[tilespmem:s19+$0x1A0] =	vst v0  }
0x52: {  	[tilespmem:s19+$0x1B0] =	vst v0  }
0x53: {  	[tilespmem:s19+$0x1C0] =	vst v0  }
0x54: {  	[tilespmem:s19+$0x1D0] =	vst v0  }
0x55: {  	[tilespmem:s19+$0x1E0] =	vst v0;
	s19 =	simm.s32 $0x0;
	s20 =	simm.s32 $0x1000  }
.LBB2_10:
0x56: {  	p0 =	sne.s32 s20, $0x1F000;
	[tilespmem:s19+$0x270] =	vst v0  }
0x57: {  	[tilespmem:s19+$0x200] =	vst v0  }
0x58: {  	[tilespmem:s19+$0x210] =	vst v0  }
.Ltmp4:
0x59: {  	[tilespmem:s19+$0x220] =	vst v0;
	(pc) =	sbr.rel @p0 .LBB2_10-.Ltmp4, $4  }
0x5a: {  	[tilespmem:s19+$0x230] =	vst v0  }
0x5b: {  	[tilespmem:s19+$0x240] =	vst v0  }
0x5c: {  	[tilespmem:s19+$0x250] =	vst v0  }
0x5d: {  	[tilespmem:s19+$0x260] =	vst v0;
	s19 =	sshra.s32 s20, $0x2;
	s20 =	sadd.s32 $0x1000, s20  }
0x5e: {  	[tilespmem:s19+$0x270] =	vst v0  }
0x5f: {  	[tilespmem:s19+$0x200] =	vst v0  }
0x60: {  	[tilespmem:s19+$0x210] =	vst v0  }
0x61: {  	[tilespmem:s19+$0x220] =	vst v0  }
0x62: {  	[tilespmem:s19+$0x230] =	vst v0  }
0x63: {  	[tilespmem:s19+$0x240] =	vst v0  }
0x64: {  	[tilespmem:s19+$0x250] =	vst v0  }
0x65: {  	[tilespmem:s19+$0x260] =	vst v0;
	s19 =	simm.s32 $0x0;
	s20 =	simm.s32 $0x1000  }
.LBB2_12:
0x66: {  	p0 =	sne.s32 s20, $0x1F000;
	[tilespmem:s19+$0x2F0] =	vst v0  }
0x67: {  	[tilespmem:s19+$0x280] =	vst v0  }
0x68: {  	[tilespmem:s19+$0x290] =	vst v0  }
.Ltmp5:
0x69: {  	[tilespmem:s19+$0x2A0] =	vst v0;
	(pc) =	sbr.rel @p0 .LBB2_12-.Ltmp5, $4  }
0x6a: {  	[tilespmem:s19+$0x2B0] =	vst v0  }
0x6b: {  	[tilespmem:s19+$0x2C0] =	vst v0  }
0x6c: {  	[tilespmem:s19+$0x2D0] =	vst v0  }
0x6d: {  	[tilespmem:s19+$0x2E0] =	vst v0;
	s19 =	sshra.s32 s20, $0x2;
	s20 =	sadd.s32 $0x1000, s20  }
0x6e: {  	[tilespmem:s19+$0x2F0] =	vst v0  }
0x6f: {  	[tilespmem:s19+$0x280] =	vst v0  }
0x70: {  	[tilespmem:s19+$0x290] =	vst v0  }
0x71: {  	[tilespmem:s19+$0x2A0] =	vst v0  }
0x72: {  	[tilespmem:s19+$0x2B0] =	vst v0  }
0x73: {  	[tilespmem:s19+$0x2C0] =	vst v0  }
0x74: {  	[tilespmem:s19+$0x2D0] =	vst v0  }
0x75: {  	[tilespmem:s19+$0x2E0] =	vst v0;
	s19 =	simm.s32 $0x0;
	s20 =	simm.s32 $0x1000  }
.LBB2_14:
0x76: {  	p0 =	sne.s32 s20, $0x1F000;
	[tilespmem:s19+$0x370] =	vst v0  }
0x77: {  	[tilespmem:s19+$0x300] =	vst v0  }
0x78: {  	[tilespmem:s19+$0x310] =	vst v0  }
.Ltmp6:
0x79: {  	[tilespmem:s19+$0x320] =	vst v0;
	(pc) =	sbr.rel @p0 .LBB2_14-.Ltmp6, $4  }
0x7a: {  	[tilespmem:s19+$0x330] =	vst v0  }
0x7b: {  	[tilespmem:s19+$0x340] =	vst v0  }
0x7c: {  	[tilespmem:s19+$0x350] =	vst v0  }
0x7d: {  	[tilespmem:s19+$0x360] =	vst v0;
	s19 =	sshra.s32 s20, $0x2;
	s20 =	sadd.s32 $0x1000, s20  }
0x7e: {  	[tilespmem:s19+$0x370] =	vst v0  }
0x7f: {  	[tilespmem:s19+$0x300] =	vst v0  }
0x80: {  	[tilespmem:s19+$0x310] =	vst v0  }
0x81: {  	[tilespmem:s19+$0x320] =	vst v0  }
0x82: {  	[tilespmem:s19+$0x330] =	vst v0  }
0x83: {  	[tilespmem:s19+$0x340] =	vst v0  }
0x84: {  	[tilespmem:s19+$0x350] =	vst v0  }
0x85: {  	[tilespmem:s19+$0x360] =	vst v0;
	s19 =	simm.s32 $0x0;
	s20 =	simm.s32 $0x1000  }
.LBB2_16:
0x86: {  	p0 =	sne.s32 s20, $0x1F000;
	[tilespmem:s19+$0x3F0] =	vst v0  }
0x87: {  	[tilespmem:s19+$0x380] =	vst v0  }
0x88: {  	[tilespmem:s19+$0x390] =	vst v0  }
.Ltmp7:
0x89: {  	[tilespmem:s19+$0x3A0] =	vst v0;
	(pc) =	sbr.rel @p0 .LBB2_16-.Ltmp7, $4  }
0x8a: {  	[tilespmem:s19+$0x3B0] =	vst v0  }
0x8b: {  	[tilespmem:s19+$0x3C0] =	vst v0  }
0x8c: {  	[tilespmem:s19+$0x3D0] =	vst v0  }
0x8d: {  	[tilespmem:s19+$0x3E0] =	vst v0;
	s19 =	sshra.s32 s20, $0x2;
	s20 =	sadd.s32 $0x1000, s20  }
0x8e: {  	[tilespmem:s19+$0x3F0] =	vst v0  }
0x8f: {  	[tilespmem:s19+$0x380] =	vst v0  }
0x90: {  	[tilespmem:s19+$0x390] =	vst v0  }
0x91: {  	[tilespmem:s19+$0x3A0] =	vst v0  }
0x92: {  	[tilespmem:s19+$0x3B0] =	vst v0  }
0x93: {  	[tilespmem:s19+$0x3C0] =	vst v0  }
0x94: {  	[tilespmem:s19+$0x3D0] =	vst v0  }
0x95: {  	[tilespmem:s19+$0x3E0] =	vst v0;
	s19 =	simm.s32 $0x0;
	s20 =	simm.s32 $0x1000  }
.LBB2_18:
0x96: {  	p0 =	sne.s32 s20, $0x1F000;
	[tilespmem:s19+$0x8070] =	vst v0  }
0x97: {  	[tilespmem:s19+$0x8000] =	vst v0  }
0x98: {  	[tilespmem:s19+$0x8010] =	vst v0  }
.Ltmp8:
0x99: {  	[tilespmem:s19+$0x8020] =	vst v0;
	(pc) =	sbr.rel @p0 .LBB2_18-.Ltmp8, $4  }
0x9a: {  	[tilespmem:s19+$0x8030] =	vst v0  }
0x9b: {  	[tilespmem:s19+$0x8040] =	vst v0  }
0x9c: {  	[tilespmem:s19+$0x8050] =	vst v0  }
0x9d: {  	[tilespmem:s19+$0x8060] =	vst v0;
	s19 =	sshra.s32 s20, $0x2;
	s20 =	sadd.s32 $0x1000, s20  }
0x9e: {  	[tilespmem:s19+$0x8070] =	vst v0  }
0x9f: {  	[tilespmem:s19+$0x8000] =	vst v0  }
0xa0: {  	[tilespmem:s19+$0x8010] =	vst v0  }
0xa1: {  	[tilespmem:s19+$0x8020] =	vst v0  }
0xa2: {  	[tilespmem:s19+$0x8030] =	vst v0  }
0xa3: {  	[tilespmem:s19+$0x8040] =	vst v0  }
0xa4: {  	[tilespmem:s19+$0x8050] =	vst v0  }
0xa5: {  	[tilespmem:s19+$0x8060] =	vst v0;
	s19 =	simm.s32 $0x0;
	s20 =	simm.s32 $0x1000  }
.LBB2_20:
0xa6: {  	p0 =	sne.s32 s20, $0x1F000;
	[tilespmem:s19+$0x80F0] =	vst v0  }
0xa7: {  	[tilespmem:s19+$0x8080] =	vst v0  }
0xa8: {  	[tilespmem:s19+$0x8090] =	vst v0  }
.Ltmp9:
0xa9: {  	[tilespmem:s19+$0x80A0] =	vst v0;
	(pc) =	sbr.rel @p0 .LBB2_20-.Ltmp9, $4  }
0xaa: {  	[tilespmem:s19+$0x80B0] =	vst v0  }
0xab: {  	[tilespmem:s19+$0x80C0] =	vst v0  }
0xac: {  	[tilespmem:s19+$0x80D0] =	vst v0  }
0xad: {  	[tilespmem:s19+$0x80E0] =	vst v0;
	s19 =	sshra.s32 s20, $0x2;
	s20 =	sadd.s32 $0x1000, s20  }
0xae: {  	[tilespmem:s19+$0x80F0] =	vst v0  }
0xaf: {  	[tilespmem:s19+$0x8080] =	vst v0  }
0xb0: {  	[tilespmem:s19+$0x8090] =	vst v0  }
0xb1: {  	[tilespmem:s19+$0x80A0] =	vst v0  }
0xb2: {  	[tilespmem:s19+$0x80B0] =	vst v0  }
0xb3: {  	[tilespmem:s19+$0x80C0] =	vst v0  }
0xb4: {  	[tilespmem:s19+$0x80D0] =	vst v0  }
0xb5: {  	[tilespmem:s19+$0x80E0] =	vst v0;
	s19 =	simm.s32 $0x0;
	s20 =	simm.s32 $0x1000  }
.LBB2_22:
0xb6: {  	p0 =	sne.s32 s20, $0x1F000;
	[tilespmem:s19+$0x8170] =	vst v0  }
0xb7: {  	[tilespmem:s19+$0x8100] =	vst v0  }
0xb8: {  	[tilespmem:s19+$0x8110] =	vst v0  }
.Ltmp10:
0xb9: {  	[tilespmem:s19+$0x8120] =	vst v0;
	(pc) =	sbr.rel @p0 .LBB2_22-.Ltmp10, $4  }
0xba: {  	[tilespmem:s19+$0x8130] =	vst v0  }
0xbb: {  	[tilespmem:s19+$0x8140] =	vst v0  }
0xbc: {  	[tilespmem:s19+$0x8150] =	vst v0  }
0xbd: {  	[tilespmem:s19+$0x8160] =	vst v0;
	s19 =	sshra.s32 s20, $0x2;
	s20 =	sadd.s32 $0x1000, s20  }
0xbe: {  	[tilespmem:s19+$0x8170] =	vst v0  }
0xbf: {  	[tilespmem:s19+$0x8100] =	vst v0  }
0xc0: {  	[tilespmem:s19+$0x8110] =	vst v0  }
0xc1: {  	[tilespmem:s19+$0x8120] =	vst v0  }
0xc2: {  	[tilespmem:s19+$0x8130] =	vst v0  }
0xc3: {  	[tilespmem:s19+$0x8140] =	vst v0  }
0xc4: {  	[tilespmem:s19+$0x8150] =	vst v0  }
0xc5: {  	[tilespmem:s19+$0x8160] =	vst v0;
	s19 =	simm.s32 $0x0;
	s20 =	simm.s32 $0x1000  }
.LBB2_24:
0xc6: {  	p0 =	sne.s32 s20, $0x1F000;
	[tilespmem:s19+$0x81F0] =	vst v0  }
0xc7: {  	[tilespmem:s19+$0x8180] =	vst v0  }
0xc8: {  	[tilespmem:s19+$0x8190] =	vst v0  }
.Ltmp11:
0xc9: {  	[tilespmem:s19+$0x81A0] =	vst v0;
	(pc) =	sbr.rel @p0 .LBB2_24-.Ltmp11, $4  }
0xca: {  	[tilespmem:s19+$0x81B0] =	vst v0  }
0xcb: {  	[tilespmem:s19+$0x81C0] =	vst v0  }
0xcc: {  	[tilespmem:s19+$0x81D0] =	vst v0  }
0xcd: {  	[tilespmem:s19+$0x81E0] =	vst v0;
	s19 =	sshra.s32 s20, $0x2;
	s20 =	sadd.s32 $0x1000, s20  }
0xce: {  	[tilespmem:s19+$0x81F0] =	vst v0  }
0xcf: {  	[tilespmem:s19+$0x8180] =	vst v0  }
0xd0: {  	[tilespmem:s19+$0x8190] =	vst v0  }
0xd1: {  	[tilespmem:s19+$0x81A0] =	vst v0  }
0xd2: {  	[tilespmem:s19+$0x81B0] =	vst v0  }
0xd3: {  	[tilespmem:s19+$0x81C0] =	vst v0  }
0xd4: {  	[tilespmem:s19+$0x81D0] =	vst v0  }
0xd5: {  	[tilespmem:s19+$0x81E0] =	vst v0;
	s19 =	simm.s32 $0x0;
	s20 =	simm.s32 $0x1000  }
.LBB2_26:
0xd6: {  	p0 =	sne.s32 s20, $0x1F000;
	[tilespmem:s19+$0x8270] =	vst v0  }
0xd7: {  	[tilespmem:s19+$0x8200] =	vst v0  }
0xd8: {  	[tilespmem:s19+$0x8210] =	vst v0  }
.Ltmp12:
0xd9: {  	[tilespmem:s19+$0x8220] =	vst v0;
	(pc) =	sbr.rel @p0 .LBB2_26-.Ltmp12, $4  }
0xda: {  	[tilespmem:s19+$0x8230] =	vst v0  }
0xdb: {  	[tilespmem:s19+$0x8240] =	vst v0  }
0xdc: {  	[tilespmem:s19+$0x8250] =	vst v0  }
0xdd: {  	[tilespmem:s19+$0x8260] =	vst v0;
	s19 =	sshra.s32 s20, $0x2;
	s20 =	sadd.s32 $0x1000, s20  }
0xde: {  	[tilespmem:s19+$0x8270] =	vst v0  }
0xdf: {  	[tilespmem:s19+$0x8200] =	vst v0  }
0xe0: {  	[tilespmem:s19+$0x8210] =	vst v0  }
0xe1: {  	[tilespmem:s19+$0x8220] =	vst v0  }
0xe2: {  	[tilespmem:s19+$0x8230] =	vst v0  }
0xe3: {  	[tilespmem:s19+$0x8240] =	vst v0  }
0xe4: {  	[tilespmem:s19+$0x8250] =	vst v0  }
0xe5: {  	[tilespmem:s19+$0x8260] =	vst v0;
	s19 =	simm.s32 $0x0;
	s20 =	simm.s32 $0x1000  }
.LBB2_28:
0xe6: {  	p0 =	sne.s32 s20, $0x1F000;
	[tilespmem:s19+$0x82F0] =	vst v0  }
0xe7: {  	[tilespmem:s19+$0x8280] =	vst v0  }
0xe8: {  	[tilespmem:s19+$0x8290] =	vst v0  }
.Ltmp13:
0xe9: {  	[tilespmem:s19+$0x82A0] =	vst v0;
	(pc) =	sbr.rel @p0 .LBB2_28-.Ltmp13, $4  }
0xea: {  	[tilespmem:s19+$0x82B0] =	vst v0  }
0xeb: {  	[tilespmem:s19+$0x82C0] =	vst v0  }
0xec: {  	[tilespmem:s19+$0x82D0] =	vst v0  }
0xed: {  	[tilespmem:s19+$0x82E0] =	vst v0;
	s19 =	sshra.s32 s20, $0x2;
	s20 =	sadd.s32 $0x1000, s20  }
0xee: {  	[tilespmem:s19+$0x82F0] =	vst v0  }
0xef: {  	[tilespmem:s19+$0x8280] =	vst v0  }
0xf0: {  	[tilespmem:s19+$0x8290] =	vst v0  }
0xf1: {  	[tilespmem:s19+$0x82A0] =	vst v0  }
0xf2: {  	[tilespmem:s19+$0x82B0] =	vst v0  }
0xf3: {  	[tilespmem:s19+$0x82C0] =	vst v0  }
0xf4: {  	[tilespmem:s19+$0x82D0] =	vst v0  }
0xf5: {  	[tilespmem:s19+$0x82E0] =	vst v0;
	s20 =	simm.s32 $0x0;
	s19 =	simm.s32 $0x1000  }
.LBB2_30:
0xf6: {  	p0 =	sne.s32 s19, $0x1F000;
	[tilespmem:s20+$0x8370] =	vst v0  }
0xf7: {  	[tilespmem:s20+$0x8300] =	vst v0  }
0xf8: {  	[tilespmem:s20+$0x8310] =	vst v0  }
.Ltmp14:
0xf9: {  	[tilespmem:s20+$0x8320] =	vst v0;
	(pc) =	sbr.rel @p0 .LBB2_30-.Ltmp14, $4  }
0xfa: {  	[tilespmem:s20+$0x8330] =	vst v0  }
0xfb: {  	[tilespmem:s20+$0x8340] =	vst v0  }
0xfc: {  	[tilespmem:s20+$0x8350] =	vst v0  }
0xfd: {  	[tilespmem:s20+$0x8360] =	vst v0;
	s20 =	sshra.s32 s19, $0x2;
	s19 =	sadd.s32 $0x1000, s19  }
0xfe: {  	[tilespmem:s20+$0x8370] =	vst v0  }
0xff: {  	[tilespmem:s20+$0x8300] =	vst v0  }
0x100: {  	[tilespmem:s20+$0x8310] =	vst v0  }
0x101: {  	[tilespmem:s20+$0x8320] =	vst v0  }
0x102: {  	[tilespmem:s20+$0x8330] =	vst v0  }
0x103: {  	[tilespmem:s20+$0x8340] =	vst v0  }
0x104: {  	[tilespmem:s20+$0x8350] =	vst v0  }
0x105: {  	s19 =	simm.s32 $0x0;
	[tilespmem:s20+$0x8360] =	vst v0;
	s20 =	simm.s32 $0x0;
	s21 =	simm.s32 $0x1000  }
.LBB2_32:
0x106: {  	p0 =	sne.s32 s21, $0x1F000;
	[tilespmem:s20+$0x83F0] =	vst v0  }
0x107: {  	[tilespmem:s20+$0x8380] =	vst v0  }
0x108: {  	[tilespmem:s20+$0x8390] =	vst v0  }
.Ltmp15:
0x109: {  	[tilespmem:s20+$0x83A0] =	vst v0;
	(pc) =	sbr.rel @p0 .LBB2_32-.Ltmp15, $4  }
0x10a: {  	[tilespmem:s20+$0x83B0] =	vst v0  }
0x10b: {  	[tilespmem:s20+$0x83C0] =	vst v0  }
0x10c: {  	[tilespmem:s20+$0x83D0] =	vst v0  }
0x10d: {  	[tilespmem:s20+$0x83E0] =	vst v0;
	s20 =	sshra.s32 s21, $0x2;
	s21 =	sadd.s32 $0x1000, s21  }
0x10e: {  	[tilespmem:s20+$0x83F0] =	vst v0  }
0x10f: {  	[tilespmem:s20+$0x8380] =	vst v0  }
0x110: {  	[tilespmem:s20+$0x8390] =	vst v0  }
0x111: {  	[tilespmem:s20+$0x83A0] =	vst v0  }
0x112: {  	[tilespmem:s20+$0x83B0] =	vst v0  }
0x113: {  	[tilespmem:s20+$0x83C0] =	vst v0  }
0x114: {  	[tilespmem:s20+$0x83D0] =	vst v0;
	s19 =	sand.u32 $0x70, s19;
	s21 =	simm.s32 $0x0  }
0x115: {  	[tilespmem:s20+$0x83E0] =	vst v0;
	s19 =	sor.u32 s19, s21  }
0x116: {  	s31 =	simm.s32 $0x0;
	v1 =	vld [tilespmem:s19+$0x11800]  }
0x117: {  	v2 =	vmov s31  }
0x118: {  	v2 =	vshll.u32 v2, $0x7  }
0x119: {  	v2 =	vand.u32 $0x380, v2  }
0x11a: {  	v2 =	vbroadcast v2, $0x0  }
0x11b: {  	v3 =	vand.u32 $0x7F, v1;
	v1 =	vshll.u32 v1, $0x3  }
0x11c: {  	v4 =	vand.u32 $0xFFFFFC00, v1;
	v2 =	vor.u32 v2, v3  }
0x11d: {  	v1 =	vld [tilespmem:s19+$0x10000];
	v2 =	vor.u32 v4, v2;
	_ =	sdelay $0x2  }
0x11e: {  	s20 =	simm.s32 $0x2;
	s21 =	simm.s32 $0x0;
	s19 =	simm.s32 $0x10  }
.LBB2_34:
0x11f: {  	p0 =	sne.s32 s20, $0x3F;
	s22 =	sand.u32 $0x70, s19;
	s23 =	sshll.u32 s21, $0x7  }
0x120: {  	s22 =	sor.u32 s22, s23;
	[tilespmem:v2+s2+$0x0] =	vst.idx.add.f32.msk $0xffff, v1  }
0x121: {  	v1 =	vld [tilespmem:s22+$0x11800]  }
0x122: {  	v2 =	vmov s21  }
0x123: {  	v2 =	vshll.u32 v2, $0x7  }
0x124: {  	v2 =	vand.u32 $0x380, v2  }
0x125: {  	v2 =	vbroadcast v2, $0x0  }
0x126: {  	v3 =	vand.u32 $0x7F, v1;
	v1 =	vshll.u32 v1, $0x3  }
.Ltmp16:
0x127: {  	v4 =	vand.u32 $0xFFFFFC00, v1;
	v2 =	vor.u32 v2, v3;
	(pc) =	sbr.rel @p0 .LBB2_34-.Ltmp16, $2  }
0x128: {  	v1 =	vld [tilespmem:s22+$0x10000];
	v2 =	vor.u32 v4, v2;
	_ =	sdelay $0x2  }
0x129: {  	s19 =	sadd.s32 $0x10, s19;
	s21 =	sshrl.u32 s20, $0x3;
	s20 =	sadd.s32 $0x1, s20  }
0x12a: {  	_ =	sdelay $0x2  }
0x12b: {  	s19 =	sand.u32 $0x70, s19;
	s20 =	sshll.u32 s21, $0x7  }
0x12c: {  	s19 =	sor.u32 s19, s20;
	[tilespmem:v2+s2+$0x0] =	vst.idx.add.f32.msk $0xffff, v1  }
0x12d: {  	v1 =	vld [tilespmem:s19+$0x11800]  }
0x12e: {  	v2 =	vmov s21  }
0x12f: {  	v2 =	vshll.u32 v2, $0x7  }
0x130: {  	v2 =	vand.u32 $0x380, v2  }
0x131: {  	v2 =	vbroadcast v2, $0x0  }
0x132: {  	v3 =	vand.u32 $0x7F, v1;
	v1 =	vshll.u32 v1, $0x3  }
0x133: {  	v1 =	vand.u32 $0xFFFFFC00, v1;
	v2 =	vor.u32 v2, v3  }
0x134: {  	v3 =	vld [tilespmem:s19+$0x10000];
	v1 =	vor.u32 v1, v2;
	_ =	sdelay $0x2  }
0x135: {  	s29 =	simm.s32 $0x0  }
0x136: {  	s30 =	simm.s32 $0x0;
	s19 =	sand.u32 $0x70, s29  }
0x137: {  	s19 =	sor.u32 s19, s30;
	[tilespmem:v1+s2+$0x0] =	vst.idx.add.f32.msk $0xffff, v3  }
0x138: {  	[hbm4b:s4+s29] =	stream.linear.scatter [tilespmem:s29], [sflag:$0x1], $0x8000, $0x38;
	[tilespmem:$0x13000] =	vst v63  }
0x139: {  	s31 =	simm.s32 $0x0;
	v1 =	vld [tilespmem:s19+$0x11C00]  }
0x13a: {  	v2 =	vmov s31  }
0x13b: {  	v2 =	vshll.u32 v2, $0x7  }
0x13c: {  	v2 =	vand.u32 $0x380, v2  }
0x13d: {  	v2 =	vbroadcast v2, $0x0  }
0x13e: {  	v3 =	vand.u32 $0x7F, v1;
	v1 =	vshll.u32 v1, $0x3  }
0x13f: {  	v4 =	vand.u32 $0xFFFFFC00, v1;
	v2 =	vor.u32 v2, v3  }
0x140: {  	v1 =	vld [tilespmem:s19+$0x10400];
	v2 =	vor.u32 v4, v2;
	_ =	sdelay $0x2  }
0x141: {  	s21 =	simm.s32 $0x0;
	s20 =	simm.s32 $0x2;
	s19 =	simm.s32 $0x10  }
.LBB2_36:
0x142: {  	p0 =	sne.s32 s20, $0x3F;
	s22 =	sand.u32 $0x70, s19;
	s23 =	sshll.u32 s21, $0x7  }
0x143: {  	s22 =	sor.u32 s22, s23;
	[tilespmem:v2+s15+$0x0] =	vst.idx.add.f32.msk $0xffff, v1  }
0x144: {  	v1 =	vld [tilespmem:s22+$0x11C00]  }
0x145: {  	v2 =	vmov s21  }
0x146: {  	v2 =	vshll.u32 v2, $0x7  }
0x147: {  	v2 =	vand.u32 $0x380, v2  }
0x148: {  	v2 =	vbroadcast v2, $0x0  }
0x149: {  	v3 =	vand.u32 $0x7F, v1;
	v1 =	vshll.u32 v1, $0x3  }
.Ltmp17:
0x14a: {  	v4 =	vand.u32 $0xFFFFFC00, v1;
	v2 =	vor.u32 v2, v3;
	(pc) =	sbr.rel @p0 .LBB2_36-.Ltmp17, $2  }
0x14b: {  	v1 =	vld [tilespmem:s22+$0x10400];
	v2 =	vor.u32 v4, v2;
	_ =	sdelay $0x2  }
0x14c: {  	s19 =	sadd.s32 $0x10, s19;
	s21 =	sshrl.u32 s20, $0x3;
	s20 =	sadd.s32 $0x1, s20  }
0x14d: {  	_ =	sdelay $0x2  }
0x14e: {  	s19 =	sand.u32 $0x70, s19;
	s20 =	sshll.u32 s21, $0x7  }
0x14f: {  	s19 =	sor.u32 s19, s20;
	[tilespmem:v2+s15+$0x0] =	vst.idx.add.f32.msk $0xffff, v1  }
0x150: {  	v1 =	vld [tilespmem:s19+$0x11C00]  }
0x151: {  	v2 =	vmov s21  }
0x152: {  	v2 =	vshll.u32 v2, $0x7  }
0x153: {  	v2 =	vand.u32 $0x380, v2  }
0x154: {  	v2 =	vbroadcast v2, $0x0  }
0x155: {  	v3 =	vand.u32 $0x7F, v1;
	v1 =	vshll.u32 v1, $0x3  }
0x156: {  	v1 =	vand.u32 $0xFFFFFC00, v1;
	v2 =	vor.u32 v2, v3  }
0x157: {  	v3 =	vld [tilespmem:s19+$0x10400];
	v1 =	vor.u32 v1, v2;
	_ =	sdelay $0x4  }
0x158: {  	s19 =	simm.s32 $0x0;
	[tilespmem:v1+s15+$0x0] =	vst.idx.add.f32.msk $0xffff, v3  }
0x159: {  	[hbm4b:s6+s19] =	stream.linear.scatter [tilespmem:s15], [sflag:$0x2], $0x8000, $0x38;
	[tilespmem:$0x13000] =	vst v63  }
0x15a: {  	s31 =	simm.s32 $0x0;
	_ =	swait.ge [sflag:s16], $0x8000  }
0x15b: {  	s21 =	sand.u32 $0x3FFFFF80, s31;
	s20 =	sand.u32 $0x70, s19;
	[sflag:s16] =	ssyncset.done $0x0  }
0x15c: {  	s21 =	sor.u32 s20, s21;
	[sflag:s16] =	ssyncadd.s32 $0xFFFF8000  }
0x15d: {  	s22 =	simm.s32 $0x0;
	v1 =	vld [tilespmem:s21+$0x11800]  }
0x15e: {  	v2 =	vmov s22  }
0x15f: {  	v2 =	vshll.u32 v2, $0x7  }
0x160: {  	v2 =	vand.u32 $0x380, v2  }
0x161: {  	v2 =	vbroadcast v2, $0x0  }
0x162: {  	v3 =	vand.u32 $0x7F, v1;
	v1 =	vshll.u32 v1, $0x3  }
0x163: {  	v1 =	vand.u32 $0xFFFFFC00, v1;
	v2 =	vor.u32 v2, v3  }
0x164: {  	v1 =	vor.u32 v1, v2;
	_ =	sdelay $0x1  }
0x165: {  	s24 =	simm.s32 $0x10  }
0x166: {  	s23 =	simm.s32 $0x2;
	s22 =	simm.s32 $0x10;
	s21 =	simm.s32 $0x1  }
.LBB2_38:
0x167: {  	p0 =	sne.s32 s23, $0x3F;
	s25 =	sand.u32 $0x70, s22;
	s24 =	sand.u32 $0x3FFFFF80, s24  }
0x168: {  	s24 =	sor.u32 s25, s24;
	[tilespmem:v1+s19+$0x0] =	vst.idx.msk $0xffff, v0  }
0x169: {  	s25 =	sshrl.u32 s21, $0x3;
	s21 =	smov.u32 s23;
	v1 =	vld [tilespmem:s24+$0x11800]  }
0x16a: {  	v2 =	vmov s25  }
0x16b: {  	v2 =	vshll.u32 v2, $0x7  }
0x16c: {  	v2 =	vand.u32 $0x380, v2  }
0x16d: {  	v2 =	vbroadcast v2, $0x0  }
0x16e: {  	v3 =	vand.u32 $0x7F, v1;
	v1 =	vshll.u32 v1, $0x3  }
.Ltmp18:
0x16f: {  	v1 =	vand.u32 $0xFFFFFC00, v1;
	v2 =	vor.u32 v2, v3;
	(pc) =	sbr.rel @p0 .LBB2_38-.Ltmp18, $2  }
0x170: {  	v1 =	vor.u32 v1, v2;
	_ =	sdelay $0x2  }
0x171: {  	s22 =	sadd.s32 $0x10, s22;
	s23 =	sadd.s32 $0x1, s23;
	s24 =	sshll.u32 s21, $0x4  }
0x172: {  	_ =	sdelay $0x2  }
0x173: {  	s22 =	sand.u32 $0x70, s22;
	s23 =	sand.u32 $0x3FFFFF80, s24  }
0x174: {  	[tilespmem:v1+s19+$0x0] =	vst.idx.msk $0xffff, v0;
	s22 =	sor.u32 s22, s23  }
0x175: {  	s21 =	sshrl.u32 s21, $0x3;
	v1 =	vld [tilespmem:s22+$0x11800]  }
0x176: {  	v2 =	vmov s21  }
0x177: {  	v2 =	vshll.u32 v2, $0x7  }
0x178: {  	v2 =	vand.u32 $0x380, v2  }
0x179: {  	v2 =	vbroadcast v2, $0x0  }
0x17a: {  	v3 =	vand.u32 $0x7F, v1;
	v1 =	vshll.u32 v1, $0x3  }
0x17b: {  	v1 =	vand.u32 $0xFFFFFC00, v1;
	v2 =	vor.u32 v2, v3  }
0x17c: {  	v1 =	vor.u32 v1, v2;
	_ =	sdelay $0x3  }
0x17d: {  	s29 =	simm.s32 $0x0  }
0x17e: {  	s30 =	sor.u32 s20, s29;
	[tilespmem:v1+s19+$0x0] =	vst.idx.msk $0xffff, v0  }
0x17f: {  	s31 =	simm.s32 $0x0;
	v1 =	vld [tilespmem:s30+$0x12000]  }
0x180: {  	v2 =	vmov s31  }
0x181: {  	v2 =	vshll.u32 v2, $0x7  }
0x182: {  	v2 =	vand.u32 $0x380, v2  }
0x183: {  	v2 =	vbroadcast v2, $0x0  }
0x184: {  	v3 =	vand.u32 $0x7F, v1;
	v1 =	vshll.u32 v1, $0x3  }
0x185: {  	v4 =	vand.u32 $0xFFFFFC00, v1;
	v2 =	vor.u32 v2, v3  }
0x186: {  	v1 =	vld [tilespmem:s30+$0x10800];
	v2 =	vor.u32 v4, v2;
	_ =	sdelay $0x2  }
0x187: {  	s21 =	simm.s32 $0x0;
	s20 =	simm.s32 $0x2;
	s19 =	simm.s32 $0x10  }
.LBB2_40:
0x188: {  	p0 =	sne.s32 s20, $0x3F;
	s22 =	sand.u32 $0x70, s19;
	s23 =	sshll.u32 s21, $0x7  }
0x189: {  	s22 =	sor.u32 s22, s23;
	[tilespmem:v2+s2+$0x0] =	vst.idx.add.f32.msk $0xffff, v1  }
0x18a: {  	v1 =	vld [tilespmem:s22+$0x12000]  }
0x18b: {  	v2 =	vmov s21  }
0x18c: {  	v2 =	vshll.u32 v2, $0x7  }
0x18d: {  	v2 =	vand.u32 $0x380, v2  }
0x18e: {  	v2 =	vbroadcast v2, $0x0  }
0x18f: {  	v3 =	vand.u32 $0x7F, v1;
	v1 =	vshll.u32 v1, $0x3  }
.Ltmp19:
0x190: {  	v4 =	vand.u32 $0xFFFFFC00, v1;
	v2 =	vor.u32 v2, v3;
	(pc) =	sbr.rel @p0 .LBB2_40-.Ltmp19, $2  }
0x191: {  	v1 =	vld [tilespmem:s22+$0x10800];
	v2 =	vor.u32 v4, v2;
	_ =	sdelay $0x2  }
0x192: {  	s19 =	sadd.s32 $0x10, s19;
	s21 =	sshrl.u32 s20, $0x3;
	s20 =	sadd.s32 $0x1, s20  }
0x193: {  	_ =	sdelay $0x2  }
0x194: {  	s19 =	sand.u32 $0x70, s19;
	s20 =	sshll.u32 s21, $0x7  }
0x195: {  	s19 =	sor.u32 s19, s20;
	[tilespmem:v2+s2+$0x0] =	vst.idx.add.f32.msk $0xffff, v1  }
0x196: {  	v1 =	vld [tilespmem:s19+$0x12000]  }
0x197: {  	v2 =	vmov s21  }
0x198: {  	v2 =	vshll.u32 v2, $0x7  }
0x199: {  	v2 =	vand.u32 $0x380, v2  }
0x19a: {  	v2 =	vbroadcast v2, $0x0  }
0x19b: {  	v3 =	vand.u32 $0x7F, v1;
	v1 =	vshll.u32 v1, $0x3  }
0x19c: {  	v1 =	vand.u32 $0xFFFFFC00, v1;
	v2 =	vor.u32 v2, v3  }
0x19d: {  	v3 =	vld [tilespmem:s19+$0x10800];
	v1 =	vor.u32 v1, v2;
	_ =	sdelay $0x4  }
0x19e: {  	s29 =	simm.s32 $0x0;
	[tilespmem:v1+s2+$0x0] =	vst.idx.add.f32.msk $0xffff, v3  }
0x19f: {  	[hbm4b:s7+s29] =	stream.linear.scatter [tilespmem:s29], [sflag:$0x1], $0x8000, $0x38;
	[tilespmem:$0x13000] =	vst v63  }
0x1a0: {  	s30 =	simm.s32 $0x0;
	_ =	swait.ge [sflag:s17], $0x8000  }
0x1a1: {  	s20 =	sand.u32 $0x3FFFFF80, s30;
	s19 =	sand.u32 $0x70, s29;
	[sflag:s17] =	ssyncset.done $0x0  }
0x1a2: {  	s20 =	sor.u32 s19, s20;
	[sflag:s17] =	ssyncadd.s32 $0xFFFF8000  }
0x1a3: {  	s31 =	simm.s32 $0x0;
	v1 =	vld [tilespmem:s20+$0x11C00]  }
0x1a4: {  	v2 =	vmov s31  }
0x1a5: {  	v2 =	vshll.u32 v2, $0x7  }
0x1a6: {  	v2 =	vand.u32 $0x380, v2  }
0x1a7: {  	v2 =	vbroadcast v2, $0x0  }
0x1a8: {  	v3 =	vand.u32 $0x7F, v1;
	v1 =	vshll.u32 v1, $0x3  }
0x1a9: {  	v1 =	vand.u32 $0xFFFFFC00, v1;
	v2 =	vor.u32 v2, v3  }
0x1aa: {  	v1 =	vor.u32 v1, v2;
	_ =	sdelay $0x1  }
0x1ab: {  	s23 =	simm.s32 $0x10  }
0x1ac: {  	s22 =	simm.s32 $0x2;
	s21 =	simm.s32 $0x10;
	s20 =	simm.s32 $0x1  }
.LBB2_42:
0x1ad: {  	p0 =	sne.s32 s22, $0x3F;
	s24 =	sand.u32 $0x70, s21;
	s23 =	sand.u32 $0x3FFFFF80, s23  }
0x1ae: {  	s23 =	sor.u32 s24, s23;
	[tilespmem:v1+s15+$0x0] =	vst.idx.msk $0xffff, v0  }
0x1af: {  	s24 =	sshrl.u32 s20, $0x3;
	s20 =	smov.u32 s22;
	v1 =	vld [tilespmem:s23+$0x11C00]  }
0x1b0: {  	v2 =	vmov s24  }
0x1b1: {  	v2 =	vshll.u32 v2, $0x7  }
0x1b2: {  	v2 =	vand.u32 $0x380, v2  }
0x1b3: {  	v2 =	vbroadcast v2, $0x0  }
0x1b4: {  	v3 =	vand.u32 $0x7F, v1;
	v1 =	vshll.u32 v1, $0x3  }
.Ltmp20:
0x1b5: {  	v1 =	vand.u32 $0xFFFFFC00, v1;
	v2 =	vor.u32 v2, v3;
	(pc) =	sbr.rel @p0 .LBB2_42-.Ltmp20, $2  }
0x1b6: {  	v1 =	vor.u32 v1, v2;
	_ =	sdelay $0x2  }
0x1b7: {  	s21 =	sadd.s32 $0x10, s21;
	s22 =	sadd.s32 $0x1, s22;
	s23 =	sshll.u32 s20, $0x4  }
0x1b8: {  	_ =	sdelay $0x2  }
0x1b9: {  	s21 =	sand.u32 $0x70, s21;
	s22 =	sand.u32 $0x3FFFFF80, s23  }
0x1ba: {  	[tilespmem:v1+s15+$0x0] =	vst.idx.msk $0xffff, v0;
	s21 =	sor.u32 s21, s22  }
0x1bb: {  	s20 =	sshrl.u32 s20, $0x3;
	v1 =	vld [tilespmem:s21+$0x11C00]  }
0x1bc: {  	v2 =	vmov s20  }
0x1bd: {  	v2 =	vshll.u32 v2, $0x7  }
0x1be: {  	v2 =	vand.u32 $0x380, v2  }
0x1bf: {  	v2 =	vbroadcast v2, $0x0  }
0x1c0: {  	v3 =	vand.u32 $0x7F, v1;
	v1 =	vshll.u32 v1, $0x3  }
0x1c1: {  	v1 =	vand.u32 $0xFFFFFC00, v1;
	v2 =	vor.u32 v2, v3  }
0x1c2: {  	v1 =	vor.u32 v1, v2;
	_ =	sdelay $0x3  }
0x1c3: {  	s30 =	simm.s32 $0x0  }
0x1c4: {  	s19 =	sor.u32 s19, s30;
	[tilespmem:v1+s15+$0x0] =	vst.idx.msk $0xffff, v0  }
0x1c5: {  	s31 =	simm.s32 $0x0;
	v1 =	vld [tilespmem:s19+$0x12400]  }
0x1c6: {  	v2 =	vmov s31  }
0x1c7: {  	v2 =	vshll.u32 v2, $0x7  }
0x1c8: {  	v2 =	vand.u32 $0x380, v2  }
0x1c9: {  	v2 =	vbroadcast v2, $0x0  }
0x1ca: {  	v3 =	vand.u32 $0x7F, v1;
	v1 =	vshll.u32 v1, $0x3  }
0x1cb: {  	v4 =	vand.u32 $0xFFFFFC00, v1;
	v2 =	vor.u32 v2, v3  }
0x1cc: {  	v1 =	vld [tilespmem:s19+$0x10C00];
	v2 =	vor.u32 v4, v2;
	_ =	sdelay $0x2  }
0x1cd: {  	s20 =	simm.s32 $0x2;
	s21 =	simm.s32 $0x0;
	s19 =	simm.s32 $0x10  }
.LBB2_44:
0x1ce: {  	p0 =	sne.s32 s20, $0x3F;
	s22 =	sand.u32 $0x70, s19;
	s23 =	sshll.u32 s21, $0x7  }
0x1cf: {  	s22 =	sor.u32 s22, s23;
	[tilespmem:v2+s15+$0x0] =	vst.idx.add.f32.msk $0xffff, v1  }
0x1d0: {  	v1 =	vld [tilespmem:s22+$0x12400]  }
0x1d1: {  	v2 =	vmov s21  }
0x1d2: {  	v2 =	vshll.u32 v2, $0x7  }
0x1d3: {  	v2 =	vand.u32 $0x380, v2  }
0x1d4: {  	v2 =	vbroadcast v2, $0x0  }
0x1d5: {  	v3 =	vand.u32 $0x7F, v1;
	v1 =	vshll.u32 v1, $0x3  }
.Ltmp21:
0x1d6: {  	v4 =	vand.u32 $0xFFFFFC00, v1;
	v2 =	vor.u32 v2, v3;
	(pc) =	sbr.rel @p0 .LBB2_44-.Ltmp21, $2  }
0x1d7: {  	v1 =	vld [tilespmem:s22+$0x10C00];
	v2 =	vor.u32 v4, v2;
	_ =	sdelay $0x2  }
0x1d8: {  	s19 =	sadd.s32 $0x10, s19;
	s21 =	sshrl.u32 s20, $0x3;
	s20 =	sadd.s32 $0x1, s20  }
0x1d9: {  	_ =	sdelay $0x2  }
0x1da: {  	s19 =	sand.u32 $0x70, s19;
	s20 =	sshll.u32 s21, $0x7  }
0x1db: {  	s19 =	sor.u32 s19, s20;
	[tilespmem:v2+s15+$0x0] =	vst.idx.add.f32.msk $0xffff, v1  }
0x1dc: {  	v1 =	vld [tilespmem:s19+$0x12400]  }
0x1dd: {  	v2 =	vmov s21  }
0x1de: {  	v2 =	vshll.u32 v2, $0x7  }
0x1df: {  	v2 =	vand.u32 $0x380, v2  }
0x1e0: {  	v2 =	vbroadcast v2, $0x0  }
0x1e1: {  	v3 =	vand.u32 $0x7F, v1;
	v1 =	vshll.u32 v1, $0x3  }
0x1e2: {  	v1 =	vand.u32 $0xFFFFFC00, v1;
	v2 =	vor.u32 v2, v3  }
0x1e3: {  	v3 =	vld [tilespmem:s19+$0x10C00];
	v1 =	vor.u32 v1, v2;
	_ =	sdelay $0x4  }
0x1e4: {  	s19 =	simm.s32 $0x0;
	[tilespmem:v1+s15+$0x0] =	vst.idx.add.f32.msk $0xffff, v3  }
0x1e5: {  	[hbm4b:s8+s19] =	stream.linear.scatter [tilespmem:s15], [sflag:$0x2], $0x8000, $0x38;
	[tilespmem:$0x13000] =	vst v63  }
0x1e6: {  	s31 =	simm.s32 $0x0;
	_ =	swait.ge [sflag:s16], $0x8000  }
0x1e7: {  	s21 =	sand.u32 $0x3FFFFF80, s31;
	s20 =	sand.u32 $0x70, s19;
	[sflag:s16] =	ssyncset.done $0x0  }
0x1e8: {  	s21 =	sor.u32 s20, s21;
	[sflag:s16] =	ssyncadd.s32 $0xFFFF8000  }
0x1e9: {  	s22 =	simm.s32 $0x0;
	v1 =	vld [tilespmem:s21+$0x12000]  }
0x1ea: {  	v2 =	vmov s22  }
0x1eb: {  	v2 =	vshll.u32 v2, $0x7  }
0x1ec: {  	v2 =	vand.u32 $0x380, v2  }
0x1ed: {  	v2 =	vbroadcast v2, $0x0  }
0x1ee: {  	v3 =	vand.u32 $0x7F, v1;
	v1 =	vshll.u32 v1, $0x3  }
0x1ef: {  	v1 =	vand.u32 $0xFFFFFC00, v1;
	v2 =	vor.u32 v2, v3  }
0x1f0: {  	v1 =	vor.u32 v1, v2;
	_ =	sdelay $0x1  }
0x1f1: {  	s24 =	simm.s32 $0x10  }
0x1f2: {  	s23 =	simm.s32 $0x2;
	s22 =	simm.s32 $0x10;
	s21 =	simm.s32 $0x1  }
.LBB2_46:
0x1f3: {  	p0 =	sne.s32 s23, $0x3F;
	s25 =	sand.u32 $0x70, s22;
	s24 =	sand.u32 $0x3FFFFF80, s24  }
0x1f4: {  	s24 =	sor.u32 s25, s24;
	[tilespmem:v1+s19+$0x0] =	vst.idx.msk $0xffff, v0  }
0x1f5: {  	s25 =	sshrl.u32 s21, $0x3;
	s21 =	smov.u32 s23;
	v1 =	vld [tilespmem:s24+$0x12000]  }
0x1f6: {  	v2 =	vmov s25  }
0x1f7: {  	v2 =	vshll.u32 v2, $0x7  }
0x1f8: {  	v2 =	vand.u32 $0x380, v2  }
0x1f9: {  	v2 =	vbroadcast v2, $0x0  }
0x1fa: {  	v3 =	vand.u32 $0x7F, v1;
	v1 =	vshll.u32 v1, $0x3  }
.Ltmp22:
0x1fb: {  	v1 =	vand.u32 $0xFFFFFC00, v1;
	v2 =	vor.u32 v2, v3;
	(pc) =	sbr.rel @p0 .LBB2_46-.Ltmp22, $2  }
0x1fc: {  	v1 =	vor.u32 v1, v2;
	_ =	sdelay $0x2  }
0x1fd: {  	s22 =	sadd.s32 $0x10, s22;
	s23 =	sadd.s32 $0x1, s23;
	s24 =	sshll.u32 s21, $0x4  }
0x1fe: {  	_ =	sdelay $0x2  }
0x1ff: {  	s22 =	sand.u32 $0x70, s22;
	s23 =	sand.u32 $0x3FFFFF80, s24  }
0x200: {  	[tilespmem:v1+s19+$0x0] =	vst.idx.msk $0xffff, v0;
	s22 =	sor.u32 s22, s23  }
0x201: {  	s21 =	sshrl.u32 s21, $0x3;
	v1 =	vld [tilespmem:s22+$0x12000]  }
0x202: {  	v2 =	vmov s21  }
0x203: {  	v2 =	vshll.u32 v2, $0x7  }
0x204: {  	v2 =	vand.u32 $0x380, v2  }
0x205: {  	v2 =	vbroadcast v2, $0x0  }
0x206: {  	v3 =	vand.u32 $0x7F, v1;
	v1 =	vshll.u32 v1, $0x3  }
0x207: {  	v1 =	vand.u32 $0xFFFFFC00, v1;
	v2 =	vor.u32 v2, v3  }
0x208: {  	v1 =	vor.u32 v1, v2;
	_ =	sdelay $0x3  }
0x209: {  	s29 =	simm.s32 $0x0  }
0x20a: {  	s30 =	sor.u32 s20, s29;
	[tilespmem:v1+s19+$0x0] =	vst.idx.msk $0xffff, v0  }
0x20b: {  	s31 =	simm.s32 $0x0;
	v1 =	vld [tilespmem:s30+$0x12800]  }
0x20c: {  	v2 =	vmov s31  }
0x20d: {  	v2 =	vshll.u32 v2, $0x7  }
0x20e: {  	v2 =	vand.u32 $0x380, v2  }
0x20f: {  	v2 =	vbroadcast v2, $0x0  }
0x210: {  	v3 =	vand.u32 $0x7F, v1;
	v1 =	vshll.u32 v1, $0x3  }
0x211: {  	v4 =	vand.u32 $0xFFFFFC00, v1;
	v2 =	vor.u32 v2, v3  }
0x212: {  	v1 =	vld [tilespmem:s30+$0x11000];
	v2 =	vor.u32 v4, v2;
	_ =	sdelay $0x2  }
0x213: {  	s21 =	simm.s32 $0x0;
	s20 =	simm.s32 $0x2;
	s19 =	simm.s32 $0x10  }
.LBB2_48:
0x214: {  	p0 =	sne.s32 s20, $0x3F;
	s22 =	sand.u32 $0x70, s19;
	s23 =	sshll.u32 s21, $0x7  }
0x215: {  	s22 =	sor.u32 s22, s23;
	[tilespmem:v2+s2+$0x0] =	vst.idx.add.f32.msk $0xffff, v1  }
0x216: {  	v1 =	vld [tilespmem:s22+$0x12800]  }
0x217: {  	v2 =	vmov s21  }
0x218: {  	v2 =	vshll.u32 v2, $0x7  }
0x219: {  	v2 =	vand.u32 $0x380, v2  }
0x21a: {  	v2 =	vbroadcast v2, $0x0  }
0x21b: {  	v3 =	vand.u32 $0x7F, v1;
	v1 =	vshll.u32 v1, $0x3  }
.Ltmp23:
0x21c: {  	v4 =	vand.u32 $0xFFFFFC00, v1;
	v2 =	vor.u32 v2, v3;
	(pc) =	sbr.rel @p0 .LBB2_48-.Ltmp23, $2  }
0x21d: {  	v1 =	vld [tilespmem:s22+$0x11000];
	v2 =	vor.u32 v4, v2;
	_ =	sdelay $0x2  }
0x21e: {  	s19 =	sadd.s32 $0x10, s19;
	s21 =	sshrl.u32 s20, $0x3;
	s20 =	sadd.s32 $0x1, s20  }
0x21f: {  	_ =	sdelay $0x2  }
0x220: {  	s19 =	sand.u32 $0x70, s19;
	s20 =	sshll.u32 s21, $0x7  }
0x221: {  	s19 =	sor.u32 s19, s20;
	[tilespmem:v2+s2+$0x0] =	vst.idx.add.f32.msk $0xffff, v1  }
0x222: {  	v1 =	vld [tilespmem:s19+$0x12800]  }
0x223: {  	v2 =	vmov s21  }
0x224: {  	v2 =	vshll.u32 v2, $0x7  }
0x225: {  	v2 =	vand.u32 $0x380, v2  }
0x226: {  	v2 =	vbroadcast v2, $0x0  }
0x227: {  	v3 =	vand.u32 $0x7F, v1;
	v1 =	vshll.u32 v1, $0x3  }
0x228: {  	v1 =	vand.u32 $0xFFFFFC00, v1;
	v2 =	vor.u32 v2, v3  }
0x229: {  	v3 =	vld [tilespmem:s19+$0x11000];
	v1 =	vor.u32 v1, v2;
	_ =	sdelay $0x4  }
0x22a: {  	s29 =	simm.s32 $0x0;
	[tilespmem:v1+s2+$0x0] =	vst.idx.add.f32.msk $0xffff, v3  }
0x22b: {  	[hbm4b:s9+s29] =	stream.linear.scatter [tilespmem:s29], [sflag:$0x1], $0x8000, $0x38;
	[tilespmem:$0x13000] =	vst v63  }
0x22c: {  	s30 =	simm.s32 $0x0;
	_ =	swait.ge [sflag:s17], $0x8000  }
0x22d: {  	s20 =	sand.u32 $0x3FFFFF80, s30;
	s19 =	sand.u32 $0x70, s29;
	[sflag:s17] =	ssyncset.done $0x0  }
0x22e: {  	s20 =	sor.u32 s19, s20;
	[sflag:s17] =	ssyncadd.s32 $0xFFFF8000  }
0x22f: {  	s31 =	simm.s32 $0x0;
	v1 =	vld [tilespmem:s20+$0x12400]  }
0x230: {  	v2 =	vmov s31  }
0x231: {  	v2 =	vshll.u32 v2, $0x7  }
0x232: {  	v2 =	vand.u32 $0x380, v2  }
0x233: {  	v2 =	vbroadcast v2, $0x0  }
0x234: {  	v3 =	vand.u32 $0x7F, v1;
	v1 =	vshll.u32 v1, $0x3  }
0x235: {  	v1 =	vand.u32 $0xFFFFFC00, v1;
	v2 =	vor.u32 v2, v3  }
0x236: {  	v1 =	vor.u32 v1, v2;
	_ =	sdelay $0x1  }
0x237: {  	s23 =	simm.s32 $0x10  }
0x238: {  	s22 =	simm.s32 $0x2;
	s21 =	simm.s32 $0x10;
	s20 =	simm.s32 $0x1  }
.LBB2_50:
0x239: {  	p0 =	sne.s32 s22, $0x3F;
	s24 =	sand.u32 $0x70, s21;
	s23 =	sand.u32 $0x3FFFFF80, s23  }
0x23a: {  	s23 =	sor.u32 s24, s23;
	[tilespmem:v1+s15+$0x0] =	vst.idx.msk $0xffff, v0  }
0x23b: {  	s24 =	sshrl.u32 s20, $0x3;
	s20 =	smov.u32 s22;
	v1 =	vld [tilespmem:s23+$0x12400]  }
0x23c: {  	v2 =	vmov s24  }
0x23d: {  	v2 =	vshll.u32 v2, $0x7  }
0x23e: {  	v2 =	vand.u32 $0x380, v2  }
0x23f: {  	v2 =	vbroadcast v2, $0x0  }
0x240: {  	v3 =	vand.u32 $0x7F, v1;
	v1 =	vshll.u32 v1, $0x3  }
.Ltmp24:
0x241: {  	v1 =	vand.u32 $0xFFFFFC00, v1;
	v2 =	vor.u32 v2, v3;
	(pc) =	sbr.rel @p0 .LBB2_50-.Ltmp24, $2  }
0x242: {  	v1 =	vor.u32 v1, v2;
	_ =	sdelay $0x2  }
0x243: {  	s21 =	sadd.s32 $0x10, s21;
	s22 =	sadd.s32 $0x1, s22;
	s23 =	sshll.u32 s20, $0x4  }
0x244: {  	_ =	sdelay $0x2  }
0x245: {  	s21 =	sand.u32 $0x70, s21;
	s22 =	sand.u32 $0x3FFFFF80, s23  }
0x246: {  	[tilespmem:v1+s15+$0x0] =	vst.idx.msk $0xffff, v0;
	s21 =	sor.u32 s21, s22  }
0x247: {  	s20 =	sshrl.u32 s20, $0x3;
	v1 =	vld [tilespmem:s21+$0x12400]  }
0x248: {  	v2 =	vmov s20  }
0x249: {  	v2 =	vshll.u32 v2, $0x7  }
0x24a: {  	v2 =	vand.u32 $0x380, v2  }
0x24b: {  	v2 =	vbroadcast v2, $0x0  }
0x24c: {  	v3 =	vand.u32 $0x7F, v1;
	v1 =	vshll.u32 v1, $0x3  }
0x24d: {  	v1 =	vand.u32 $0xFFFFFC00, v1;
	v2 =	vor.u32 v2, v3  }
0x24e: {  	v1 =	vor.u32 v1, v2;
	_ =	sdelay $0x3  }
0x24f: {  	s30 =	simm.s32 $0x0  }
0x250: {  	s19 =	sor.u32 s19, s30;
	[tilespmem:v1+s15+$0x0] =	vst.idx.msk $0xffff, v0  }
0x251: {  	s31 =	simm.s32 $0x0;
	v1 =	vld [tilespmem:s19+$0x12C00]  }
0x252: {  	v2 =	vmov s31  }
0x253: {  	v2 =	vshll.u32 v2, $0x7  }
0x254: {  	v2 =	vand.u32 $0x380, v2  }
0x255: {  	v2 =	vbroadcast v2, $0x0  }
0x256: {  	v3 =	vand.u32 $0x7F, v1;
	v1 =	vshll.u32 v1, $0x3  }
0x257: {  	v4 =	vand.u32 $0xFFFFFC00, v1;
	v2 =	vor.u32 v2, v3  }
0x258: {  	v1 =	vld [tilespmem:s19+$0x11400];
	v2 =	vor.u32 v4, v2;
	_ =	sdelay $0x2  }
0x259: {  	s20 =	simm.s32 $0x2;
	s21 =	simm.s32 $0x0;
	s19 =	simm.s32 $0x10  }
.LBB2_52:
0x25a: {  	p0 =	sne.s32 s20, $0x3F;
	s22 =	sand.u32 $0x70, s19;
	s23 =	sshll.u32 s21, $0x7  }
0x25b: {  	s22 =	sor.u32 s22, s23;
	[tilespmem:v2+s15+$0x0] =	vst.idx.add.f32.msk $0xffff, v1  }
0x25c: {  	v1 =	vld [tilespmem:s22+$0x12C00]  }
0x25d: {  	v2 =	vmov s21  }
0x25e: {  	v2 =	vshll.u32 v2, $0x7  }
0x25f: {  	v2 =	vand.u32 $0x380, v2  }
0x260: {  	v2 =	vbroadcast v2, $0x0  }
0x261: {  	v3 =	vand.u32 $0x7F, v1;
	v1 =	vshll.u32 v1, $0x3  }
.Ltmp25:
0x262: {  	v4 =	vand.u32 $0xFFFFFC00, v1;
	v2 =	vor.u32 v2, v3;
	(pc) =	sbr.rel @p0 .LBB2_52-.Ltmp25, $2  }
0x263: {  	v1 =	vld [tilespmem:s22+$0x11400];
	v2 =	vor.u32 v4, v2;
	_ =	sdelay $0x2  }
0x264: {  	s19 =	sadd.s32 $0x10, s19;
	s21 =	sshrl.u32 s20, $0x3;
	s20 =	sadd.s32 $0x1, s20  }
0x265: {  	_ =	sdelay $0x2  }
0x266: {  	s19 =	sand.u32 $0x70, s19;
	s20 =	sshll.u32 s21, $0x7  }
0x267: {  	s19 =	sor.u32 s19, s20;
	[tilespmem:v2+s15+$0x0] =	vst.idx.add.f32.msk $0xffff, v1  }
0x268: {  	v1 =	vld [tilespmem:s19+$0x12C00]  }
0x269: {  	v2 =	vmov s21  }
0x26a: {  	v2 =	vshll.u32 v2, $0x7  }
0x26b: {  	v2 =	vand.u32 $0x380, v2  }
0x26c: {  	v2 =	vbroadcast v2, $0x0  }
0x26d: {  	v3 =	vand.u32 $0x7F, v1;
	v1 =	vshll.u32 v1, $0x3  }
0x26e: {  	v1 =	vand.u32 $0xFFFFFC00, v1;
	v2 =	vor.u32 v2, v3  }
0x26f: {  	v3 =	vld [tilespmem:s19+$0x11400];
	v1 =	vor.u32 v1, v2;
	_ =	sdelay $0x4  }
0x270: {  	s18 =	sadd.s32 $0x1, s18;
	[tilespmem:v1+s15+$0x0] =	vst.idx.add.f32.msk $0xffff, v3  }
0x271: {  	[hbm4b:s10+s2] =	stream.linear.scatter [tilespmem:s15], [sflag:$0x2], $0x8000, $0x38;
	[tilespmem:$0x13000] =	vst v63  }
0x272: {  	p0 =	sne.s32 s18, s11;
	_ =	swait.ge [sflag:s16], $0x8000  }
.Ltmp26:
0x273: {  	[sflag:s16] =	ssyncset.done $0x0;
	(pc) =	sbr.rel @p0 .LBB2_1-.Ltmp26, $4  }
0x274: {  	[sflag:s16] =	ssyncadd.s32 $0xFFFF8000  }
0x275: {  	_ =	swait.ge [sflag:s17], $0x8000  }
0x276: {  	[sflag:s17] =	ssyncset.done $0x0  }
0x277: {  	[sflag:s17] =	ssyncadd.s32 $0xFFFF8000  }
0x278: {  	_ =	sfence.sel $0x180000  }
0x279: {  	[bflag:$0x0] =	sbarrier.arrive $0xFFFF  }
0x27a: {  	p0 =	sne.s32 s0, $0x0;
	_ =	strace $0x90000047  }
0x27b: {  	s0 =	sadd.s32 @!p0 $0x100000, s1;
	[bflag:$0x2] =	sbarrier.arrive $0xFFFF  }
0x27c: {  	[sflag:s0] =	ssyncadd.tile.s32 @!p0 $0x1;
	_ =	shalt  }
.Lfunc_end2:
_tile_overlayer_lowered:
.L_overlay_start_2:
0x27d: {  	(tag) =	ssettag $0x2  }
0x27e: {  	s0 =	rddreg [dreg:$0x0];
	s2 =	stileid.u32  }
0x27f: {  	s1 =	rddreg [dreg:$0x1];
	p0 =	sne.s32 s2, $0x0  }
0x280: {  	s3 =	rddreg [dreg:$0x2];
	[bflag:$0x3] =	sbarrier.arrive $0xFFFF;
	s2 =	simm.s32 @!p0 $0x1C03  }
0x281: {  	[timem:s3], [sflag:s2] =	dma.local @!p0 [hbm:s0], s1  }
0x282: {  	s0 =	simm.s32 @!p0 $0x3  }
0x283: {  	_ =	swait.ge @!p0 [sflag:s0], s1  }
0x284: {  	s1 =	ssub.s32 @!p0 $0x0, s1;
	[sflag:s0] =	ssyncset.done @!p0 $0x0  }
0x285: {  	[sflag:s0] =	ssyncadd.s32 @!p0 s1  }
0x286: {  	[bflag:$0x3] =	sbarrier.arrive $0xFFFF  }
0x287: {  	_ =	shalt  }

// kernel: densify_chunk1.3.cloned.1.call-start
scs
__scs_entry_jumppad:
0x0: {  	(pc) =	sbr.rel $0x88, $3  }
0x1: {  	(tag) =	ssettag $0x0;
	lr =	simm.s32 $0x1  }
0x2: {  	[smem:$0x3F9D] =	sst lr;
	_ =	strace $0xD0000000  }
0x3: {  	_ = 	snop  }
0x4: {  	_ = 	snop  }
0x5: {  	_ = 	snop  }
0x6: {  	_ = 	snop  }
0x7: {  	_ = 	snop  }
__scs_overlays_trampoline_lowered:
0x8: {  	[smem:$0x3FAC] =	sst s0  }
0x9: {  	[smem:$0x3FAD] =	sst s1  }
0xa: {  	[smem:$0x3FAE] =	sst s2  }
0xb: {  	[smem:$0x3FAF] =	sst s3  }
0xc: {  	[smem:$0x3FB0] =	sst s4  }
0xd: {  	[smem:$0x3FB1] =	sst s5  }
0xe: {  	[smem:$0x3FB2] =	sst s6  }
0xf: {  	[smem:$0x3FB3] =	sst s7  }
0x10: {  	[smem:$0x3FB4] =	sst s8  }
0x11: {  	[smem:$0x3FB5] =	sst s9;
	s0 =	simm.s32 @!p0 $0x0  }
0x12: {  	s1 =	sld [smem:$0x3F9B];
	s0 =	simm.s32 @p0 $0x1  }
0x13: {  	[smem:$0x3FB6] =	sst s0;
	s0 =	simm.s32 @!p1 $0x0  }
0x14: {  	s2 =	sld [smem:$0x3F9A];
	s0 =	simm.s32 @p1 $0x1  }
0x15: {  	[smem:$0x3FB7] =	sst s0;
	s0 =	simm.s32 @!p2 $0x0  }
0x16: {  	s3 =	sld [smem:$0x3FDB];
	s0 =	simm.s32 @p2 $0x1  }
0x17: {  	s4 =	simm.s32 $0x1BF5;
	[smem:$0x3FB9] =	sst s0  }
0x18: {  	s0 =	sld [smem:$0x3F9C];
	_ =	swait.ge [sflag:s4], $0x0  }
0x19: {  	s7 =	sld [smem:$0x3F9D]  }
0x1a: {  	s8 =	sadd.s32 $0xFFFFE003, lr  }
0x1b: {  	s9 =	sadd.s32 $0xFFFFFEF7, lr;
	s5 =	simm.s32 $0xFFFFFFFF;
	p2 =	slt.u32 s8, $0xFFFFF086  }
0x1c: {  	p1 =	slt.u32 s9, $0xF7A;
	s5 =	simm.s32 @!p2 $0x0  }
0x1d: {  	s5 =	simm.s32 @p1 $0x1;
	p0 =	seq.s32 s7, s2  }
0x1e: {  	s7 =	smul.u32 @!p0 $0xF7A, s2;
	p2 =	seq.s32 @!p0 s5, $0x0  }
0x1f: {  	s9 =	smul.u32 $0xF7A, s1;
	s8 =	simm.s32 @!p0 $0x1BF5;
	p2 =	por !p2, p0  }
0x20: {  	[sflag:s8] =	ssyncset.s32 @!p0 $0xFFFFF086;
	s6 =	sadd.s32 @!p0 s3, s7;
	s7 =	simm.s32 @!p0 $0x108  }
0x21: {  	s3 =	sadd.s32 s3, s9;
	s6 =	sadd.s32 @!p0 $0x88, s6;
	s7 =	simm.s32 @p2 $0x1082  }
0x22: {  	[simem:s7], [sflag:s8] =	dma.local @!p0 [hbm:s6], $0xF7A  }
0x23: {  	s9 =	sor.u32 $0xD0000000, s2;
	s6 =	simm.s32 $0x108;
	_ =	swait.ge @!p0 [sflag:s8], $0x0  }
0x24: {  	s3 =	sadd.s32 $0x88, s3;
	s6 =	simm.s32 @!p1 $0x1082;
	[sflag:s4] =	ssyncset.s32 $0xFFFFF086  }
0x25: {  	[simem:s6], [sflag:s4] =	dma.local [hbm:s3], $0xF7A  }
0x26: {  	[smem:$0x3F9D] =	sst s1;
	(tag) =	ssettag s2;
	_ =	strace s9  }
0x27: {  	s1 =	sld [smem:$0x3FAD]  }
0x28: {  	s2 =	sld [smem:$0x3FAE]  }
0x29: {  	s4 =	sld [smem:$0x3FB0]  }
0x2a: {  	p0 =	seq.s32 s5, $0x0;
	s5 =	sld [smem:$0x3FB1]  }
0x2b: {  	s6 =	sld [smem:$0x3FB2]  }
0x2c: {  	s7 =	sld [smem:$0x3FB3]  }
0x2d: {  	s3 =	simm.s32 $0x108;
	s8 =	sld [smem:$0x3FB4]  }
0x2e: {  	s3 =	simm.s32 @!p0 $0x1082;
	s9 =	sld [smem:$0x3FB5]  }
0x2f: {  	lr =	sadd.s32 s0, s3;
	s0 =	sld [smem:$0x3FAC]  }
0x30: {  	s3 =	sld [smem:$0x3FAF]  }
0x31: {  	[smem:$0x3FB8] =	sst s10  }
0x32: {  	s10 =	sld [smem:$0x3FB6];
	_ =	sdelay $0x3  }
0x33: {  	p0 =	seq.s32 s10, $0x1;
	s10 =	sld [smem:$0x3FB8];
	_ =	sdelay $0x3  }
0x34: {  	[smem:$0x3FB8] =	sst s10  }
0x35: {  	s10 =	sld [smem:$0x3FB7];
	_ =	sdelay $0x3  }
0x36: {  	p1 =	seq.s32 s10, $0x1;
	s10 =	sld [smem:$0x3FB8];
	_ =	sdelay $0x3  }
0x37: {  	[smem:$0x3FB8] =	sst s10  }
0x38: {  	s10 =	sld [smem:$0x3FB9]  }
0x39: {  	_ = 	snop;
	(pc) =	sbr.ind lr, $3  }
0x3a: {  	_ = 	snop  }
0x3b: {  	_ = 	snop  }
0x3c: {  	p2 =	seq.s32 s10, $0x1;
	s10 =	sld [smem:$0x3FB8]  }
0x3d: {  	_ =	shalt  }
0x3e: {  	_ =	shalt  }
0x3f: {  	_ =	shalt  }
0x40: {  	_ =	shalt  }
0x41: {  	_ =	shalt  }
0x42: {  	_ =	shalt  }
0x43: {  	_ =	shalt  }
0x44: {  	_ =	shalt  }
0x45: {  	_ =	shalt  }
0x46: {  	_ =	shalt  }
0x47: {  	_ =	shalt  }
0x48: {  	_ =	shalt  }
0x49: {  	_ =	shalt  }
0x4a: {  	_ =	shalt  }
0x4b: {  	_ =	shalt  }
0x4c: {  	_ =	shalt  }
0x4d: {  	_ =	shalt  }
0x4e: {  	_ =	shalt  }
0x4f: {  	_ =	shalt  }
0x50: {  	_ =	shalt  }
0x51: {  	_ =	shalt  }
0x52: {  	_ =	shalt  }
0x53: {  	_ =	shalt  }
0x54: {  	_ =	shalt  }
0x55: {  	_ =	shalt  }
0x56: {  	_ =	shalt  }
0x57: {  	_ =	shalt  }
0x58: {  	_ =	shalt  }
0x59: {  	_ =	shalt  }
0x5a: {  	_ =	shalt  }
0x5b: {  	_ =	shalt  }
0x5c: {  	_ =	shalt  }
0x5d: {  	_ =	shalt  }
0x5e: {  	_ =	shalt  }
0x5f: {  	_ =	shalt  }
0x60: {  	_ =	shalt  }
0x61: {  	_ =	shalt  }
0x62: {  	_ =	shalt  }
0x63: {  	_ =	shalt  }
0x64: {  	_ =	shalt  }
0x65: {  	_ =	shalt  }
0x66: {  	_ =	shalt  }
0x67: {  	_ =	shalt  }
0x68: {  	_ =	shalt  }
0x69: {  	_ =	shalt  }
0x6a: {  	_ =	shalt  }
0x6b: {  	_ =	shalt  }
0x6c: {  	_ =	shalt  }
0x6d: {  	_ =	shalt  }
0x6e: {  	_ =	shalt  }
0x6f: {  	_ =	shalt  }
0x70: {  	_ =	shalt  }
0x71: {  	_ =	shalt  }
0x72: {  	_ =	shalt  }
0x73: {  	_ =	shalt  }
0x74: {  	_ =	shalt  }
0x75: {  	_ =	shalt  }
0x76: {  	_ =	shalt  }
0x77: {  	_ =	shalt  }
0x78: {  	_ =	shalt  }
0x79: {  	_ =	shalt  }
0x7a: {  	_ =	shalt  }
0x7b: {  	_ =	shalt  }
0x7c: {  	_ =	shalt  }
0x7d: {  	_ =	shalt  }
0x7e: {  	_ =	shalt  }
0x7f: {  	_ =	shalt  }
0x80: {  	_ =	shalt  }
0x81: {  	_ =	shalt  }
0x82: {  	_ =	shalt  }
0x83: {  	_ =	shalt  }
0x84: {  	_ =	shalt  }
0x85: {  	_ =	shalt  }
0x86: {  	_ =	shalt  }
0x87: {  	_ =	shalt  }
.Lfunc_end0:
.L_simem_size_0:
called_computation.1_lowered:
.L_overlay_start_0:
0x88: {  	s2 =	sld [smem:$0x3FD9]  }
0x89: {  	s3 =	sld [smem:$0x3FFE];
	_ =	sdelay $0x1  }
0x8a: {  	s1 =	srdreg.scid  }
0x8b: {  	s0 =	sand.u32 $0x1, s1  }
0x8c: {  	s17 =	sshll.u32 s0, $0xA;
	s2 =	sadd.s32 s3, s2  }
0x8d: {  	s2 =	sadd.s32 s2, s17  }
0x8e: {  	[smem:$0x3FC4] =	sst s2  }
0x8f: {  	_ = 	snop  }
0x90: {  	s18 =	sld [smem:$0x3FC8]  }
0x91: {  	s4 =	sld [smem:$0x3FC7];
	(tm) =	ssettm $0x1  }
0x92: {  	s19 =	sld [smem:$0x3FFB];
	_ =	sdelay $0x3  }
0x93: {  	_ =	strace s19  }
0x94: {  	s2 =	sld [smem:$0x3FFC];
	_ =	sdelay $0x3  }
0x95: {  	_ =	strace s2  }
0x96: {  	s2 =	sld [smem:$0x3FFD];
	_ =	sdelay $0x3  }
0x97: {  	_ =	strace s2  }
0x98: {  	_ =	strace $0x8FFFFFFF  }
0x99: {  	s20 =	sld [smem:$0x3FDB];
	_ =	sdelay $0x1  }
0x9a: {  	s5 =	simm.s32 $_scs_section_size  }
0x9b: {  	s6 =	simm.s32 $_size__tile_overlayer_lowered;
	s7 =	simm.s32 $_tile_overlayer_lowered  }
0x9c: {  	s8 =	simm.s32 $0x1BFF;
	s21 =	sshll.u32 s7, $0x1;
	s5 =	sadd.s32 s5, s20  }
0x9d: {  	s22 =	simm.s32 $0x0;
	s6 =	sshll.u32 s6, $0x1;
	s7 =	sadd.s32 s21, s5  }
0x9e: {  	[timem:s22], [sflag:s8] =	dma.local [hbm:s7], s6  }
0x9f: {  	_ =	swait.ge [sflag:s8], s6  }
0xa0: {  	s6 =	ssub.s32 $0x0, s6;
	[sflag:s8] =	ssyncset.done $0x0  }
0xa1: {  	[sflag:s8] =	ssyncadd.s32 s6;
	_ =	sdelay $0x1  }
0xa2: {  	s23 =	simm.s32 $0x1B8B  }
0xa3: {  	_ =	swait.ge [sflag:s23], $0x1  }
0xa4: {  	[sflag:s23] =	ssyncset.done $0x0  }
0xa5: {  	[sflag:s23] =	ssyncadd.s32 $0xFFFFFFFF  }
0xa6: {  	s6 =	sld [smem:$0x0]  }
0xa7: {  	s7 =	sand.u32 $0xFFFFFFFE, s1  }
0xa8: {  	p0 =	sne.s32 s1, s7  }
0xa9: {  	s7 =	sshll.u32 @p0 s7, $0xE  }
0xaa: {  	s7 =	sadd.s32 @p0 $0x11B8D, s7;
	s8 =	sshll.u32 @p0 s6, $0x11  }
0xab: {  	s7 =	sor.u32 @p0 s8, s7  }
0xac: {  	[sflag:s7] =	ssyncadd.remote.s32 @p0 $0x1;
	_ =	sdelay $0x1  }
0xad: {  	s7 =	simm.s32 @p0 $0x1B8D  }
0xae: {  	_ =	swait.eq @p0 [sflag:s7], $0x1  }
0xaf: {  	[sflag:s7] =	ssyncadd.s32 @p0 $0xFFFFFFFF  }
0xb0: {  	s8 =	sshll.u32 @!p0 s1, $0xE  }
0xb1: {  	s8 =	sor.u32 @!p0 $0x4000, s8;
	s7 =	simm.s32 @!p0 $0x1B8D  }
0xb2: {  	s6 =	sshll.u32 @!p0 s6, $0x11;
	s8 =	sadd.s32 @!p0 $0x11B8D, s8;
	_ =	swait.eq @!p0 [sflag:s7], $0x1  }
0xb3: {  	s6 =	sor.u32 @!p0 s6, s8;
	[sflag:s7] =	ssyncadd.s32 @!p0 $0xFFFFFFFF  }
0xb4: {  	s25 =	simm.s32 $0x1B8E;
	s24 =	sld [smem:$0x3FFE];
	[sflag:s6] =	ssyncadd.remote.s32 @!p0 $0x1  }
0xb5: {  	s26 =	simm.s32 $execute0_lowered;
	[smem:$0x3FD2] =	sst s25  }
0xb6: {  	s7 =	sshll.u32 s26, $0x1;
	_ =	strace $0x80000049;
	[dreg:$0x1] =	wrdreg $0xFFFFFFFF  }
0xb7: {  	s28 =	simm.s32 $_size_execute0_lowered;
	s5 =	sadd.s32 s5, s7;
	[dreg:$0x0] =	wrdreg $0x0  }
0xb8: {  	s7 =	sshll.u32 s28, $0x1;
	[dreg:$0x2] =	wrdreg s5  }
0xb9: {  	[dreg:$0x3] =	wrdreg s7  }
0xba: {  	[dreg:$0x4] =	wrdreg $0xC0  }
0xbb: {  	_ =	task [dreg:s22], $0x5FFFF  }
0xbc: {  	[dreg:$0x1] =	wrdreg $0xFFFFFFFF  }
0xbd: {  	[dreg:$0x0] =	wrdreg $0x60  }
0xbe: {  	[dreg:$0x2] =	wrdreg s18  }
0xbf: {  	[dreg:$0x3] =	wrdreg s4  }
0xc0: {  	[dreg:$0x4] =	wrdreg s24  }
0xc1: {  	[dreg:$0x5] =	wrdreg $0xA  }
0xc2: {  	_ =	task.clear_ibuf [dreg:s22], $0x6FFFF;
	_ =	strace $0x90000049  }
0xc3: {  	s29 =	simm.s32 $0xA;
	_ =	strace $0x8000004B  }
0xc4: {  	_ =	swait.ge [sflag:s29], $0x1  }
0xc5: {  	[sflag:s29] =	ssyncadd.s32 $0xFFFFFFFF  }
0xc6: {  	_ =	strace $0x9000004B  }
0xc7: {  	_ =	sfence  }
0xc8: {  	s30 =	sld [smem:$0x0];
	_ =	sdelay $0x2  }
0xc9: {  	s31 =	sshll.u32 s1, $0xD;
	s1 =	sshrl.u32 s1, $0x2  }
0xca: {  	s4 =	sand.u32 $0x4000, s31;
	s1 =	sadd.s32 s1, s30  }
0xcb: {  	s0 =	sor.u32 s4, s0;
	s1 =	sshll.u32 s1, $0x11  }
0xcc: {  	s0 =	sor.u32 s1, s0  }
0xcd: {  	s0 =	sadd.s32 $0x8F2B, s0  }
0xce: {  	[sflag:s0] =	ssyncadd.remote.s32 $0x1  }
0xcf: {  	_ =	sfence.sel $0xFFFF  }
0xd0: {  	[dreg:$0x0] =	wrdreg $0xFFFFFFFF;
	(pc) =	sbr.abs _section_cstart, $3  }
0xd1: {  	[dreg:$0x1] =	wrdreg $0xFFFFFFFF  }
0xd2: {  	_ =	task.clear_ibuf [dreg:s22], $0x2FFFF;
	_ =	strace $0x9FFFFFFF  }
0xd3: {  	(tm) =	ssettm $0x7FFFFFFF  }
tec
execute0_lowered:
.L_overlay_start_1:
0x0: {  	(tag) =	ssettag $0x1  }
0x1: {  	s3 =	rddreg [dreg:$0x0]  }
0x2: {  	s5 =	rddreg [dreg:$0x1]  }
0x3: {  	s4 =	rddreg [dreg:$0x2]  }
0x4: {  	s0 =	rddreg [dreg:$0x3]  }
0x5: {  	s6 =	srdreg.scid;
	s1 =	stileid.u32;
	s2 =	simm.s32 $0x0  }
0x6: {  	s16 =	simm.s32 $0x10000;
	s17 =	simm.s32 $0x3;
	s18 =	simm.s32 $0x12800  }
0x7: {  	s19 =	simm.s32 $0x8000;
	s6 =	sand.u32 $0x1, s6;
	s7 =	sshll.u32 s1, $0x1  }
0x8: {  	s20 =	simm.s32 $0x1;
	s21 =	simm.s32 $0x2;
	s7 =	sor.u32 s6, s7  }
0x9: {  	s22 =	simm.s32 $0x0;
	[smem:$0x7FF] =	sst s2;
	s8 =	smul.u32 $0x2800, s7  }
0xa: {  	s9 =	sadd.s32 $0xC0A00, s4;
	s30 =	ssub.s32 $0x2, s6;
	s31 =	smul.u32 $0x50000, s7  }
0xb: {  	_ =	strace $0x8000004A;
	s10 =	sshrl.u32 s30, $0x1;
	s7 =	smul.u32 $0xA000, s7  }
0xc: {  	s15 =	ssub.s32 s30, s10;
	s8 =	sshrl.u32 s8, $0x3;
	s6 =	sshrl.u32 s31, $0x3  }
0xd: {  	s4 =	sadd.s32 s9, s7;
	s15 =	smax.u32 s15, $0x1;
	s8 =	sadd.s32 $0x6000, s8  }
0xe: {  	s14 =	sadd.s32 s9, s6;
	s6 =	sadd.s32 $0x1000, s4;
	s3 =	sadd.s32 s3, s8  }
0xf: {  	s5 =	sadd.s32 s5, s8;
	s7 =	sadd.s32 $0x2000, s14;
	s8 =	sadd.s32 $0x3000, s14  }
0x10: {  	s9 =	sadd.s32 $0x4000, s14;
	s10 =	sadd.s32 $0x5000, s14;
	s11 =	sadd.s32 $0x6000, s14  }
0x11: {  	v0 =	vimm.f32 $0.0e+00;
	s12 =	sadd.s32 $0x7000, s14;
	s13 =	sadd.s32 $0x8000, s14;
	s14 =	sadd.s32 $0x9000, s14  }
.LBB2_1:
0x12: {  	[tilespmem:s16], [sflag:$0x3] =	stream.linear.gather [hbm4b:s3+s2], $0x2800, $0x38;
	[tilespmem:$0x15000] =	vst v63  }
0x13: {  	_ =	swait.ge [sflag:s17], $0x2800  }
0x14: {  	[sflag:s17] =	ssyncset.done $0x0  }
0x15: {  	[sflag:s17] =	ssyncadd.s32 $0xFFFFD800  }
0x16: {  	[tilespmem:s18], [sflag:$0x3] =	stream.linear.gather [hbm4b:s5+s2], $0x2800, $0x38;
	[tilespmem:$0x15000] =	vst v63  }
0x17: {  	_ =	swait.ge [sflag:s17], $0x2800  }
0x18: {  	[sflag:s17] =	ssyncset.done $0x0  }
0x19: {  	s23 =	simm.s32 $0x0;
	s24 =	simm.s32 $0x1000;
	[sflag:s17] =	ssyncadd.s32 $0xFFFFD800  }
.LBB2_2:
0x1a: {  	p0 =	sne.s32 s24, $0x1F000;
	[tilespmem:s23+$0x70] =	vst v0  }
0x1b: {  	[tilespmem:s23+$0x0] =	vst v0  }
0x1c: {  	[tilespmem:s23+$0x10] =	vst v0  }
.Ltmp0:
0x1d: {  	[tilespmem:s23+$0x20] =	vst v0;
	(pc) =	sbr.rel @p0 .LBB2_2-.Ltmp0, $4  }
0x1e: {  	[tilespmem:s23+$0x30] =	vst v0  }
0x1f: {  	[tilespmem:s23+$0x40] =	vst v0  }
0x20: {  	[tilespmem:s23+$0x50] =	vst v0  }
0x21: {  	[tilespmem:s23+$0x60] =	vst v0;
	s23 =	sshra.s32 s24, $0x2;
	s24 =	sadd.s32 $0x1000, s24  }
0x22: {  	[tilespmem:s23+$0x70] =	vst v0  }
0x23: {  	[tilespmem:s23+$0x0] =	vst v0  }
0x24: {  	[tilespmem:s23+$0x10] =	vst v0  }
0x25: {  	[tilespmem:s23+$0x20] =	vst v0  }
0x26: {  	[tilespmem:s23+$0x30] =	vst v0  }
0x27: {  	[tilespmem:s23+$0x40] =	vst v0  }
0x28: {  	[tilespmem:s23+$0x50] =	vst v0  }
0x29: {  	[tilespmem:s23+$0x60] =	vst v0;
	s23 =	simm.s32 $0x0;
	s24 =	simm.s32 $0x1000  }
.LBB2_4:
0x2a: {  	p0 =	sne.s32 s24, $0x1F000;
	[tilespmem:s23+$0xF0] =	vst v0  }
0x2b: {  	[tilespmem:s23+$0x80] =	vst v0  }
0x2c: {  	[tilespmem:s23+$0x90] =	vst v0  }
.Ltmp1:
0x2d: {  	[tilespmem:s23+$0xA0] =	vst v0;
	(pc) =	sbr.rel @p0 .LBB2_4-.Ltmp1, $4  }
0x2e: {  	[tilespmem:s23+$0xB0] =	vst v0  }
0x2f: {  	[tilespmem:s23+$0xC0] =	vst v0  }
0x30: {  	[tilespmem:s23+$0xD0] =	vst v0  }
0x31: {  	[tilespmem:s23+$0xE0] =	vst v0;
	s23 =	sshra.s32 s24, $0x2;
	s24 =	sadd.s32 $0x1000, s24  }
0x32: {  	[tilespmem:s23+$0xF0] =	vst v0  }
0x33: {  	[tilespmem:s23+$0x80] =	vst v0  }
0x34: {  	[tilespmem:s23+$0x90] =	vst v0  }
0x35: {  	[tilespmem:s23+$0xA0] =	vst v0  }
0x36: {  	[tilespmem:s23+$0xB0] =	vst v0  }
0x37: {  	[tilespmem:s23+$0xC0] =	vst v0  }
0x38: {  	[tilespmem:s23+$0xD0] =	vst v0  }
0x39: {  	[tilespmem:s23+$0xE0] =	vst v0;
	s23 =	simm.s32 $0x0;
	s24 =	simm.s32 $0x1000  }
.LBB2_6:
0x3a: {  	p0 =	sne.s32 s24, $0x1F000;
	[tilespmem:s23+$0x170] =	vst v0  }
0x3b: {  	[tilespmem:s23+$0x100] =	vst v0  }
0x3c: {  	[tilespmem:s23+$0x110] =	vst v0  }
.Ltmp2:
0x3d: {  	[tilespmem:s23+$0x120] =	vst v0;
	(pc) =	sbr.rel @p0 .LBB2_6-.Ltmp2, $4  }
0x3e: {  	[tilespmem:s23+$0x130] =	vst v0  }
0x3f: {  	[tilespmem:s23+$0x140] =	vst v0  }
0x40: {  	[tilespmem:s23+$0x150] =	vst v0  }
0x41: {  	[tilespmem:s23+$0x160] =	vst v0;
	s23 =	sshra.s32 s24, $0x2;
	s24 =	sadd.s32 $0x1000, s24  }
0x42: {  	[tilespmem:s23+$0x170] =	vst v0  }
0x43: {  	[tilespmem:s23+$0x100] =	vst v0  }
0x44: {  	[tilespmem:s23+$0x110] =	vst v0  }
0x45: {  	[tilespmem:s23+$0x120] =	vst v0  }
0x46: {  	[tilespmem:s23+$0x130] =	vst v0  }
0x47: {  	[tilespmem:s23+$0x140] =	vst v0  }
0x48: {  	[tilespmem:s23+$0x150] =	vst v0  }
0x49: {  	[tilespmem:s23+$0x160] =	vst v0;
	s23 =	simm.s32 $0x0;
	s24 =	simm.s32 $0x1000  }
.LBB2_8:
0x4a: {  	p0 =	sne.s32 s24, $0x1F000;
	[tilespmem:s23+$0x1F0] =	vst v0  }
0x4b: {  	[tilespmem:s23+$0x180] =	vst v0  }
0x4c: {  	[tilespmem:s23+$0x190] =	vst v0  }
.Ltmp3:
0x4d: {  	[tilespmem:s23+$0x1A0] =	vst v0;
	(pc) =	sbr.rel @p0 .LBB2_8-.Ltmp3, $4  }
0x4e: {  	[tilespmem:s23+$0x1B0] =	vst v0  }
0x4f: {  	[tilespmem:s23+$0x1C0] =	vst v0  }
0x50: {  	[tilespmem:s23+$0x1D0] =	vst v0  }
0x51: {  	[tilespmem:s23+$0x1E0] =	vst v0;
	s23 =	sshra.s32 s24, $0x2;
	s24 =	sadd.s32 $0x1000, s24  }
0x52: {  	[tilespmem:s23+$0x1F0] =	vst v0  }
0x53: {  	[tilespmem:s23+$0x180] =	vst v0  }
0x54: {  	[tilespmem:s23+$0x190] =	vst v0  }
0x55: {  	[tilespmem:s23+$0x1A0] =	vst v0  }
0x56: {  	[tilespmem:s23+$0x1B0] =	vst v0  }
0x57: {  	[tilespmem:s23+$0x1C0] =	vst v0  }
0x58: {  	[tilespmem:s23+$0x1D0] =	vst v0  }
0x59: {  	[tilespmem:s23+$0x1E0] =	vst v0;
	s23 =	simm.s32 $0x0;
	s24 =	simm.s32 $0x1000  }
.LBB2_10:
0x5a: {  	p0 =	sne.s32 s24, $0x1F000;
	[tilespmem:s23+$0x270] =	vst v0  }
0x5b: {  	[tilespmem:s23+$0x200] =	vst v0  }
0x5c: {  	[tilespmem:s23+$0x210] =	vst v0  }
.Ltmp4:
0x5d: {  	[tilespmem:s23+$0x220] =	vst v0;
	(pc) =	sbr.rel @p0 .LBB2_10-.Ltmp4, $4  }
0x5e: {  	[tilespmem:s23+$0x230] =	vst v0  }
0x5f: {  	[tilespmem:s23+$0x240] =	vst v0  }
0x60: {  	[tilespmem:s23+$0x250] =	vst v0  }
0x61: {  	[tilespmem:s23+$0x260] =	vst v0;
	s23 =	sshra.s32 s24, $0x2;
	s24 =	sadd.s32 $0x1000, s24  }
0x62: {  	[tilespmem:s23+$0x270] =	vst v0  }
0x63: {  	[tilespmem:s23+$0x200] =	vst v0  }
0x64: {  	[tilespmem:s23+$0x210] =	vst v0  }
0x65: {  	[tilespmem:s23+$0x220] =	vst v0  }
0x66: {  	[tilespmem:s23+$0x230] =	vst v0  }
0x67: {  	[tilespmem:s23+$0x240] =	vst v0  }
0x68: {  	[tilespmem:s23+$0x250] =	vst v0  }
0x69: {  	[tilespmem:s23+$0x260] =	vst v0;
	s23 =	simm.s32 $0x0;
	s24 =	simm.s32 $0x1000  }
.LBB2_12:
0x6a: {  	p0 =	sne.s32 s24, $0x1F000;
	[tilespmem:s23+$0x2F0] =	vst v0  }
0x6b: {  	[tilespmem:s23+$0x280] =	vst v0  }
0x6c: {  	[tilespmem:s23+$0x290] =	vst v0  }
.Ltmp5:
0x6d: {  	[tilespmem:s23+$0x2A0] =	vst v0;
	(pc) =	sbr.rel @p0 .LBB2_12-.Ltmp5, $4  }
0x6e: {  	[tilespmem:s23+$0x2B0] =	vst v0  }
0x6f: {  	[tilespmem:s23+$0x2C0] =	vst v0  }
0x70: {  	[tilespmem:s23+$0x2D0] =	vst v0  }
0x71: {  	[tilespmem:s23+$0x2E0] =	vst v0;
	s23 =	sshra.s32 s24, $0x2;
	s24 =	sadd.s32 $0x1000, s24  }
0x72: {  	[tilespmem:s23+$0x2F0] =	vst v0  }
0x73: {  	[tilespmem:s23+$0x280] =	vst v0  }
0x74: {  	[tilespmem:s23+$0x290] =	vst v0  }
0x75: {  	[tilespmem:s23+$0x2A0] =	vst v0  }
0x76: {  	[tilespmem:s23+$0x2B0] =	vst v0  }
0x77: {  	[tilespmem:s23+$0x2C0] =	vst v0  }
0x78: {  	[tilespmem:s23+$0x2D0] =	vst v0  }
0x79: {  	[tilespmem:s23+$0x2E0] =	vst v0;
	s23 =	simm.s32 $0x0;
	s24 =	simm.s32 $0x1000  }
.LBB2_14:
0x7a: {  	p0 =	sne.s32 s24, $0x1F000;
	[tilespmem:s23+$0x370] =	vst v0  }
0x7b: {  	[tilespmem:s23+$0x300] =	vst v0  }
0x7c: {  	[tilespmem:s23+$0x310] =	vst v0  }
.Ltmp6:
0x7d: {  	[tilespmem:s23+$0x320] =	vst v0;
	(pc) =	sbr.rel @p0 .LBB2_14-.Ltmp6, $4  }
0x7e: {  	[tilespmem:s23+$0x330] =	vst v0  }
0x7f: {  	[tilespmem:s23+$0x340] =	vst v0  }
0x80: {  	[tilespmem:s23+$0x350] =	vst v0  }
0x81: {  	[tilespmem:s23+$0x360] =	vst v0;
	s23 =	sshra.s32 s24, $0x2;
	s24 =	sadd.s32 $0x1000, s24  }
0x82: {  	[tilespmem:s23+$0x370] =	vst v0  }
0x83: {  	[tilespmem:s23+$0x300] =	vst v0  }
0x84: {  	[tilespmem:s23+$0x310] =	vst v0  }
0x85: {  	[tilespmem:s23+$0x320] =	vst v0  }
0x86: {  	[tilespmem:s23+$0x330] =	vst v0  }
0x87: {  	[tilespmem:s23+$0x340] =	vst v0  }
0x88: {  	[tilespmem:s23+$0x350] =	vst v0  }
0x89: {  	[tilespmem:s23+$0x360] =	vst v0;
	s23 =	simm.s32 $0x0;
	s24 =	simm.s32 $0x1000  }
.LBB2_16:
0x8a: {  	p0 =	sne.s32 s24, $0x1F000;
	[tilespmem:s23+$0x3F0] =	vst v0  }
0x8b: {  	[tilespmem:s23+$0x380] =	vst v0  }
0x8c: {  	[tilespmem:s23+$0x390] =	vst v0  }
.Ltmp7:
0x8d: {  	[tilespmem:s23+$0x3A0] =	vst v0;
	(pc) =	sbr.rel @p0 .LBB2_16-.Ltmp7, $4  }
0x8e: {  	[tilespmem:s23+$0x3B0] =	vst v0  }
0x8f: {  	[tilespmem:s23+$0x3C0] =	vst v0  }
0x90: {  	[tilespmem:s23+$0x3D0] =	vst v0  }
0x91: {  	[tilespmem:s23+$0x3E0] =	vst v0;
	s23 =	sshra.s32 s24, $0x2;
	s24 =	sadd.s32 $0x1000, s24  }
0x92: {  	[tilespmem:s23+$0x3F0] =	vst v0  }
0x93: {  	[tilespmem:s23+$0x380] =	vst v0  }
0x94: {  	[tilespmem:s23+$0x390] =	vst v0  }
0x95: {  	[tilespmem:s23+$0x3A0] =	vst v0  }
0x96: {  	[tilespmem:s23+$0x3B0] =	vst v0  }
0x97: {  	[tilespmem:s23+$0x3C0] =	vst v0  }
0x98: {  	[tilespmem:s23+$0x3D0] =	vst v0  }
0x99: {  	[tilespmem:s23+$0x3E0] =	vst v0;
	s23 =	simm.s32 $0x0;
	s24 =	simm.s32 $0x1000  }
.LBB2_18:
0x9a: {  	p0 =	sne.s32 s24, $0x1F000;
	[tilespmem:s23+$0x8070] =	vst v0  }
0x9b: {  	[tilespmem:s23+$0x8000] =	vst v0  }
0x9c: {  	[tilespmem:s23+$0x8010] =	vst v0  }
.Ltmp8:
0x9d: {  	[tilespmem:s23+$0x8020] =	vst v0;
	(pc) =	sbr.rel @p0 .LBB2_18-.Ltmp8, $4  }
0x9e: {  	[tilespmem:s23+$0x8030] =	vst v0  }
0x9f: {  	[tilespmem:s23+$0x8040] =	vst v0  }
0xa0: {  	[tilespmem:s23+$0x8050] =	vst v0  }
0xa1: {  	[tilespmem:s23+$0x8060] =	vst v0;
	s23 =	sshra.s32 s24, $0x2;
	s24 =	sadd.s32 $0x1000, s24  }
0xa2: {  	[tilespmem:s23+$0x8070] =	vst v0  }
0xa3: {  	[tilespmem:s23+$0x8000] =	vst v0  }
0xa4: {  	[tilespmem:s23+$0x8010] =	vst v0  }
0xa5: {  	[tilespmem:s23+$0x8020] =	vst v0  }
0xa6: {  	[tilespmem:s23+$0x8030] =	vst v0  }
0xa7: {  	[tilespmem:s23+$0x8040] =	vst v0  }
0xa8: {  	[tilespmem:s23+$0x8050] =	vst v0  }
0xa9: {  	[tilespmem:s23+$0x8060] =	vst v0;
	s23 =	simm.s32 $0x0;
	s24 =	simm.s32 $0x1000  }
.LBB2_20:
0xaa: {  	p0 =	sne.s32 s24, $0x1F000;
	[tilespmem:s23+$0x80F0] =	vst v0  }
0xab: {  	[tilespmem:s23+$0x8080] =	vst v0  }
0xac: {  	[tilespmem:s23+$0x8090] =	vst v0  }
.Ltmp9:
0xad: {  	[tilespmem:s23+$0x80A0] =	vst v0;
	(pc) =	sbr.rel @p0 .LBB2_20-.Ltmp9, $4  }
0xae: {  	[tilespmem:s23+$0x80B0] =	vst v0  }
0xaf: {  	[tilespmem:s23+$0x80C0] =	vst v0  }
0xb0: {  	[tilespmem:s23+$0x80D0] =	vst v0  }
0xb1: {  	[tilespmem:s23+$0x80E0] =	vst v0;
	s23 =	sshra.s32 s24, $0x2;
	s24 =	sadd.s32 $0x1000, s24  }
0xb2: {  	[tilespmem:s23+$0x80F0] =	vst v0  }
0xb3: {  	[tilespmem:s23+$0x8080] =	vst v0  }
0xb4: {  	[tilespmem:s23+$0x8090] =	vst v0  }
0xb5: {  	[tilespmem:s23+$0x80A0] =	vst v0  }
0xb6: {  	[tilespmem:s23+$0x80B0] =	vst v0  }
0xb7: {  	[tilespmem:s23+$0x80C0] =	vst v0  }
0xb8: {  	[tilespmem:s23+$0x80D0] =	vst v0  }
0xb9: {  	[tilespmem:s23+$0x80E0] =	vst v0;
	s23 =	simm.s32 $0x0;
	s24 =	simm.s32 $0x1000  }
.LBB2_22:
0xba: {  	p0 =	sne.s32 s24, $0x1F000;
	[tilespmem:s23+$0x8170] =	vst v0  }
0xbb: {  	[tilespmem:s23+$0x8100] =	vst v0  }
0xbc: {  	[tilespmem:s23+$0x8110] =	vst v0  }
.Ltmp10:
0xbd: {  	[tilespmem:s23+$0x8120] =	vst v0;
	(pc) =	sbr.rel @p0 .LBB2_22-.Ltmp10, $4  }
0xbe: {  	[tilespmem:s23+$0x8130] =	vst v0  }
0xbf: {  	[tilespmem:s23+$0x8140] =	vst v0  }
0xc0: {  	[tilespmem:s23+$0x8150] =	vst v0  }
0xc1: {  	[tilespmem:s23+$0x8160] =	vst v0;
	s23 =	sshra.s32 s24, $0x2;
	s24 =	sadd.s32 $0x1000, s24  }
0xc2: {  	[tilespmem:s23+$0x8170] =	vst v0  }
0xc3: {  	[tilespmem:s23+$0x8100] =	vst v0  }
0xc4: {  	[tilespmem:s23+$0x8110] =	vst v0  }
0xc5: {  	[tilespmem:s23+$0x8120] =	vst v0  }
0xc6: {  	[tilespmem:s23+$0x8130] =	vst v0  }
0xc7: {  	[tilespmem:s23+$0x8140] =	vst v0  }
0xc8: {  	[tilespmem:s23+$0x8150] =	vst v0  }
0xc9: {  	[tilespmem:s23+$0x8160] =	vst v0;
	s23 =	simm.s32 $0x0;
	s24 =	simm.s32 $0x1000  }
.LBB2_24:
0xca: {  	p0 =	sne.s32 s24, $0x1F000;
	[tilespmem:s23+$0x81F0] =	vst v0  }
0xcb: {  	[tilespmem:s23+$0x8180] =	vst v0  }
0xcc: {  	[tilespmem:s23+$0x8190] =	vst v0  }
.Ltmp11:
0xcd: {  	[tilespmem:s23+$0x81A0] =	vst v0;
	(pc) =	sbr.rel @p0 .LBB2_24-.Ltmp11, $4  }
0xce: {  	[tilespmem:s23+$0x81B0] =	vst v0  }
0xcf: {  	[tilespmem:s23+$0x81C0] =	vst v0  }
0xd0: {  	[tilespmem:s23+$0x81D0] =	vst v0  }
0xd1: {  	[tilespmem:s23+$0x81E0] =	vst v0;
	s23 =	sshra.s32 s24, $0x2;
	s24 =	sadd.s32 $0x1000, s24  }
0xd2: {  	[tilespmem:s23+$0x81F0] =	vst v0  }
0xd3: {  	[tilespmem:s23+$0x8180] =	vst v0  }
0xd4: {  	[tilespmem:s23+$0x8190] =	vst v0  }
0xd5: {  	[tilespmem:s23+$0x81A0] =	vst v0  }
0xd6: {  	[tilespmem:s23+$0x81B0] =	vst v0  }
0xd7: {  	[tilespmem:s23+$0x81C0] =	vst v0  }
0xd8: {  	[tilespmem:s23+$0x81D0] =	vst v0  }
0xd9: {  	[tilespmem:s23+$0x81E0] =	vst v0;
	s23 =	simm.s32 $0x0;
	s24 =	simm.s32 $0x1000  }
.LBB2_26:
0xda: {  	p0 =	sne.s32 s24, $0x1F000;
	[tilespmem:s23+$0x8270] =	vst v0  }
0xdb: {  	[tilespmem:s23+$0x8200] =	vst v0  }
0xdc: {  	[tilespmem:s23+$0x8210] =	vst v0  }
.Ltmp12:
0xdd: {  	[tilespmem:s23+$0x8220] =	vst v0;
	(pc) =	sbr.rel @p0 .LBB2_26-.Ltmp12, $4  }
0xde: {  	[tilespmem:s23+$0x8230] =	vst v0  }
0xdf: {  	[tilespmem:s23+$0x8240] =	vst v0  }
0xe0: {  	[tilespmem:s23+$0x8250] =	vst v0  }
0xe1: {  	[tilespmem:s23+$0x8260] =	vst v0;
	s23 =	sshra.s32 s24, $0x2;
	s24 =	sadd.s32 $0x1000, s24  }
0xe2: {  	[tilespmem:s23+$0x8270] =	vst v0  }
0xe3: {  	[tilespmem:s23+$0x8200] =	vst v0  }
0xe4: {  	[tilespmem:s23+$0x8210] =	vst v0  }
0xe5: {  	[tilespmem:s23+$0x8220] =	vst v0  }
0xe6: {  	[tilespmem:s23+$0x8230] =	vst v0  }
0xe7: {  	[tilespmem:s23+$0x8240] =	vst v0  }
0xe8: {  	[tilespmem:s23+$0x8250] =	vst v0  }
0xe9: {  	[tilespmem:s23+$0x8260] =	vst v0;
	s23 =	simm.s32 $0x0;
	s24 =	simm.s32 $0x1000  }
.LBB2_28:
0xea: {  	p0 =	sne.s32 s24, $0x1F000;
	[tilespmem:s23+$0x82F0] =	vst v0  }
0xeb: {  	[tilespmem:s23+$0x8280] =	vst v0  }
0xec: {  	[tilespmem:s23+$0x8290] =	vst v0  }
.Ltmp13:
0xed: {  	[tilespmem:s23+$0x82A0] =	vst v0;
	(pc) =	sbr.rel @p0 .LBB2_28-.Ltmp13, $4  }
0xee: {  	[tilespmem:s23+$0x82B0] =	vst v0  }
0xef: {  	[tilespmem:s23+$0x82C0] =	vst v0  }
0xf0: {  	[tilespmem:s23+$0x82D0] =	vst v0  }
0xf1: {  	[tilespmem:s23+$0x82E0] =	vst v0;
	s23 =	sshra.s32 s24, $0x2;
	s24 =	sadd.s32 $0x1000, s24  }
0xf2: {  	[tilespmem:s23+$0x82F0] =	vst v0  }
0xf3: {  	[tilespmem:s23+$0x8280] =	vst v0  }
0xf4: {  	[tilespmem:s23+$0x8290] =	vst v0  }
0xf5: {  	[tilespmem:s23+$0x82A0] =	vst v0  }
0xf6: {  	[tilespmem:s23+$0x82B0] =	vst v0  }
0xf7: {  	[tilespmem:s23+$0x82C0] =	vst v0  }
0xf8: {  	[tilespmem:s23+$0x82D0] =	vst v0  }
0xf9: {  	[tilespmem:s23+$0x82E0] =	vst v0;
	s24 =	simm.s32 $0x0;
	s23 =	simm.s32 $0x1000  }
.LBB2_30:
0xfa: {  	p0 =	sne.s32 s23, $0x1F000;
	[tilespmem:s24+$0x8370] =	vst v0  }
0xfb: {  	[tilespmem:s24+$0x8300] =	vst v0  }
0xfc: {  	[tilespmem:s24+$0x8310] =	vst v0  }
.Ltmp14:
0xfd: {  	[tilespmem:s24+$0x8320] =	vst v0;
	(pc) =	sbr.rel @p0 .LBB2_30-.Ltmp14, $4  }
0xfe: {  	[tilespmem:s24+$0x8330] =	vst v0  }
0xff: {  	[tilespmem:s24+$0x8340] =	vst v0  }
0x100: {  	[tilespmem:s24+$0x8350] =	vst v0  }
0x101: {  	[tilespmem:s24+$0x8360] =	vst v0;
	s24 =	sshra.s32 s23, $0x2;
	s23 =	sadd.s32 $0x1000, s23  }
0x102: {  	[tilespmem:s24+$0x8370] =	vst v0  }
0x103: {  	[tilespmem:s24+$0x8300] =	vst v0  }
0x104: {  	[tilespmem:s24+$0x8310] =	vst v0  }
0x105: {  	[tilespmem:s24+$0x8320] =	vst v0  }
0x106: {  	[tilespmem:s24+$0x8330] =	vst v0  }
0x107: {  	[tilespmem:s24+$0x8340] =	vst v0  }
0x108: {  	[tilespmem:s24+$0x8350] =	vst v0  }
0x109: {  	s23 =	simm.s32 $0x0;
	[tilespmem:s24+$0x8360] =	vst v0;
	s24 =	simm.s32 $0x0;
	s25 =	simm.s32 $0x1000  }
.LBB2_32:
0x10a: {  	p0 =	sne.s32 s25, $0x1F000;
	[tilespmem:s24+$0x83F0] =	vst v0  }
0x10b: {  	[tilespmem:s24+$0x8380] =	vst v0  }
0x10c: {  	[tilespmem:s24+$0x8390] =	vst v0  }
.Ltmp15:
0x10d: {  	[tilespmem:s24+$0x83A0] =	vst v0;
	(pc) =	sbr.rel @p0 .LBB2_32-.Ltmp15, $4  }
0x10e: {  	[tilespmem:s24+$0x83B0] =	vst v0  }
0x10f: {  	[tilespmem:s24+$0x83C0] =	vst v0  }
0x110: {  	[tilespmem:s24+$0x83D0] =	vst v0  }
0x111: {  	[tilespmem:s24+$0x83E0] =	vst v0;
	s24 =	sshra.s32 s25, $0x2;
	s25 =	sadd.s32 $0x1000, s25  }
0x112: {  	[tilespmem:s24+$0x83F0] =	vst v0  }
0x113: {  	[tilespmem:s24+$0x8380] =	vst v0  }
0x114: {  	[tilespmem:s24+$0x8390] =	vst v0  }
0x115: {  	[tilespmem:s24+$0x83A0] =	vst v0  }
0x116: {  	[tilespmem:s24+$0x83B0] =	vst v0  }
0x117: {  	[tilespmem:s24+$0x83C0] =	vst v0  }
0x118: {  	[tilespmem:s24+$0x83D0] =	vst v0;
	s23 =	sand.u32 $0x70, s23;
	s25 =	simm.s32 $0x0  }
0x119: {  	[tilespmem:s24+$0x83E0] =	vst v0;
	s23 =	sor.u32 s23, s25  }
0x11a: {  	s31 =	simm.s32 $0x0;
	v1 =	vld [tilespmem:s23+$0x12800]  }
0x11b: {  	v2 =	vmov s31  }
0x11c: {  	v2 =	vshll.u32 v2, $0x7  }
0x11d: {  	v2 =	vand.u32 $0x380, v2  }
0x11e: {  	v2 =	vbroadcast v2, $0x0  }
0x11f: {  	v3 =	vand.u32 $0x7F, v1;
	v1 =	vshll.u32 v1, $0x3  }
0x120: {  	v4 =	vand.u32 $0xFFFFFC00, v1;
	v2 =	vor.u32 v2, v3  }
0x121: {  	v1 =	vld [tilespmem:s23+$0x10000];
	v2 =	vor.u32 v4, v2;
	_ =	sdelay $0x2  }
0x122: {  	s24 =	simm.s32 $0x2;
	s25 =	simm.s32 $0x0;
	s23 =	simm.s32 $0x10  }
.LBB2_34:
0x123: {  	p0 =	sne.s32 s24, $0x3F;
	s26 =	sand.u32 $0x70, s23;
	s28 =	sshll.u32 s25, $0x7  }
0x124: {  	s26 =	sor.u32 s26, s28;
	[tilespmem:v2+s2+$0x0] =	vst.idx.add.f32.msk $0xffff, v1  }
0x125: {  	v1 =	vld [tilespmem:s26+$0x12800]  }
0x126: {  	v2 =	vmov s25  }
0x127: {  	v2 =	vshll.u32 v2, $0x7  }
0x128: {  	v2 =	vand.u32 $0x380, v2  }
0x129: {  	v2 =	vbroadcast v2, $0x0  }
0x12a: {  	v3 =	vand.u32 $0x7F, v1;
	v1 =	vshll.u32 v1, $0x3  }
.Ltmp16:
0x12b: {  	v4 =	vand.u32 $0xFFFFFC00, v1;
	v2 =	vor.u32 v2, v3;
	(pc) =	sbr.rel @p0 .LBB2_34-.Ltmp16, $2  }
0x12c: {  	v1 =	vld [tilespmem:s26+$0x10000];
	v2 =	vor.u32 v4, v2;
	_ =	sdelay $0x2  }
0x12d: {  	s23 =	sadd.s32 $0x10, s23;
	s25 =	sshrl.u32 s24, $0x3;
	s24 =	sadd.s32 $0x1, s24  }
0x12e: {  	_ =	sdelay $0x2  }
0x12f: {  	s23 =	sand.u32 $0x70, s23;
	s24 =	sshll.u32 s25, $0x7  }
0x130: {  	s23 =	sor.u32 s23, s24;
	[tilespmem:v2+s2+$0x0] =	vst.idx.add.f32.msk $0xffff, v1  }
0x131: {  	v1 =	vld [tilespmem:s23+$0x12800]  }
0x132: {  	v2 =	vmov s25  }
0x133: {  	v2 =	vshll.u32 v2, $0x7  }
0x134: {  	v2 =	vand.u32 $0x380, v2  }
0x135: {  	v2 =	vbroadcast v2, $0x0  }
0x136: {  	v3 =	vand.u32 $0x7F, v1;
	v1 =	vshll.u32 v1, $0x3  }
0x137: {  	v1 =	vand.u32 $0xFFFFFC00, v1;
	v2 =	vor.u32 v2, v3  }
0x138: {  	v3 =	vld [tilespmem:s23+$0x10000];
	v1 =	vor.u32 v1, v2;
	_ =	sdelay $0x2  }
0x139: {  	s29 =	simm.s32 $0x0  }
0x13a: {  	s30 =	simm.s32 $0x0;
	s23 =	sand.u32 $0x70, s29  }
0x13b: {  	s23 =	sor.u32 s23, s30;
	[tilespmem:v1+s2+$0x0] =	vst.idx.add.f32.msk $0xffff, v3  }
0x13c: {  	[hbm4b:s4+s29] =	stream.linear.scatter [tilespmem:s29], [sflag:$0x1], $0x8000, $0x38;
	[tilespmem:$0x15000] =	vst v63  }
0x13d: {  	s31 =	simm.s32 $0x0;
	v1 =	vld [tilespmem:s23+$0x12C00]  }
0x13e: {  	v2 =	vmov s31  }
0x13f: {  	v2 =	vshll.u32 v2, $0x7  }
0x140: {  	v2 =	vand.u32 $0x380, v2  }
0x141: {  	v2 =	vbroadcast v2, $0x0  }
0x142: {  	v3 =	vand.u32 $0x7F, v1;
	v1 =	vshll.u32 v1, $0x3  }
0x143: {  	v4 =	vand.u32 $0xFFFFFC00, v1;
	v2 =	vor.u32 v2, v3  }
0x144: {  	v1 =	vld [tilespmem:s23+$0x10400];
	v2 =	vor.u32 v4, v2;
	_ =	sdelay $0x2  }
0x145: {  	s25 =	simm.s32 $0x0;
	s24 =	simm.s32 $0x2;
	s23 =	simm.s32 $0x10  }
.LBB2_36:
0x146: {  	p0 =	sne.s32 s24, $0x3F;
	s26 =	sand.u32 $0x70, s23;
	s28 =	sshll.u32 s25, $0x7  }
0x147: {  	s26 =	sor.u32 s26, s28;
	[tilespmem:v2+s19+$0x0] =	vst.idx.add.f32.msk $0xffff, v1  }
0x148: {  	v1 =	vld [tilespmem:s26+$0x12C00]  }
0x149: {  	v2 =	vmov s25  }
0x14a: {  	v2 =	vshll.u32 v2, $0x7  }
0x14b: {  	v2 =	vand.u32 $0x380, v2  }
0x14c: {  	v2 =	vbroadcast v2, $0x0  }
0x14d: {  	v3 =	vand.u32 $0x7F, v1;
	v1 =	vshll.u32 v1, $0x3  }
.Ltmp17:
0x14e: {  	v4 =	vand.u32 $0xFFFFFC00, v1;
	v2 =	vor.u32 v2, v3;
	(pc) =	sbr.rel @p0 .LBB2_36-.Ltmp17, $2  }
0x14f: {  	v1 =	vld [tilespmem:s26+$0x10400];
	v2 =	vor.u32 v4, v2;
	_ =	sdelay $0x2  }
0x150: {  	s23 =	sadd.s32 $0x10, s23;
	s25 =	sshrl.u32 s24, $0x3;
	s24 =	sadd.s32 $0x1, s24  }
0x151: {  	_ =	sdelay $0x2  }
0x152: {  	s23 =	sand.u32 $0x70, s23;
	s24 =	sshll.u32 s25, $0x7  }
0x153: {  	s23 =	sor.u32 s23, s24;
	[tilespmem:v2+s19+$0x0] =	vst.idx.add.f32.msk $0xffff, v1  }
0x154: {  	v1 =	vld [tilespmem:s23+$0x12C00]  }
0x155: {  	v2 =	vmov s25  }
0x156: {  	v2 =	vshll.u32 v2, $0x7  }
0x157: {  	v2 =	vand.u32 $0x380, v2  }
0x158: {  	v2 =	vbroadcast v2, $0x0  }
0x159: {  	v3 =	vand.u32 $0x7F, v1;
	v1 =	vshll.u32 v1, $0x3  }
0x15a: {  	v1 =	vand.u32 $0xFFFFFC00, v1;
	v2 =	vor.u32 v2, v3  }
0x15b: {  	v3 =	vld [tilespmem:s23+$0x10400];
	v1 =	vor.u32 v1, v2;
	_ =	sdelay $0x4  }
0x15c: {  	s23 =	simm.s32 $0x0;
	[tilespmem:v1+s19+$0x0] =	vst.idx.add.f32.msk $0xffff, v3  }
0x15d: {  	[hbm4b:s6+s23] =	stream.linear.scatter [tilespmem:s19], [sflag:$0x2], $0x8000, $0x38;
	[tilespmem:$0x15000] =	vst v63  }
0x15e: {  	s31 =	simm.s32 $0x0;
	_ =	swait.ge [sflag:s20], $0x8000  }
0x15f: {  	s25 =	sand.u32 $0x3FFFFF80, s31;
	s24 =	sand.u32 $0x70, s23;
	[sflag:s20] =	ssyncset.done $0x0  }
0x160: {  	s25 =	sor.u32 s24, s25;
	[sflag:s20] =	ssyncadd.s32 $0xFFFF8000  }
0x161: {  	s26 =	simm.s32 $0x0;
	v1 =	vld [tilespmem:s25+$0x12800]  }
0x162: {  	v2 =	vmov s26  }
0x163: {  	v2 =	vshll.u32 v2, $0x7  }
0x164: {  	v2 =	vand.u32 $0x380, v2  }
0x165: {  	v2 =	vbroadcast v2, $0x0  }
0x166: {  	v3 =	vand.u32 $0x7F, v1;
	v1 =	vshll.u32 v1, $0x3  }
0x167: {  	v1 =	vand.u32 $0xFFFFFC00, v1;
	v2 =	vor.u32 v2, v3  }
0x168: {  	v1 =	vor.u32 v1, v2;
	_ =	sdelay $0x1  }
0x169: {  	s29 =	simm.s32 $0x10  }
0x16a: {  	s28 =	simm.s32 $0x2;
	s26 =	simm.s32 $0x10;
	s25 =	simm.s32 $0x1  }
.LBB2_38:
0x16b: {  	p0 =	sne.s32 s28, $0x3F;
	s30 =	sand.u32 $0x70, s26;
	s29 =	sand.u32 $0x3FFFFF80, s29  }
0x16c: {  	s29 =	sor.u32 s30, s29;
	[tilespmem:v1+s23+$0x0] =	vst.idx.msk $0xffff, v0  }
0x16d: {  	s30 =	sshrl.u32 s25, $0x3;
	s25 =	smov.u32 s28;
	v1 =	vld [tilespmem:s29+$0x12800]  }
0x16e: {  	v2 =	vmov s30  }
0x16f: {  	v2 =	vshll.u32 v2, $0x7  }
0x170: {  	v2 =	vand.u32 $0x380, v2  }
0x171: {  	v2 =	vbroadcast v2, $0x0  }
0x172: {  	v3 =	vand.u32 $0x7F, v1;
	v1 =	vshll.u32 v1, $0x3  }
.Ltmp18:
0x173: {  	v1 =	vand.u32 $0xFFFFFC00, v1;
	v2 =	vor.u32 v2, v3;
	(pc) =	sbr.rel @p0 .LBB2_38-.Ltmp18, $2  }
0x174: {  	v1 =	vor.u32 v1, v2;
	_ =	sdelay $0x2  }
0x175: {  	s26 =	sadd.s32 $0x10, s26;
	s28 =	sadd.s32 $0x1, s28;
	s29 =	sshll.u32 s25, $0x4  }
0x176: {  	_ =	sdelay $0x2  }
0x177: {  	s26 =	sand.u32 $0x70, s26;
	s28 =	sand.u32 $0x3FFFFF80, s29  }
0x178: {  	[tilespmem:v1+s23+$0x0] =	vst.idx.msk $0xffff, v0;
	s26 =	sor.u32 s26, s28  }
0x179: {  	s25 =	sshrl.u32 s25, $0x3;
	v1 =	vld [tilespmem:s26+$0x12800]  }
0x17a: {  	v2 =	vmov s25  }
0x17b: {  	v2 =	vshll.u32 v2, $0x7  }
0x17c: {  	v2 =	vand.u32 $0x380, v2  }
0x17d: {  	v2 =	vbroadcast v2, $0x0  }
0x17e: {  	v3 =	vand.u32 $0x7F, v1;
	v1 =	vshll.u32 v1, $0x3  }
0x17f: {  	v1 =	vand.u32 $0xFFFFFC00, v1;
	v2 =	vor.u32 v2, v3  }
0x180: {  	v1 =	vor.u32 v1, v2;
	_ =	sdelay $0x3  }
0x181: {  	s29 =	simm.s32 $0x0  }
0x182: {  	s30 =	sor.u32 s24, s29;
	[tilespmem:v1+s23+$0x0] =	vst.idx.msk $0xffff, v0  }
0x183: {  	s31 =	simm.s32 $0x0;
	v1 =	vld [tilespmem:s30+$0x13000]  }
0x184: {  	v2 =	vmov s31  }
0x185: {  	v2 =	vshll.u32 v2, $0x7  }
0x186: {  	v2 =	vand.u32 $0x380, v2  }
0x187: {  	v2 =	vbroadcast v2, $0x0  }
0x188: {  	v3 =	vand.u32 $0x7F, v1;
	v1 =	vshll.u32 v1, $0x3  }
0x189: {  	v4 =	vand.u32 $0xFFFFFC00, v1;
	v2 =	vor.u32 v2, v3  }
0x18a: {  	v1 =	vld [tilespmem:s30+$0x10800];
	v2 =	vor.u32 v4, v2;
	_ =	sdelay $0x2  }
0x18b: {  	s25 =	simm.s32 $0x0;
	s24 =	simm.s32 $0x2;
	s23 =	simm.s32 $0x10  }
.LBB2_40:
0x18c: {  	p0 =	sne.s32 s24, $0x3F;
	s26 =	sand.u32 $0x70, s23;
	s28 =	sshll.u32 s25, $0x7  }
0x18d: {  	s26 =	sor.u32 s26, s28;
	[tilespmem:v2+s2+$0x0] =	vst.idx.add.f32.msk $0xffff, v1  }
0x18e: {  	v1 =	vld [tilespmem:s26+$0x13000]  }
0x18f: {  	v2 =	vmov s25  }
0x190: {  	v2 =	vshll.u32 v2, $0x7  }
0x191: {  	v2 =	vand.u32 $0x380, v2  }
0x192: {  	v2 =	vbroadcast v2, $0x0  }
0x193: {  	v3 =	vand.u32 $0x7F, v1;
	v1 =	vshll.u32 v1, $0x3  }
.Ltmp19:
0x194: {  	v4 =	vand.u32 $0xFFFFFC00, v1;
	v2 =	vor.u32 v2, v3;
	(pc) =	sbr.rel @p0 .LBB2_40-.Ltmp19, $2  }
0x195: {  	v1 =	vld [tilespmem:s26+$0x10800];
	v2 =	vor.u32 v4, v2;
	_ =	sdelay $0x2  }
0x196: {  	s23 =	sadd.s32 $0x10, s23;
	s25 =	sshrl.u32 s24, $0x3;
	s24 =	sadd.s32 $0x1, s24  }
0x197: {  	_ =	sdelay $0x2  }
0x198: {  	s23 =	sand.u32 $0x70, s23;
	s24 =	sshll.u32 s25, $0x7  }
0x199: {  	s23 =	sor.u32 s23, s24;
	[tilespmem:v2+s2+$0x0] =	vst.idx.add.f32.msk $0xffff, v1  }
0x19a: {  	v1 =	vld [tilespmem:s23+$0x13000]  }
0x19b: {  	v2 =	vmov s25  }
0x19c: {  	v2 =	vshll.u32 v2, $0x7  }
0x19d: {  	v2 =	vand.u32 $0x380, v2  }
0x19e: {  	v2 =	vbroadcast v2, $0x0  }
0x19f: {  	v3 =	vand.u32 $0x7F, v1;
	v1 =	vshll.u32 v1, $0x3  }
0x1a0: {  	v1 =	vand.u32 $0xFFFFFC00, v1;
	v2 =	vor.u32 v2, v3  }
0x1a1: {  	v3 =	vld [tilespmem:s23+$0x10800];
	v1 =	vor.u32 v1, v2;
	_ =	sdelay $0x4  }
0x1a2: {  	s29 =	simm.s32 $0x0;
	[tilespmem:v1+s2+$0x0] =	vst.idx.add.f32.msk $0xffff, v3  }
0x1a3: {  	[hbm4b:s7+s29] =	stream.linear.scatter [tilespmem:s29], [sflag:$0x1], $0x8000, $0x38;
	[tilespmem:$0x15000] =	vst v63  }
0x1a4: {  	s30 =	simm.s32 $0x0;
	_ =	swait.ge [sflag:s21], $0x8000  }
0x1a5: {  	s24 =	sand.u32 $0x3FFFFF80, s30;
	s23 =	sand.u32 $0x70, s29;
	[sflag:s21] =	ssyncset.done $0x0  }
0x1a6: {  	s24 =	sor.u32 s23, s24;
	[sflag:s21] =	ssyncadd.s32 $0xFFFF8000  }
0x1a7: {  	s31 =	simm.s32 $0x0;
	v1 =	vld [tilespmem:s24+$0x12C00]  }
0x1a8: {  	v2 =	vmov s31  }
0x1a9: {  	v2 =	vshll.u32 v2, $0x7  }
0x1aa: {  	v2 =	vand.u32 $0x380, v2  }
0x1ab: {  	v2 =	vbroadcast v2, $0x0  }
0x1ac: {  	v3 =	vand.u32 $0x7F, v1;
	v1 =	vshll.u32 v1, $0x3  }
0x1ad: {  	v1 =	vand.u32 $0xFFFFFC00, v1;
	v2 =	vor.u32 v2, v3  }
0x1ae: {  	v1 =	vor.u32 v1, v2;
	_ =	sdelay $0x1  }
0x1af: {  	s28 =	simm.s32 $0x10  }
0x1b0: {  	s26 =	simm.s32 $0x2;
	s25 =	simm.s32 $0x10;
	s24 =	simm.s32 $0x1  }
.LBB2_42:
0x1b1: {  	p0 =	sne.s32 s26, $0x3F;
	s29 =	sand.u32 $0x70, s25;
	s28 =	sand.u32 $0x3FFFFF80, s28  }
0x1b2: {  	s28 =	sor.u32 s29, s28;
	[tilespmem:v1+s19+$0x0] =	vst.idx.msk $0xffff, v0  }
0x1b3: {  	s29 =	sshrl.u32 s24, $0x3;
	s24 =	smov.u32 s26;
	v1 =	vld [tilespmem:s28+$0x12C00]  }
0x1b4: {  	v2 =	vmov s29  }
0x1b5: {  	v2 =	vshll.u32 v2, $0x7  }
0x1b6: {  	v2 =	vand.u32 $0x380, v2  }
0x1b7: {  	v2 =	vbroadcast v2, $0x0  }
0x1b8: {  	v3 =	vand.u32 $0x7F, v1;
	v1 =	vshll.u32 v1, $0x3  }
.Ltmp20:
0x1b9: {  	v1 =	vand.u32 $0xFFFFFC00, v1;
	v2 =	vor.u32 v2, v3;
	(pc) =	sbr.rel @p0 .LBB2_42-.Ltmp20, $2  }
0x1ba: {  	v1 =	vor.u32 v1, v2;
	_ =	sdelay $0x2  }
0x1bb: {  	s25 =	sadd.s32 $0x10, s25;
	s26 =	sadd.s32 $0x1, s26;
	s28 =	sshll.u32 s24, $0x4  }
0x1bc: {  	_ =	sdelay $0x2  }
0x1bd: {  	s25 =	sand.u32 $0x70, s25;
	s26 =	sand.u32 $0x3FFFFF80, s28  }
0x1be: {  	[tilespmem:v1+s19+$0x0] =	vst.idx.msk $0xffff, v0;
	s25 =	sor.u32 s25, s26  }
0x1bf: {  	s24 =	sshrl.u32 s24, $0x3;
	v1 =	vld [tilespmem:s25+$0x12C00]  }
0x1c0: {  	v2 =	vmov s24  }
0x1c1: {  	v2 =	vshll.u32 v2, $0x7  }
0x1c2: {  	v2 =	vand.u32 $0x380, v2  }
0x1c3: {  	v2 =	vbroadcast v2, $0x0  }
0x1c4: {  	v3 =	vand.u32 $0x7F, v1;
	v1 =	vshll.u32 v1, $0x3  }
0x1c5: {  	v1 =	vand.u32 $0xFFFFFC00, v1;
	v2 =	vor.u32 v2, v3  }
0x1c6: {  	v1 =	vor.u32 v1, v2;
	_ =	sdelay $0x3  }
0x1c7: {  	s30 =	simm.s32 $0x0  }
0x1c8: {  	s23 =	sor.u32 s23, s30;
	[tilespmem:v1+s19+$0x0] =	vst.idx.msk $0xffff, v0  }
0x1c9: {  	s31 =	simm.s32 $0x0;
	v1 =	vld [tilespmem:s23+$0x13400]  }
0x1ca: {  	v2 =	vmov s31  }
0x1cb: {  	v2 =	vshll.u32 v2, $0x7  }
0x1cc: {  	v2 =	vand.u32 $0x380, v2  }
0x1cd: {  	v2 =	vbroadcast v2, $0x0  }
0x1ce: {  	v3 =	vand.u32 $0x7F, v1;
	v1 =	vshll.u32 v1, $0x3  }
0x1cf: {  	v4 =	vand.u32 $0xFFFFFC00, v1;
	v2 =	vor.u32 v2, v3  }
0x1d0: {  	v1 =	vld [tilespmem:s23+$0x10C00];
	v2 =	vor.u32 v4, v2;
	_ =	sdelay $0x2  }
0x1d1: {  	s24 =	simm.s32 $0x2;
	s25 =	simm.s32 $0x0;
	s23 =	simm.s32 $0x10  }
.LBB2_44:
0x1d2: {  	p0 =	sne.s32 s24, $0x3F;
	s26 =	sand.u32 $0x70, s23;
	s28 =	sshll.u32 s25, $0x7  }
0x1d3: {  	s26 =	sor.u32 s26, s28;
	[tilespmem:v2+s19+$0x0] =	vst.idx.add.f32.msk $0xffff, v1  }
0x1d4: {  	v1 =	vld [tilespmem:s26+$0x13400]  }
0x1d5: {  	v2 =	vmov s25  }
0x1d6: {  	v2 =	vshll.u32 v2, $0x7  }
0x1d7: {  	v2 =	vand.u32 $0x380, v2  }
0x1d8: {  	v2 =	vbroadcast v2, $0x0  }
0x1d9: {  	v3 =	vand.u32 $0x7F, v1;
	v1 =	vshll.u32 v1, $0x3  }
.Ltmp21:
0x1da: {  	v4 =	vand.u32 $0xFFFFFC00, v1;
	v2 =	vor.u32 v2, v3;
	(pc) =	sbr.rel @p0 .LBB2_44-.Ltmp21, $2  }
0x1db: {  	v1 =	vld [tilespmem:s26+$0x10C00];
	v2 =	vor.u32 v4, v2;
	_ =	sdelay $0x2  }
0x1dc: {  	s23 =	sadd.s32 $0x10, s23;
	s25 =	sshrl.u32 s24, $0x3;
	s24 =	sadd.s32 $0x1, s24  }
0x1dd: {  	_ =	sdelay $0x2  }
0x1de: {  	s23 =	sand.u32 $0x70, s23;
	s24 =	sshll.u32 s25, $0x7  }
0x1df: {  	s23 =	sor.u32 s23, s24;
	[tilespmem:v2+s19+$0x0] =	vst.idx.add.f32.msk $0xffff, v1  }
0x1e0: {  	v1 =	vld [tilespmem:s23+$0x13400]  }
0x1e1: {  	v2 =	vmov s25  }
0x1e2: {  	v2 =	vshll.u32 v2, $0x7  }
0x1e3: {  	v2 =	vand.u32 $0x380, v2  }
0x1e4: {  	v2 =	vbroadcast v2, $0x0  }
0x1e5: {  	v3 =	vand.u32 $0x7F, v1;
	v1 =	vshll.u32 v1, $0x3  }
0x1e6: {  	v1 =	vand.u32 $0xFFFFFC00, v1;
	v2 =	vor.u32 v2, v3  }
0x1e7: {  	v3 =	vld [tilespmem:s23+$0x10C00];
	v1 =	vor.u32 v1, v2;
	_ =	sdelay $0x4  }
0x1e8: {  	s23 =	simm.s32 $0x0;
	[tilespmem:v1+s19+$0x0] =	vst.idx.add.f32.msk $0xffff, v3  }
0x1e9: {  	[hbm4b:s8+s23] =	stream.linear.scatter [tilespmem:s19], [sflag:$0x2], $0x8000, $0x38;
	[tilespmem:$0x15000] =	vst v63  }
0x1ea: {  	s31 =	simm.s32 $0x0;
	_ =	swait.ge [sflag:s20], $0x8000  }
0x1eb: {  	s25 =	sand.u32 $0x3FFFFF80, s31;
	s24 =	sand.u32 $0x70, s23;
	[sflag:s20] =	ssyncset.done $0x0  }
0x1ec: {  	s25 =	sor.u32 s24, s25;
	[sflag:s20] =	ssyncadd.s32 $0xFFFF8000  }
0x1ed: {  	s26 =	simm.s32 $0x0;
	v1 =	vld [tilespmem:s25+$0x13000]  }
0x1ee: {  	v2 =	vmov s26  }
0x1ef: {  	v2 =	vshll.u32 v2, $0x7  }
0x1f0: {  	v2 =	vand.u32 $0x380, v2  }
0x1f1: {  	v2 =	vbroadcast v2, $0x0  }
0x1f2: {  	v3 =	vand.u32 $0x7F, v1;
	v1 =	vshll.u32 v1, $0x3  }
0x1f3: {  	v1 =	vand.u32 $0xFFFFFC00, v1;
	v2 =	vor.u32 v2, v3  }
0x1f4: {  	v1 =	vor.u32 v1, v2;
	_ =	sdelay $0x1  }
0x1f5: {  	s29 =	simm.s32 $0x10  }
0x1f6: {  	s28 =	simm.s32 $0x2;
	s26 =	simm.s32 $0x10;
	s25 =	simm.s32 $0x1  }
.LBB2_46:
0x1f7: {  	p0 =	sne.s32 s28, $0x3F;
	s30 =	sand.u32 $0x70, s26;
	s29 =	sand.u32 $0x3FFFFF80, s29  }
0x1f8: {  	s29 =	sor.u32 s30, s29;
	[tilespmem:v1+s23+$0x0] =	vst.idx.msk $0xffff, v0  }
0x1f9: {  	s30 =	sshrl.u32 s25, $0x3;
	s25 =	smov.u32 s28;
	v1 =	vld [tilespmem:s29+$0x13000]  }
0x1fa: {  	v2 =	vmov s30  }
0x1fb: {  	v2 =	vshll.u32 v2, $0x7  }
0x1fc: {  	v2 =	vand.u32 $0x380, v2  }
0x1fd: {  	v2 =	vbroadcast v2, $0x0  }
0x1fe: {  	v3 =	vand.u32 $0x7F, v1;
	v1 =	vshll.u32 v1, $0x3  }
.Ltmp22:
0x1ff: {  	v1 =	vand.u32 $0xFFFFFC00, v1;
	v2 =	vor.u32 v2, v3;
	(pc) =	sbr.rel @p0 .LBB2_46-.Ltmp22, $2  }
0x200: {  	v1 =	vor.u32 v1, v2;
	_ =	sdelay $0x2  }
0x201: {  	s26 =	sadd.s32 $0x10, s26;
	s28 =	sadd.s32 $0x1, s28;
	s29 =	sshll.u32 s25, $0x4  }
0x202: {  	_ =	sdelay $0x2  }
0x203: {  	s26 =	sand.u32 $0x70, s26;
	s28 =	sand.u32 $0x3FFFFF80, s29  }
0x204: {  	[tilespmem:v1+s23+$0x0] =	vst.idx.msk $0xffff, v0;
	s26 =	sor.u32 s26, s28  }
0x205: {  	s25 =	sshrl.u32 s25, $0x3;
	v1 =	vld [tilespmem:s26+$0x13000]  }
0x206: {  	v2 =	vmov s25  }
0x207: {  	v2 =	vshll.u32 v2, $0x7  }
0x208: {  	v2 =	vand.u32 $0x380, v2  }
0x209: {  	v2 =	vbroadcast v2, $0x0  }
0x20a: {  	v3 =	vand.u32 $0x7F, v1;
	v1 =	vshll.u32 v1, $0x3  }
0x20b: {  	v1 =	vand.u32 $0xFFFFFC00, v1;
	v2 =	vor.u32 v2, v3  }
0x20c: {  	v1 =	vor.u32 v1, v2;
	_ =	sdelay $0x3  }
0x20d: {  	s29 =	simm.s32 $0x0  }
0x20e: {  	s30 =	sor.u32 s24, s29;
	[tilespmem:v1+s23+$0x0] =	vst.idx.msk $0xffff, v0  }
0x20f: {  	s31 =	simm.s32 $0x0;
	v1 =	vld [tilespmem:s30+$0x13800]  }
0x210: {  	v2 =	vmov s31  }
0x211: {  	v2 =	vshll.u32 v2, $0x7  }
0x212: {  	v2 =	vand.u32 $0x380, v2  }
0x213: {  	v2 =	vbroadcast v2, $0x0  }
0x214: {  	v3 =	vand.u32 $0x7F, v1;
	v1 =	vshll.u32 v1, $0x3  }
0x215: {  	v4 =	vand.u32 $0xFFFFFC00, v1;
	v2 =	vor.u32 v2, v3  }
0x216: {  	v1 =	vld [tilespmem:s30+$0x11000];
	v2 =	vor.u32 v4, v2;
	_ =	sdelay $0x2  }
0x217: {  	s25 =	simm.s32 $0x0;
	s24 =	simm.s32 $0x2;
	s23 =	simm.s32 $0x10  }
.LBB2_48:
0x218: {  	p0 =	sne.s32 s24, $0x3F;
	s26 =	sand.u32 $0x70, s23;
	s28 =	sshll.u32 s25, $0x7  }
0x219: {  	s26 =	sor.u32 s26, s28;
	[tilespmem:v2+s2+$0x0] =	vst.idx.add.f32.msk $0xffff, v1  }
0x21a: {  	v1 =	vld [tilespmem:s26+$0x13800]  }
0x21b: {  	v2 =	vmov s25  }
0x21c: {  	v2 =	vshll.u32 v2, $0x7  }
0x21d: {  	v2 =	vand.u32 $0x380, v2  }
0x21e: {  	v2 =	vbroadcast v2, $0x0  }
0x21f: {  	v3 =	vand.u32 $0x7F, v1;
	v1 =	vshll.u32 v1, $0x3  }
.Ltmp23:
0x220: {  	v4 =	vand.u32 $0xFFFFFC00, v1;
	v2 =	vor.u32 v2, v3;
	(pc) =	sbr.rel @p0 .LBB2_48-.Ltmp23, $2  }
0x221: {  	v1 =	vld [tilespmem:s26+$0x11000];
	v2 =	vor.u32 v4, v2;
	_ =	sdelay $0x2  }
0x222: {  	s23 =	sadd.s32 $0x10, s23;
	s25 =	sshrl.u32 s24, $0x3;
	s24 =	sadd.s32 $0x1, s24  }
0x223: {  	_ =	sdelay $0x2  }
0x224: {  	s23 =	sand.u32 $0x70, s23;
	s24 =	sshll.u32 s25, $0x7  }
0x225: {  	s23 =	sor.u32 s23, s24;
	[tilespmem:v2+s2+$0x0] =	vst.idx.add.f32.msk $0xffff, v1  }
0x226: {  	v1 =	vld [tilespmem:s23+$0x13800]  }
0x227: {  	v2 =	vmov s25  }
0x228: {  	v2 =	vshll.u32 v2, $0x7  }
0x229: {  	v2 =	vand.u32 $0x380, v2  }
0x22a: {  	v2 =	vbroadcast v2, $0x0  }
0x22b: {  	v3 =	vand.u32 $0x7F, v1;
	v1 =	vshll.u32 v1, $0x3  }
0x22c: {  	v1 =	vand.u32 $0xFFFFFC00, v1;
	v2 =	vor.u32 v2, v3  }
0x22d: {  	v3 =	vld [tilespmem:s23+$0x11000];
	v1 =	vor.u32 v1, v2;
	_ =	sdelay $0x4  }
0x22e: {  	s29 =	simm.s32 $0x0;
	[tilespmem:v1+s2+$0x0] =	vst.idx.add.f32.msk $0xffff, v3  }
0x22f: {  	[hbm4b:s9+s29] =	stream.linear.scatter [tilespmem:s29], [sflag:$0x1], $0x8000, $0x38;
	[tilespmem:$0x15000] =	vst v63  }
0x230: {  	s30 =	simm.s32 $0x0;
	_ =	swait.ge [sflag:s21], $0x8000  }
0x231: {  	s24 =	sand.u32 $0x3FFFFF80, s30;
	s23 =	sand.u32 $0x70, s29;
	[sflag:s21] =	ssyncset.done $0x0  }
0x232: {  	s24 =	sor.u32 s23, s24;
	[sflag:s21] =	ssyncadd.s32 $0xFFFF8000  }
0x233: {  	s31 =	simm.s32 $0x0;
	v1 =	vld [tilespmem:s24+$0x13400]  }
0x234: {  	v2 =	vmov s31  }
0x235: {  	v2 =	vshll.u32 v2, $0x7  }
0x236: {  	v2 =	vand.u32 $0x380, v2  }
0x237: {  	v2 =	vbroadcast v2, $0x0  }
0x238: {  	v3 =	vand.u32 $0x7F, v1;
	v1 =	vshll.u32 v1, $0x3  }
0x239: {  	v1 =	vand.u32 $0xFFFFFC00, v1;
	v2 =	vor.u32 v2, v3  }
0x23a: {  	v1 =	vor.u32 v1, v2;
	_ =	sdelay $0x1  }
0x23b: {  	s28 =	simm.s32 $0x10  }
0x23c: {  	s26 =	simm.s32 $0x2;
	s25 =	simm.s32 $0x10;
	s24 =	simm.s32 $0x1  }
.LBB2_50:
0x23d: {  	p0 =	sne.s32 s26, $0x3F;
	s29 =	sand.u32 $0x70, s25;
	s28 =	sand.u32 $0x3FFFFF80, s28  }
0x23e: {  	s28 =	sor.u32 s29, s28;
	[tilespmem:v1+s19+$0x0] =	vst.idx.msk $0xffff, v0  }
0x23f: {  	s29 =	sshrl.u32 s24, $0x3;
	s24 =	smov.u32 s26;
	v1 =	vld [tilespmem:s28+$0x13400]  }
0x240: {  	v2 =	vmov s29  }
0x241: {  	v2 =	vshll.u32 v2, $0x7  }
0x242: {  	v2 =	vand.u32 $0x380, v2  }
0x243: {  	v2 =	vbroadcast v2, $0x0  }
0x244: {  	v3 =	vand.u32 $0x7F, v1;
	v1 =	vshll.u32 v1, $0x3  }
.Ltmp24:
0x245: {  	v1 =	vand.u32 $0xFFFFFC00, v1;
	v2 =	vor.u32 v2, v3;
	(pc) =	sbr.rel @p0 .LBB2_50-.Ltmp24, $2  }
0x246: {  	v1 =	vor.u32 v1, v2;
	_ =	sdelay $0x2  }
0x247: {  	s25 =	sadd.s32 $0x10, s25;
	s26 =	sadd.s32 $0x1, s26;
	s28 =	sshll.u32 s24, $0x4  }
0x248: {  	_ =	sdelay $0x2  }
0x249: {  	s25 =	sand.u32 $0x70, s25;
	s26 =	sand.u32 $0x3FFFFF80, s28  }
0x24a: {  	[tilespmem:v1+s19+$0x0] =	vst.idx.msk $0xffff, v0;
	s25 =	sor.u32 s25, s26  }
0x24b: {  	s24 =	sshrl.u32 s24, $0x3;
	v1 =	vld [tilespmem:s25+$0x13400]  }
0x24c: {  	v2 =	vmov s24  }
0x24d: {  	v2 =	vshll.u32 v2, $0x7  }
0x24e: {  	v2 =	vand.u32 $0x380, v2  }
0x24f: {  	v2 =	vbroadcast v2, $0x0  }
0x250: {  	v3 =	vand.u32 $0x7F, v1;
	v1 =	vshll.u32 v1, $0x3  }
0x251: {  	v1 =	vand.u32 $0xFFFFFC00, v1;
	v2 =	vor.u32 v2, v3  }
0x252: {  	v1 =	vor.u32 v1, v2;
	_ =	sdelay $0x3  }
0x253: {  	s30 =	simm.s32 $0x0  }
0x254: {  	s23 =	sor.u32 s23, s30;
	[tilespmem:v1+s19+$0x0] =	vst.idx.msk $0xffff, v0  }
0x255: {  	s31 =	simm.s32 $0x0;
	v1 =	vld [tilespmem:s23+$0x13C00]  }
0x256: {  	v2 =	vmov s31  }
0x257: {  	v2 =	vshll.u32 v2, $0x7  }
0x258: {  	v2 =	vand.u32 $0x380, v2  }
0x259: {  	v2 =	vbroadcast v2, $0x0  }
0x25a: {  	v3 =	vand.u32 $0x7F, v1;
	v1 =	vshll.u32 v1, $0x3  }
0x25b: {  	v4 =	vand.u32 $0xFFFFFC00, v1;
	v2 =	vor.u32 v2, v3  }
0x25c: {  	v1 =	vld [tilespmem:s23+$0x11400];
	v2 =	vor.u32 v4, v2;
	_ =	sdelay $0x2  }
0x25d: {  	s24 =	simm.s32 $0x2;
	s25 =	simm.s32 $0x0;
	s23 =	simm.s32 $0x10  }
.LBB2_52:
0x25e: {  	p0 =	sne.s32 s24, $0x3F;
	s26 =	sand.u32 $0x70, s23;
	s28 =	sshll.u32 s25, $0x7  }
0x25f: {  	s26 =	sor.u32 s26, s28;
	[tilespmem:v2+s19+$0x0] =	vst.idx.add.f32.msk $0xffff, v1  }
0x260: {  	v1 =	vld [tilespmem:s26+$0x13C00]  }
0x261: {  	v2 =	vmov s25  }
0x262: {  	v2 =	vshll.u32 v2, $0x7  }
0x263: {  	v2 =	vand.u32 $0x380, v2  }
0x264: {  	v2 =	vbroadcast v2, $0x0  }
0x265: {  	v3 =	vand.u32 $0x7F, v1;
	v1 =	vshll.u32 v1, $0x3  }
.Ltmp25:
0x266: {  	v4 =	vand.u32 $0xFFFFFC00, v1;
	v2 =	vor.u32 v2, v3;
	(pc) =	sbr.rel @p0 .LBB2_52-.Ltmp25, $2  }
0x267: {  	v1 =	vld [tilespmem:s26+$0x11400];
	v2 =	vor.u32 v4, v2;
	_ =	sdelay $0x2  }
0x268: {  	s23 =	sadd.s32 $0x10, s23;
	s25 =	sshrl.u32 s24, $0x3;
	s24 =	sadd.s32 $0x1, s24  }
0x269: {  	_ =	sdelay $0x2  }
0x26a: {  	s23 =	sand.u32 $0x70, s23;
	s24 =	sshll.u32 s25, $0x7  }
0x26b: {  	s23 =	sor.u32 s23, s24;
	[tilespmem:v2+s19+$0x0] =	vst.idx.add.f32.msk $0xffff, v1  }
0x26c: {  	v1 =	vld [tilespmem:s23+$0x13C00]  }
0x26d: {  	v2 =	vmov s25  }
0x26e: {  	v2 =	vshll.u32 v2, $0x7  }
0x26f: {  	v2 =	vand.u32 $0x380, v2  }
0x270: {  	v2 =	vbroadcast v2, $0x0  }
0x271: {  	v3 =	vand.u32 $0x7F, v1;
	v1 =	vshll.u32 v1, $0x3  }
0x272: {  	v1 =	vand.u32 $0xFFFFFC00, v1;
	v2 =	vor.u32 v2, v3  }
0x273: {  	v3 =	vld [tilespmem:s23+$0x11400];
	v1 =	vor.u32 v1, v2;
	_ =	sdelay $0x4  }
0x274: {  	s23 =	simm.s32 $0x0;
	[tilespmem:v1+s19+$0x0] =	vst.idx.add.f32.msk $0xffff, v3  }
0x275: {  	[hbm4b:s10+s23] =	stream.linear.scatter [tilespmem:s19], [sflag:$0x2], $0x8000, $0x38;
	[tilespmem:$0x15000] =	vst v63  }
0x276: {  	s31 =	simm.s32 $0x0;
	_ =	swait.ge [sflag:s20], $0x8000  }
0x277: {  	s25 =	sand.u32 $0x3FFFFF80, s31;
	s24 =	sand.u32 $0x70, s23;
	[sflag:s20] =	ssyncset.done $0x0  }
0x278: {  	s25 =	sor.u32 s24, s25;
	[sflag:s20] =	ssyncadd.s32 $0xFFFF8000  }
0x279: {  	s26 =	simm.s32 $0x0;
	v1 =	vld [tilespmem:s25+$0x13800]  }
0x27a: {  	v2 =	vmov s26  }
0x27b: {  	v2 =	vshll.u32 v2, $0x7  }
0x27c: {  	v2 =	vand.u32 $0x380, v2  }
0x27d: {  	v2 =	vbroadcast v2, $0x0  }
0x27e: {  	v3 =	vand.u32 $0x7F, v1;
	v1 =	vshll.u32 v1, $0x3  }
0x27f: {  	v1 =	vand.u32 $0xFFFFFC00, v1;
	v2 =	vor.u32 v2, v3  }
0x280: {  	v1 =	vor.u32 v1, v2;
	_ =	sdelay $0x1  }
0x281: {  	s29 =	simm.s32 $0x10  }
0x282: {  	s28 =	simm.s32 $0x2;
	s26 =	simm.s32 $0x10;
	s25 =	simm.s32 $0x1  }
.LBB2_54:
0x283: {  	p0 =	sne.s32 s28, $0x3F;
	s30 =	sand.u32 $0x70, s26;
	s29 =	sand.u32 $0x3FFFFF80, s29  }
0x284: {  	s29 =	sor.u32 s30, s29;
	[tilespmem:v1+s23+$0x0] =	vst.idx.msk $0xffff, v0  }
0x285: {  	s30 =	sshrl.u32 s25, $0x3;
	s25 =	smov.u32 s28;
	v1 =	vld [tilespmem:s29+$0x13800]  }
0x286: {  	v2 =	vmov s30  }
0x287: {  	v2 =	vshll.u32 v2, $0x7  }
0x288: {  	v2 =	vand.u32 $0x380, v2  }
0x289: {  	v2 =	vbroadcast v2, $0x0  }
0x28a: {  	v3 =	vand.u32 $0x7F, v1;
	v1 =	vshll.u32 v1, $0x3  }
.Ltmp26:
0x28b: {  	v1 =	vand.u32 $0xFFFFFC00, v1;
	v2 =	vor.u32 v2, v3;
	(pc) =	sbr.rel @p0 .LBB2_54-.Ltmp26, $2  }
0x28c: {  	v1 =	vor.u32 v1, v2;
	_ =	sdelay $0x2  }
0x28d: {  	s26 =	sadd.s32 $0x10, s26;
	s28 =	sadd.s32 $0x1, s28;
	s29 =	sshll.u32 s25, $0x4  }
0x28e: {  	_ =	sdelay $0x2  }
0x28f: {  	s26 =	sand.u32 $0x70, s26;
	s28 =	sand.u32 $0x3FFFFF80, s29  }
0x290: {  	[tilespmem:v1+s23+$0x0] =	vst.idx.msk $0xffff, v0;
	s26 =	sor.u32 s26, s28  }
0x291: {  	s25 =	sshrl.u32 s25, $0x3;
	v1 =	vld [tilespmem:s26+$0x13800]  }
0x292: {  	v2 =	vmov s25  }
0x293: {  	v2 =	vshll.u32 v2, $0x7  }
0x294: {  	v2 =	vand.u32 $0x380, v2  }
0x295: {  	v2 =	vbroadcast v2, $0x0  }
0x296: {  	v3 =	vand.u32 $0x7F, v1;
	v1 =	vshll.u32 v1, $0x3  }
0x297: {  	v1 =	vand.u32 $0xFFFFFC00, v1;
	v2 =	vor.u32 v2, v3  }
0x298: {  	v1 =	vor.u32 v1, v2;
	_ =	sdelay $0x3  }
0x299: {  	s29 =	simm.s32 $0x0  }
0x29a: {  	s30 =	sor.u32 s24, s29;
	[tilespmem:v1+s23+$0x0] =	vst.idx.msk $0xffff, v0  }
0x29b: {  	s31 =	simm.s32 $0x0;
	v1 =	vld [tilespmem:s30+$0x14000]  }
0x29c: {  	v2 =	vmov s31  }
0x29d: {  	v2 =	vshll.u32 v2, $0x7  }
0x29e: {  	v2 =	vand.u32 $0x380, v2  }
0x29f: {  	v2 =	vbroadcast v2, $0x0  }
0x2a0: {  	v3 =	vand.u32 $0x7F, v1;
	v1 =	vshll.u32 v1, $0x3  }
0x2a1: {  	v4 =	vand.u32 $0xFFFFFC00, v1;
	v2 =	vor.u32 v2, v3  }
0x2a2: {  	v1 =	vld [tilespmem:s30+$0x11800];
	v2 =	vor.u32 v4, v2;
	_ =	sdelay $0x2  }
0x2a3: {  	s25 =	simm.s32 $0x0;
	s24 =	simm.s32 $0x2;
	s23 =	simm.s32 $0x10  }
.LBB2_56:
0x2a4: {  	p0 =	sne.s32 s24, $0x3F;
	s26 =	sand.u32 $0x70, s23;
	s28 =	sshll.u32 s25, $0x7  }
0x2a5: {  	s26 =	sor.u32 s26, s28;
	[tilespmem:v2+s2+$0x0] =	vst.idx.add.f32.msk $0xffff, v1  }
0x2a6: {  	v1 =	vld [tilespmem:s26+$0x14000]  }
0x2a7: {  	v2 =	vmov s25  }
0x2a8: {  	v2 =	vshll.u32 v2, $0x7  }
0x2a9: {  	v2 =	vand.u32 $0x380, v2  }
0x2aa: {  	v2 =	vbroadcast v2, $0x0  }
0x2ab: {  	v3 =	vand.u32 $0x7F, v1;
	v1 =	vshll.u32 v1, $0x3  }
.Ltmp27:
0x2ac: {  	v4 =	vand.u32 $0xFFFFFC00, v1;
	v2 =	vor.u32 v2, v3;
	(pc) =	sbr.rel @p0 .LBB2_56-.Ltmp27, $2  }
0x2ad: {  	v1 =	vld [tilespmem:s26+$0x11800];
	v2 =	vor.u32 v4, v2;
	_ =	sdelay $0x2  }
0x2ae: {  	s23 =	sadd.s32 $0x10, s23;
	s25 =	sshrl.u32 s24, $0x3;
	s24 =	sadd.s32 $0x1, s24  }
0x2af: {  	_ =	sdelay $0x2  }
0x2b0: {  	s23 =	sand.u32 $0x70, s23;
	s24 =	sshll.u32 s25, $0x7  }
0x2b1: {  	s23 =	sor.u32 s23, s24;
	[tilespmem:v2+s2+$0x0] =	vst.idx.add.f32.msk $0xffff, v1  }
0x2b2: {  	v1 =	vld [tilespmem:s23+$0x14000]  }
0x2b3: {  	v2 =	vmov s25  }
0x2b4: {  	v2 =	vshll.u32 v2, $0x7  }
0x2b5: {  	v2 =	vand.u32 $0x380, v2  }
0x2b6: {  	v2 =	vbroadcast v2, $0x0  }
0x2b7: {  	v3 =	vand.u32 $0x7F, v1;
	v1 =	vshll.u32 v1, $0x3  }
0x2b8: {  	v1 =	vand.u32 $0xFFFFFC00, v1;
	v2 =	vor.u32 v2, v3  }
0x2b9: {  	v3 =	vld [tilespmem:s23+$0x11800];
	v1 =	vor.u32 v1, v2;
	_ =	sdelay $0x4  }
0x2ba: {  	s29 =	simm.s32 $0x0;
	[tilespmem:v1+s2+$0x0] =	vst.idx.add.f32.msk $0xffff, v3  }
0x2bb: {  	[hbm4b:s11+s29] =	stream.linear.scatter [tilespmem:s29], [sflag:$0x1], $0x8000, $0x38;
	[tilespmem:$0x15000] =	vst v63  }
0x2bc: {  	s30 =	simm.s32 $0x0;
	_ =	swait.ge [sflag:s21], $0x8000  }
0x2bd: {  	s24 =	sand.u32 $0x3FFFFF80, s30;
	s23 =	sand.u32 $0x70, s29;
	[sflag:s21] =	ssyncset.done $0x0  }
0x2be: {  	s24 =	sor.u32 s23, s24;
	[sflag:s21] =	ssyncadd.s32 $0xFFFF8000  }
0x2bf: {  	s31 =	simm.s32 $0x0;
	v1 =	vld [tilespmem:s24+$0x13C00]  }
0x2c0: {  	v2 =	vmov s31  }
0x2c1: {  	v2 =	vshll.u32 v2, $0x7  }
0x2c2: {  	v2 =	vand.u32 $0x380, v2  }
0x2c3: {  	v2 =	vbroadcast v2, $0x0  }
0x2c4: {  	v3 =	vand.u32 $0x7F, v1;
	v1 =	vshll.u32 v1, $0x3  }
0x2c5: {  	v1 =	vand.u32 $0xFFFFFC00, v1;
	v2 =	vor.u32 v2, v3  }
0x2c6: {  	v1 =	vor.u32 v1, v2;
	_ =	sdelay $0x1  }
0x2c7: {  	s28 =	simm.s32 $0x10  }
0x2c8: {  	s26 =	simm.s32 $0x2;
	s25 =	simm.s32 $0x10;
	s24 =	simm.s32 $0x1  }
.LBB2_58:
0x2c9: {  	p0 =	sne.s32 s26, $0x3F;
	s29 =	sand.u32 $0x70, s25;
	s28 =	sand.u32 $0x3FFFFF80, s28  }
0x2ca: {  	s28 =	sor.u32 s29, s28;
	[tilespmem:v1+s19+$0x0] =	vst.idx.msk $0xffff, v0  }
0x2cb: {  	s29 =	sshrl.u32 s24, $0x3;
	s24 =	smov.u32 s26;
	v1 =	vld [tilespmem:s28+$0x13C00]  }
0x2cc: {  	v2 =	vmov s29  }
0x2cd: {  	v2 =	vshll.u32 v2, $0x7  }
0x2ce: {  	v2 =	vand.u32 $0x380, v2  }
0x2cf: {  	v2 =	vbroadcast v2, $0x0  }
0x2d0: {  	v3 =	vand.u32 $0x7F, v1;
	v1 =	vshll.u32 v1, $0x3  }
.Ltmp28:
0x2d1: {  	v1 =	vand.u32 $0xFFFFFC00, v1;
	v2 =	vor.u32 v2, v3;
	(pc) =	sbr.rel @p0 .LBB2_58-.Ltmp28, $2  }
0x2d2: {  	v1 =	vor.u32 v1, v2;
	_ =	sdelay $0x2  }
0x2d3: {  	s25 =	sadd.s32 $0x10, s25;
	s26 =	sadd.s32 $0x1, s26;
	s28 =	sshll.u32 s24, $0x4  }
0x2d4: {  	_ =	sdelay $0x2  }
0x2d5: {  	s25 =	sand.u32 $0x70, s25;
	s26 =	sand.u32 $0x3FFFFF80, s28  }
0x2d6: {  	[tilespmem:v1+s19+$0x0] =	vst.idx.msk $0xffff, v0;
	s25 =	sor.u32 s25, s26  }
0x2d7: {  	s24 =	sshrl.u32 s24, $0x3;
	v1 =	vld [tilespmem:s25+$0x13C00]  }
0x2d8: {  	v2 =	vmov s24  }
0x2d9: {  	v2 =	vshll.u32 v2, $0x7  }
0x2da: {  	v2 =	vand.u32 $0x380, v2  }
0x2db: {  	v2 =	vbroadcast v2, $0x0  }
0x2dc: {  	v3 =	vand.u32 $0x7F, v1;
	v1 =	vshll.u32 v1, $0x3  }
0x2dd: {  	v1 =	vand.u32 $0xFFFFFC00, v1;
	v2 =	vor.u32 v2, v3  }
0x2de: {  	v1 =	vor.u32 v1, v2;
	_ =	sdelay $0x3  }
0x2df: {  	s30 =	simm.s32 $0x0  }
0x2e0: {  	s23 =	sor.u32 s23, s30;
	[tilespmem:v1+s19+$0x0] =	vst.idx.msk $0xffff, v0  }
0x2e1: {  	s31 =	simm.s32 $0x0;
	v1 =	vld [tilespmem:s23+$0x14400]  }
0x2e2: {  	v2 =	vmov s31  }
0x2e3: {  	v2 =	vshll.u32 v2, $0x7  }
0x2e4: {  	v2 =	vand.u32 $0x380, v2  }
0x2e5: {  	v2 =	vbroadcast v2, $0x0  }
0x2e6: {  	v3 =	vand.u32 $0x7F, v1;
	v1 =	vshll.u32 v1, $0x3  }
0x2e7: {  	v4 =	vand.u32 $0xFFFFFC00, v1;
	v2 =	vor.u32 v2, v3  }
0x2e8: {  	v1 =	vld [tilespmem:s23+$0x11C00];
	v2 =	vor.u32 v4, v2;
	_ =	sdelay $0x2  }
0x2e9: {  	s24 =	simm.s32 $0x2;
	s25 =	simm.s32 $0x0;
	s23 =	simm.s32 $0x10  }
.LBB2_60:
0x2ea: {  	p0 =	sne.s32 s24, $0x3F;
	s26 =	sand.u32 $0x70, s23;
	s28 =	sshll.u32 s25, $0x7  }
0x2eb: {  	s26 =	sor.u32 s26, s28;
	[tilespmem:v2+s19+$0x0] =	vst.idx.add.f32.msk $0xffff, v1  }
0x2ec: {  	v1 =	vld [tilespmem:s26+$0x14400]  }
0x2ed: {  	v2 =	vmov s25  }
0x2ee: {  	v2 =	vshll.u32 v2, $0x7  }
0x2ef: {  	v2 =	vand.u32 $0x380, v2  }
0x2f0: {  	v2 =	vbroadcast v2, $0x0  }
0x2f1: {  	v3 =	vand.u32 $0x7F, v1;
	v1 =	vshll.u32 v1, $0x3  }
.Ltmp29:
0x2f2: {  	v4 =	vand.u32 $0xFFFFFC00, v1;
	v2 =	vor.u32 v2, v3;
	(pc) =	sbr.rel @p0 .LBB2_60-.Ltmp29, $2  }
0x2f3: {  	v1 =	vld [tilespmem:s26+$0x11C00];
	v2 =	vor.u32 v4, v2;
	_ =	sdelay $0x2  }
0x2f4: {  	s23 =	sadd.s32 $0x10, s23;
	s25 =	sshrl.u32 s24, $0x3;
	s24 =	sadd.s32 $0x1, s24  }
0x2f5: {  	_ =	sdelay $0x2  }
0x2f6: {  	s23 =	sand.u32 $0x70, s23;
	s24 =	sshll.u32 s25, $0x7  }
0x2f7: {  	s23 =	sor.u32 s23, s24;
	[tilespmem:v2+s19+$0x0] =	vst.idx.add.f32.msk $0xffff, v1  }
0x2f8: {  	v1 =	vld [tilespmem:s23+$0x14400]  }
0x2f9: {  	v2 =	vmov s25  }
0x2fa: {  	v2 =	vshll.u32 v2, $0x7  }
0x2fb: {  	v2 =	vand.u32 $0x380, v2  }
0x2fc: {  	v2 =	vbroadcast v2, $0x0  }
0x2fd: {  	v3 =	vand.u32 $0x7F, v1;
	v1 =	vshll.u32 v1, $0x3  }
0x2fe: {  	v1 =	vand.u32 $0xFFFFFC00, v1;
	v2 =	vor.u32 v2, v3  }
0x2ff: {  	v3 =	vld [tilespmem:s23+$0x11C00];
	v1 =	vor.u32 v1, v2;
	_ =	sdelay $0x4  }
0x300: {  	s23 =	simm.s32 $0x0;
	[tilespmem:v1+s19+$0x0] =	vst.idx.add.f32.msk $0xffff, v3  }
0x301: {  	[hbm4b:s12+s23] =	stream.linear.scatter [tilespmem:s19], [sflag:$0x2], $0x8000, $0x38;
	[tilespmem:$0x15000] =	vst v63  }
0x302: {  	s31 =	simm.s32 $0x0;
	_ =	swait.ge [sflag:s20], $0x8000  }
0x303: {  	s25 =	sand.u32 $0x3FFFFF80, s31;
	s24 =	sand.u32 $0x70, s23;
	[sflag:s20] =	ssyncset.done $0x0  }
0x304: {  	s25 =	sor.u32 s24, s25;
	[sflag:s20] =	ssyncadd.s32 $0xFFFF8000  }
0x305: {  	s26 =	simm.s32 $0x0;
	v1 =	vld [tilespmem:s25+$0x14000]  }
0x306: {  	v2 =	vmov s26  }
0x307: {  	v2 =	vshll.u32 v2, $0x7  }
0x308: {  	v2 =	vand.u32 $0x380, v2  }
0x309: {  	v2 =	vbroadcast v2, $0x0  }
0x30a: {  	v3 =	vand.u32 $0x7F, v1;
	v1 =	vshll.u32 v1, $0x3  }
0x30b: {  	v1 =	vand.u32 $0xFFFFFC00, v1;
	v2 =	vor.u32 v2, v3  }
0x30c: {  	v1 =	vor.u32 v1, v2;
	_ =	sdelay $0x1  }
0x30d: {  	s29 =	simm.s32 $0x10  }
0x30e: {  	s28 =	simm.s32 $0x2;
	s26 =	simm.s32 $0x10;
	s25 =	simm.s32 $0x1  }
.LBB2_62:
0x30f: {  	p0 =	sne.s32 s28, $0x3F;
	s30 =	sand.u32 $0x70, s26;
	s29 =	sand.u32 $0x3FFFFF80, s29  }
0x310: {  	s29 =	sor.u32 s30, s29;
	[tilespmem:v1+s23+$0x0] =	vst.idx.msk $0xffff, v0  }
0x311: {  	s30 =	sshrl.u32 s25, $0x3;
	s25 =	smov.u32 s28;
	v1 =	vld [tilespmem:s29+$0x14000]  }
0x312: {  	v2 =	vmov s30  }
0x313: {  	v2 =	vshll.u32 v2, $0x7  }
0x314: {  	v2 =	vand.u32 $0x380, v2  }
0x315: {  	v2 =	vbroadcast v2, $0x0  }
0x316: {  	v3 =	vand.u32 $0x7F, v1;
	v1 =	vshll.u32 v1, $0x3  }
.Ltmp30:
0x317: {  	v1 =	vand.u32 $0xFFFFFC00, v1;
	v2 =	vor.u32 v2, v3;
	(pc) =	sbr.rel @p0 .LBB2_62-.Ltmp30, $2  }
0x318: {  	v1 =	vor.u32 v1, v2;
	_ =	sdelay $0x2  }
0x319: {  	s26 =	sadd.s32 $0x10, s26;
	s28 =	sadd.s32 $0x1, s28;
	s29 =	sshll.u32 s25, $0x4  }
0x31a: {  	_ =	sdelay $0x2  }
0x31b: {  	s26 =	sand.u32 $0x70, s26;
	s28 =	sand.u32 $0x3FFFFF80, s29  }
0x31c: {  	[tilespmem:v1+s23+$0x0] =	vst.idx.msk $0xffff, v0;
	s26 =	sor.u32 s26, s28  }
0x31d: {  	s25 =	sshrl.u32 s25, $0x3;
	v1 =	vld [tilespmem:s26+$0x14000]  }
0x31e: {  	v2 =	vmov s25  }
0x31f: {  	v2 =	vshll.u32 v2, $0x7  }
0x320: {  	v2 =	vand.u32 $0x380, v2  }
0x321: {  	v2 =	vbroadcast v2, $0x0  }
0x322: {  	v3 =	vand.u32 $0x7F, v1;
	v1 =	vshll.u32 v1, $0x3  }
0x323: {  	v1 =	vand.u32 $0xFFFFFC00, v1;
	v2 =	vor.u32 v2, v3  }
0x324: {  	v1 =	vor.u32 v1, v2;
	_ =	sdelay $0x3  }
0x325: {  	s29 =	simm.s32 $0x0  }
0x326: {  	s30 =	sor.u32 s24, s29;
	[tilespmem:v1+s23+$0x0] =	vst.idx.msk $0xffff, v0  }
0x327: {  	s31 =	simm.s32 $0x0;
	v1 =	vld [tilespmem:s30+$0x14800]  }
0x328: {  	v2 =	vmov s31  }
0x329: {  	v2 =	vshll.u32 v2, $0x7  }
0x32a: {  	v2 =	vand.u32 $0x380, v2  }
0x32b: {  	v2 =	vbroadcast v2, $0x0  }
0x32c: {  	v3 =	vand.u32 $0x7F, v1;
	v1 =	vshll.u32 v1, $0x3  }
0x32d: {  	v4 =	vand.u32 $0xFFFFFC00, v1;
	v2 =	vor.u32 v2, v3  }
0x32e: {  	v1 =	vld [tilespmem:s30+$0x12000];
	v2 =	vor.u32 v4, v2;
	_ =	sdelay $0x2  }
0x32f: {  	s25 =	simm.s32 $0x0;
	s24 =	simm.s32 $0x2;
	s23 =	simm.s32 $0x10  }
.LBB2_64:
0x330: {  	p0 =	sne.s32 s24, $0x3F;
	s26 =	sand.u32 $0x70, s23;
	s28 =	sshll.u32 s25, $0x7  }
0x331: {  	s26 =	sor.u32 s26, s28;
	[tilespmem:v2+s2+$0x0] =	vst.idx.add.f32.msk $0xffff, v1  }
0x332: {  	v1 =	vld [tilespmem:s26+$0x14800]  }
0x333: {  	v2 =	vmov s25  }
0x334: {  	v2 =	vshll.u32 v2, $0x7  }
0x335: {  	v2 =	vand.u32 $0x380, v2  }
0x336: {  	v2 =	vbroadcast v2, $0x0  }
0x337: {  	v3 =	vand.u32 $0x7F, v1;
	v1 =	vshll.u32 v1, $0x3  }
.Ltmp31:
0x338: {  	v4 =	vand.u32 $0xFFFFFC00, v1;
	v2 =	vor.u32 v2, v3;
	(pc) =	sbr.rel @p0 .LBB2_64-.Ltmp31, $2  }
0x339: {  	v1 =	vld [tilespmem:s26+$0x12000];
	v2 =	vor.u32 v4, v2;
	_ =	sdelay $0x2  }
0x33a: {  	s23 =	sadd.s32 $0x10, s23;
	s25 =	sshrl.u32 s24, $0x3;
	s24 =	sadd.s32 $0x1, s24  }
0x33b: {  	_ =	sdelay $0x2  }
0x33c: {  	s23 =	sand.u32 $0x70, s23;
	s24 =	sshll.u32 s25, $0x7  }
0x33d: {  	s23 =	sor.u32 s23, s24;
	[tilespmem:v2+s2+$0x0] =	vst.idx.add.f32.msk $0xffff, v1  }
0x33e: {  	v1 =	vld [tilespmem:s23+$0x14800]  }
0x33f: {  	v2 =	vmov s25  }
0x340: {  	v2 =	vshll.u32 v2, $0x7  }
0x341: {  	v2 =	vand.u32 $0x380, v2  }
0x342: {  	v2 =	vbroadcast v2, $0x0  }
0x343: {  	v3 =	vand.u32 $0x7F, v1;
	v1 =	vshll.u32 v1, $0x3  }
0x344: {  	v1 =	vand.u32 $0xFFFFFC00, v1;
	v2 =	vor.u32 v2, v3  }
0x345: {  	v3 =	vld [tilespmem:s23+$0x12000];
	v1 =	vor.u32 v1, v2;
	_ =	sdelay $0x4  }
0x346: {  	s29 =	simm.s32 $0x0;
	[tilespmem:v1+s2+$0x0] =	vst.idx.add.f32.msk $0xffff, v3  }
0x347: {  	[hbm4b:s13+s29] =	stream.linear.scatter [tilespmem:s29], [sflag:$0x1], $0x8000, $0x38;
	[tilespmem:$0x15000] =	vst v63  }
0x348: {  	s30 =	simm.s32 $0x0;
	_ =	swait.ge [sflag:s21], $0x8000  }
0x349: {  	s24 =	sand.u32 $0x3FFFFF80, s30;
	s23 =	sand.u32 $0x70, s29;
	[sflag:s21] =	ssyncset.done $0x0  }
0x34a: {  	s24 =	sor.u32 s23, s24;
	[sflag:s21] =	ssyncadd.s32 $0xFFFF8000  }
0x34b: {  	s31 =	simm.s32 $0x0;
	v1 =	vld [tilespmem:s24+$0x14400]  }
0x34c: {  	v2 =	vmov s31  }
0x34d: {  	v2 =	vshll.u32 v2, $0x7  }
0x34e: {  	v2 =	vand.u32 $0x380, v2  }
0x34f: {  	v2 =	vbroadcast v2, $0x0  }
0x350: {  	v3 =	vand.u32 $0x7F, v1;
	v1 =	vshll.u32 v1, $0x3  }
0x351: {  	v1 =	vand.u32 $0xFFFFFC00, v1;
	v2 =	vor.u32 v2, v3  }
0x352: {  	v1 =	vor.u32 v1, v2;
	_ =	sdelay $0x1  }
0x353: {  	s28 =	simm.s32 $0x10  }
0x354: {  	s26 =	simm.s32 $0x2;
	s25 =	simm.s32 $0x10;
	s24 =	simm.s32 $0x1  }
.LBB2_66:
0x355: {  	p0 =	sne.s32 s26, $0x3F;
	s29 =	sand.u32 $0x70, s25;
	s28 =	sand.u32 $0x3FFFFF80, s28  }
0x356: {  	s28 =	sor.u32 s29, s28;
	[tilespmem:v1+s19+$0x0] =	vst.idx.msk $0xffff, v0  }
0x357: {  	s29 =	sshrl.u32 s24, $0x3;
	s24 =	smov.u32 s26;
	v1 =	vld [tilespmem:s28+$0x14400]  }
0x358: {  	v2 =	vmov s29  }
0x359: {  	v2 =	vshll.u32 v2, $0x7  }
0x35a: {  	v2 =	vand.u32 $0x380, v2  }
0x35b: {  	v2 =	vbroadcast v2, $0x0  }
0x35c: {  	v3 =	vand.u32 $0x7F, v1;
	v1 =	vshll.u32 v1, $0x3  }
.Ltmp32:
0x35d: {  	v1 =	vand.u32 $0xFFFFFC00, v1;
	v2 =	vor.u32 v2, v3;
	(pc) =	sbr.rel @p0 .LBB2_66-.Ltmp32, $2  }
0x35e: {  	v1 =	vor.u32 v1, v2;
	_ =	sdelay $0x2  }
0x35f: {  	s25 =	sadd.s32 $0x10, s25;
	s26 =	sadd.s32 $0x1, s26;
	s28 =	sshll.u32 s24, $0x4  }
0x360: {  	_ =	sdelay $0x2  }
0x361: {  	s25 =	sand.u32 $0x70, s25;
	s26 =	sand.u32 $0x3FFFFF80, s28  }
0x362: {  	[tilespmem:v1+s19+$0x0] =	vst.idx.msk $0xffff, v0;
	s25 =	sor.u32 s25, s26  }
0x363: {  	s24 =	sshrl.u32 s24, $0x3;
	v1 =	vld [tilespmem:s25+$0x14400]  }
0x364: {  	v2 =	vmov s24  }
0x365: {  	v2 =	vshll.u32 v2, $0x7  }
0x366: {  	v2 =	vand.u32 $0x380, v2  }
0x367: {  	v2 =	vbroadcast v2, $0x0  }
0x368: {  	v3 =	vand.u32 $0x7F, v1;
	v1 =	vshll.u32 v1, $0x3  }
0x369: {  	v1 =	vand.u32 $0xFFFFFC00, v1;
	v2 =	vor.u32 v2, v3  }
0x36a: {  	v1 =	vor.u32 v1, v2;
	_ =	sdelay $0x3  }
0x36b: {  	s30 =	simm.s32 $0x0  }
0x36c: {  	s23 =	sor.u32 s23, s30;
	[tilespmem:v1+s19+$0x0] =	vst.idx.msk $0xffff, v0  }
0x36d: {  	s31 =	simm.s32 $0x0;
	v1 =	vld [tilespmem:s23+$0x14C00]  }
0x36e: {  	v2 =	vmov s31  }
0x36f: {  	v2 =	vshll.u32 v2, $0x7  }
0x370: {  	v2 =	vand.u32 $0x380, v2  }
0x371: {  	v2 =	vbroadcast v2, $0x0  }
0x372: {  	v3 =	vand.u32 $0x7F, v1;
	v1 =	vshll.u32 v1, $0x3  }
0x373: {  	v4 =	vand.u32 $0xFFFFFC00, v1;
	v2 =	vor.u32 v2, v3  }
0x374: {  	v1 =	vld [tilespmem:s23+$0x12400];
	v2 =	vor.u32 v4, v2;
	_ =	sdelay $0x2  }
0x375: {  	s24 =	simm.s32 $0x2;
	s25 =	simm.s32 $0x0;
	s23 =	simm.s32 $0x10  }
.LBB2_68:
0x376: {  	p0 =	sne.s32 s24, $0x3F;
	s26 =	sand.u32 $0x70, s23;
	s28 =	sshll.u32 s25, $0x7  }
0x377: {  	s26 =	sor.u32 s26, s28;
	[tilespmem:v2+s19+$0x0] =	vst.idx.add.f32.msk $0xffff, v1  }
0x378: {  	v1 =	vld [tilespmem:s26+$0x14C00]  }
0x379: {  	v2 =	vmov s25  }
0x37a: {  	v2 =	vshll.u32 v2, $0x7  }
0x37b: {  	v2 =	vand.u32 $0x380, v2  }
0x37c: {  	v2 =	vbroadcast v2, $0x0  }
0x37d: {  	v3 =	vand.u32 $0x7F, v1;
	v1 =	vshll.u32 v1, $0x3  }
.Ltmp33:
0x37e: {  	v4 =	vand.u32 $0xFFFFFC00, v1;
	v2 =	vor.u32 v2, v3;
	(pc) =	sbr.rel @p0 .LBB2_68-.Ltmp33, $2  }
0x37f: {  	v1 =	vld [tilespmem:s26+$0x12400];
	v2 =	vor.u32 v4, v2;
	_ =	sdelay $0x2  }
0x380: {  	s23 =	sadd.s32 $0x10, s23;
	s25 =	sshrl.u32 s24, $0x3;
	s24 =	sadd.s32 $0x1, s24  }
0x381: {  	_ =	sdelay $0x2  }
0x382: {  	s23 =	sand.u32 $0x70, s23;
	s24 =	sshll.u32 s25, $0x7  }
0x383: {  	s23 =	sor.u32 s23, s24;
	[tilespmem:v2+s19+$0x0] =	vst.idx.add.f32.msk $0xffff, v1  }
0x384: {  	v1 =	vld [tilespmem:s23+$0x14C00]  }
0x385: {  	v2 =	vmov s25  }
0x386: {  	v2 =	vshll.u32 v2, $0x7  }
0x387: {  	v2 =	vand.u32 $0x380, v2  }
0x388: {  	v2 =	vbroadcast v2, $0x0  }
0x389: {  	v3 =	vand.u32 $0x7F, v1;
	v1 =	vshll.u32 v1, $0x3  }
0x38a: {  	v1 =	vand.u32 $0xFFFFFC00, v1;
	v2 =	vor.u32 v2, v3  }
0x38b: {  	v3 =	vld [tilespmem:s23+$0x12400];
	v1 =	vor.u32 v1, v2;
	_ =	sdelay $0x4  }
0x38c: {  	s22 =	sadd.s32 $0x1, s22;
	[tilespmem:v1+s19+$0x0] =	vst.idx.add.f32.msk $0xffff, v3  }
0x38d: {  	[hbm4b:s14+s2] =	stream.linear.scatter [tilespmem:s19], [sflag:$0x2], $0x8000, $0x38;
	[tilespmem:$0x15000] =	vst v63  }
0x38e: {  	p0 =	sne.s32 s22, s15;
	_ =	swait.ge [sflag:s20], $0x8000  }
.Ltmp34:
0x38f: {  	[sflag:s20] =	ssyncset.done $0x0;
	(pc) =	sbr.rel @p0 .LBB2_1-.Ltmp34, $4  }
0x390: {  	[sflag:s20] =	ssyncadd.s32 $0xFFFF8000  }
0x391: {  	_ =	swait.ge [sflag:s21], $0x8000  }
0x392: {  	[sflag:s21] =	ssyncset.done $0x0  }
0x393: {  	[sflag:s21] =	ssyncadd.s32 $0xFFFF8000  }
0x394: {  	_ =	sfence.sel $0x180000  }
0x395: {  	[bflag:$0x0] =	sbarrier.arrive $0xFFFF  }
0x396: {  	p0 =	sne.s32 s1, $0x0;
	_ =	strace $0x9000004A  }
0x397: {  	s0 =	sadd.s32 @!p0 $0x100000, s0;
	[bflag:$0x2] =	sbarrier.arrive $0xFFFF  }
0x398: {  	[sflag:s0] =	ssyncadd.tile.s32 @!p0 $0x1;
	_ =	shalt  }
.Lfunc_end2:
_tile_overlayer_lowered:
.L_overlay_start_2:
0x399: {  	(tag) =	ssettag $0x2  }
0x39a: {  	s0 =	rddreg [dreg:$0x0];
	s2 =	stileid.u32  }
0x39b: {  	s1 =	rddreg [dreg:$0x1];
	p0 =	sne.s32 s2, $0x0  }
0x39c: {  	s3 =	rddreg [dreg:$0x2];
	[bflag:$0x3] =	sbarrier.arrive $0xFFFF;
	s2 =	simm.s32 @!p0 $0x1C03  }
0x39d: {  	[timem:s3], [sflag:s2] =	dma.local @!p0 [hbm:s0], s1  }
0x39e: {  	s0 =	simm.s32 @!p0 $0x3  }
0x39f: {  	_ =	swait.ge @!p0 [sflag:s0], s1  }
0x3a0: {  	s1 =	ssub.s32 @!p0 $0x0, s1;
	[sflag:s0] =	ssyncset.done @!p0 $0x0  }
0x3a1: {  	[sflag:s0] =	ssyncadd.s32 @!p0 s1  }
0x3a2: {  	[bflag:$0x3] =	sbarrier.arrive $0xFFFF  }
0x3a3: {  	_ =	shalt  }

</sc_bundles>
